<compile_context>
chip_gen: v7x
topology: tpu7x:2x2x1
jax: 0.10.2.dev20260603
libtpu: 0.0.44.dev20260713+nightly
codegen_flags: <defaults>
</compile_context>

<pallas_src>
import functools

import jax
import jax.numpy as jnp
from jax import lax
from jax.experimental import pallas as pl
from jax.experimental.pallas import tpu as pltpu
from jax.experimental.pallas import tpu_sc as plsc

N = 10000
D = 256
H = 256
NPAD = 10240
EPAD = 163840
EROWS = EPAD // 128
ROWS_PER_TILE = EROWS // 16
NODE_ROWS = NPAD // 128

_f32 = jnp.float32
_i32 = jnp.int32



def _zero_vmem_2d(ref, nrows):
    zeros16 = jnp.zeros((16,), _f32)

    def row(r, _):
        def col(k, _):
            ref[r, pl.ds(k * 16, 16)] = zeros16
            return 0
        return lax.fori_loop(0, 8, col, 0)

    lax.fori_loop(0, nrows, row, 0)


def _fill_vmem_2d(ref, nrows, value):
    val16 = jnp.full((16,), value, _f32)

    def row(r, _):
        def col(k, _):
            ref[r, pl.ds(k * 16, 16)] = val16
            return 0
        return lax.fori_loop(0, 8, col, 0)

    lax.fori_loop(0, nrows, row, 0)


def _deg_body(dst2d, degp_out, dst_v, buf, spmem_deg):
    c = lax.axis_index("c")
    s = lax.axis_index("s")

    _fill_vmem_2d(buf, 128, 0.0)
    for q in range(5):
        pltpu.sync_copy(buf, spmem_deg.at[pl.ds(s * 640 + q * 128, 128)])
    _fill_vmem_2d(buf, 128, 1.0)
    plsc.subcore_barrier()

    rows = ROWS_PER_TILE // 2
    pltpu.sync_copy(dst2d.at[pl.ds((c * 16 + s) * rows, rows)], dst_v)

    def it(j, _):
        pltpu.sync_copy(buf, spmem_deg.at[dst_v.at[j]], add=True)
        return 0
    lax.fori_loop(0, rows, it, 0)
    plsc.subcore_barrier()
    pltpu.sync_copy(spmem_deg.at[pl.ds(s * 640, 640)],
                    degp_out.at[c, pl.ds(s * 640, 640)])


def _scatter_body(src2d, dst2d, hp0, hp1, out0, out1,
                  src_a, dst_a, src_b, dst_b, msg0, msg1,
                  sem0, sem1, sem_idx, spmem_acc):
    c = lax.axis_index("c")
    s = lax.axis_index("s")
    bufs = (msg0, msg1)
    sems = (sem0, sem1)
    G = 16
    NG = ROWS_PER_TILE // G

    def run(hp, out):
        _zero_vmem_2d(msg0, 128)
        for q in range(5):
            pltpu.sync_copy(msg0, spmem_acc.at[pl.ds(s * 640 + q * 128, 128)])
        plsc.subcore_barrier()

        def wait_gather(b):
            pltpu.make_async_copy(hp.at[pl.ds(0, 128)], bufs[b],
                                  sems[b]).wait()

        def wait_idx(ns, nd):
            pltpu.make_async_copy(src2d.at[pl.ds(0, G)], ns, sem_idx).wait()
            pltpu.make_async_copy(src2d.at[pl.ds(0, G)], nd, sem_idx).wait()

        base = s * ROWS_PER_TILE
        pltpu.sync_copy(src2d.at[pl.ds(base, G)], src_a)
        pltpu.sync_copy(dst2d.at[pl.ds(base, G)], dst_a)
        pltpu.async_copy(hp.at[src_a.at[0]], msg0, sem0)

        for g in range(NG):
            cs, cd = (src_a, dst_a) if g % 2 == 0 else (src_b, dst_b)
            ns, nd = (src_b, dst_b) if g % 2 == 0 else (src_a, dst_a)
            if g + 1 < NG:
                nb = base + (g + 1) * G
                pltpu.async_copy(src2d.at[pl.ds(nb, G)], ns, sem_idx)
                pltpu.async_copy(dst2d.at[pl.ds(nb, G)], nd, sem_idx)

            def pair(p, _, cs=cs, cd=cd):
                for b in range(2):
                    jc = p * 2 + b
                    wait_gather(b)
                    pltpu.async_copy(hp.at[cs.at[jc + 1]], bufs[1 - b],
                                     sems[1 - b])
                    pltpu.sync_copy(bufs[b], spmem_acc.at[cd.at[jc]],
                                    add=True)
                return 0
            lax.fori_loop(0, G // 2 - 1, pair, 0)

            wait_gather(0)
            pltpu.async_copy(hp.at[cs.at[G - 1]], msg1, sem1)
            pltpu.sync_copy(msg0, spmem_acc.at[cd.at[G - 2]], add=True)
            wait_gather(1)
            if g + 1 < NG:
                wait_idx(ns, nd)
                pltpu.async_copy(hp.at[ns.at[0]], msg0, sem0)
            pltpu.sync_copy(msg1, spmem_acc.at[cd.at[G - 1]], add=True)

        plsc.subcore_barrier()
        pltpu.sync_copy(spmem_acc.at[pl.ds(s * 640, 640)],
                        out.at[pl.ds(s * 640, 640)])

    @pl.when(c == 0)
    def _():
        run(hp0, out0)

    @pl.when(c == 1)
    def _():
        run(hp1, out1)


@functools.lru_cache(maxsize=None)
def _sc_kernels():
    mesh = plsc.VectorSubcoreMesh(core_axis_name="c", subcore_axis_name="s",
                                  num_cores=2, num_subcores=16)
    deg = pl.kernel(
        _deg_body,
        out_type=jax.ShapeDtypeStruct((2, NPAD, 128), _f32),
        mesh=mesh,
        scratch_types=[
            pltpu.VMEM((ROWS_PER_TILE // 2, 128), _i32),
            pltpu.VMEM((128, 128), _f32),
            pltpu.VMEM_SHARED((NPAD, 128), _f32),
        ],
    )
    edge_scatter = pl.kernel(
        _scatter_body,
        out_type=(jax.ShapeDtypeStruct((NPAD, 128), _f32),
                  jax.ShapeDtypeStruct((NPAD, 128), _f32)),
        mesh=mesh,
        scratch_types=[
            pltpu.VMEM((16, 128), _i32),
            pltpu.VMEM((16, 128), _i32),
            pltpu.VMEM((16, 128), _i32),
            pltpu.VMEM((16, 128), _i32),
            pltpu.VMEM((128, 128), _f32),
            pltpu.VMEM((128, 128), _f32),
            pltpu.SemaphoreType.DMA,
            pltpu.SemaphoreType.DMA,
            pltpu.SemaphoreType.DMA,
            pltpu.VMEM_SHARED((NPAD, 128), _f32),
        ],
    )
    return deg, edge_scatter



def _hprime_body(x_ref, w_ref, degp_ref, hp0_ref, hp1_ref, dinv_ref):
    degp = degp_ref[...]
    dinv = lax.rsqrt(degp[0, :, :1] + degp[1, :, :1] + 1.0)
    h = jnp.dot(x_ref[...], w_ref[...], preferred_element_type=_f32)
    h = h * dinv
    hp0_ref[...] = h[:, :128]
    hp1_ref[...] = h[:, 128:]
    dinv_ref[...] = dinv


def _final_body(x_ref, s0_ref, s1_ref, hp0_ref, hp1_ref, dinv_ref, bgcn_ref,
                wfmap_ref, bfmap_ref, wv_ref, bv_ref, wo_ref, bo_ref,
                whead_ref, bhead_ref, out_ref):
    dot = functools.partial(jnp.dot, preferred_element_type=_f32)
    woh = dot(wo_ref[...], whead_ref[...])
    wc = dot(wv_ref[...], woh)
    a = dot(wfmap_ref[...], wc)
    c2 = (0.5 * dot(bfmap_ref[...], wc)
          + dot(dot(bv_ref[...], wo_ref[...]) + bo_ref[...], whead_ref[...])
          + bhead_ref[...])
    dinv = dinv_ref[...]
    bgcn = bgcn_ref[...]
    emb0 = jnp.maximum(dinv * (s0_ref[...] + hp0_ref[...]) + bgcn[:, :128],
                       0.0)
    emb1 = jnp.maximum(dinv * (s1_ref[...] + hp1_ref[...]) + bgcn[:, 128:],
                       0.0)
    acc = dot(x_ref[...], a) + dot(emb0, wc[:128]) + dot(emb1, wc[128:])
    out_ref[...] = 0.5 * acc + c2


_BLK = 256
_GRID = NPAD // _BLK


def _row_spec(w):
    return pl.BlockSpec((_BLK, w), lambda i: (i, 0))


def _const_spec(r, w):
    return pl.BlockSpec((r, w), lambda i: (0, 0))


_hprime = pl.pallas_call(
    _hprime_body,
    grid=(_GRID,),
    in_specs=[_row_spec(D), _const_spec(D, H),
              pl.BlockSpec((2, _BLK, 128), lambda i: (0, i, 0))],
    out_specs=[_row_spec(128), _row_spec(128), _row_spec(1)],
    out_shape=[jax.ShapeDtypeStruct((NPAD, 128), _f32),
               jax.ShapeDtypeStruct((NPAD, 128), _f32),
               jax.ShapeDtypeStruct((NPAD, 1), _f32)],
)

_final = pl.pallas_call(
    _final_body,
    grid=(_GRID,),
    in_specs=[
        _row_spec(D),
        _row_spec(128),
        _row_spec(128),
        _row_spec(128),
        _row_spec(128),
        _row_spec(1),
        _const_spec(1, H),
        _const_spec(D, H),
        _const_spec(1, H),
        _const_spec(H, H),
        _const_spec(1, H),
        _const_spec(H, H),
        _const_spec(1, H),
        _const_spec(H, 2),
        _const_spec(1, 2),
    ],
    out_specs=_row_spec(2),
    out_shape=jax.ShapeDtypeStruct((NPAD, 2), _f32),
)



def kernel(x, edge_index, W_gcn, b_gcn, W_fmap, b_fmap, W_q, b_q, W_k, b_k,
           W_v, b_v, W_o, b_o, W_head, b_head):
    del W_q, b_q, W_k, b_k
    x_pad = jnp.pad(x, ((0, NPAD - N), (0, 0)))
    e = edge_index.shape[1]
    src2d = jnp.pad(edge_index[0], (0, EPAD - e),
                    constant_values=N).reshape(EROWS, 128)
    dst2d = jnp.pad(edge_index[1], (0, EPAD - e),
                    constant_values=N).reshape(EROWS, 128)

    deg, edge_scatter = _sc_kernels()
    degp = deg(dst2d)
    hp0, hp1, dinv_col = _hprime(x_pad, W_gcn, degp)
    s0, s1 = edge_scatter(src2d, dst2d, hp0, hp1)
    prob = _final(x_pad, s0, s1, hp0, hp1, dinv_col,
                  b_gcn.reshape(1, H), W_fmap, b_fmap.reshape(1, H),
                  W_v, b_v.reshape(1, H), W_o, b_o.reshape(1, H),
                  W_head, b_head.reshape(1, 2))
    return prob[:N]

# --- scband reference (transcript-rebuilt; emitter-appended) ---
"""Pipeline reference for scband-x-gnn-84421877170209 (READ-ONLY COPY).

The authoritative reference and input builder live on the scoring server;
editing this copy changes nothing except your own understanding.
"""

import jax, jax.numpy as jnp
import numpy as np

N = 10000
E = 160000
D = 256
H = 256
OUT = 2


def setup_inputs(seed: int = 0) -> dict:
    key = jax.random.key(seed)
    ks = jax.random.split(key, 16)
    inp = {}
    inp["x"] = jax.random.normal(ks[0], (N, D), dtype=jnp.float32)
    inp["edge_index"] = jax.random.randint(ks[1], (2, E), 0, N, dtype=jnp.int32)
    s = 1.0 / np.sqrt(D)
    sh = 1.0 / np.sqrt(H)
    inp["W_gcn"] = jax.random.uniform(ks[2], (D, H), minval=-s, maxval=s, dtype=jnp.float32)
    inp["b_gcn"] = jnp.zeros((H,), jnp.float32)
    inp["W_fmap"] = jax.random.uniform(ks[3], (D, H), minval=-s, maxval=s, dtype=jnp.float32)
    inp["b_fmap"] = jnp.zeros((H,), jnp.float32)
    inp["W_q"] = jax.random.uniform(ks[4], (H, H), minval=-sh, maxval=sh, dtype=jnp.float32)
    inp["b_q"] = jnp.zeros((H,), jnp.float32)
    inp["W_k"] = jax.random.uniform(ks[5], (H, H), minval=-sh, maxval=sh, dtype=jnp.float32)
    inp["b_k"] = jnp.zeros((H,), jnp.float32)
    inp["W_v"] = jax.random.uniform(ks[6], (H, H), minval=-sh, maxval=sh, dtype=jnp.float32)
    inp["b_v"] = jnp.zeros((H,), jnp.float32)
    inp["W_o"] = jax.random.uniform(ks[7], (H, H), minval=-sh, maxval=sh, dtype=jnp.float32)
    inp["b_o"] = jnp.zeros((H,), jnp.float32)
    inp["W_head"] = jax.random.uniform(ks[8], (H, OUT), minval=-sh, maxval=sh, dtype=jnp.float32)
    inp["b_head"] = jnp.zeros((OUT,), jnp.float32)
    return inp


def gcn_conv(x, src, dst, W, b):
    # PyG GCNConv: linear transform, symmetric normalization with self-loops, scatter-add
    h = x @ W
    deg = jax.ops.segment_sum(jnp.ones_like(dst, dtype=h.dtype), dst, num_segments=N)
    dinv = jnp.where(deg > 0, jax.lax.rsqrt(deg), 0.0)
    norm = dinv[src] * dinv[dst]
    msg = h[src] * norm[:, None]
    agg = jax.ops.segment_sum(msg, dst, num_segments=N)
    return agg + b


def reference(x, edge_index, W_gcn, b_gcn, W_fmap, b_fmap, W_q, b_q, W_k, b_k, W_v, b_v, W_o, b_o, W_head, b_head):
    # eval mode: F.dropout(training=False) is identity
    loop = jnp.arange(N, dtype=edge_index.dtype)
    src = jnp.concatenate([edge_index[0], loop])
    dst = jnp.concatenate([edge_index[1], loop])
    feature_emb = x @ W_fmap + b_fmap
    emb = jax.nn.relu(gcn_conv(x, src, dst, W_gcn, b_gcn))
    stack_embs = jnp.stack([feature_emb, emb])  # [2, N, H]
    b_, n_, _ = stack_embs.shape
    heads = 1
    q = (stack_embs @ W_q + b_q).reshape(b_, n_, heads, H)
    k = (stack_embs @ W_k + b_k).reshape(b_, n_, heads, H)
    v = (stack_embs @ W_v + b_v).reshape(b_, n_, heads, H)
    attn = jnp.matmul(q, jnp.swapaxes(k, -2, -1)) * (H ** -0.5)
    attn = jax.nn.softmax(attn, axis=-1)
    out = jnp.matmul(attn, v).reshape(b_, n_, heads * H)
    out = out @ W_o + b_o
    att_out = jnp.swapaxes(out, 0, 1)  # [N, 2, H]
    read_out = jnp.mean(att_out, axis=1)  # [N, H]
    prob = read_out @ W_head + b_head  # [N, 2]
    return prob

if __name__ == "__main__":
    import jax
    _d = setup_inputs()
    print(jax.jit(kernel)(*tuple(_d.values())))

</pallas_src>

<mosaic_0001>
#map = affine_map<(d0, d1) -> (0, 0)>
module attributes {stable_mosaic.version = 14 : i64} {
  func.func @_scatter_body(%arg0: i32, %arg1: i32, %arg2: memref<1280x128xi32, #tpu.memory_space<hbm>>, %arg3: memref<1280x128xi32, #tpu.memory_space<hbm>>, %arg4: memref<10240x128xf32, #tpu.memory_space<hbm>>, %arg5: memref<10240x128xf32, #tpu.memory_space<hbm>>, %arg6: memref<10240x128xf32, #tpu.memory_space<hbm>>, %arg7: memref<10240x128xf32, #tpu.memory_space<hbm>>, %arg8: memref<16x128xi32, #tpu.memory_space<vmem>>, %arg9: memref<16x128xi32, #tpu.memory_space<vmem>>, %arg10: memref<16x128xi32, #tpu.memory_space<vmem>>, %arg11: memref<16x128xi32, #tpu.memory_space<vmem>>, %arg12: memref<128x128xf32, #tpu.memory_space<vmem>>, %arg13: memref<128x128xf32, #tpu.memory_space<vmem>>, %arg14: memref<!tpu.dma_semaphore, #tpu.memory_space<semaphore_mem>>, %arg15: memref<!tpu.dma_semaphore, #tpu.memory_space<semaphore_mem>>, %arg16: memref<!tpu.dma_semaphore, #tpu.memory_space<semaphore_mem>>, %arg17: memref<10240x128xf32, #tpu.memory_space<vmem_shared>>) attributes {dimension_semantics = [#tpu.dimension_semantics<core_parallel>, #tpu.dimension_semantics<subcore_parallel>], iteration_bounds = array<i64: 2, 16>, scalar_prefetch = 0 : i64, scratch_operands = 10 : i64, tpu.core_type = #tpu.core_type<sc_vector_subcore>, window_params = [{transform_indices = #map}, {transform_indices = #map}, {transform_indices = #map}, {transform_indices = #map}, {transform_indices = #map}, {transform_indices = #map}]} {
    %eq3A = arith.constant 0 : i32
    %eq3A_0 = arith.cmpi eq, %arg0, %eq3A : i32
    %convert_element_type3A = arith.extui %eq3A_0 : i1 to i32
    %cond3A = arith.constant 0 : i32
    %cond3A_1 = arith.cmpi ne, %convert_element_type3A, %cond3A : i32
    scf.if %cond3A_1 {
      %broadcast_in_dim3A = arith.constant 0.000000e+00 : f32
      %broadcast_in_dim3A_7 = vector.broadcast %broadcast_in_dim3A : f32 to vector<16xf32>
      %scan3A = arith.constant 0 : i32
      %scan3A_8 = arith.constant 0 : i32
      %scan3A_9 = arith.constant 128 : i32
      %scan3A_10 = arith.addi %scan3A_8, %scan3A_9 : i32
      %scan3A_11 = arith.constant 1 : i32
      %scan3A_12 = scf.for %scan3A_299 = %scan3A_8 to %scan3A_10 step %scan3A_11 iter_args(%scan3A_300 = %scan3A) -> (i32)  : i32 {
        %scan3A_301 = arith.constant 0 : i32
        %scan3A_302 = arith.constant 0 : i32
        %scan3A_303 = arith.constant 8 : i32
        %scan3A_304 = arith.addi %scan3A_302, %scan3A_303 : i32
        %scan3A_305 = arith.constant 1 : i32
        %scan3A_306 = scf.for %scan3A_308 = %scan3A_302 to %scan3A_304 step %scan3A_305 iter_args(%scan3A_309 = %scan3A_301) -> (i32)  : i32 {
          %mul3A_310 = arith.constant 16 : i32
          %mul3A_311 = arith.muli %scan3A_308, %mul3A_310 : i32
          %swap3A = arith.index_cast %scan3A_299 : i32 to index
          %swap3A_312 = arith.index_cast %mul3A_311 : i32 to index
          %swap3A_313 = tpu.vector_load %arg12[%swap3A, %swap3A_312] {strides = array<i32>} : memref<128x128xf32, #tpu.memory_space<vmem>>, vector<1x16xf32>,
          %swap3A_314 = vector.shape_cast %swap3A_313 : vector<1x16xf32> to vector<16xf32>
          %swap3A_315 = vector.shape_cast %broadcast_in_dim3A_7 : vector<16xf32> to vector<1x16xf32>
          tpu.vector_store %arg12[%swap3A, %swap3A_312], %swap3A_315 {strides = array<i32>} : memref<128x128xf32, #tpu.memory_space<vmem>>, vector<1x16xf32>,
          %scan3A_316 = arith.constant 0 : i32
          scf.yield %scan3A_316 : i32
        }
        %scan3A_307 = arith.constant 8 : i32
        scf.yield %scan3A_306 : i32
      }
      %scan3A_13 = arith.constant 128 : i32
      %mul3A = arith.constant 640 : i32
      %mul3A_14 = arith.muli %arg1, %mul3A : i32
      %add3A = arith.constant 0 : i32
      %add3A_15 = arith.addi %mul3A_14, %add3A : i32
      "tpu.region"() ({
        %run_scoped3A_299 = tpu.sem_alloc : memref<!tpu.dma_semaphore, #tpu.memory_space<semaphore_mem>>
        %dma_start3A_300 = arith.constant 0 : i32
        %dma_start3A_301 = tpu.memref_slice %arg17[%add3A_15, %dma_start3A_300] : memref<10240x128xf32, #tpu.memory_space<vmem_shared>> -> memref<128x128xf32, #tpu.memory_space<vmem_shared>>
        %dma_start3A_302 = arith.constant 0 : i32
        %dma_start3A_303 = tpu.memref_slice %arg17[%add3A_15, %dma_start3A_302] : memref<10240x128xf32, #tpu.memory_space<vmem_shared>> -> memref<128x128xf32, #tpu.memory_space<vmem_shared>>
        tpu.enqueue_dma source(%arg12 : memref<128x128xf32, #tpu.memory_space<vmem>>) target(%dma_start3A_303 : memref<128x128xf32, #tpu.memory_space<vmem_shared>>) target_semaphore(%run_scoped3A_299 : memref<!tpu.dma_semaphore, #tpu.memory_space<semaphore_mem>>)
        %dma_wait3A_304 = arith.constant 0 : i32
        %dma_wait3A_305 = tpu.memref_slice %arg17[%add3A_15, %dma_wait3A_304] : memref<10240x128xf32, #tpu.memory_space<vmem_shared>> -> memref<128x128xf32, #tpu.memory_space<vmem_shared>>
        %dma_wait3A_306 = arith.constant 0 : i32
        %dma_wait3A_307 = tpu.memref_slice %arg17[%add3A_15, %dma_wait3A_306] : memref<10240x128xf32, #tpu.memory_space<vmem_shared>> -> memref<128x128xf32, #tpu.memory_space<vmem_shared>>
        tpu.wait_dma2 semaphore(%run_scoped3A_299 : memref<!tpu.dma_semaphore, #tpu.memory_space<semaphore_mem>>) src(%arg12 : memref<128x128xf32, #tpu.memory_space<vmem>>) dst(%dma_wait3A_307 : memref<128x128xf32, #tpu.memory_space<vmem_shared>>)
        tpu.yield
      }) : () -> ()
      %mul3A_16 = arith.constant 640 : i32
      %mul3A_17 = arith.muli %arg1, %mul3A_16 : i32
      %add3A_18 = arith.constant 128 : i32
      %add3A_19 = arith.addi %mul3A_17, %add3A_18 : i32
      "tpu.region"() ({
        %run_scoped3A_299 = tpu.sem_alloc : memref<!tpu.dma_semaphore, #tpu.memory_space<semaphore_mem>>
        %dma_start3A_300 = arith.constant 0 : i32
        %dma_start3A_301 = tpu.memref_slice %arg17[%add3A_19, %dma_start3A_300] : memref<10240x128xf32, #tpu.memory_space<vmem_shared>> -> memref<128x128xf32, #tpu.memory_space<vmem_shared>>
        %dma_start3A_302 = arith.constant 0 : i32
        %dma_start3A_303 = tpu.memref_slice %arg17[%add3A_19, %dma_start3A_302] : memref<10240x128xf32, #tpu.memory_space<vmem_shared>> -> memref<128x128xf32, #tpu.memory_space<vmem_shared>>
        tpu.enqueue_dma source(%arg12 : memref<128x128xf32, #tpu.memory_space<vmem>>) target(%dma_start3A_303 : memref<128x128xf32, #tpu.memory_space<vmem_shared>>) target_semaphore(%run_scoped3A_299 : memref<!tpu.dma_semaphore, #tpu.memory_space<semaphore_mem>>)
        %dma_wait3A_304 = arith.constant 0 : i32
        %dma_wait3A_305 = tpu.memref_slice %arg17[%add3A_19, %dma_wait3A_304] : memref<10240x128xf32, #tpu.memory_space<vmem_shared>> -> memref<128x128xf32, #tpu.memory_space<vmem_shared>>
        %dma_wait3A_306 = arith.constant 0 : i32
        %dma_wait3A_307 = tpu.memref_slice %arg17[%add3A_19, %dma_wait3A_306] : memref<10240x128xf32, #tpu.memory_space<vmem_shared>> -> memref<128x128xf32, #tpu.memory_space<vmem_shared>>
        tpu.wait_dma2 semaphore(%run_scoped3A_299 : memref<!tpu.dma_semaphore, #tpu.memory_space<semaphore_mem>>) src(%arg12 : memref<128x128xf32, #tpu.memory_space<vmem>>) dst(%dma_wait3A_307 : memref<128x128xf32, #tpu.memory_space<vmem_shared>>)
        tpu.yield
      }) : () -> ()
      %mul3A_20 = arith.constant 640 : i32
      %mul3A_21 = arith.muli %arg1, %mul3A_20 : i32
      %add3A_22 = arith.constant 256 : i32
      %add3A_23 = arith.addi %mul3A_21, %add3A_22 : i32
      "tpu.region"() ({
        %run_scoped3A_299 = tpu.sem_alloc : memref<!tpu.dma_semaphore, #tpu.memory_space<semaphore_mem>>
        %dma_start3A_300 = arith.constant 0 : i32
        %dma_start3A_301 = tpu.memref_slice %arg17[%add3A_23, %dma_start3A_300] : memref<10240x128xf32, #tpu.memory_space<vmem_shared>> -> memref<128x128xf32, #tpu.memory_space<vmem_shared>>
        %dma_start3A_302 = arith.constant 0 : i32
        %dma_start3A_303 = tpu.memref_slice %arg17[%add3A_23, %dma_start3A_302] : memref<10240x128xf32, #tpu.memory_space<vmem_shared>> -> memref<128x128xf32, #tpu.memory_space<vmem_shared>>
        tpu.enqueue_dma source(%arg12 : memref<128x128xf32, #tpu.memory_space<vmem>>) target(%dma_start3A_303 : memref<128x128xf32, #tpu.memory_space<vmem_shared>>) target_semaphore(%run_scoped3A_299 : memref<!tpu.dma_semaphore, #tpu.memory_space<semaphore_mem>>)
        %dma_wait3A_304 = arith.constant 0 : i32
        %dma_wait3A_305 = tpu.memref_slice %arg17[%add3A_23, %dma_wait3A_304] : memref<10240x128xf32, #tpu.memory_space<vmem_shared>> -> memref<128x128xf32, #tpu.memory_space<vmem_shared>>
        %dma_wait3A_306 = arith.constant 0 : i32
        %dma_wait3A_307 = tpu.memref_slice %arg17[%add3A_23, %dma_wait3A_306] : memref<10240x128xf32, #tpu.memory_space<vmem_shared>> -> memref<128x128xf32, #tpu.memory_space<vmem_shared>>
        tpu.wait_dma2 semaphore(%run_scoped3A_299 : memref<!tpu.dma_semaphore, #tpu.memory_space<semaphore_mem>>) src(%arg12 : memref<128x128xf32, #tpu.memory_space<vmem>>) dst(%dma_wait3A_307 : memref<128x128xf32, #tpu.memory_space<vmem_shared>>)
        tpu.yield
      }) : () -> ()
      %mul3A_24 = arith.constant 640 : i32
      %mul3A_25 = arith.muli %arg1, %mul3A_24 : i32
      %add3A_26 = arith.constant 384 : i32
      %add3A_27 = arith.addi %mul3A_25, %add3A_26 : i32
      "tpu.region"() ({
        %run_scoped3A_299 = tpu.sem_alloc : memref<!tpu.dma_semaphore, #tpu.memory_space<semaphore_mem>>
        %dma_start3A_300 = arith.constant 0 : i32
        %dma_start3A_301 = tpu.memref_slice %arg17[%add3A_27, %dma_start3A_300] : memref<10240x128xf32, #tpu.memory_space<vmem_shared>> -> memref<128x128xf32, #tpu.memory_space<vmem_shared>>
        %dma_start3A_302 = arith.constant 0 : i32
        %dma_start3A_303 = tpu.memref_slice %arg17[%add3A_27, %dma_start3A_302] : memref<10240x128xf32, #tpu.memory_space<vmem_shared>> -> memref<128x128xf32, #tpu.memory_space<vmem_shared>>
        tpu.enqueue_dma source(%arg12 : memref<128x128xf32, #tpu.memory_space<vmem>>) target(%dma_start3A_303 : memref<128x128xf32, #tpu.memory_space<vmem_shared>>) target_semaphore(%run_scoped3A_299 : memref<!tpu.dma_semaphore, #tpu.memory_space<semaphore_mem>>)
        %dma_wait3A_304 = arith.constant 0 : i32
        %dma_wait3A_305 = tpu.memref_slice %arg17[%add3A_27, %dma_wait3A_304] : memref<10240x128xf32, #tpu.memory_space<vmem_shared>> -> memref<128x128xf32, #tpu.memory_space<vmem_shared>>
        %dma_wait3A_306 = arith.constant 0 : i32
        %dma_wait3A_307 = tpu.memref_slice %arg17[%add3A_27, %dma_wait3A_306] : memref<10240x128xf32, #tpu.memory_space<vmem_shared>> -> memref<128x128xf32, #tpu.memory_space<vmem_shared>>
        tpu.wait_dma2 semaphore(%run_scoped3A_299 : memref<!tpu.dma_semaphore, #tpu.memory_space<semaphore_mem>>) src(%arg12 : memref<128x128xf32, #tpu.memory_space<vmem>>) dst(%dma_wait3A_307 : memref<128x128xf32, #tpu.memory_space<vmem_shared>>)
        tpu.yield
      }) : () -> ()
      %mul3A_28 = arith.constant 640 : i32
      %mul3A_29 = arith.muli %arg1, %mul3A_28 : i32
      %add3A_30 = arith.constant 512 : i32
      %add3A_31 = arith.addi %mul3A_29, %add3A_30 : i32
      "tpu.region"() ({
        %run_scoped3A_299 = tpu.sem_alloc : memref<!tpu.dma_semaphore, #tpu.memory_space<semaphore_mem>>
        %dma_start3A_300 = arith.constant 0 : i32
        %dma_start3A_301 = tpu.memref_slice %arg17[%add3A_31, %dma_start3A_300] : memref<10240x128xf32, #tpu.memory_space<vmem_shared>> -> memref<128x128xf32, #tpu.memory_space<vmem_shared>>
        %dma_start3A_302 = arith.constant 0 : i32
        %dma_start3A_303 = tpu.memref_slice %arg17[%add3A_31, %dma_start3A_302] : memref<10240x128xf32, #tpu.memory_space<vmem_shared>> -> memref<128x128xf32, #tpu.memory_space<vmem_shared>>
        tpu.enqueue_dma source(%arg12 : memref<128x128xf32, #tpu.memory_space<vmem>>) target(%dma_start3A_303 : memref<128x128xf32, #tpu.memory_space<vmem_shared>>) target_semaphore(%run_scoped3A_299 : memref<!tpu.dma_semaphore, #tpu.memory_space<semaphore_mem>>)
        %dma_wait3A_304 = arith.constant 0 : i32
        %dma_wait3A_305 = tpu.memref_slice %arg17[%add3A_31, %dma_wait3A_304] : memref<10240x128xf32, #tpu.memory_space<vmem_shared>> -> memref<128x128xf32, #tpu.memory_space<vmem_shared>>
        %dma_wait3A_306 = arith.constant 0 : i32
        %dma_wait3A_307 = tpu.memref_slice %arg17[%add3A_31, %dma_wait3A_306] : memref<10240x128xf32, #tpu.memory_space<vmem_shared>> -> memref<128x128xf32, #tpu.memory_space<vmem_shared>>
        tpu.wait_dma2 semaphore(%run_scoped3A_299 : memref<!tpu.dma_semaphore, #tpu.memory_space<semaphore_mem>>) src(%arg12 : memref<128x128xf32, #tpu.memory_space<vmem>>) dst(%dma_wait3A_307 : memref<128x128xf32, #tpu.memory_space<vmem_shared>>)
        tpu.yield
      }) : () -> ()
      %barrier3A = arith.constant 0 : index
      tpu.barrier barrier_id(%barrier3A)
      %mul3A_32 = arith.constant 80 : i32
      %mul3A_33 = arith.muli %arg1, %mul3A_32 : i32
      "tpu.region"() ({
        %run_scoped3A_299 = tpu.sem_alloc : memref<!tpu.dma_semaphore, #tpu.memory_space<semaphore_mem>>
        %dma_start3A_300 = arith.constant 0 : i32
        %dma_start3A_301 = tpu.memref_slice %arg2[%mul3A_33, %dma_start3A_300] : memref<1280x128xi32, #tpu.memory_space<hbm>> -> memref<16x128xi32, #tpu.memory_space<hbm>>
        %dma_start3A_302 = arith.constant 0 : i32
        %dma_start3A_303 = tpu.memref_slice %arg2[%mul3A_33, %dma_start3A_302] : memref<1280x128xi32, #tpu.memory_space<hbm>> -> memref<16x128xi32, #tpu.memory_space<hbm>>
        tpu.enqueue_dma source(%dma_start3A_303 : memref<16x128xi32, #tpu.memory_space<hbm>>) target(%arg8 : memref<16x128xi32, #tpu.memory_space<vmem>>) target_semaphore(%run_scoped3A_299 : memref<!tpu.dma_semaphore, #tpu.memory_space<semaphore_mem>>)
        %dma_wait3A_304 = arith.constant 0 : i32
        %dma_wait3A_305 = tpu.memref_slice %arg2[%mul3A_33, %dma_wait3A_304] : memref<1280x128xi32, #tpu.memory_space<hbm>> -> memref<16x128xi32, #tpu.memory_space<hbm>>
        %dma_wait3A_306 = arith.constant 0 : i32
        %dma_wait3A_307 = tpu.memref_slice %arg2[%mul3A_33, %dma_wait3A_306] : memref<1280x128xi32, #tpu.memory_space<hbm>> -> memref<16x128xi32, #tpu.memory_space<hbm>>
        tpu.wait_dma2 semaphore(%run_scoped3A_299 : memref<!tpu.dma_semaphore, #tpu.memory_space<semaphore_mem>>) src(%dma_wait3A_307 : memref<16x128xi32, #tpu.memory_space<hbm>>) dst(%arg8 : memref<16x128xi32, #tpu.memory_space<vmem>>)
        tpu.yield
      }) : () -> ()
      "tpu.region"() ({
        %run_scoped3A_299 = tpu.sem_alloc : memref<!tpu.dma_semaphore, #tpu.memory_space<semaphore_mem>>
        %dma_start3A_300 = arith.constant 0 : i32
        %dma_start3A_301 = tpu.memref_slice %arg3[%mul3A_33, %dma_start3A_300] : memref<1280x128xi32, #tpu.memory_space<hbm>> -> memref<16x128xi32, #tpu.memory_space<hbm>>
        %dma_start3A_302 = arith.constant 0 : i32
        %dma_start3A_303 = tpu.memref_slice %arg3[%mul3A_33, %dma_start3A_302] : memref<1280x128xi32, #tpu.memory_space<hbm>> -> memref<16x128xi32, #tpu.memory_space<hbm>>
        tpu.enqueue_dma source(%dma_start3A_303 : memref<16x128xi32, #tpu.memory_space<hbm>>) target(%arg9 : memref<16x128xi32, #tpu.memory_space<vmem>>) target_semaphore(%run_scoped3A_299 : memref<!tpu.dma_semaphore, #tpu.memory_space<semaphore_mem>>)
        %dma_wait3A_304 = arith.constant 0 : i32
        %dma_wait3A_305 = tpu.memref_slice %arg3[%mul3A_33, %dma_wait3A_304] : memref<1280x128xi32, #tpu.memory_space<hbm>> -> memref<16x128xi32, #tpu.memory_space<hbm>>
        %dma_wait3A_306 = arith.constant 0 : i32
        %dma_wait3A_307 = tpu.memref_slice %arg3[%mul3A_33, %dma_wait3A_306] : memref<1280x128xi32, #tpu.memory_space<hbm>> -> memref<16x128xi32, #tpu.memory_space<hbm>>
        tpu.wait_dma2 semaphore(%run_scoped3A_299 : memref<!tpu.dma_semaphore, #tpu.memory_space<semaphore_mem>>) src(%dma_wait3A_307 : memref<16x128xi32, #tpu.memory_space<hbm>>) dst(%arg9 : memref<16x128xi32, #tpu.memory_space<vmem>>)
        tpu.yield
      }) : () -> ()
      %dma_start3A = arith.constant 0 : i32
      %dma_start3A_34 = arith.constant 0 : i32
      %dma_start3A_35 = tpu.memref_slice %arg8[%dma_start3A, %dma_start3A_34] : memref<16x128xi32, #tpu.memory_space<vmem>> -> memref<1x128xi32, #tpu.memory_space<vmem>>
      %dma_start3A_36 = tpu.memref_squeeze %dma_start3A_35 : memref<1x128xi32, #tpu.memory_space<vmem>> -> memref<128xi32, #tpu.memory_space<vmem>>
      %dma_start3A_37 = arith.constant 0 : i32
      %dma_start3A_38 = arith.constant 0 : i32
      %dma_start3A_39 = tpu.memref_slice %arg4[%dma_start3A_37, %dma_start3A_38] : memref<10240x128xf32, #tpu.memory_space<hbm>> -> memref<10240x128xf32, #tpu.memory_space<hbm>>
      tpu.enqueue_indirect_dma source(%dma_start3A_39 : memref<10240x128xf32, #tpu.memory_space<hbm>>) target(%arg12 : memref<128x128xf32, #tpu.memory_space<vmem>>) offsets(%dma_start3A_36 : memref<128xi32, #tpu.memory_space<vmem>>) semaphore(%arg14 : memref<!tpu.dma_semaphore, #tpu.memory_space<semaphore_mem>>)
      %add3A_40 = arith.constant 16 : i32
      %add3A_41 = arith.addi %mul3A_33, %add3A_40 : i32
      %dma_start3A_42 = arith.constant 0 : i32
      %dma_start3A_43 = tpu.memref_slice %arg2[%add3A_41, %dma_start3A_42] : memref<1280x128xi32, #tpu.memory_space<hbm>> -> memref<16x128xi32, #tpu.memory_space<hbm>>
      %dma_start3A_44 = arith.constant 0 : i32
      %dma_start3A_45 = tpu.memref_slice %arg2[%add3A_41, %dma_start3A_44] : memref<1280x128xi32, #tpu.memory_space<hbm>> -> memref<16x128xi32, #tpu.memory_space<hbm>>
      tpu.enqueue_dma source(%dma_start3A_45 : memref<16x128xi32, #tpu.memory_space<hbm>>) target(%arg10 : memref<16x128xi32, #tpu.memory_space<vmem>>) target_semaphore(%arg16 : memref<!tpu.dma_semaphore, #tpu.memory_space<semaphore_mem>>)
      %dma_start3A_46 = arith.constant 0 : i32
      %dma_start3A_47 = tpu.memref_slice %arg3[%add3A_41, %dma_start3A_46] : memref<1280x128xi32, #tpu.memory_space<hbm>> -> memref<16x128xi32, #tpu.memory_space<hbm>>
      %dma_start3A_48 = arith.constant 0 : i32
      %dma_start3A_49 = tpu.memref_slice %arg3[%add3A_41, %dma_start3A_48] : memref<1280x128xi32, #tpu.memory_space<hbm>> -> memref<16x128xi32, #tpu.memory_space<hbm>>
      tpu.enqueue_dma source(%dma_start3A_49 : memref<16x128xi32, #tpu.memory_space<hbm>>) target(%arg11 : memref<16x128xi32, #tpu.memory_space<vmem>>) target_semaphore(%arg16 : memref<!tpu.dma_semaphore, #tpu.memory_space<semaphore_mem>>)
      %scan3A_50 = arith.constant 0 : i32
      %scan3A_51 = arith.constant 0 : i32
      %scan3A_52 = arith.constant 7 : i32
      %scan3A_53 = arith.addi %scan3A_51, %scan3A_52 : i32
      %scan3A_54 = arith.constant 1 : i32
      %scan3A_55 = scf.for %scan3A_299 = %scan3A_51 to %scan3A_53 step %scan3A_54 iter_args(%scan3A_300 = %scan3A_50) -> (i32)  : i32 {
        %mul3A_301 = arith.constant 2 : i32
        %mul3A_302 = arith.muli %scan3A_299, %mul3A_301 : i32
        %add3A_303 = arith.constant 0 : i32
        %add3A_304 = arith.addi %mul3A_302, %add3A_303 : i32
        %dma_wait3A_305 = arith.constant 0 : i32
        %dma_wait3A_306 = arith.constant 0 : i32
        %dma_wait3A_307 = tpu.memref_slice %arg4[%dma_wait3A_305, %dma_wait3A_306] : memref<10240x128xf32, #tpu.memory_space<hbm>> -> memref<128x128xf32, #tpu.memory_space<hbm>>
        %dma_wait3A_308 = arith.constant 0 : i32
        %dma_wait3A_309 = arith.constant 0 : i32
        %dma_wait3A_310 = tpu.memref_slice %arg4[%dma_wait3A_308, %dma_wait3A_309] : memref<10240x128xf32, #tpu.memory_space<hbm>> -> memref<128x128xf32, #tpu.memory_space<hbm>>
        tpu.wait_dma2 semaphore(%arg14 : memref<!tpu.dma_semaphore, #tpu.memory_space<semaphore_mem>>) src(%dma_wait3A_310 : memref<128x128xf32, #tpu.memory_space<hbm>>) dst(%arg12 : memref<128x128xf32, #tpu.memory_space<vmem>>)
        %add3A_311 = arith.constant 1 : i32
        %add3A_312 = arith.addi %add3A_304, %add3A_311 : i32
        %dma_start3A_313 = arith.constant 0 : i32
        %dma_start3A_314 = tpu.memref_slice %arg8[%add3A_312, %dma_start3A_313] : memref<16x128xi32, #tpu.memory_space<vmem>> -> memref<1x128xi32, #tpu.memory_space<vmem>>
        %dma_start3A_315 = tpu.memref_squeeze %dma_start3A_314 : memref<1x128xi32, #tpu.memory_space<vmem>> -> memref<128xi32, #tpu.memory_space<vmem>>
        %dma_start3A_316 = arith.constant 0 : i32
        %dma_start3A_317 = arith.constant 0 : i32
        %dma_start3A_318 = tpu.memref_slice %arg4[%dma_start3A_316, %dma_start3A_317] : memref<10240x128xf32, #tpu.memory_space<hbm>> -> memref<10240x128xf32, #tpu.memory_space<hbm>>
        tpu.enqueue_indirect_dma source(%dma_start3A_318 : memref<10240x128xf32, #tpu.memory_space<hbm>>) target(%arg13 : memref<128x128xf32, #tpu.memory_space<vmem>>) offsets(%dma_start3A_315 : memref<128xi32, #tpu.memory_space<vmem>>) semaphore(%arg15 : memref<!tpu.dma_semaphore, #tpu.memory_space<semaphore_mem>>)
        "tpu.region"() ({
          %run_scoped3A_338 = tpu.sem_alloc : memref<!tpu.dma_semaphore, #tpu.memory_space<semaphore_mem>>
          %dma_start3A_339 = arith.constant 0 : i32
          %dma_start3A_340 = tpu.memref_slice %arg9[%add3A_304, %dma_start3A_339] : memref<16x128xi32, #tpu.memory_space<vmem>> -> memref<1x128xi32, #tpu.memory_space<vmem>>
          %dma_start3A_341 = tpu.memref_squeeze %dma_start3A_340 : memref<1x128xi32, #tpu.memory_space<vmem>> -> memref<128xi32, #tpu.memory_space<vmem>>
          %dma_start3A_342 = arith.constant 0 : i32
          %dma_start3A_343 = arith.constant 0 : i32
          %dma_start3A_344 = tpu.memref_slice %arg17[%dma_start3A_342, %dma_start3A_343] : memref<10240x128xf32, #tpu.memory_space<vmem_shared>> -> memref<10240x128xf32, #tpu.memory_space<vmem_shared>>
          tpu.enqueue_indirect_dma source(%arg12 : memref<128x128xf32, #tpu.memory_space<vmem>>) target(%dma_start3A_344 : memref<10240x128xf32, #tpu.memory_space<vmem_shared>>) offsets(%dma_start3A_341 : memref<128xi32, #tpu.memory_space<vmem>>) semaphore(%run_scoped3A_338 : memref<!tpu.dma_semaphore, #tpu.memory_space<semaphore_mem>>) {add = true}
          %dma_wait3A_345 = arith.constant 0 : i32
          %dma_wait3A_346 = tpu.memref_slice %arg9[%add3A_304, %dma_wait3A_345] : memref<16x128xi32, #tpu.memory_space<vmem>> -> memref<1x128xi32, #tpu.memory_space<vmem>>
          %dma_wait3A_347 = tpu.memref_squeeze %dma_wait3A_346 : memref<1x128xi32, #tpu.memory_space<vmem>> -> memref<128xi32, #tpu.memory_space<vmem>>
          %dma_wait3A_348 = arith.constant 0 : i32
          %dma_wait3A_349 = arith.constant 0 : i32
          %dma_wait3A_350 = tpu.memref_slice %arg17[%dma_wait3A_348, %dma_wait3A_349] : memref<10240x128xf32, #tpu.memory_space<vmem_shared>> -> memref<10240x128xf32, #tpu.memory_space<vmem_shared>>
          tpu.wait_indirect_dma semaphore(%run_scoped3A_338 : memref<!tpu.dma_semaphore, #tpu.memory_space<semaphore_mem>>) src(%arg12 : memref<128x128xf32, #tpu.memory_space<vmem>>) dst(%dma_wait3A_350 : memref<10240x128xf32, #tpu.memory_space<vmem_shared>>)
          tpu.yield
        }) : () -> ()
        %mul3A_319 = arith.constant 2 : i32
        %mul3A_320 = arith.muli %scan3A_299, %mul3A_319 : i32
        %add3A_321 = arith.constant 1 : i32
        %add3A_322 = arith.addi %mul3A_320, %add3A_321 : i32
        %dma_wait3A_323 = arith.constant 0 : i32
        %dma_wait3A_324 = arith.constant 0 : i32
        %dma_wait3A_325 = tpu.memref_slice %arg4[%dma_wait3A_323, %dma_wait3A_324] : memref<10240x128xf32, #tpu.memory_space<hbm>> -> memref<128x128xf32, #tpu.memory_space<hbm>>
        %dma_wait3A_326 = arith.constant 0 : i32
        %dma_wait3A_327 = arith.constant 0 : i32
        %dma_wait3A_328 = tpu.memref_slice %arg4[%dma_wait3A_326, %dma_wait3A_327] : memref<10240x128xf32, #tpu.memory_space<hbm>> -> memref<128x128xf32, #tpu.memory_space<hbm>>
        tpu.wait_dma2 semaphore(%arg15 : memref<!tpu.dma_semaphore, #tpu.memory_space<semaphore_mem>>) src(%dma_wait3A_328 : memref<128x128xf32, #tpu.memory_space<hbm>>) dst(%arg13 : memref<128x128xf32, #tpu.memory_space<vmem>>)
        %add3A_329 = arith.constant 1 : i32
        %add3A_330 = arith.addi %add3A_322, %add3A_329 : i32
        %dma_start3A_331 = arith.constant 0 : i32
        %dma_start3A_332 = tpu.memref_slice %arg8[%add3A_330, %dma_start3A_331] : memref<16x128xi32, #tpu.memory_space<vmem>> -> memref<1x128xi32, #tpu.memory_space<vmem>>
        %dma_start3A_333 = tpu.memref_squeeze %dma_start3A_332 : memref<1x128xi32, #tpu.memory_space<vmem>> -> memref<128xi32, #tpu.memory_space<vmem>>
        %dma_start3A_334 = arith.constant 0 : i32
        %dma_start3A_335 = arith.constant 0 : i32
        %dma_start3A_336 = tpu.memref_slice %arg4[%dma_start3A_334, %dma_start3A_335] : memref<10240x128xf32, #tpu.memory_space<hbm>> -> memref<10240x128xf32, #tpu.memory_space<hbm>>
        tpu.enqueue_indirect_dma source(%dma_start3A_336 : memref<10240x128xf32, #tpu.memory_space<hbm>>) target(%arg12 : memref<128x128xf32, #tpu.memory_space<vmem>>) offsets(%dma_start3A_333 : memref<128xi32, #tpu.memory_space<vmem>>) semaphore(%arg14 : memref<!tpu.dma_semaphore, #tpu.memory_space<semaphore_mem>>)
        "tpu.region"() ({
          %run_scoped3A_338 = tpu.sem_alloc : memref<!tpu.dma_semaphore, #tpu.memory_space<semaphore_mem>>
          %dma_start3A_339 = arith.constant 0 : i32
          %dma_start3A_340 = tpu.memref_slice %arg9[%add3A_322, %dma_start3A_339] : memref<16x128xi32, #tpu.memory_space<vmem>> -> memref<1x128xi32, #tpu.memory_space<vmem>>
          %dma_start3A_341 = tpu.memref_squeeze %dma_start3A_340 : memref<1x128xi32, #tpu.memory_space<vmem>> -> memref<128xi32, #tpu.memory_space<vmem>>
          %dma_start3A_342 = arith.constant 0 : i32
          %dma_start3A_343 = arith.constant 0 : i32
          %dma_start3A_344 = tpu.memref_slice %arg17[%dma_start3A_342, %dma_start3A_343] : memref<10240x128xf32, #tpu.memory_space<vmem_shared>> -> memref<10240x128xf32, #tpu.memory_space<vmem_shared>>
          tpu.enqueue_indirect_dma source(%arg13 : memref<128x128xf32, #tpu.memory_space<vmem>>) target(%dma_start3A_344 : memref<10240x128xf32, #tpu.memory_space<vmem_shared>>) offsets(%dma_start3A_341 : memref<128xi32, #tpu.memory_space<vmem>>) semaphore(%run_scoped3A_338 : memref<!tpu.dma_semaphore, #tpu.memory_space<semaphore_mem>>) {add = true}
          %dma_wait3A_345 = arith.constant 0 : i32
          %dma_wait3A_346 = tpu.memref_slice %arg9[%add3A_322, %dma_wait3A_345] : memref<16x128xi32, #tpu.memory_space<vmem>> -> memref<1x128xi32, #tpu.memory_space<vmem>>
          %dma_wait3A_347 = tpu.memref_squeeze %dma_wait3A_346 : memref<1x128xi32, #tpu.memory_space<vmem>> -> memref<128xi32, #tpu.memory_space<vmem>>
          %dma_wait3A_348 = arith.constant 0 : i32
          %dma_wait3A_349 = arith.constant 0 : i32
          %dma_wait3A_350 = tpu.memref_slice %arg17[%dma_wait3A_348, %dma_wait3A_349] : memref<10240x128xf32, #tpu.memory_space<vmem_shared>> -> memref<10240x128xf32, #tpu.memory_space<vmem_shared>>
          tpu.wait_indirect_dma semaphore(%run_scoped3A_338 : memref<!tpu.dma_semaphore, #tpu.memory_space<semaphore_mem>>) src(%arg13 : memref<128x128xf32, #tpu.memory_space<vmem>>) dst(%dma_wait3A_350 : memref<10240x128xf32, #tpu.memory_space<vmem_shared>>)
          tpu.yield
        }) : () -> ()
        %scan3A_337 = arith.constant 0 : i32
        scf.yield %scan3A_337 : i32
      }
      %scan3A_56 = arith.constant 7 : i32
      %dma_wait3A = arith.constant 0 : i32
      %dma_wait3A_57 = arith.constant 0 : i32
      %dma_wait3A_58 = tpu.memref_slice %arg4[%dma_wait3A, %dma_wait3A_57] : memref<10240x128xf32, #tpu.memory_space<hbm>> -> memref<128x128xf32, #tpu.memory_space<hbm>>
      %dma_wait3A_59 = arith.constant 0 : i32
      %dma_wait3A_60 = arith.constant 0 : i32
      %dma_wait3A_61 = tpu.memref_slice %arg4[%dma_wait3A_59, %dma_wait3A_60] : memref<10240x128xf32, #tpu.memory_space<hbm>> -> memref<128x128xf32, #tpu.memory_space<hbm>>
      tpu.wait_dma2 semaphore(%arg14 : memref<!tpu.dma_semaphore, #tpu.memory_space<semaphore_mem>>) src(%dma_wait3A_61 : memref<128x128xf32, #tpu.memory_space<hbm>>) dst(%arg12 : memref<128x128xf32, #tpu.memory_space<vmem>>)
      %dma_start3A_62 = arith.constant 15 : i32
      %dma_start3A_63 = arith.constant 0 : i32
      %dma_start3A_64 = tpu.memref_slice %arg8[%dma_start3A_62, %dma_start3A_63] : memref<16x128xi32, #tpu.memory_space<vmem>> -> memref<1x128xi32, #tpu.memory_space<vmem>>
      %dma_start3A_65 = tpu.memref_squeeze %dma_start3A_64 : memref<1x128xi32, #tpu.memory_space<vmem>> -> memref<128xi32, #tpu.memory_space<vmem>>
      %dma_start3A_66 = arith.constant 0 : i32
      %dma_start3A_67 = arith.constant 0 : i32
      %dma_start3A_68 = tpu.memref_slice %arg4[%dma_start3A_66, %dma_start3A_67] : memref<10240x128xf32, #tpu.memory_space<hbm>> -> memref<10240x128xf32, #tpu.memory_space<hbm>>
      tpu.enqueue_indirect_dma source(%dma_start3A_68 : memref<10240x128xf32, #tpu.memory_space<hbm>>) target(%arg13 : memref<128x128xf32, #tpu.memory_space<vmem>>) offsets(%dma_start3A_65 : memref<128xi32, #tpu.memory_space<vmem>>) semaphore(%arg15 : memref<!tpu.dma_semaphore, #tpu.memory_space<semaphore_mem>>)
      %run_scoped3A = arith.constant 14 : i32
      "tpu.region"() ({
        %run_scoped3A_299 = tpu.sem_alloc : memref<!tpu.dma_semaphore, #tpu.memory_space<semaphore_mem>>
        %dma_start3A_300 = arith.constant 0 : i32
        %dma_start3A_301 = tpu.memref_slice %arg9[%run_scoped3A, %dma_start3A_300] : memref<16x128xi32, #tpu.memory_space<vmem>> -> memref<1x128xi32, #tpu.memory_space<vmem>>
        %dma_start3A_302 = tpu.memref_squeeze %dma_start3A_301 : memref<1x128xi32, #tpu.memory_space<vmem>> -> memref<128xi32, #tpu.memory_space<vmem>>
        %dma_start3A_303 = arith.constant 0 : i32
        %dma_start3A_304 = arith.constant 0 : i32
        %dma_start3A_305 = tpu.memref_slice %arg17[%dma_start3A_303, %dma_start3A_304] : memref<10240x128xf32, #tpu.memory_space<vmem_shared>> -> memref<10240x128xf32, #tpu.memory_space<vmem_shared>>
        tpu.enqueue_indirect_dma source(%arg12 : memref<128x128xf32, #tpu.memory_space<vmem>>) target(%dma_start3A_305 : memref<10240x128xf32, #tpu.memory_space<vmem_shared>>) offsets(%dma_start3A_302 : memref<128xi32, #tpu.memory_space<vmem>>) semaphore(%run_scoped3A_299 : memref<!tpu.dma_semaphore, #tpu.memory_space<semaphore_mem>>) {add = true}
        %dma_wait3A_306 = arith.constant 0 : i32
        %dma_wait3A_307 = tpu.memref_slice %arg9[%run_scoped3A, %dma_wait3A_306] : memref<16x128xi32, #tpu.memory_space<vmem>> -> memref<1x128xi32, #tpu.memory_space<vmem>>
        %dma_wait3A_308 = tpu.memref_squeeze %dma_wait3A_307 : memref<1x128xi32, #tpu.memory_space<vmem>> -> memref<128xi32, #tpu.memory_space<vmem>>
        %dma_wait3A_309 = arith.constant 0 : i32
        %dma_wait3A_310 = arith.constant 0 : i32
        %dma_wait3A_311 = tpu.memref_slice %arg17[%dma_wait3A_309, %dma_wait3A_310] : memref<10240x128xf32, #tpu.memory_space<vmem_shared>> -> memref<10240x128xf32, #tpu.memory_space<vmem_shared>>
        tpu.wait_indirect_dma semaphore(%run_scoped3A_299 : memref<!tpu.dma_semaphore, #tpu.memory_space<semaphore_mem>>) src(%arg12 : memref<128x128xf32, #tpu.memory_space<vmem>>) dst(%dma_wait3A_311 : memref<10240x128xf32, #tpu.memory_space<vmem_shared>>)
        tpu.yield
      }) : () -> ()
      %dma_wait3A_69 = arith.constant 0 : i32
      %dma_wait3A_70 = arith.constant 0 : i32
      %dma_wait3A_71 = tpu.memref_slice %arg4[%dma_wait3A_69, %dma_wait3A_70] : memref<10240x128xf32, #tpu.memory_space<hbm>> -> memref<128x128xf32, #tpu.memory_space<hbm>>
      %dma_wait3A_72 = arith.constant 0 : i32
      %dma_wait3A_73 = arith.constant 0 : i32
      %dma_wait3A_74 = tpu.memref_slice %arg4[%dma_wait3A_72, %dma_wait3A_73] : memref<10240x128xf32, #tpu.memory_space<hbm>> -> memref<128x128xf32, #tpu.memory_space<hbm>>
      tpu.wait_dma2 semaphore(%arg15 : memref<!tpu.dma_semaphore, #tpu.memory_space<semaphore_mem>>) src(%dma_wait3A_74 : memref<128x128xf32, #tpu.memory_space<hbm>>) dst(%arg13 : memref<128x128xf32, #tpu.memory_space<vmem>>)
      %dma_wait3A_75 = arith.constant 0 : i32
      %dma_wait3A_76 = arith.constant 0 : i32
      %dma_wait3A_77 = tpu.memref_slice %arg2[%dma_wait3A_75, %dma_wait3A_76] : memref<1280x128xi32, #tpu.memory_space<hbm>> -> memref<16x128xi32, #tpu.memory_space<hbm>>
      %dma_wait3A_78 = arith.constant 0 : i32
      %dma_wait3A_79 = arith.constant 0 : i32
      %dma_wait3A_80 = tpu.memref_slice %arg2[%dma_wait3A_78, %dma_wait3A_79] : memref<1280x128xi32, #tpu.memory_space<hbm>> -> memref<16x128xi32, #tpu.memory_space<hbm>>
      tpu.wait_dma2 semaphore(%arg16 : memref<!tpu.dma_semaphore, #tpu.memory_space<semaphore_mem>>) src(%dma_wait3A_80 : memref<16x128xi32, #tpu.memory_space<hbm>>) dst(%arg10 : memref<16x128xi32, #tpu.memory_space<vmem>>)
      %dma_wait3A_81 = arith.constant 0 : i32
      %dma_wait3A_82 = arith.constant 0 : i32
      %dma_wait3A_83 = tpu.memref_slice %arg2[%dma_wait3A_81, %dma_wait3A_82] : memref<1280x128xi32, #tpu.memory_space<hbm>> -> memref<16x128xi32, #tpu.memory_space<hbm>>
      %dma_wait3A_84 = arith.constant 0 : i32
      %dma_wait3A_85 = arith.constant 0 : i32
      %dma_wait3A_86 = tpu.memref_slice %arg2[%dma_wait3A_84, %dma_wait3A_85] : memref<1280x128xi32, #tpu.memory_space<hbm>> -> memref<16x128xi32, #tpu.memory_space<hbm>>
      tpu.wait_dma2 semaphore(%arg16 : memref<!tpu.dma_semaphore, #tpu.memory_space<semaphore_mem>>) src(%dma_wait3A_86 : memref<16x128xi32, #tpu.memory_space<hbm>>) dst(%arg11 : memref<16x128xi32, #tpu.memory_space<vmem>>)
      %dma_start3A_87 = arith.constant 0 : i32
      %dma_start3A_88 = arith.constant 0 : i32
      %dma_start3A_89 = tpu.memref_slice %arg10[%dma_start3A_87, %dma_start3A_88] : memref<16x128xi32, #tpu.memory_space<vmem>> -> memref<1x128xi32, #tpu.memory_space<vmem>>
      %dma_start3A_90 = tpu.memref_squeeze %dma_start3A_89 : memref<1x128xi32, #tpu.memory_space<vmem>> -> memref<128xi32, #tpu.memory_space<vmem>>
      %dma_start3A_91 = arith.constant 0 : i32
      %dma_start3A_92 = arith.constant 0 : i32
      %dma_start3A_93 = tpu.memref_slice %arg4[%dma_start3A_91, %dma_start3A_92] : memref<10240x128xf32, #tpu.memory_space<hbm>> -> memref<10240x128xf32, #tpu.memory_space<hbm>>
      tpu.enqueue_indirect_dma source(%dma_start3A_93 : memref<10240x128xf32, #tpu.memory_space<hbm>>) target(%arg12 : memref<128x128xf32, #tpu.memory_space<vmem>>) offsets(%dma_start3A_90 : memref<128xi32, #tpu.memory_space<vmem>>) semaphore(%arg14 : memref<!tpu.dma_semaphore, #tpu.memory_space<semaphore_mem>>)
      %run_scoped3A_94 = arith.constant 15 : i32
      "tpu.region"() ({
        %run_scoped3A_299 = tpu.sem_alloc : memref<!tpu.dma_semaphore, #tpu.memory_space<semaphore_mem>>
        %dma_start3A_300 = arith.constant 0 : i32
        %dma_start3A_301 = tpu.memref_slice %arg9[%run_scoped3A_94, %dma_start3A_300] : memref<16x128xi32, #tpu.memory_space<vmem>> -> memref<1x128xi32, #tpu.memory_space<vmem>>
        %dma_start3A_302 = tpu.memref_squeeze %dma_start3A_301 : memref<1x128xi32, #tpu.memory_space<vmem>> -> memref<128xi32, #tpu.memory_space<vmem>>
        %dma_start3A_303 = arith.constant 0 : i32
        %dma_start3A_304 = arith.constant 0 : i32
        %dma_start3A_305 = tpu.memref_slice %arg17[%dma_start3A_303, %dma_start3A_304] : memref<10240x128xf32, #tpu.memory_space<vmem_shared>> -> memref<10240x128xf32, #tpu.memory_space<vmem_shared>>
        tpu.enqueue_indirect_dma source(%arg13 : memref<128x128xf32, #tpu.memory_space<vmem>>) target(%dma_start3A_305 : memref<10240x128xf32, #tpu.memory_space<vmem_shared>>) offsets(%dma_start3A_302 : memref<128xi32, #tpu.memory_space<vmem>>) semaphore(%run_scoped3A_299 : memref<!tpu.dma_semaphore, #tpu.memory_space<semaphore_mem>>) {add = true}
        %dma_wait3A_306 = arith.constant 0 : i32
        %dma_wait3A_307 = tpu.memref_slice %arg9[%run_scoped3A_94, %dma_wait3A_306] : memref<16x128xi32, #tpu.memory_space<vmem>> -> memref<1x128xi32, #tpu.memory_space<vmem>>
        %dma_wait3A_308 = tpu.memref_squeeze %dma_wait3A_307 : memref<1x128xi32, #tpu.memory_space<vmem>> -> memref<128xi32, #tpu.memory_space<vmem>>
        %dma_wait3A_309 = arith.constant 0 : i32
        %dma_wait3A_310 = arith.constant 0 : i32
        %dma_wait3A_311 = tpu.memref_slice %arg17[%dma_wait3A_309, %dma_wait3A_310] : memref<10240x128xf32, #tpu.memory_space<vmem_shared>> -> memref<10240x128xf32, #tpu.memory_space<vmem_shared>>
        tpu.wait_indirect_dma semaphore(%run_scoped3A_299 : memref<!tpu.dma_semaphore, #tpu.memory_space<semaphore_mem>>) src(%arg13 : memref<128x128xf32, #tpu.memory_space<vmem>>) dst(%dma_wait3A_311 : memref<10240x128xf32, #tpu.memory_space<vmem_shared>>)
        tpu.yield
      }) : () -> ()
      %add3A_95 = arith.constant 32 : i32
      %add3A_96 = arith.addi %mul3A_33, %add3A_95 : i32
      %dma_start3A_97 = arith.constant 0 : i32
      %dma_start3A_98 = tpu.memref_slice %arg2[%add3A_96, %dma_start3A_97] : memref<1280x128xi32, #tpu.memory_space<hbm>> -> memref<16x128xi32, #tpu.memory_space<hbm>>
      %dma_start3A_99 = arith.constant 0 : i32
      %dma_start3A_100 = tpu.memref_slice %arg2[%add3A_96, %dma_start3A_99] : memref<1280x128xi32, #tpu.memory_space<hbm>> -> memref<16x128xi32, #tpu.memory_space<hbm>>
      tpu.enqueue_dma source(%dma_start3A_100 : memref<16x128xi32, #tpu.memory_space<hbm>>) target(%arg8 : memref<16x128xi32, #tpu.memory_space<vmem>>) target_semaphore(%arg16 : memref<!tpu.dma_semaphore, #tpu.memory_space<semaphore_mem>>)
      %dma_start3A_101 = arith.constant 0 : i32
      %dma_start3A_102 = tpu.memref_slice %arg3[%add3A_96, %dma_start3A_101] : memref<1280x128xi32, #tpu.memory_space<hbm>> -> memref<16x128xi32, #tpu.memory_space<hbm>>
      %dma_start3A_103 = arith.constant 0 : i32
      %dma_start3A_104 = tpu.memref_slice %arg3[%add3A_96, %dma_start3A_103] : memref<1280x128xi32, #tpu.memory_space<hbm>> -> memref<16x128xi32, #tpu.memory_space<hbm>>
      tpu.enqueue_dma source(%dma_start3A_104 : memref<16x128xi32, #tpu.memory_space<hbm>>) target(%arg9 : memref<16x128xi32, #tpu.memory_space<vmem>>) target_semaphore(%arg16 : memref<!tpu.dma_semaphore, #tpu.memory_space<semaphore_mem>>)
      %scan3A_105 = arith.constant 0 : i32
      %scan3A_106 = arith.constant 0 : i32
      %scan3A_107 = arith.constant 7 : i32
      %scan3A_108 = arith.addi %scan3A_106, %scan3A_107 : i32
      %scan3A_109 = arith.constant 1 : i32
      %scan3A_110 = scf.for %scan3A_299 = %scan3A_106 to %scan3A_108 step %scan3A_109 iter_args(%scan3A_300 = %scan3A_105) -> (i32)  : i32 {
        %mul3A_301 = arith.constant 2 : i32
        %mul3A_302 = arith.muli %scan3A_299, %mul3A_301 : i32
        %add3A_303 = arith.constant 0 : i32
        %add3A_304 = arith.addi %mul3A_302, %add3A_303 : i32
        %dma_wait3A_305 = arith.constant 0 : i32
        %dma_wait3A_306 = arith.constant 0 : i32
        %dma_wait3A_307 = tpu.memref_slice %arg4[%dma_wait3A_305, %dma_wait3A_306] : memref<10240x128xf32, #tpu.memory_space<hbm>> -> memref<128x128xf32, #tpu.memory_space<hbm>>
        %dma_wait3A_308 = arith.constant 0 : i32
        %dma_wait3A_309 = arith.constant 0 : i32
        %dma_wait3A_310 = tpu.memref_slice %arg4[%dma_wait3A_308, %dma_wait3A_309] : memref<10240x128xf32, #tpu.memory_space<hbm>> -> memref<128x128xf32, #tpu.memory_space<hbm>>
        tpu.wait_dma2 semaphore(%arg14 : memref<!tpu.dma_semaphore, #tpu.memory_space<semaphore_mem>>) src(%dma_wait3A_310 : memref<128x128xf32, #tpu.memory_space<hbm>>) dst(%arg12 : memref<128x128xf32, #tpu.memory_space<vmem>>)
        %add3A_311 = arith.constant 1 : i32
        %add3A_312 = arith.addi %add3A_304, %add3A_311 : i32
        %dma_start3A_313 = arith.constant 0 : i32
        %dma_start3A_314 = tpu.memref_slice %arg10[%add3A_312, %dma_start3A_313] : memref<16x128xi32, #tpu.memory_space<vmem>> -> memref<1x128xi32, #tpu.memory_space<vmem>>
        %dma_start3A_315 = tpu.memref_squeeze %dma_start3A_314 : memref<1x128xi32, #tpu.memory_space<vmem>> -> memref<128xi32, #tpu.memory_space<vmem>>
        %dma_start3A_316 = arith.constant 0 : i32
        %dma_start3A_317 = arith.constant 0 : i32
        %dma_start3A_318 = tpu.memref_slice %arg4[%dma_start3A_316, %dma_start3A_317] : memref<10240x128xf32, #tpu.memory_space<hbm>> -> memref<10240x128xf32, #tpu.memory_space<hbm>>
        tpu.enqueue_indirect_dma source(%dma_start3A_318 : memref<10240x128xf32, #tpu.memory_space<hbm>>) target(%arg13 : memref<128x128xf32, #tpu.memory_space<vmem>>) offsets(%dma_start3A_315 : memref<128xi32, #tpu.memory_space<vmem>>) semaphore(%arg15 : memref<!tpu.dma_semaphore, #tpu.memory_space<semaphore_mem>>)
        "tpu.region"() ({
          %run_scoped3A_338 = tpu.sem_alloc : memref<!tpu.dma_semaphore, #tpu.memory_space<semaphore_mem>>
          %dma_start3A_339 = arith.constant 0 : i32
          %dma_start3A_340 = tpu.memref_slice %arg11[%add3A_304, %dma_start3A_339] : memref<16x128xi32, #tpu.memory_space<vmem>> -> memref<1x128xi32, #tpu.memory_space<vmem>>
          %dma_start3A_341 = tpu.memref_squeeze %dma_start3A_340 : memref<1x128xi32, #tpu.memory_space<vmem>> -> memref<128xi32, #tpu.memory_space<vmem>>
          %dma_start3A_342 = arith.constant 0 : i32
          %dma_start3A_343 = arith.constant 0 : i32
          %dma_start3A_344 = tpu.memref_slice %arg17[%dma_start3A_342, %dma_start3A_343] : memref<10240x128xf32, #tpu.memory_space<vmem_shared>> -> memref<10240x128xf32, #tpu.memory_space<vmem_shared>>
          tpu.enqueue_indirect_dma source(%arg12 : memref<128x128xf32, #tpu.memory_space<vmem>>) target(%dma_start3A_344 : memref<10240x128xf32, #tpu.memory_space<vmem_shared>>) offsets(%dma_start3A_341 : memref<128xi32, #tpu.memory_space<vmem>>) semaphore(%run_scoped3A_338 : memref<!tpu.dma_semaphore, #tpu.memory_space<semaphore_mem>>) {add = true}
          %dma_wait3A_345 = arith.constant 0 : i32
          %dma_wait3A_346 = tpu.memref_slice %arg11[%add3A_304, %dma_wait3A_345] : memref<16x128xi32, #tpu.memory_space<vmem>> -> memref<1x128xi32, #tpu.memory_space<vmem>>
          %dma_wait3A_347 = tpu.memref_squeeze %dma_wait3A_346 : memref<1x128xi32, #tpu.memory_space<vmem>> -> memref<128xi32, #tpu.memory_space<vmem>>
          %dma_wait3A_348 = arith.constant 0 : i32
          %dma_wait3A_349 = arith.constant 0 : i32
          %dma_wait3A_350 = tpu.memref_slice %arg17[%dma_wait3A_348, %dma_wait3A_349] : memref<10240x128xf32, #tpu.memory_space<vmem_shared>> -> memref<10240x128xf32, #tpu.memory_space<vmem_shared>>
          tpu.wait_indirect_dma semaphore(%run_scoped3A_338 : memref<!tpu.dma_semaphore, #tpu.memory_space<semaphore_mem>>) src(%arg12 : memref<128x128xf32, #tpu.memory_space<vmem>>) dst(%dma_wait3A_350 : memref<10240x128xf32, #tpu.memory_space<vmem_shared>>)
          tpu.yield
        }) : () -> ()
        %mul3A_319 = arith.constant 2 : i32
        %mul3A_320 = arith.muli %scan3A_299, %mul3A_319 : i32
        %add3A_321 = arith.constant 1 : i32
        %add3A_322 = arith.addi %mul3A_320, %add3A_321 : i32
        %dma_wait3A_323 = arith.constant 0 : i32
        %dma_wait3A_324 = arith.constant 0 : i32
        %dma_wait3A_325 = tpu.memref_slice %arg4[%dma_wait3A_323, %dma_wait3A_324] : memref<10240x128xf32, #tpu.memory_space<hbm>> -> memref<128x128xf32, #tpu.memory_space<hbm>>
        %dma_wait3A_326 = arith.constant 0 : i32
        %dma_wait3A_327 = arith.constant 0 : i32
        %dma_wait3A_328 = tpu.memref_slice %arg4[%dma_wait3A_326, %dma_wait3A_327] : memref<10240x128xf32, #tpu.memory_space<hbm>> -> memref<128x128xf32, #tpu.memory_space<hbm>>
        tpu.wait_dma2 semaphore(%arg15 : memref<!tpu.dma_semaphore, #tpu.memory_space<semaphore_mem>>) src(%dma_wait3A_328 : memref<128x128xf32, #tpu.memory_space<hbm>>) dst(%arg13 : memref<128x128xf32, #tpu.memory_space<vmem>>)
        %add3A_329 = arith.constant 1 : i32
        %add3A_330 = arith.addi %add3A_322, %add3A_329 : i32
        %dma_start3A_331 = arith.constant 0 : i32
        %dma_start3A_332 = tpu.memref_slice %arg10[%add3A_330, %dma_start3A_331] : memref<16x128xi32, #tpu.memory_space<vmem>> -> memref<1x128xi32, #tpu.memory_space<vmem>>
        %dma_start3A_333 = tpu.memref_squeeze %dma_start3A_332 : memref<1x128xi32, #tpu.memory_space<vmem>> -> memref<128xi32, #tpu.memory_space<vmem>>
        %dma_start3A_334 = arith.constant 0 : i32
        %dma_start3A_335 = arith.constant 0 : i32
        %dma_start3A_336 = tpu.memref_slice %arg4[%dma_start3A_334, %dma_start3A_335] : memref<10240x128xf32, #tpu.memory_space<hbm>> -> memref<10240x128xf32, #tpu.memory_space<hbm>>
        tpu.enqueue_indirect_dma source(%dma_start3A_336 : memref<10240x128xf32, #tpu.memory_space<hbm>>) target(%arg12 : memref<128x128xf32, #tpu.memory_space<vmem>>) offsets(%dma_start3A_333 : memref<128xi32, #tpu.memory_space<vmem>>) semaphore(%arg14 : memref<!tpu.dma_semaphore, #tpu.memory_space<semaphore_mem>>)
        "tpu.region"() ({
          %run_scoped3A_338 = tpu.sem_alloc : memref<!tpu.dma_semaphore, #tpu.memory_space<semaphore_mem>>
          %dma_start3A_339 = arith.constant 0 : i32
          %dma_start3A_340 = tpu.memref_slice %arg11[%add3A_322, %dma_start3A_339] : memref<16x128xi32, #tpu.memory_space<vmem>> -> memref<1x128xi32, #tpu.memory_space<vmem>>
          %dma_start3A_341 = tpu.memref_squeeze %dma_start3A_340 : memref<1x128xi32, #tpu.memory_space<vmem>> -> memref<128xi32, #tpu.memory_space<vmem>>
          %dma_start3A_342 = arith.constant 0 : i32
          %dma_start3A_343 = arith.constant 0 : i32
          %dma_start3A_344 = tpu.memref_slice %arg17[%dma_start3A_342, %dma_start3A_343] : memref<10240x128xf32, #tpu.memory_space<vmem_shared>> -> memref<10240x128xf32, #tpu.memory_space<vmem_shared>>
          tpu.enqueue_indirect_dma source(%arg13 : memref<128x128xf32, #tpu.memory_space<vmem>>) target(%dma_start3A_344 : memref<10240x128xf32, #tpu.memory_space<vmem_shared>>) offsets(%dma_start3A_341 : memref<128xi32, #tpu.memory_space<vmem>>) semaphore(%run_scoped3A_338 : memref<!tpu.dma_semaphore, #tpu.memory_space<semaphore_mem>>) {add = true}
          %dma_wait3A_345 = arith.constant 0 : i32
          %dma_wait3A_346 = tpu.memref_slice %arg11[%add3A_322, %dma_wait3A_345] : memref<16x128xi32, #tpu.memory_space<vmem>> -> memref<1x128xi32, #tpu.memory_space<vmem>>
          %dma_wait3A_347 = tpu.memref_squeeze %dma_wait3A_346 : memref<1x128xi32, #tpu.memory_space<vmem>> -> memref<128xi32, #tpu.memory_space<vmem>>
          %dma_wait3A_348 = arith.constant 0 : i32
          %dma_wait3A_349 = arith.constant 0 : i32
          %dma_wait3A_350 = tpu.memref_slice %arg17[%dma_wait3A_348, %dma_wait3A_349] : memref<10240x128xf32, #tpu.memory_space<vmem_shared>> -> memref<10240x128xf32, #tpu.memory_space<vmem_shared>>
          tpu.wait_indirect_dma semaphore(%run_scoped3A_338 : memref<!tpu.dma_semaphore, #tpu.memory_space<semaphore_mem>>) src(%arg13 : memref<128x128xf32, #tpu.memory_space<vmem>>) dst(%dma_wait3A_350 : memref<10240x128xf32, #tpu.memory_space<vmem_shared>>)
          tpu.yield
        }) : () -> ()
        %scan3A_337 = arith.constant 0 : i32
        scf.yield %scan3A_337 : i32
      }
      %scan3A_111 = arith.constant 7 : i32
      %dma_wait3A_112 = arith.constant 0 : i32
      %dma_wait3A_113 = arith.constant 0 : i32
      %dma_wait3A_114 = tpu.memref_slice %arg4[%dma_wait3A_112, %dma_wait3A_113] : memref<10240x128xf32, #tpu.memory_space<hbm>> -> memref<128x128xf32, #tpu.memory_space<hbm>>
      %dma_wait3A_115 = arith.constant 0 : i32
      %dma_wait3A_116 = arith.constant 0 : i32
      %dma_wait3A_117 = tpu.memref_slice %arg4[%dma_wait3A_115, %dma_wait3A_116] : memref<10240x128xf32, #tpu.memory_space<hbm>> -> memref<128x128xf32, #tpu.memory_space<hbm>>
      tpu.wait_dma2 semaphore(%arg14 : memref<!tpu.dma_semaphore, #tpu.memory_space<semaphore_mem>>) src(%dma_wait3A_117 : memref<128x128xf32, #tpu.memory_space<hbm>>) dst(%arg12 : memref<128x128xf32, #tpu.memory_space<vmem>>)
      %dma_start3A_118 = arith.constant 15 : i32
      %dma_start3A_119 = arith.constant 0 : i32
      %dma_start3A_120 = tpu.memref_slice %arg10[%dma_start3A_118, %dma_start3A_119] : memref<16x128xi32, #tpu.memory_space<vmem>> -> memref<1x128xi32, #tpu.memory_space<vmem>>
      %dma_start3A_121 = tpu.memref_squeeze %dma_start3A_120 : memref<1x128xi32, #tpu.memory_space<vmem>> -> memref<128xi32, #tpu.memory_space<vmem>>
      %dma_start3A_122 = arith.constant 0 : i32
      %dma_start3A_123 = arith.constant 0 : i32
      %dma_start3A_124 = tpu.memref_slice %arg4[%dma_start3A_122, %dma_start3A_123] : memref<10240x128xf32, #tpu.memory_space<hbm>> -> memref<10240x128xf32, #tpu.memory_space<hbm>>
      tpu.enqueue_indirect_dma source(%dma_start3A_124 : memref<10240x128xf32, #tpu.memory_space<hbm>>) target(%arg13 : memref<128x128xf32, #tpu.memory_space<vmem>>) offsets(%dma_start3A_121 : memref<128xi32, #tpu.memory_space<vmem>>) semaphore(%arg15 : memref<!tpu.dma_semaphore, #tpu.memory_space<semaphore_mem>>)
      %run_scoped3A_125 = arith.constant 14 : i32
      "tpu.region"() ({
        %run_scoped3A_299 = tpu.sem_alloc : memref<!tpu.dma_semaphore, #tpu.memory_space<semaphore_mem>>
        %dma_start3A_300 = arith.constant 0 : i32
        %dma_start3A_301 = tpu.memref_slice %arg11[%run_scoped3A_125, %dma_start3A_300] : memref<16x128xi32, #tpu.memory_space<vmem>> -> memref<1x128xi32, #tpu.memory_space<vmem>>
        %dma_start3A_302 = tpu.memref_squeeze %dma_start3A_301 : memref<1x128xi32, #tpu.memory_space<vmem>> -> memref<128xi32, #tpu.memory_space<vmem>>
        %dma_start3A_303 = arith.constant 0 : i32
        %dma_start3A_304 = arith.constant 0 : i32
        %dma_start3A_305 = tpu.memref_slice %arg17[%dma_start3A_303, %dma_start3A_304] : memref<10240x128xf32, #tpu.memory_space<vmem_shared>> -> memref<10240x128xf32, #tpu.memory_space<vmem_shared>>
        tpu.enqueue_indirect_dma source(%arg12 : memref<128x128xf32, #tpu.memory_space<vmem>>) target(%dma_start3A_305 : memref<10240x128xf32, #tpu.memory_space<vmem_shared>>) offsets(%dma_start3A_302 : memref<128xi32, #tpu.memory_space<vmem>>) semaphore(%run_scoped3A_299 : memref<!tpu.dma_semaphore, #tpu.memory_space<semaphore_mem>>) {add = true}
        %dma_wait3A_306 = arith.constant 0 : i32
        %dma_wait3A_307 = tpu.memref_slice %arg11[%run_scoped3A_125, %dma_wait3A_306] : memref<16x128xi32, #tpu.memory_space<vmem>> -> memref<1x128xi32, #tpu.memory_space<vmem>>
        %dma_wait3A_308 = tpu.memref_squeeze %dma_wait3A_307 : memref<1x128xi32, #tpu.memory_space<vmem>> -> memref<128xi32, #tpu.memory_space<vmem>>
        %dma_wait3A_309 = arith.constant 0 : i32
        %dma_wait3A_310 = arith.constant 0 : i32
        %dma_wait3A_311 = tpu.memref_slice %arg17[%dma_wait3A_309, %dma_wait3A_310] : memref<10240x128xf32, #tpu.memory_space<vmem_shared>> -> memref<10240x128xf32, #tpu.memory_space<vmem_shared>>
        tpu.wait_indirect_dma semaphore(%run_scoped3A_299 : memref<!tpu.dma_semaphore, #tpu.memory_space<semaphore_mem>>) src(%arg12 : memref<128x128xf32, #tpu.memory_space<vmem>>) dst(%dma_wait3A_311 : memref<10240x128xf32, #tpu.memory_space<vmem_shared>>)
        tpu.yield
      }) : () -> ()
      %dma_wait3A_126 = arith.constant 0 : i32
      %dma_wait3A_127 = arith.constant 0 : i32
      %dma_wait3A_128 = tpu.memref_slice %arg4[%dma_wait3A_126, %dma_wait3A_127] : memref<10240x128xf32, #tpu.memory_space<hbm>> -> memref<128x128xf32, #tpu.memory_space<hbm>>
      %dma_wait3A_129 = arith.constant 0 : i32
      %dma_wait3A_130 = arith.constant 0 : i32
      %dma_wait3A_131 = tpu.memref_slice %arg4[%dma_wait3A_129, %dma_wait3A_130] : memref<10240x128xf32, #tpu.memory_space<hbm>> -> memref<128x128xf32, #tpu.memory_space<hbm>>
      tpu.wait_dma2 semaphore(%arg15 : memref<!tpu.dma_semaphore, #tpu.memory_space<semaphore_mem>>) src(%dma_wait3A_131 : memref<128x128xf32, #tpu.memory_space<hbm>>) dst(%arg13 : memref<128x128xf32, #tpu.memory_space<vmem>>)
      %dma_wait3A_132 = arith.constant 0 : i32
      %dma_wait3A_133 = arith.constant 0 : i32
      %dma_wait3A_134 = tpu.memref_slice %arg2[%dma_wait3A_132, %dma_wait3A_133] : memref<1280x128xi32, #tpu.memory_space<hbm>> -> memref<16x128xi32, #tpu.memory_space<hbm>>
      %dma_wait3A_135 = arith.constant 0 : i32
      %dma_wait3A_136 = arith.constant 0 : i32
      %dma_wait3A_137 = tpu.memref_slice %arg2[%dma_wait3A_135, %dma_wait3A_136] : memref<1280x128xi32, #tpu.memory_space<hbm>> -> memref<16x128xi32, #tpu.memory_space<hbm>>
      tpu.wait_dma2 semaphore(%arg16 : memref<!tpu.dma_semaphore, #tpu.memory_space<semaphore_mem>>) src(%dma_wait3A_137 : memref<16x128xi32, #tpu.memory_space<hbm>>) dst(%arg8 : memref<16x128xi32, #tpu.memory_space<vmem>>)
      %dma_wait3A_138 = arith.constant 0 : i32
      %dma_wait3A_139 = arith.constant 0 : i32
      %dma_wait3A_140 = tpu.memref_slice %arg2[%dma_wait3A_138, %dma_wait3A_139] : memref<1280x128xi32, #tpu.memory_space<hbm>> -> memref<16x128xi32, #tpu.memory_space<hbm>>
      %dma_wait3A_141 = arith.constant 0 : i32
      %dma_wait3A_142 = arith.constant 0 : i32
      %dma_wait3A_143 = tpu.memref_slice %arg2[%dma_wait3A_141, %dma_wait3A_142] : memref<1280x128xi32, #tpu.memory_space<hbm>> -> memref<16x128xi32, #tpu.memory_space<hbm>>
      tpu.wait_dma2 semaphore(%arg16 : memref<!tpu.dma_semaphore, #tpu.memory_space<semaphore_mem>>) src(%dma_wait3A_143 : memref<16x128xi32, #tpu.memory_space<hbm>>) dst(%arg9 : memref<16x128xi32, #tpu.memory_space<vmem>>)
      %dma_start3A_144 = arith.constant 0 : i32
      %dma_start3A_145 = arith.constant 0 : i32
      %dma_start3A_146 = tpu.memref_slice %arg8[%dma_start3A_144, %dma_start3A_145] : memref<16x128xi32, #tpu.memory_space<vmem>> -> memref<1x128xi32, #tpu.memory_space<vmem>>
      %dma_start3A_147 = tpu.memref_squeeze %dma_start3A_146 : memref<1x128xi32, #tpu.memory_space<vmem>> -> memref<128xi32, #tpu.memory_space<vmem>>
      %dma_start3A_148 = arith.constant 0 : i32
      %dma_start3A_149 = arith.constant 0 : i32
      %dma_start3A_150 = tpu.memref_slice %arg4[%dma_start3A_148, %dma_start3A_149] : memref<10240x128xf32, #tpu.memory_space<hbm>> -> memref<10240x128xf32, #tpu.memory_space<hbm>>
      tpu.enqueue_indirect_dma source(%dma_start3A_150 : memref<10240x128xf32, #tpu.memory_space<hbm>>) target(%arg12 : memref<128x128xf32, #tpu.memory_space<vmem>>) offsets(%dma_start3A_147 : memref<128xi32, #tpu.memory_space<vmem>>) semaphore(%arg14 : memref<!tpu.dma_semaphore, #tpu.memory_space<semaphore_mem>>)
      %run_scoped3A_151 = arith.constant 15 : i32
      "tpu.region"() ({
        %run_scoped3A_299 = tpu.sem_alloc : memref<!tpu.dma_semaphore, #tpu.memory_space<semaphore_mem>>
        %dma_start3A_300 = arith.constant 0 : i32
        %dma_start3A_301 = tpu.memref_slice %arg11[%run_scoped3A_151, %dma_start3A_300] : memref<16x128xi32, #tpu.memory_space<vmem>> -> memref<1x128xi32, #tpu.memory_space<vmem>>
        %dma_start3A_302 = tpu.memref_squeeze %dma_start3A_301 : memref<1x128xi32, #tpu.memory_space<vmem>> -> memref<128xi32, #tpu.memory_space<vmem>>
        %dma_start3A_303 = arith.constant 0 : i32
        %dma_start3A_304 = arith.constant 0 : i32
        %dma_start3A_305 = tpu.memref_slice %arg17[%dma_start3A_303, %dma_start3A_304] : memref<10240x128xf32, #tpu.memory_space<vmem_shared>> -> memref<10240x128xf32, #tpu.memory_space<vmem_shared>>
        tpu.enqueue_indirect_dma source(%arg13 : memref<128x128xf32, #tpu.memory_space<vmem>>) target(%dma_start3A_305 : memref<10240x128xf32, #tpu.memory_space<vmem_shared>>) offsets(%dma_start3A_302 : memref<128xi32, #tpu.memory_space<vmem>>) semaphore(%run_scoped3A_299 : memref<!tpu.dma_semaphore, #tpu.memory_space<semaphore_mem>>) {add = true}
        %dma_wait3A_306 = arith.constant 0 : i32
        %dma_wait3A_307 = tpu.memref_slice %arg11[%run_scoped3A_151, %dma_wait3A_306] : memref<16x128xi32, #tpu.memory_space<vmem>> -> memref<1x128xi32, #tpu.memory_space<vmem>>
        %dma_wait3A_308 = tpu.memref_squeeze %dma_wait3A_307 : memref<1x128xi32, #tpu.memory_space<vmem>> -> memref<128xi32, #tpu.memory_space<vmem>>
        %dma_wait3A_309 = arith.constant 0 : i32
        %dma_wait3A_310 = arith.constant 0 : i32
        %dma_wait3A_311 = tpu.memref_slice %arg17[%dma_wait3A_309, %dma_wait3A_310] : memref<10240x128xf32, #tpu.memory_space<vmem_shared>> -> memref<10240x128xf32, #tpu.memory_space<vmem_shared>>
        tpu.wait_indirect_dma semaphore(%run_scoped3A_299 : memref<!tpu.dma_semaphore, #tpu.memory_space<semaphore_mem>>) src(%arg13 : memref<128x128xf32, #tpu.memory_space<vmem>>) dst(%dma_wait3A_311 : memref<10240x128xf32, #tpu.memory_space<vmem_shared>>)
        tpu.yield
      }) : () -> ()
      %add3A_152 = arith.constant 48 : i32
      %add3A_153 = arith.addi %mul3A_33, %add3A_152 : i32
      %dma_start3A_154 = arith.constant 0 : i32
      %dma_start3A_155 = tpu.memref_slice %arg2[%add3A_153, %dma_start3A_154] : memref<1280x128xi32, #tpu.memory_space<hbm>> -> memref<16x128xi32, #tpu.memory_space<hbm>>
      %dma_start3A_156 = arith.constant 0 : i32
      %dma_start3A_157 = tpu.memref_slice %arg2[%add3A_153, %dma_start3A_156] : memref<1280x128xi32, #tpu.memory_space<hbm>> -> memref<16x128xi32, #tpu.memory_space<hbm>>
      tpu.enqueue_dma source(%dma_start3A_157 : memref<16x128xi32, #tpu.memory_space<hbm>>) target(%arg10 : memref<16x128xi32, #tpu.memory_space<vmem>>) target_semaphore(%arg16 : memref<!tpu.dma_semaphore, #tpu.memory_space<semaphore_mem>>)
      %dma_start3A_158 = arith.constant 0 : i32
      %dma_start3A_159 = tpu.memref_slice %arg3[%add3A_153, %dma_start3A_158] : memref<1280x128xi32, #tpu.memory_space<hbm>> -> memref<16x128xi32, #tpu.memory_space<hbm>>
      %dma_start3A_160 = arith.constant 0 : i32
      %dma_start3A_161 = tpu.memref_slice %arg3[%add3A_153, %dma_start3A_160] : memref<1280x128xi32, #tpu.memory_space<hbm>> -> memref<16x128xi32, #tpu.memory_space<hbm>>
      tpu.enqueue_dma source(%dma_start3A_161 : memref<16x128xi32, #tpu.memory_space<hbm>>) target(%arg11 : memref<16x128xi32, #tpu.memory_space<vmem>>) target_semaphore(%arg16 : memref<!tpu.dma_semaphore, #tpu.memory_space<semaphore_mem>>)
      %scan3A_162 = arith.constant 0 : i32
      %scan3A_163 = arith.constant 0 : i32
      %scan3A_164 = arith.constant 7 : i32
      %scan3A_165 = arith.addi %scan3A_163, %scan3A_164 : i32
      %scan3A_166 = arith.constant 1 : i32
      %scan3A_167 = scf.for %scan3A_299 = %scan3A_163 to %scan3A_165 step %scan3A_166 iter_args(%scan3A_300 = %scan3A_162) -> (i32)  : i32 {
        %mul3A_301 = arith.constant 2 : i32
        %mul3A_302 = arith.muli %scan3A_299, %mul3A_301 : i32
        %add3A_303 = arith.constant 0 : i32
        %add3A_304 = arith.addi %mul3A_302, %add3A_303 : i32
        %dma_wait3A_305 = arith.constant 0 : i32
        %dma_wait3A_306 = arith.constant 0 : i32
        %dma_wait3A_307 = tpu.memref_slice %arg4[%dma_wait3A_305, %dma_wait3A_306] : memref<10240x128xf32, #tpu.memory_space<hbm>> -> memref<128x128xf32, #tpu.memory_space<hbm>>
        %dma_wait3A_308 = arith.constant 0 : i32
        %dma_wait3A_309 = arith.constant 0 : i32
        %dma_wait3A_310 = tpu.memref_slice %arg4[%dma_wait3A_308, %dma_wait3A_309] : memref<10240x128xf32, #tpu.memory_space<hbm>> -> memref<128x128xf32, #tpu.memory_space<hbm>>
        tpu.wait_dma2 semaphore(%arg14 : memref<!tpu.dma_semaphore, #tpu.memory_space<semaphore_mem>>) src(%dma_wait3A_310 : memref<128x128xf32, #tpu.memory_space<hbm>>) dst(%arg12 : memref<128x128xf32, #tpu.memory_space<vmem>>)
        %add3A_311 = arith.constant 1 : i32
        %add3A_312 = arith.addi %add3A_304, %add3A_311 : i32
        %dma_start3A_313 = arith.constant 0 : i32
        %dma_start3A_314 = tpu.memref_slice %arg8[%add3A_312, %dma_start3A_313] : memref<16x128xi32, #tpu.memory_space<vmem>> -> memref<1x128xi32, #tpu.memory_space<vmem>>
        %dma_start3A_315 = tpu.memref_squeeze %dma_start3A_314 : memref<1x128xi32, #tpu.memory_space<vmem>> -> memref<128xi32, #tpu.memory_space<vmem>>
        %dma_start3A_316 = arith.constant 0 : i32
        %dma_start3A_317 = arith.constant 0 : i32
        %dma_start3A_318 = tpu.memref_slice %arg4[%dma_start3A_316, %dma_start3A_317] : memref<10240x128xf32, #tpu.memory_space<hbm>> -> memref<10240x128xf32, #tpu.memory_space<hbm>>
        tpu.enqueue_indirect_dma source(%dma_start3A_318 : memref<10240x128xf32, #tpu.memory_space<hbm>>) target(%arg13 : memref<128x128xf32, #tpu.memory_space<vmem>>) offsets(%dma_start3A_315 : memref<128xi32, #tpu.memory_space<vmem>>) semaphore(%arg15 : memref<!tpu.dma_semaphore, #tpu.memory_space<semaphore_mem>>)
        "tpu.region"() ({
          %run_scoped3A_338 = tpu.sem_alloc : memref<!tpu.dma_semaphore, #tpu.memory_space<semaphore_mem>>
          %dma_start3A_339 = arith.constant 0 : i32
          %dma_start3A_340 = tpu.memref_slice %arg9[%add3A_304, %dma_start3A_339] : memref<16x128xi32, #tpu.memory_space<vmem>> -> memref<1x128xi32, #tpu.memory_space<vmem>>
          %dma_start3A_341 = tpu.memref_squeeze %dma_start3A_340 : memref<1x128xi32, #tpu.memory_space<vmem>> -> memref<128xi32, #tpu.memory_space<vmem>>
          %dma_start3A_342 = arith.constant 0 : i32
          %dma_start3A_343 = arith.constant 0 : i32
          %dma_start3A_344 = tpu.memref_slice %arg17[%dma_start3A_342, %dma_start3A_343] : memref<10240x128xf32, #tpu.memory_space<vmem_shared>> -> memref<10240x128xf32, #tpu.memory_space<vmem_shared>>
          tpu.enqueue_indirect_dma source(%arg12 : memref<128x128xf32, #tpu.memory_space<vmem>>) target(%dma_start3A_344 : memref<10240x128xf32, #tpu.memory_space<vmem_shared>>) offsets(%dma_start3A_341 : memref<128xi32, #tpu.memory_space<vmem>>) semaphore(%run_scoped3A_338 : memref<!tpu.dma_semaphore, #tpu.memory_space<semaphore_mem>>) {add = true}
          %dma_wait3A_345 = arith.constant 0 : i32
          %dma_wait3A_346 = tpu.memref_slice %arg9[%add3A_304, %dma_wait3A_345] : memref<16x128xi32, #tpu.memory_space<vmem>> -> memref<1x128xi32, #tpu.memory_space<vmem>>
          %dma_wait3A_347 = tpu.memref_squeeze %dma_wait3A_346 : memref<1x128xi32, #tpu.memory_space<vmem>> -> memref<128xi32, #tpu.memory_space<vmem>>
          %dma_wait3A_348 = arith.constant 0 : i32
          %dma_wait3A_349 = arith.constant 0 : i32
          %dma_wait3A_350 = tpu.memref_slice %arg17[%dma_wait3A_348, %dma_wait3A_349] : memref<10240x128xf32, #tpu.memory_space<vmem_shared>> -> memref<10240x128xf32, #tpu.memory_space<vmem_shared>>
          tpu.wait_indirect_dma semaphore(%run_scoped3A_338 : memref<!tpu.dma_semaphore, #tpu.memory_space<semaphore_mem>>) src(%arg12 : memref<128x128xf32, #tpu.memory_space<vmem>>) dst(%dma_wait3A_350 : memref<10240x128xf32, #tpu.memory_space<vmem_shared>>)
          tpu.yield
        }) : () -> ()
        %mul3A_319 = arith.constant 2 : i32
        %mul3A_320 = arith.muli %scan3A_299, %mul3A_319 : i32
        %add3A_321 = arith.constant 1 : i32
        %add3A_322 = arith.addi %mul3A_320, %add3A_321 : i32
        %dma_wait3A_323 = arith.constant 0 : i32
        %dma_wait3A_324 = arith.constant 0 : i32
        %dma_wait3A_325 = tpu.memref_slice %arg4[%dma_wait3A_323, %dma_wait3A_324] : memref<10240x128xf32, #tpu.memory_space<hbm>> -> memref<128x128xf32, #tpu.memory_space<hbm>>
        %dma_wait3A_326 = arith.constant 0 : i32
        %dma_wait3A_327 = arith.constant 0 : i32
        %dma_wait3A_328 = tpu.memref_slice %arg4[%dma_wait3A_326, %dma_wait3A_327] : memref<10240x128xf32, #tpu.memory_space<hbm>> -> memref<128x128xf32, #tpu.memory_space<hbm>>
        tpu.wait_dma2 semaphore(%arg15 : memref<!tpu.dma_semaphore, #tpu.memory_space<semaphore_mem>>) src(%dma_wait3A_328 : memref<128x128xf32, #tpu.memory_space<hbm>>) dst(%arg13 : memref<128x128xf32, #tpu.memory_space<vmem>>)
        %add3A_329 = arith.constant 1 : i32
        %add3A_330 = arith.addi %add3A_322, %add3A_329 : i32
        %dma_start3A_331 = arith.constant 0 : i32
        %dma_start3A_332 = tpu.memref_slice %arg8[%add3A_330, %dma_start3A_331] : memref<16x128xi32, #tpu.memory_space<vmem>> -> memref<1x128xi32, #tpu.memory_space<vmem>>
        %dma_start3A_333 = tpu.memref_squeeze %dma_start3A_332 : memref<1x128xi32, #tpu.memory_space<vmem>> -> memref<128xi32, #tpu.memory_space<vmem>>
        %dma_start3A_334 = arith.constant 0 : i32
        %dma_start3A_335 = arith.constant 0 : i32
        %dma_start3A_336 = tpu.memref_slice %arg4[%dma_start3A_334, %dma_start3A_335] : memref<10240x128xf32, #tpu.memory_space<hbm>> -> memref<10240x128xf32, #tpu.memory_space<hbm>>
        tpu.enqueue_indirect_dma source(%dma_start3A_336 : memref<10240x128xf32, #tpu.memory_space<hbm>>) target(%arg12 : memref<128x128xf32, #tpu.memory_space<vmem>>) offsets(%dma_start3A_333 : memref<128xi32, #tpu.memory_space<vmem>>) semaphore(%arg14 : memref<!tpu.dma_semaphore, #tpu.memory_space<semaphore_mem>>)
        "tpu.region"() ({
          %run_scoped3A_338 = tpu.sem_alloc : memref<!tpu.dma_semaphore, #tpu.memory_space<semaphore_mem>>
          %dma_start3A_339 = arith.constant 0 : i32
          %dma_start3A_340 = tpu.memref_slice %arg9[%add3A_322, %dma_start3A_339] : memref<16x128xi32, #tpu.memory_space<vmem>> -> memref<1x128xi32, #tpu.memory_space<vmem>>
          %dma_start3A_341 = tpu.memref_squeeze %dma_start3A_340 : memref<1x128xi32, #tpu.memory_space<vmem>> -> memref<128xi32, #tpu.memory_space<vmem>>
          %dma_start3A_342 = arith.constant 0 : i32
          %dma_start3A_343 = arith.constant 0 : i32
          %dma_start3A_344 = tpu.memref_slice %arg17[%dma_start3A_342, %dma_start3A_343] : memref<10240x128xf32, #tpu.memory_space<vmem_shared>> -> memref<10240x128xf32, #tpu.memory_space<vmem_shared>>
          tpu.enqueue_indirect_dma source(%arg13 : memref<128x128xf32, #tpu.memory_space<vmem>>) target(%dma_start3A_344 : memref<10240x128xf32, #tpu.memory_space<vmem_shared>>) offsets(%dma_start3A_341 : memref<128xi32, #tpu.memory_space<vmem>>) semaphore(%run_scoped3A_338 : memref<!tpu.dma_semaphore, #tpu.memory_space<semaphore_mem>>) {add = true}
          %dma_wait3A_345 = arith.constant 0 : i32
          %dma_wait3A_346 = tpu.memref_slice %arg9[%add3A_322, %dma_wait3A_345] : memref<16x128xi32, #tpu.memory_space<vmem>> -> memref<1x128xi32, #tpu.memory_space<vmem>>
          %dma_wait3A_347 = tpu.memref_squeeze %dma_wait3A_346 : memref<1x128xi32, #tpu.memory_space<vmem>> -> memref<128xi32, #tpu.memory_space<vmem>>
          %dma_wait3A_348 = arith.constant 0 : i32
          %dma_wait3A_349 = arith.constant 0 : i32
          %dma_wait3A_350 = tpu.memref_slice %arg17[%dma_wait3A_348, %dma_wait3A_349] : memref<10240x128xf32, #tpu.memory_space<vmem_shared>> -> memref<10240x128xf32, #tpu.memory_space<vmem_shared>>
          tpu.wait_indirect_dma semaphore(%run_scoped3A_338 : memref<!tpu.dma_semaphore, #tpu.memory_space<semaphore_mem>>) src(%arg13 : memref<128x128xf32, #tpu.memory_space<vmem>>) dst(%dma_wait3A_350 : memref<10240x128xf32, #tpu.memory_space<vmem_shared>>)
          tpu.yield
        }) : () -> ()
        %scan3A_337 = arith.constant 0 : i32
        scf.yield %scan3A_337 : i32
      }
      %scan3A_168 = arith.constant 7 : i32
      %dma_wait3A_169 = arith.constant 0 : i32
      %dma_wait3A_170 = arith.constant 0 : i32
      %dma_wait3A_171 = tpu.memref_slice %arg4[%dma_wait3A_169, %dma_wait3A_170] : memref<10240x128xf32, #tpu.memory_space<hbm>> -> memref<128x128xf32, #tpu.memory_space<hbm>>
      %dma_wait3A_172 = arith.constant 0 : i32
      %dma_wait3A_173 = arith.constant 0 : i32
      %dma_wait3A_174 = tpu.memref_slice %arg4[%dma_wait3A_172, %dma_wait3A_173] : memref<10240x128xf32, #tpu.memory_space<hbm>> -> memref<128x128xf32, #tpu.memory_space<hbm>>
      tpu.wait_dma2 semaphore(%arg14 : memref<!tpu.dma_semaphore, #tpu.memory_space<semaphore_mem>>) src(%dma_wait3A_174 : memref<128x128xf32, #tpu.memory_space<hbm>>) dst(%arg12 : memref<128x128xf32, #tpu.memory_space<vmem>>)
      %dma_start3A_175 = arith.constant 15 : i32
      %dma_start3A_176 = arith.constant 0 : i32
      %dma_start3A_177 = tpu.memref_slice %arg8[%dma_start3A_175, %dma_start3A_176] : memref<16x128xi32, #tpu.memory_space<vmem>> -> memref<1x128xi32, #tpu.memory_space<vmem>>
      %dma_start3A_178 = tpu.memref_squeeze %dma_start3A_177 : memref<1x128xi32, #tpu.memory_space<vmem>> -> memref<128xi32, #tpu.memory_space<vmem>>
      %dma_start3A_179 = arith.constant 0 : i32
      %dma_start3A_180 = arith.constant 0 : i32
      %dma_start3A_181 = tpu.memref_slice %arg4[%dma_start3A_179, %dma_start3A_180] : memref<10240x128xf32, #tpu.memory_space<hbm>> -> memref<10240x128xf32, #tpu.memory_space<hbm>>
      tpu.enqueue_indirect_dma source(%dma_start3A_181 : memref<10240x128xf32, #tpu.memory_space<hbm>>) target(%arg13 : memref<128x128xf32, #tpu.memory_space<vmem>>) offsets(%dma_start3A_178 : memref<128xi32, #tpu.memory_space<vmem>>) semaphore(%arg15 : memref<!tpu.dma_semaphore, #tpu.memory_space<semaphore_mem>>)
      %run_scoped3A_182 = arith.constant 14 : i32
      "tpu.region"() ({
        %run_scoped3A_299 = tpu.sem_alloc : memref<!tpu.dma_semaphore, #tpu.memory_space<semaphore_mem>>
        %dma_start3A_300 = arith.constant 0 : i32
        %dma_start3A_301 = tpu.memref_slice %arg9[%run_scoped3A_182, %dma_start3A_300] : memref<16x128xi32, #tpu.memory_space<vmem>> -> memref<1x128xi32, #tpu.memory_space<vmem>>
        %dma_start3A_302 = tpu.memref_squeeze %dma_start3A_301 : memref<1x128xi32, #tpu.memory_space<vmem>> -> memref<128xi32, #tpu.memory_space<vmem>>
        %dma_start3A_303 = arith.constant 0 : i32
        %dma_start3A_304 = arith.constant 0 : i32
        %dma_start3A_305 = tpu.memref_slice %arg17[%dma_start3A_303, %dma_start3A_304] : memref<10240x128xf32, #tpu.memory_space<vmem_shared>> -> memref<10240x128xf32, #tpu.memory_space<vmem_shared>>
        tpu.enqueue_indirect_dma source(%arg12 : memref<128x128xf32, #tpu.memory_space<vmem>>) target(%dma_start3A_305 : memref<10240x128xf32, #tpu.memory_space<vmem_shared>>) offsets(%dma_start3A_302 : memref<128xi32, #tpu.memory_space<vmem>>) semaphore(%run_scoped3A_299 : memref<!tpu.dma_semaphore, #tpu.memory_space<semaphore_mem>>) {add = true}
        %dma_wait3A_306 = arith.constant 0 : i32
        %dma_wait3A_307 = tpu.memref_slice %arg9[%run_scoped3A_182, %dma_wait3A_306] : memref<16x128xi32, #tpu.memory_space<vmem>> -> memref<1x128xi32, #tpu.memory_space<vmem>>
        %dma_wait3A_308 = tpu.memref_squeeze %dma_wait3A_307 : memref<1x128xi32, #tpu.memory_space<vmem>> -> memref<128xi32, #tpu.memory_space<vmem>>
        %dma_wait3A_309 = arith.constant 0 : i32
        %dma_wait3A_310 = arith.constant 0 : i32
        %dma_wait3A_311 = tpu.memref_slice %arg17[%dma_wait3A_309, %dma_wait3A_310] : memref<10240x128xf32, #tpu.memory_space<vmem_shared>> -> memref<10240x128xf32, #tpu.memory_space<vmem_shared>>
        tpu.wait_indirect_dma semaphore(%run_scoped3A_299 : memref<!tpu.dma_semaphore, #tpu.memory_space<semaphore_mem>>) src(%arg12 : memref<128x128xf32, #tpu.memory_space<vmem>>) dst(%dma_wait3A_311 : memref<10240x128xf32, #tpu.memory_space<vmem_shared>>)
        tpu.yield
      }) : () -> ()
      %dma_wait3A_183 = arith.constant 0 : i32
      %dma_wait3A_184 = arith.constant 0 : i32
      %dma_wait3A_185 = tpu.memref_slice %arg4[%dma_wait3A_183, %dma_wait3A_184] : memref<10240x128xf32, #tpu.memory_space<hbm>> -> memref<128x128xf32, #tpu.memory_space<hbm>>
      %dma_wait3A_186 = arith.constant 0 : i32
      %dma_wait3A_187 = arith.constant 0 : i32
      %dma_wait3A_188 = tpu.memref_slice %arg4[%dma_wait3A_186, %dma_wait3A_187] : memref<10240x128xf32, #tpu.memory_space<hbm>> -> memref<128x128xf32, #tpu.memory_space<hbm>>
      tpu.wait_dma2 semaphore(%arg15 : memref<!tpu.dma_semaphore, #tpu.memory_space<semaphore_mem>>) src(%dma_wait3A_188 : memref<128x128xf32, #tpu.memory_space<hbm>>) dst(%arg13 : memref<128x128xf32, #tpu.memory_space<vmem>>)
      %dma_wait3A_189 = arith.constant 0 : i32
      %dma_wait3A_190 = arith.constant 0 : i32
      %dma_wait3A_191 = tpu.memref_slice %arg2[%dma_wait3A_189, %dma_wait3A_190] : memref<1280x128xi32, #tpu.memory_space<hbm>> -> memref<16x128xi32, #tpu.memory_space<hbm>>
      %dma_wait3A_192 = arith.constant 0 : i32
      %dma_wait3A_193 = arith.constant 0 : i32
      %dma_wait3A_194 = tpu.memref_slice %arg2[%dma_wait3A_192, %dma_wait3A_193] : memref<1280x128xi32, #tpu.memory_space<hbm>> -> memref<16x128xi32, #tpu.memory_space<hbm>>
      tpu.wait_dma2 semaphore(%arg16 : memref<!tpu.dma_semaphore, #tpu.memory_space<semaphore_mem>>) src(%dma_wait3A_194 : memref<16x128xi32, #tpu.memory_space<hbm>>) dst(%arg10 : memref<16x128xi32, #tpu.memory_space<vmem>>)
      %dma_wait3A_195 = arith.constant 0 : i32
      %dma_wait3A_196 = arith.constant 0 : i32
      %dma_wait3A_197 = tpu.memref_slice %arg2[%dma_wait3A_195, %dma_wait3A_196] : memref<1280x128xi32, #tpu.memory_space<hbm>> -> memref<16x128xi32, #tpu.memory_space<hbm>>
      %dma_wait3A_198 = arith.constant 0 : i32
      %dma_wait3A_199 = arith.constant 0 : i32
      %dma_wait3A_200 = tpu.memref_slice %arg2[%dma_wait3A_198, %dma_wait3A_199] : memref<1280x128xi32, #tpu.memory_space<hbm>> -> memref<16x128xi32, #tpu.memory_space<hbm>>
      tpu.wait_dma2 semaphore(%arg16 : memref<!tpu.dma_semaphore, #tpu.memory_space<semaphore_mem>>) src(%dma_wait3A_200 : memref<16x128xi32, #tpu.memory_space<hbm>>) dst(%arg11 : memref<16x128xi32, #tpu.memory_space<vmem>>)
      %dma_start3A_201 = arith.constant 0 : i32
      %dma_start3A_202 = arith.constant 0 : i32
      %dma_start3A_203 = tpu.memref_slice %arg10[%dma_start3A_201, %dma_start3A_202] : memref<16x128xi32, #tpu.memory_space<vmem>> -> memref<1x128xi32, #tpu.memory_space<vmem>>
      %dma_start3A_204 = tpu.memref_squeeze %dma_start3A_203 : memref<1x128xi32, #tpu.memory_space<vmem>> -> memref<128xi32, #tpu.memory_space<vmem>>
      %dma_start3A_205 = arith.constant 0 : i32
      %dma_start3A_206 = arith.constant 0 : i32
      %dma_start3A_207 = tpu.memref_slice %arg4[%dma_start3A_205, %dma_start3A_206] : memref<10240x128xf32, #tpu.memory_space<hbm>> -> memref<10240x128xf32, #tpu.memory_space<hbm>>
      tpu.enqueue_indirect_dma source(%dma_start3A_207 : memref<10240x128xf32, #tpu.memory_space<hbm>>) target(%arg12 : memref<128x128xf32, #tpu.memory_space<vmem>>) offsets(%dma_start3A_204 : memref<128xi32, #tpu.memory_space<vmem>>) semaphore(%arg14 : memref<!tpu.dma_semaphore, #tpu.memory_space<semaphore_mem>>)
      %run_scoped3A_208 = arith.constant 15 : i32
      "tpu.region"() ({
        %run_scoped3A_299 = tpu.sem_alloc : memref<!tpu.dma_semaphore, #tpu.memory_space<semaphore_mem>>
        %dma_start3A_300 = arith.constant 0 : i32
        %dma_start3A_301 = tpu.memref_slice %arg9[%run_scoped3A_208, %dma_start3A_300] : memref<16x128xi32, #tpu.memory_space<vmem>> -> memref<1x128xi32, #tpu.memory_space<vmem>>
        %dma_start3A_302 = tpu.memref_squeeze %dma_start3A_301 : memref<1x128xi32, #tpu.memory_space<vmem>> -> memref<128xi32, #tpu.memory_space<vmem>>
        %dma_start3A_303 = arith.constant 0 : i32
        %dma_start3A_304 = arith.constant 0 : i32
        %dma_start3A_305 = tpu.memref_slice %arg17[%dma_start3A_303, %dma_start3A_304] : memref<10240x128xf32, #tpu.memory_space<vmem_shared>> -> memref<10240x128xf32, #tpu.memory_space<vmem_shared>>
        tpu.enqueue_indirect_dma source(%arg13 : memref<128x128xf32, #tpu.memory_space<vmem>>) target(%dma_start3A_305 : memref<10240x128xf32, #tpu.memory_space<vmem_shared>>) offsets(%dma_start3A_302 : memref<128xi32, #tpu.memory_space<vmem>>) semaphore(%run_scoped3A_299 : memref<!tpu.dma_semaphore, #tpu.memory_space<semaphore_mem>>) {add = true}
        %dma_wait3A_306 = arith.constant 0 : i32
        %dma_wait3A_307 = tpu.memref_slice %arg9[%run_scoped3A_208, %dma_wait3A_306] : memref<16x128xi32, #tpu.memory_space<vmem>> -> memref<1x128xi32, #tpu.memory_space<vmem>>
        %dma_wait3A_308 = tpu.memref_squeeze %dma_wait3A_307 : memref<1x128xi32, #tpu.memory_space<vmem>> -> memref<128xi32, #tpu.memory_space<vmem>>
        %dma_wait3A_309 = arith.constant 0 : i32
        %dma_wait3A_310 = arith.constant 0 : i32
        %dma_wait3A_311 = tpu.memref_slice %arg17[%dma_wait3A_309, %dma_wait3A_310] : memref<10240x128xf32, #tpu.memory_space<vmem_shared>> -> memref<10240x128xf32, #tpu.memory_space<vmem_shared>>
        tpu.wait_indirect_dma semaphore(%run_scoped3A_299 : memref<!tpu.dma_semaphore, #tpu.memory_space<semaphore_mem>>) src(%arg13 : memref<128x128xf32, #tpu.memory_space<vmem>>) dst(%dma_wait3A_311 : memref<10240x128xf32, #tpu.memory_space<vmem_shared>>)
        tpu.yield
      }) : () -> ()
      %add3A_209 = arith.constant 64 : i32
      %add3A_210 = arith.addi %mul3A_33, %add3A_209 : i32
      %dma_start3A_211 = arith.constant 0 : i32
      %dma_start3A_212 = tpu.memref_slice %arg2[%add3A_210, %dma_start3A_211] : memref<1280x128xi32, #tpu.memory_space<hbm>> -> memref<16x128xi32, #tpu.memory_space<hbm>>
      %dma_start3A_213 = arith.constant 0 : i32
      %dma_start3A_214 = tpu.memref_slice %arg2[%add3A_210, %dma_start3A_213] : memref<1280x128xi32, #tpu.memory_space<hbm>> -> memref<16x128xi32, #tpu.memory_space<hbm>>
      tpu.enqueue_dma source(%dma_start3A_214 : memref<16x128xi32, #tpu.memory_space<hbm>>) target(%arg8 : memref<16x128xi32, #tpu.memory_space<vmem>>) target_semaphore(%arg16 : memref<!tpu.dma_semaphore, #tpu.memory_space<semaphore_mem>>)
      %dma_start3A_215 = arith.constant 0 : i32
      %dma_start3A_216 = tpu.memref_slice %arg3[%add3A_210, %dma_start3A_215] : memref<1280x128xi32, #tpu.memory_space<hbm>> -> memref<16x128xi32, #tpu.memory_space<hbm>>
      %dma_start3A_217 = arith.constant 0 : i32
      %dma_start3A_218 = tpu.memref_slice %arg3[%add3A_210, %dma_start3A_217] : memref<1280x128xi32, #tpu.memory_space<hbm>> -> memref<16x128xi32, #tpu.memory_space<hbm>>
      tpu.enqueue_dma source(%dma_start3A_218 : memref<16x128xi32, #tpu.memory_space<hbm>>) target(%arg9 : memref<16x128xi32, #tpu.memory_space<vmem>>) target_semaphore(%arg16 : memref<!tpu.dma_semaphore, #tpu.memory_space<semaphore_mem>>)
      %scan3A_219 = arith.constant 0 : i32
      %scan3A_220 = arith.constant 0 : i32
      %scan3A_221 = arith.constant 7 : i32
      %scan3A_222 = arith.addi %scan3A_220, %scan3A_221 : i32
      %scan3A_223 = arith.constant 1 : i32
      %scan3A_224 = scf.for %scan3A_299 = %scan3A_220 to %scan3A_222 step %scan3A_223 iter_args(%scan3A_300 = %scan3A_219) -> (i32)  : i32 {
        %mul3A_301 = arith.constant 2 : i32
        %mul3A_302 = arith.muli %scan3A_299, %mul3A_301 : i32
        %add3A_303 = arith.constant 0 : i32
        %add3A_304 = arith.addi %mul3A_302, %add3A_303 : i32
        %dma_wait3A_305 = arith.constant 0 : i32
        %dma_wait3A_306 = arith.constant 0 : i32
        %dma_wait3A_307 = tpu.memref_slice %arg4[%dma_wait3A_305, %dma_wait3A_306] : memref<10240x128xf32, #tpu.memory_space<hbm>> -> memref<128x128xf32, #tpu.memory_space<hbm>>
        %dma_wait3A_308 = arith.constant 0 : i32
        %dma_wait3A_309 = arith.constant 0 : i32
        %dma_wait3A_310 = tpu.memref_slice %arg4[%dma_wait3A_308, %dma_wait3A_309] : memref<10240x128xf32, #tpu.memory_space<hbm>> -> memref<128x128xf32, #tpu.memory_space<hbm>>
        tpu.wait_dma2 semaphore(%arg14 : memref<!tpu.dma_semaphore, #tpu.memory_space<semaphore_mem>>) src(%dma_wait3A_310 : memref<128x128xf32, #tpu.memory_space<hbm>>) dst(%arg12 : memref<128x128xf32, #tpu.memory_space<vmem>>)
        %add3A_311 = arith.constant 1 : i32
        %add3A_312 = arith.addi %add3A_304, %add3A_311 : i32
        %dma_start3A_313 = arith.constant 0 : i32
        %dma_start3A_314 = tpu.memref_slice %arg10[%add3A_312, %dma_start3A_313] : memref<16x128xi32, #tpu.memory_space<vmem>> -> memref<1x128xi32, #tpu.memory_space<vmem>>
        %dma_start3A_315 = tpu.memref_squeeze %dma_start3A_314 : memref<1x128xi32, #tpu.memory_space<vmem>> -> memref<128xi32, #tpu.memory_space<vmem>>
        %dma_start3A_316 = arith.constant 0 : i32
        %dma_start3A_317 = arith.constant 0 : i32
        %dma_start3A_318 = tpu.memref_slice %arg4[%dma_start3A_316, %dma_start3A_317] : memref<10240x128xf32, #tpu.memory_space<hbm>> -> memref<10240x128xf32, #tpu.memory_space<hbm>>
        tpu.enqueue_indirect_dma source(%dma_start3A_318 : memref<10240x128xf32, #tpu.memory_space<hbm>>) target(%arg13 : memref<128x128xf32, #tpu.memory_space<vmem>>) offsets(%dma_start3A_315 : memref<128xi32, #tpu.memory_space<vmem>>) semaphore(%arg15 : memref<!tpu.dma_semaphore, #tpu.memory_space<semaphore_mem>>)
        "tpu.region"() ({
          %run_scoped3A_338 = tpu.sem_alloc : memref<!tpu.dma_semaphore, #tpu.memory_space<semaphore_mem>>
          %dma_start3A_339 = arith.constant 0 : i32
          %dma_start3A_340 = tpu.memref_slice %arg11[%add3A_304, %dma_start3A_339] : memref<16x128xi32, #tpu.memory_space<vmem>> -> memref<1x128xi32, #tpu.memory_space<vmem>>
          %dma_start3A_341 = tpu.memref_squeeze %dma_start3A_340 : memref<1x128xi32, #tpu.memory_space<vmem>> -> memref<128xi32, #tpu.memory_space<vmem>>
          %dma_start3A_342 = arith.constant 0 : i32
          %dma_start3A_343 = arith.constant 0 : i32
          %dma_start3A_344 = tpu.memref_slice %arg17[%dma_start3A_342, %dma_start3A_343] : memref<10240x128xf32, #tpu.memory_space<vmem_shared>> -> memref<10240x128xf32, #tpu.memory_space<vmem_shared>>
          tpu.enqueue_indirect_dma source(%arg12 : memref<128x128xf32, #tpu.memory_space<vmem>>) target(%dma_start3A_344 : memref<10240x128xf32, #tpu.memory_space<vmem_shared>>) offsets(%dma_start3A_341 : memref<128xi32, #tpu.memory_space<vmem>>) semaphore(%run_scoped3A_338 : memref<!tpu.dma_semaphore, #tpu.memory_space<semaphore_mem>>) {add = true}
          %dma_wait3A_345 = arith.constant 0 : i32
          %dma_wait3A_346 = tpu.memref_slice %arg11[%add3A_304, %dma_wait3A_345] : memref<16x128xi32, #tpu.memory_space<vmem>> -> memref<1x128xi32, #tpu.memory_space<vmem>>
          %dma_wait3A_347 = tpu.memref_squeeze %dma_wait3A_346 : memref<1x128xi32, #tpu.memory_space<vmem>> -> memref<128xi32, #tpu.memory_space<vmem>>
          %dma_wait3A_348 = arith.constant 0 : i32
          %dma_wait3A_349 = arith.constant 0 : i32
          %dma_wait3A_350 = tpu.memref_slice %arg17[%dma_wait3A_348, %dma_wait3A_349] : memref<10240x128xf32, #tpu.memory_space<vmem_shared>> -> memref<10240x128xf32, #tpu.memory_space<vmem_shared>>
          tpu.wait_indirect_dma semaphore(%run_scoped3A_338 : memref<!tpu.dma_semaphore, #tpu.memory_space<semaphore_mem>>) src(%arg12 : memref<128x128xf32, #tpu.memory_space<vmem>>) dst(%dma_wait3A_350 : memref<10240x128xf32, #tpu.memory_space<vmem_shared>>)
          tpu.yield
        }) : () -> ()
        %mul3A_319 = arith.constant 2 : i32
        %mul3A_320 = arith.muli %scan3A_299, %mul3A_319 : i32
        %add3A_321 = arith.constant 1 : i32
        %add3A_322 = arith.addi %mul3A_320, %add3A_321 : i32
        %dma_wait3A_323 = arith.constant 0 : i32
        %dma_wait3A_324 = arith.constant 0 : i32
        %dma_wait3A_325 = tpu.memref_slice %arg4[%dma_wait3A_323, %dma_wait3A_324] : memref<10240x128xf32, #tpu.memory_space<hbm>> -> memref<128x128xf32, #tpu.memory_space<hbm>>
        %dma_wait3A_326 = arith.constant 0 : i32
        %dma_wait3A_327 = arith.constant 0 : i32
        %dma_wait3A_328 = tpu.memref_slice %arg4[%dma_wait3A_326, %dma_wait3A_327] : memref<10240x128xf32, #tpu.memory_space<hbm>> -> memref<128x128xf32, #tpu.memory_space<hbm>>
        tpu.wait_dma2 semaphore(%arg15 : memref<!tpu.dma_semaphore, #tpu.memory_space<semaphore_mem>>) src(%dma_wait3A_328 : memref<128x128xf32, #tpu.memory_space<hbm>>) dst(%arg13 : memref<128x128xf32, #tpu.memory_space<vmem>>)
        %add3A_329 = arith.constant 1 : i32
        %add3A_330 = arith.addi %add3A_322, %add3A_329 : i32
        %dma_start3A_331 = arith.constant 0 : i32
        %dma_start3A_332 = tpu.memref_slice %arg10[%add3A_330, %dma_start3A_331] : memref<16x128xi32, #tpu.memory_space<vmem>> -> memref<1x128xi32, #tpu.memory_space<vmem>>
        %dma_start3A_333 = tpu.memref_squeeze %dma_start3A_332 : memref<1x128xi32, #tpu.memory_space<vmem>> -> memref<128xi32, #tpu.memory_space<vmem>>
        %dma_start3A_334 = arith.constant 0 : i32
        %dma_start3A_335 = arith.constant 0 : i32
        %dma_start3A_336 = tpu.memref_slice %arg4[%dma_start3A_334, %dma_start3A_335] : memref<10240x128xf32, #tpu.memory_space<hbm>> -> memref<10240x128xf32, #tpu.memory_space<hbm>>
        tpu.enqueue_indirect_dma source(%dma_start3A_336 : memref<10240x128xf32, #tpu.memory_space<hbm>>) target(%arg12 : memref<128x128xf32, #tpu.memory_space<vmem>>) offsets(%dma_start3A_333 : memref<128xi32, #tpu.memory_space<vmem>>) semaphore(%arg14 : memref<!tpu.dma_semaphore, #tpu.memory_space<semaphore_mem>>)
        "tpu.region"() ({
          %run_scoped3A_338 = tpu.sem_alloc : memref<!tpu.dma_semaphore, #tpu.memory_space<semaphore_mem>>
          %dma_start3A_339 = arith.constant 0 : i32
          %dma_start3A_340 = tpu.memref_slice %arg11[%add3A_322, %dma_start3A_339] : memref<16x128xi32, #tpu.memory_space<vmem>> -> memref<1x128xi32, #tpu.memory_space<vmem>>
          %dma_start3A_341 = tpu.memref_squeeze %dma_start3A_340 : memref<1x128xi32, #tpu.memory_space<vmem>> -> memref<128xi32, #tpu.memory_space<vmem>>
          %dma_start3A_342 = arith.constant 0 : i32
          %dma_start3A_343 = arith.constant 0 : i32
          %dma_start3A_344 = tpu.memref_slice %arg17[%dma_start3A_342, %dma_start3A_343] : memref<10240x128xf32, #tpu.memory_space<vmem_shared>> -> memref<10240x128xf32, #tpu.memory_space<vmem_shared>>
          tpu.enqueue_indirect_dma source(%arg13 : memref<128x128xf32, #tpu.memory_space<vmem>>) target(%dma_start3A_344 : memref<10240x128xf32, #tpu.memory_space<vmem_shared>>) offsets(%dma_start3A_341 : memref<128xi32, #tpu.memory_space<vmem>>) semaphore(%run_scoped3A_338 : memref<!tpu.dma_semaphore, #tpu.memory_space<semaphore_mem>>) {add = true}
          %dma_wait3A_345 = arith.constant 0 : i32
          %dma_wait3A_346 = tpu.memref_slice %arg11[%add3A_322, %dma_wait3A_345] : memref<16x128xi32, #tpu.memory_space<vmem>> -> memref<1x128xi32, #tpu.memory_space<vmem>>
          %dma_wait3A_347 = tpu.memref_squeeze %dma_wait3A_346 : memref<1x128xi32, #tpu.memory_space<vmem>> -> memref<128xi32, #tpu.memory_space<vmem>>
          %dma_wait3A_348 = arith.constant 0 : i32
          %dma_wait3A_349 = arith.constant 0 : i32
          %dma_wait3A_350 = tpu.memref_slice %arg17[%dma_wait3A_348, %dma_wait3A_349] : memref<10240x128xf32, #tpu.memory_space<vmem_shared>> -> memref<10240x128xf32, #tpu.memory_space<vmem_shared>>
          tpu.wait_indirect_dma semaphore(%run_scoped3A_338 : memref<!tpu.dma_semaphore, #tpu.memory_space<semaphore_mem>>) src(%arg13 : memref<128x128xf32, #tpu.memory_space<vmem>>) dst(%dma_wait3A_350 : memref<10240x128xf32, #tpu.memory_space<vmem_shared>>)
          tpu.yield
        }) : () -> ()
        %scan3A_337 = arith.constant 0 : i32
        scf.yield %scan3A_337 : i32
      }
      %scan3A_225 = arith.constant 7 : i32
      %dma_wait3A_226 = arith.constant 0 : i32
      %dma_wait3A_227 = arith.constant 0 : i32
      %dma_wait3A_228 = tpu.memref_slice %arg4[%dma_wait3A_226, %dma_wait3A_227] : memref<10240x128xf32, #tpu.memory_space<hbm>> -> memref<128x128xf32, #tpu.memory_space<hbm>>
      %dma_wait3A_229 = arith.constant 0 : i32
      %dma_wait3A_230 = arith.constant 0 : i32
      %dma_wait3A_231 = tpu.memref_slice %arg4[%dma_wait3A_229, %dma_wait3A_230] : memref<10240x128xf32, #tpu.memory_space<hbm>> -> memref<128x128xf32, #tpu.memory_space<hbm>>
      tpu.wait_dma2 semaphore(%arg14 : memref<!tpu.dma_semaphore, #tpu.memory_space<semaphore_mem>>) src(%dma_wait3A_231 : memref<128x128xf32, #tpu.memory_space<hbm>>) dst(%arg12 : memref<128x128xf32, #tpu.memory_space<vmem>>)
      %dma_start3A_232 = arith.constant 15 : i32
      %dma_start3A_233 = arith.constant 0 : i32
      %dma_start3A_234 = tpu.memref_slice %arg10[%dma_start3A_232, %dma_start3A_233] : memref<16x128xi32, #tpu.memory_space<vmem>> -> memref<1x128xi32, #tpu.memory_space<vmem>>
      %dma_start3A_235 = tpu.memref_squeeze %dma_start3A_234 : memref<1x128xi32, #tpu.memory_space<vmem>> -> memref<128xi32, #tpu.memory_space<vmem>>
      %dma_start3A_236 = arith.constant 0 : i32
      %dma_start3A_237 = arith.constant 0 : i32
      %dma_start3A_238 = tpu.memref_slice %arg4[%dma_start3A_236, %dma_start3A_237] : memref<10240x128xf32, #tpu.memory_space<hbm>> -> memref<10240x128xf32, #tpu.memory_space<hbm>>
      tpu.enqueue_indirect_dma source(%dma_start3A_238 : memref<10240x128xf32, #tpu.memory_space<hbm>>) target(%arg13 : memref<128x128xf32, #tpu.memory_space<vmem>>) offsets(%dma_start3A_235 : memref<128xi32, #tpu.memory_space<vmem>>) semaphore(%arg15 : memref<!tpu.dma_semaphore, #tpu.memory_space<semaphore_mem>>)
      %run_scoped3A_239 = arith.constant 14 : i32
      "tpu.region"() ({
        %run_scoped3A_299 = tpu.sem_alloc : memref<!tpu.dma_semaphore, #tpu.memory_space<semaphore_mem>>
        %dma_start3A_300 = arith.constant 0 : i32
        %dma_start3A_301 = tpu.memref_slice %arg11[%run_scoped3A_239, %dma_start3A_300] : memref<16x128xi32, #tpu.memory_space<vmem>> -> memref<1x128xi32, #tpu.memory_space<vmem>>
        %dma_start3A_302 = tpu.memref_squeeze %dma_start3A_301 : memref<1x128xi32, #tpu.memory_space<vmem>> -> memref<128xi32, #tpu.memory_space<vmem>>
        %dma_start3A_303 = arith.constant 0 : i32
        %dma_start3A_304 = arith.constant 0 : i32
        %dma_start3A_305 = tpu.memref_slice %arg17[%dma_start3A_303, %dma_start3A_304] : memref<10240x128xf32, #tpu.memory_space<vmem_shared>> -> memref<10240x128xf32, #tpu.memory_space<vmem_shared>>
        tpu.enqueue_indirect_dma source(%arg12 : memref<128x128xf32, #tpu.memory_space<vmem>>) target(%dma_start3A_305 : memref<10240x128xf32, #tpu.memory_space<vmem_shared>>) offsets(%dma_start3A_302 : memref<128xi32, #tpu.memory_space<vmem>>) semaphore(%run_scoped3A_299 : memref<!tpu.dma_semaphore, #tpu.memory_space<semaphore_mem>>) {add = true}
        %dma_wait3A_306 = arith.constant 0 : i32
        %dma_wait3A_307 = tpu.memref_slice %arg11[%run_scoped3A_239, %dma_wait3A_306] : memref<16x128xi32, #tpu.memory_space<vmem>> -> memref<1x128xi32, #tpu.memory_space<vmem>>
        %dma_wait3A_308 = tpu.memref_squeeze %dma_wait3A_307 : memref<1x128xi32, #tpu.memory_space<vmem>> -> memref<128xi32, #tpu.memory_space<vmem>>
        %dma_wait3A_309 = arith.constant 0 : i32
        %dma_wait3A_310 = arith.constant 0 : i32
        %dma_wait3A_311 = tpu.memref_slice %arg17[%dma_wait3A_309, %dma_wait3A_310] : memref<10240x128xf32, #tpu.memory_space<vmem_shared>> -> memref<10240x128xf32, #tpu.memory_space<vmem_shared>>
        tpu.wait_indirect_dma semaphore(%run_scoped3A_299 : memref<!tpu.dma_semaphore, #tpu.memory_space<semaphore_mem>>) src(%arg12 : memref<128x128xf32, #tpu.memory_space<vmem>>) dst(%dma_wait3A_311 : memref<10240x128xf32, #tpu.memory_space<vmem_shared>>)
        tpu.yield
      }) : () -> ()
      %dma_wait3A_240 = arith.constant 0 : i32
      %dma_wait3A_241 = arith.constant 0 : i32
      %dma_wait3A_242 = tpu.memref_slice %arg4[%dma_wait3A_240, %dma_wait3A_241] : memref<10240x128xf32, #tpu.memory_space<hbm>> -> memref<128x128xf32, #tpu.memory_space<hbm>>
      %dma_wait3A_243 = arith.constant 0 : i32
      %dma_wait3A_244 = arith.constant 0 : i32
      %dma_wait3A_245 = tpu.memref_slice %arg4[%dma_wait3A_243, %dma_wait3A_244] : memref<10240x128xf32, #tpu.memory_space<hbm>> -> memref<128x128xf32, #tpu.memory_space<hbm>>
      tpu.wait_dma2 semaphore(%arg15 : memref<!tpu.dma_semaphore, #tpu.memory_space<semaphore_mem>>) src(%dma_wait3A_245 : memref<128x128xf32, #tpu.memory_space<hbm>>) dst(%arg13 : memref<128x128xf32, #tpu.memory_space<vmem>>)
      %dma_wait3A_246 = arith.constant 0 : i32
      %dma_wait3A_247 = arith.constant 0 : i32
      %dma_wait3A_248 = tpu.memref_slice %arg2[%dma_wait3A_246, %dma_wait3A_247] : memref<1280x128xi32, #tpu.memory_space<hbm>> -> memref<16x128xi32, #tpu.memory_space<hbm>>
      %dma_wait3A_249 = arith.constant 0 : i32
      %dma_wait3A_250 = arith.constant 0 : i32
      %dma_wait3A_251 = tpu.memref_slice %arg2[%dma_wait3A_249, %dma_wait3A_250] : memref<1280x128xi32, #tpu.memory_space<hbm>> -> memref<16x128xi32, #tpu.memory_space<hbm>>
      tpu.wait_dma2 semaphore(%arg16 : memref<!tpu.dma_semaphore, #tpu.memory_space<semaphore_mem>>) src(%dma_wait3A_251 : memref<16x128xi32, #tpu.memory_space<hbm>>) dst(%arg8 : memref<16x128xi32, #tpu.memory_space<vmem>>)
      %dma_wait3A_252 = arith.constant 0 : i32
      %dma_wait3A_253 = arith.constant 0 : i32
      %dma_wait3A_254 = tpu.memref_slice %arg2[%dma_wait3A_252, %dma_wait3A_253] : memref<1280x128xi32, #tpu.memory_space<hbm>> -> memref<16x128xi32, #tpu.memory_space<hbm>>
      %dma_wait3A_255 = arith.constant 0 : i32
      %dma_wait3A_256 = arith.constant 0 : i32
      %dma_wait3A_257 = tpu.memref_slice %arg2[%dma_wait3A_255, %dma_wait3A_256] : memref<1280x128xi32, #tpu.memory_space<hbm>> -> memref<16x128xi32, #tpu.memory_space<hbm>>
      tpu.wait_dma2 semaphore(%arg16 : memref<!tpu.dma_semaphore, #tpu.memory_space<semaphore_mem>>) src(%dma_wait3A_257 : memref<16x128xi32, #tpu.memory_space<hbm>>) dst(%arg9 : memref<16x128xi32, #tpu.memory_space<vmem>>)
      %dma_start3A_258 = arith.constant 0 : i32
      %dma_start3A_259 = arith.constant 0 : i32
      %dma_start3A_260 = tpu.memref_slice %arg8[%dma_start3A_258, %dma_start3A_259] : memref<16x128xi32, #tpu.memory_space<vmem>> -> memref<1x128xi32, #tpu.memory_space<vmem>>
      %dma_start3A_261 = tpu.memref_squeeze %dma_start3A_260 : memref<1x128xi32, #tpu.memory_space<vmem>> -> memref<128xi32, #tpu.memory_space<vmem>>
      %dma_start3A_262 = arith.constant 0 : i32
      %dma_start3A_263 = arith.constant 0 : i32
      %dma_start3A_264 = tpu.memref_slice %arg4[%dma_start3A_262, %dma_start3A_263] : memref<10240x128xf32, #tpu.memory_space<hbm>> -> memref<10240x128xf32, #tpu.memory_space<hbm>>
      tpu.enqueue_indirect_dma source(%dma_start3A_264 : memref<10240x128xf32, #tpu.memory_space<hbm>>) target(%arg12 : memref<128x128xf32, #tpu.memory_space<vmem>>) offsets(%dma_start3A_261 : memref<128xi32, #tpu.memory_space<vmem>>) semaphore(%arg14 : memref<!tpu.dma_semaphore, #tpu.memory_space<semaphore_mem>>)
      %run_scoped3A_265 = arith.constant 15 : i32
      "tpu.region"() ({
        %run_scoped3A_299 = tpu.sem_alloc : memref<!tpu.dma_semaphore, #tpu.memory_space<semaphore_mem>>
        %dma_start3A_300 = arith.constant 0 : i32
        %dma_start3A_301 = tpu.memref_slice %arg11[%run_scoped3A_265, %dma_start3A_300] : memref<16x128xi32, #tpu.memory_space<vmem>> -> memref<1x128xi32, #tpu.memory_space<vmem>>
        %dma_start3A_302 = tpu.memref_squeeze %dma_start3A_301 : memref<1x128xi32, #tpu.memory_space<vmem>> -> memref<128xi32, #tpu.memory_space<vmem>>
        %dma_start3A_303 = arith.constant 0 : i32
        %dma_start3A_304 = arith.constant 0 : i32
        %dma_start3A_305 = tpu.memref_slice %arg17[%dma_start3A_303, %dma_start3A_304] : memref<10240x128xf32, #tpu.memory_space<vmem_shared>> -> memref<10240x128xf32, #tpu.memory_space<vmem_shared>>
        tpu.enqueue_indirect_dma source(%arg13 : memref<128x128xf32, #tpu.memory_space<vmem>>) target(%dma_start3A_305 : memref<10240x128xf32, #tpu.memory_space<vmem_shared>>) offsets(%dma_start3A_302 : memref<128xi32, #tpu.memory_space<vmem>>) semaphore(%run_scoped3A_299 : memref<!tpu.dma_semaphore, #tpu.memory_space<semaphore_mem>>) {add = true}
        %dma_wait3A_306 = arith.constant 0 : i32
        %dma_wait3A_307 = tpu.memref_slice %arg11[%run_scoped3A_265, %dma_wait3A_306] : memref<16x128xi32, #tpu.memory_space<vmem>> -> memref<1x128xi32, #tpu.memory_space<vmem>>
        %dma_wait3A_308 = tpu.memref_squeeze %dma_wait3A_307 : memref<1x128xi32, #tpu.memory_space<vmem>> -> memref<128xi32, #tpu.memory_space<vmem>>
        %dma_wait3A_309 = arith.constant 0 : i32
        %dma_wait3A_310 = arith.constant 0 : i32
        %dma_wait3A_311 = tpu.memref_slice %arg17[%dma_wait3A_309, %dma_wait3A_310] : memref<10240x128xf32, #tpu.memory_space<vmem_shared>> -> memref<10240x128xf32, #tpu.memory_space<vmem_shared>>
        tpu.wait_indirect_dma semaphore(%run_scoped3A_299 : memref<!tpu.dma_semaphore, #tpu.memory_space<semaphore_mem>>) src(%arg13 : memref<128x128xf32, #tpu.memory_space<vmem>>) dst(%dma_wait3A_311 : memref<10240x128xf32, #tpu.memory_space<vmem_shared>>)
        tpu.yield
      }) : () -> ()
      %scan3A_266 = arith.constant 0 : i32
      %scan3A_267 = arith.constant 0 : i32
      %scan3A_268 = arith.constant 7 : i32
      %scan3A_269 = arith.addi %scan3A_267, %scan3A_268 : i32
      %scan3A_270 = arith.constant 1 : i32
      %scan3A_271 = scf.for %scan3A_299 = %scan3A_267 to %scan3A_269 step %scan3A_270 iter_args(%scan3A_300 = %scan3A_266) -> (i32)  : i32 {
        %mul3A_301 = arith.constant 2 : i32
        %mul3A_302 = arith.muli %scan3A_299, %mul3A_301 : i32
        %add3A_303 = arith.constant 0 : i32
        %add3A_304 = arith.addi %mul3A_302, %add3A_303 : i32
        %dma_wait3A_305 = arith.constant 0 : i32
        %dma_wait3A_306 = arith.constant 0 : i32
        %dma_wait3A_307 = tpu.memref_slice %arg4[%dma_wait3A_305, %dma_wait3A_306] : memref<10240x128xf32, #tpu.memory_space<hbm>> -> memref<128x128xf32, #tpu.memory_space<hbm>>
        %dma_wait3A_308 = arith.constant 0 : i32
        %dma_wait3A_309 = arith.constant 0 : i32
        %dma_wait3A_310 = tpu.memref_slice %arg4[%dma_wait3A_308, %dma_wait3A_309] : memref<10240x128xf32, #tpu.memory_space<hbm>> -> memref<128x128xf32, #tpu.memory_space<hbm>>
        tpu.wait_dma2 semaphore(%arg14 : memref<!tpu.dma_semaphore, #tpu.memory_space<semaphore_mem>>) src(%dma_wait3A_310 : memref<128x128xf32, #tpu.memory_space<hbm>>) dst(%arg12 : memref<128x128xf32, #tpu.memory_space<vmem>>)
        %add3A_311 = arith.constant 1 : i32
        %add3A_312 = arith.addi %add3A_304, %add3A_311 : i32
        %dma_start3A_313 = arith.constant 0 : i32
        %dma_start3A_314 = tpu.memref_slice %arg8[%add3A_312, %dma_start3A_313] : memref<16x128xi32, #tpu.memory_space<vmem>> -> memref<1x128xi32, #tpu.memory_space<vmem>>
        %dma_start3A_315 = tpu.memref_squeeze %dma_start3A_314 : memref<1x128xi32, #tpu.memory_space<vmem>> -> memref<128xi32, #tpu.memory_space<vmem>>
        %dma_start3A_316 = arith.constant 0 : i32
        %dma_start3A_317 = arith.constant 0 : i32
        %dma_start3A_318 = tpu.memref_slice %arg4[%dma_start3A_316, %dma_start3A_317] : memref<10240x128xf32, #tpu.memory_space<hbm>> -> memref<10240x128xf32, #tpu.memory_space<hbm>>
        tpu.enqueue_indirect_dma source(%dma_start3A_318 : memref<10240x128xf32, #tpu.memory_space<hbm>>) target(%arg13 : memref<128x128xf32, #tpu.memory_space<vmem>>) offsets(%dma_start3A_315 : memref<128xi32, #tpu.memory_space<vmem>>) semaphore(%arg15 : memref<!tpu.dma_semaphore, #tpu.memory_space<semaphore_mem>>)
        "tpu.region"() ({
          %run_scoped3A_338 = tpu.sem_alloc : memref<!tpu.dma_semaphore, #tpu.memory_space<semaphore_mem>>
          %dma_start3A_339 = arith.constant 0 : i32
          %dma_start3A_340 = tpu.memref_slice %arg9[%add3A_304, %dma_start3A_339] : memref<16x128xi32, #tpu.memory_space<vmem>> -> memref<1x128xi32, #tpu.memory_space<vmem>>
          %dma_start3A_341 = tpu.memref_squeeze %dma_start3A_340 : memref<1x128xi32, #tpu.memory_space<vmem>> -> memref<128xi32, #tpu.memory_space<vmem>>
          %dma_start3A_342 = arith.constant 0 : i32
          %dma_start3A_343 = arith.constant 0 : i32
          %dma_start3A_344 = tpu.memref_slice %arg17[%dma_start3A_342, %dma_start3A_343] : memref<10240x128xf32, #tpu.memory_space<vmem_shared>> -> memref<10240x128xf32, #tpu.memory_space<vmem_shared>>
          tpu.enqueue_indirect_dma source(%arg12 : memref<128x128xf32, #tpu.memory_space<vmem>>) target(%dma_start3A_344 : memref<10240x128xf32, #tpu.memory_space<vmem_shared>>) offsets(%dma_start3A_341 : memref<128xi32, #tpu.memory_space<vmem>>) semaphore(%run_scoped3A_338 : memref<!tpu.dma_semaphore, #tpu.memory_space<semaphore_mem>>) {add = true}
          %dma_wait3A_345 = arith.constant 0 : i32
          %dma_wait3A_346 = tpu.memref_slice %arg9[%add3A_304, %dma_wait3A_345] : memref<16x128xi32, #tpu.memory_space<vmem>> -> memref<1x128xi32, #tpu.memory_space<vmem>>
          %dma_wait3A_347 = tpu.memref_squeeze %dma_wait3A_346 : memref<1x128xi32, #tpu.memory_space<vmem>> -> memref<128xi32, #tpu.memory_space<vmem>>
          %dma_wait3A_348 = arith.constant 0 : i32
          %dma_wait3A_349 = arith.constant 0 : i32
          %dma_wait3A_350 = tpu.memref_slice %arg17[%dma_wait3A_348, %dma_wait3A_349] : memref<10240x128xf32, #tpu.memory_space<vmem_shared>> -> memref<10240x128xf32, #tpu.memory_space<vmem_shared>>
          tpu.wait_indirect_dma semaphore(%run_scoped3A_338 : memref<!tpu.dma_semaphore, #tpu.memory_space<semaphore_mem>>) src(%arg12 : memref<128x128xf32, #tpu.memory_space<vmem>>) dst(%dma_wait3A_350 : memref<10240x128xf32, #tpu.memory_space<vmem_shared>>)
          tpu.yield
        }) : () -> ()
        %mul3A_319 = arith.constant 2 : i32
        %mul3A_320 = arith.muli %scan3A_299, %mul3A_319 : i32
        %add3A_321 = arith.constant 1 : i32
        %add3A_322 = arith.addi %mul3A_320, %add3A_321 : i32
        %dma_wait3A_323 = arith.constant 0 : i32
        %dma_wait3A_324 = arith.constant 0 : i32
        %dma_wait3A_325 = tpu.memref_slice %arg4[%dma_wait3A_323, %dma_wait3A_324] : memref<10240x128xf32, #tpu.memory_space<hbm>> -> memref<128x128xf32, #tpu.memory_space<hbm>>
        %dma_wait3A_326 = arith.constant 0 : i32
        %dma_wait3A_327 = arith.constant 0 : i32
        %dma_wait3A_328 = tpu.memref_slice %arg4[%dma_wait3A_326, %dma_wait3A_327] : memref<10240x128xf32, #tpu.memory_space<hbm>> -> memref<128x128xf32, #tpu.memory_space<hbm>>
        tpu.wait_dma2 semaphore(%arg15 : memref<!tpu.dma_semaphore, #tpu.memory_space<semaphore_mem>>) src(%dma_wait3A_328 : memref<128x128xf32, #tpu.memory_space<hbm>>) dst(%arg13 : memref<128x128xf32, #tpu.memory_space<vmem>>)
        %add3A_329 = arith.constant 1 : i32
        %add3A_330 = arith.addi %add3A_322, %add3A_329 : i32
        %dma_start3A_331 = arith.constant 0 : i32
        %dma_start3A_332 = tpu.memref_slice %arg8[%add3A_330, %dma_start3A_331] : memref<16x128xi32, #tpu.memory_space<vmem>> -> memref<1x128xi32, #tpu.memory_space<vmem>>
        %dma_start3A_333 = tpu.memref_squeeze %dma_start3A_332 : memref<1x128xi32, #tpu.memory_space<vmem>> -> memref<128xi32, #tpu.memory_space<vmem>>
        %dma_start3A_334 = arith.constant 0 : i32
        %dma_start3A_335 = arith.constant 0 : i32
        %dma_start3A_336 = tpu.memref_slice %arg4[%dma_start3A_334, %dma_start3A_335] : memref<10240x128xf32, #tpu.memory_space<hbm>> -> memref<10240x128xf32, #tpu.memory_space<hbm>>
        tpu.enqueue_indirect_dma source(%dma_start3A_336 : memref<10240x128xf32, #tpu.memory_space<hbm>>) target(%arg12 : memref<128x128xf32, #tpu.memory_space<vmem>>) offsets(%dma_start3A_333 : memref<128xi32, #tpu.memory_space<vmem>>) semaphore(%arg14 : memref<!tpu.dma_semaphore, #tpu.memory_space<semaphore_mem>>)
        "tpu.region"() ({
          %run_scoped3A_338 = tpu.sem_alloc : memref<!tpu.dma_semaphore, #tpu.memory_space<semaphore_mem>>
          %dma_start3A_339 = arith.constant 0 : i32
          %dma_start3A_340 = tpu.memref_slice %arg9[%add3A_322, %dma_start3A_339] : memref<16x128xi32, #tpu.memory_space<vmem>> -> memref<1x128xi32, #tpu.memory_space<vmem>>
          %dma_start3A_341 = tpu.memref_squeeze %dma_start3A_340 : memref<1x128xi32, #tpu.memory_space<vmem>> -> memref<128xi32, #tpu.memory_space<vmem>>
          %dma_start3A_342 = arith.constant 0 : i32
          %dma_start3A_343 = arith.constant 0 : i32
          %dma_start3A_344 = tpu.memref_slice %arg17[%dma_start3A_342, %dma_start3A_343] : memref<10240x128xf32, #tpu.memory_space<vmem_shared>> -> memref<10240x128xf32, #tpu.memory_space<vmem_shared>>
          tpu.enqueue_indirect_dma source(%arg13 : memref<128x128xf32, #tpu.memory_space<vmem>>) target(%dma_start3A_344 : memref<10240x128xf32, #tpu.memory_space<vmem_shared>>) offsets(%dma_start3A_341 : memref<128xi32, #tpu.memory_space<vmem>>) semaphore(%run_scoped3A_338 : memref<!tpu.dma_semaphore, #tpu.memory_space<semaphore_mem>>) {add = true}
          %dma_wait3A_345 = arith.constant 0 : i32
          %dma_wait3A_346 = tpu.memref_slice %arg9[%add3A_322, %dma_wait3A_345] : memref<16x128xi32, #tpu.memory_space<vmem>> -> memref<1x128xi32, #tpu.memory_space<vmem>>
          %dma_wait3A_347 = tpu.memref_squeeze %dma_wait3A_346 : memref<1x128xi32, #tpu.memory_space<vmem>> -> memref<128xi32, #tpu.memory_space<vmem>>
          %dma_wait3A_348 = arith.constant 0 : i32
          %dma_wait3A_349 = arith.constant 0 : i32
          %dma_wait3A_350 = tpu.memref_slice %arg17[%dma_wait3A_348, %dma_wait3A_349] : memref<10240x128xf32, #tpu.memory_space<vmem_shared>> -> memref<10240x128xf32, #tpu.memory_space<vmem_shared>>
          tpu.wait_indirect_dma semaphore(%run_scoped3A_338 : memref<!tpu.dma_semaphore, #tpu.memory_space<semaphore_mem>>) src(%arg13 : memref<128x128xf32, #tpu.memory_space<vmem>>) dst(%dma_wait3A_350 : memref<10240x128xf32, #tpu.memory_space<vmem_shared>>)
          tpu.yield
        }) : () -> ()
        %scan3A_337 = arith.constant 0 : i32
        scf.yield %scan3A_337 : i32
      }
      %scan3A_272 = arith.constant 7 : i32
      %dma_wait3A_273 = arith.constant 0 : i32
      %dma_wait3A_274 = arith.constant 0 : i32
      %dma_wait3A_275 = tpu.memref_slice %arg4[%dma_wait3A_273, %dma_wait3A_274] : memref<10240x128xf32, #tpu.memory_space<hbm>> -> memref<128x128xf32, #tpu.memory_space<hbm>>
      %dma_wait3A_276 = arith.constant 0 : i32
      %dma_wait3A_277 = arith.constant 0 : i32
      %dma_wait3A_278 = tpu.memref_slice %arg4[%dma_wait3A_276, %dma_wait3A_277] : memref<10240x128xf32, #tpu.memory_space<hbm>> -> memref<128x128xf32, #tpu.memory_space<hbm>>
      tpu.wait_dma2 semaphore(%arg14 : memref<!tpu.dma_semaphore, #tpu.memory_space<semaphore_mem>>) src(%dma_wait3A_278 : memref<128x128xf32, #tpu.memory_space<hbm>>) dst(%arg12 : memref<128x128xf32, #tpu.memory_space<vmem>>)
      %dma_start3A_279 = arith.constant 15 : i32
      %dma_start3A_280 = arith.constant 0 : i32
      %dma_start3A_281 = tpu.memref_slice %arg8[%dma_start3A_279, %dma_start3A_280] : memref<16x128xi32, #tpu.memory_space<vmem>> -> memref<1x128xi32, #tpu.memory_space<vmem>>
      %dma_start3A_282 = tpu.memref_squeeze %dma_start3A_281 : memref<1x128xi32, #tpu.memory_space<vmem>> -> memref<128xi32, #tpu.memory_space<vmem>>
      %dma_start3A_283 = arith.constant 0 : i32
      %dma_start3A_284 = arith.constant 0 : i32
      %dma_start3A_285 = tpu.memref_slice %arg4[%dma_start3A_283, %dma_start3A_284] : memref<10240x128xf32, #tpu.memory_space<hbm>> -> memref<10240x128xf32, #tpu.memory_space<hbm>>
      tpu.enqueue_indirect_dma source(%dma_start3A_285 : memref<10240x128xf32, #tpu.memory_space<hbm>>) target(%arg13 : memref<128x128xf32, #tpu.memory_space<vmem>>) offsets(%dma_start3A_282 : memref<128xi32, #tpu.memory_space<vmem>>) semaphore(%arg15 : memref<!tpu.dma_semaphore, #tpu.memory_space<semaphore_mem>>)
      %run_scoped3A_286 = arith.constant 14 : i32
      "tpu.region"() ({
        %run_scoped3A_299 = tpu.sem_alloc : memref<!tpu.dma_semaphore, #tpu.memory_space<semaphore_mem>>
        %dma_start3A_300 = arith.constant 0 : i32
        %dma_start3A_301 = tpu.memref_slice %arg9[%run_scoped3A_286, %dma_start3A_300] : memref<16x128xi32, #tpu.memory_space<vmem>> -> memref<1x128xi32, #tpu.memory_space<vmem>>
        %dma_start3A_302 = tpu.memref_squeeze %dma_start3A_301 : memref<1x128xi32, #tpu.memory_space<vmem>> -> memref<128xi32, #tpu.memory_space<vmem>>
        %dma_start3A_303 = arith.constant 0 : i32
        %dma_start3A_304 = arith.constant 0 : i32
        %dma_start3A_305 = tpu.memref_slice %arg17[%dma_start3A_303, %dma_start3A_304] : memref<10240x128xf32, #tpu.memory_space<vmem_shared>> -> memref<10240x128xf32, #tpu.memory_space<vmem_shared>>
        tpu.enqueue_indirect_dma source(%arg12 : memref<128x128xf32, #tpu.memory_space<vmem>>) target(%dma_start3A_305 : memref<10240x128xf32, #tpu.memory_space<vmem_shared>>) offsets(%dma_start3A_302 : memref<128xi32, #tpu.memory_space<vmem>>) semaphore(%run_scoped3A_299 : memref<!tpu.dma_semaphore, #tpu.memory_space<semaphore_mem>>) {add = true}
        %dma_wait3A_306 = arith.constant 0 : i32
        %dma_wait3A_307 = tpu.memref_slice %arg9[%run_scoped3A_286, %dma_wait3A_306] : memref<16x128xi32, #tpu.memory_space<vmem>> -> memref<1x128xi32, #tpu.memory_space<vmem>>
        %dma_wait3A_308 = tpu.memref_squeeze %dma_wait3A_307 : memref<1x128xi32, #tpu.memory_space<vmem>> -> memref<128xi32, #tpu.memory_space<vmem>>
        %dma_wait3A_309 = arith.constant 0 : i32
        %dma_wait3A_310 = arith.constant 0 : i32
        %dma_wait3A_311 = tpu.memref_slice %arg17[%dma_wait3A_309, %dma_wait3A_310] : memref<10240x128xf32, #tpu.memory_space<vmem_shared>> -> memref<10240x128xf32, #tpu.memory_space<vmem_shared>>
        tpu.wait_indirect_dma semaphore(%run_scoped3A_299 : memref<!tpu.dma_semaphore, #tpu.memory_space<semaphore_mem>>) src(%arg12 : memref<128x128xf32, #tpu.memory_space<vmem>>) dst(%dma_wait3A_311 : memref<10240x128xf32, #tpu.memory_space<vmem_shared>>)
        tpu.yield
      }) : () -> ()
      %dma_wait3A_287 = arith.constant 0 : i32
      %dma_wait3A_288 = arith.constant 0 : i32
      %dma_wait3A_289 = tpu.memref_slice %arg4[%dma_wait3A_287, %dma_wait3A_288] : memref<10240x128xf32, #tpu.memory_space<hbm>> -> memref<128x128xf32, #tpu.memory_space<hbm>>
      %dma_wait3A_290 = arith.constant 0 : i32
      %dma_wait3A_291 = arith.constant 0 : i32
      %dma_wait3A_292 = tpu.memref_slice %arg4[%dma_wait3A_290, %dma_wait3A_291] : memref<10240x128xf32, #tpu.memory_space<hbm>> -> memref<128x128xf32, #tpu.memory_space<hbm>>
      tpu.wait_dma2 semaphore(%arg15 : memref<!tpu.dma_semaphore, #tpu.memory_space<semaphore_mem>>) src(%dma_wait3A_292 : memref<128x128xf32, #tpu.memory_space<hbm>>) dst(%arg13 : memref<128x128xf32, #tpu.memory_space<vmem>>)
      %run_scoped3A_293 = arith.constant 15 : i32
      "tpu.region"() ({
        %run_scoped3A_299 = tpu.sem_alloc : memref<!tpu.dma_semaphore, #tpu.memory_space<semaphore_mem>>
        %dma_start3A_300 = arith.constant 0 : i32
        %dma_start3A_301 = tpu.memref_slice %arg9[%run_scoped3A_293, %dma_start3A_300] : memref<16x128xi32, #tpu.memory_space<vmem>> -> memref<1x128xi32, #tpu.memory_space<vmem>>
        %dma_start3A_302 = tpu.memref_squeeze %dma_start3A_301 : memref<1x128xi32, #tpu.memory_space<vmem>> -> memref<128xi32, #tpu.memory_space<vmem>>
        %dma_start3A_303 = arith.constant 0 : i32
        %dma_start3A_304 = arith.constant 0 : i32
        %dma_start3A_305 = tpu.memref_slice %arg17[%dma_start3A_303, %dma_start3A_304] : memref<10240x128xf32, #tpu.memory_space<vmem_shared>> -> memref<10240x128xf32, #tpu.memory_space<vmem_shared>>
        tpu.enqueue_indirect_dma source(%arg13 : memref<128x128xf32, #tpu.memory_space<vmem>>) target(%dma_start3A_305 : memref<10240x128xf32, #tpu.memory_space<vmem_shared>>) offsets(%dma_start3A_302 : memref<128xi32, #tpu.memory_space<vmem>>) semaphore(%run_scoped3A_299 : memref<!tpu.dma_semaphore, #tpu.memory_space<semaphore_mem>>) {add = true}
        %dma_wait3A_306 = arith.constant 0 : i32
        %dma_wait3A_307 = tpu.memref_slice %arg9[%run_scoped3A_293, %dma_wait3A_306] : memref<16x128xi32, #tpu.memory_space<vmem>> -> memref<1x128xi32, #tpu.memory_space<vmem>>
        %dma_wait3A_308 = tpu.memref_squeeze %dma_wait3A_307 : memref<1x128xi32, #tpu.memory_space<vmem>> -> memref<128xi32, #tpu.memory_space<vmem>>
        %dma_wait3A_309 = arith.constant 0 : i32
        %dma_wait3A_310 = arith.constant 0 : i32
        %dma_wait3A_311 = tpu.memref_slice %arg17[%dma_wait3A_309, %dma_wait3A_310] : memref<10240x128xf32, #tpu.memory_space<vmem_shared>> -> memref<10240x128xf32, #tpu.memory_space<vmem_shared>>
        tpu.wait_indirect_dma semaphore(%run_scoped3A_299 : memref<!tpu.dma_semaphore, #tpu.memory_space<semaphore_mem>>) src(%arg13 : memref<128x128xf32, #tpu.memory_space<vmem>>) dst(%dma_wait3A_311 : memref<10240x128xf32, #tpu.memory_space<vmem_shared>>)
        tpu.yield
      }) : () -> ()
      %barrier3A_294 = arith.constant 0 : index
      tpu.barrier barrier_id(%barrier3A_294)
      %mul3A_295 = arith.constant 640 : i32
      %mul3A_296 = arith.muli %arg1, %mul3A_295 : i32
      %mul3A_297 = arith.constant 640 : i32
      %mul3A_298 = arith.muli %arg1, %mul3A_297 : i32
      "tpu.region"() ({
        %run_scoped3A_299 = tpu.sem_alloc : memref<!tpu.dma_semaphore, #tpu.memory_space<semaphore_mem>>
        %dma_start3A_300 = arith.constant 0 : i32
        %dma_start3A_301 = tpu.memref_slice %arg6[%mul3A_298, %dma_start3A_300] : memref<10240x128xf32, #tpu.memory_space<hbm>> -> memref<640x128xf32, #tpu.memory_space<hbm>>
        %dma_start3A_302 = arith.constant 0 : i32
        %dma_start3A_303 = tpu.memref_slice %arg17[%mul3A_296, %dma_start3A_302] : memref<10240x128xf32, #tpu.memory_space<vmem_shared>> -> memref<640x128xf32, #tpu.memory_space<vmem_shared>>
        tpu.enqueue_dma source(%dma_start3A_303 : memref<640x128xf32, #tpu.memory_space<vmem_shared>>) target(%dma_start3A_301 : memref<640x128xf32, #tpu.memory_space<hbm>>) target_semaphore(%run_scoped3A_299 : memref<!tpu.dma_semaphore, #tpu.memory_space<semaphore_mem>>)
        %dma_wait3A_304 = arith.constant 0 : i32
        %dma_wait3A_305 = tpu.memref_slice %arg6[%mul3A_298, %dma_wait3A_304] : memref<10240x128xf32, #tpu.memory_space<hbm>> -> memref<640x128xf32, #tpu.memory_space<hbm>>
        %dma_wait3A_306 = arith.constant 0 : i32
        %dma_wait3A_307 = tpu.memref_slice %arg17[%mul3A_296, %dma_wait3A_306] : memref<10240x128xf32, #tpu.memory_space<vmem_shared>> -> memref<640x128xf32, #tpu.memory_space<vmem_shared>>
        tpu.wait_dma2 semaphore(%run_scoped3A_299 : memref<!tpu.dma_semaphore, #tpu.memory_space<semaphore_mem>>) src(%dma_wait3A_307 : memref<640x128xf32, #tpu.memory_space<vmem_shared>>) dst(%dma_wait3A_305 : memref<640x128xf32, #tpu.memory_space<hbm>>)
        tpu.yield
      }) : () -> ()
    } else {
    }
    %eq3A_2 = arith.constant 1 : i32
    %eq3A_3 = arith.cmpi eq, %arg0, %eq3A_2 : i32
    %convert_element_type3A_4 = arith.extui %eq3A_3 : i1 to i32
    %cond3A_5 = arith.constant 0 : i32
    %cond3A_6 = arith.cmpi ne, %convert_element_type3A_4, %cond3A_5 : i32
    scf.if %cond3A_6 {
      %broadcast_in_dim3A = arith.constant 0.000000e+00 : f32
      %broadcast_in_dim3A_7 = vector.broadcast %broadcast_in_dim3A : f32 to vector<16xf32>
      %scan3A = arith.constant 0 : i32
      %scan3A_8 = arith.constant 0 : i32
      %scan3A_9 = arith.constant 128 : i32
      %scan3A_10 = arith.addi %scan3A_8, %scan3A_9 : i32
      %scan3A_11 = arith.constant 1 : i32
      %scan3A_12 = scf.for %scan3A_299 = %scan3A_8 to %scan3A_10 step %scan3A_11 iter_args(%scan3A_300 = %scan3A) -> (i32)  : i32 {
        %scan3A_301 = arith.constant 0 : i32
        %scan3A_302 = arith.constant 0 : i32
        %scan3A_303 = arith.constant 8 : i32
        %scan3A_304 = arith.addi %scan3A_302, %scan3A_303 : i32
        %scan3A_305 = arith.constant 1 : i32
        %scan3A_306 = scf.for %scan3A_308 = %scan3A_302 to %scan3A_304 step %scan3A_305 iter_args(%scan3A_309 = %scan3A_301) -> (i32)  : i32 {
          %mul3A_310 = arith.constant 16 : i32
          %mul3A_311 = arith.muli %scan3A_308, %mul3A_310 : i32
          %swap3A = arith.index_cast %scan3A_299 : i32 to index
          %swap3A_312 = arith.index_cast %mul3A_311 : i32 to index
          %swap3A_313 = tpu.vector_load %arg12[%swap3A, %swap3A_312] {strides = array<i32>} : memref<128x128xf32, #tpu.memory_space<vmem>>, vector<1x16xf32>,
          %swap3A_314 = vector.shape_cast %swap3A_313 : vector<1x16xf32> to vector<16xf32>
          %swap3A_315 = vector.shape_cast %broadcast_in_dim3A_7 : vector<16xf32> to vector<1x16xf32>
          tpu.vector_store %arg12[%swap3A, %swap3A_312], %swap3A_315 {strides = array<i32>} : memref<128x128xf32, #tpu.memory_space<vmem>>, vector<1x16xf32>,
          %scan3A_316 = arith.constant 0 : i32
          scf.yield %scan3A_316 : i32
        }
        %scan3A_307 = arith.constant 8 : i32
        scf.yield %scan3A_306 : i32
      }
      %scan3A_13 = arith.constant 128 : i32
      %mul3A = arith.constant 640 : i32
      %mul3A_14 = arith.muli %arg1, %mul3A : i32
      %add3A = arith.constant 0 : i32
      %add3A_15 = arith.addi %mul3A_14, %add3A : i32
      "tpu.region"() ({
        %run_scoped3A_299 = tpu.sem_alloc : memref<!tpu.dma_semaphore, #tpu.memory_space<semaphore_mem>>
        %dma_start3A_300 = arith.constant 0 : i32
        %dma_start3A_301 = tpu.memref_slice %arg17[%add3A_15, %dma_start3A_300] : memref<10240x128xf32, #tpu.memory_space<vmem_shared>> -> memref<128x128xf32, #tpu.memory_space<vmem_shared>>
        %dma_start3A_302 = arith.constant 0 : i32
        %dma_start3A_303 = tpu.memref_slice %arg17[%add3A_15, %dma_start3A_302] : memref<10240x128xf32, #tpu.memory_space<vmem_shared>> -> memref<128x128xf32, #tpu.memory_space<vmem_shared>>
        tpu.enqueue_dma source(%arg12 : memref<128x128xf32, #tpu.memory_space<vmem>>) target(%dma_start3A_303 : memref<128x128xf32, #tpu.memory_space<vmem_shared>>) target_semaphore(%run_scoped3A_299 : memref<!tpu.dma_semaphore, #tpu.memory_space<semaphore_mem>>)
        %dma_wait3A_304 = arith.constant 0 : i32
        %dma_wait3A_305 = tpu.memref_slice %arg17[%add3A_15, %dma_wait3A_304] : memref<10240x128xf32, #tpu.memory_space<vmem_shared>> -> memref<128x128xf32, #tpu.memory_space<vmem_shared>>
        %dma_wait3A_306 = arith.constant 0 : i32
        %dma_wait3A_307 = tpu.memref_slice %arg17[%add3A_15, %dma_wait3A_306] : memref<10240x128xf32, #tpu.memory_space<vmem_shared>> -> memref<128x128xf32, #tpu.memory_space<vmem_shared>>
        tpu.wait_dma2 semaphore(%run_scoped3A_299 : memref<!tpu.dma_semaphore, #tpu.memory_space<semaphore_mem>>) src(%arg12 : memref<128x128xf32, #tpu.memory_space<vmem>>) dst(%dma_wait3A_307 : memref<128x128xf32, #tpu.memory_space<vmem_shared>>)
        tpu.yield
      }) : () -> ()
      %mul3A_16 = arith.constant 640 : i32
      %mul3A_17 = arith.muli %arg1, %mul3A_16 : i32
      %add3A_18 = arith.constant 128 : i32
      %add3A_19 = arith.addi %mul3A_17, %add3A_18 : i32
      "tpu.region"() ({
        %run_scoped3A_299 = tpu.sem_alloc : memref<!tpu.dma_semaphore, #tpu.memory_space<semaphore_mem>>
        %dma_start3A_300 = arith.constant 0 : i32
        %dma_start3A_301 = tpu.memref_slice %arg17[%add3A_19, %dma_start3A_300] : memref<10240x128xf32, #tpu.memory_space<vmem_shared>> -> memref<128x128xf32, #tpu.memory_space<vmem_shared>>
        %dma_start3A_302 = arith.constant 0 : i32
        %dma_start3A_303 = tpu.memref_slice %arg17[%add3A_19, %dma_start3A_302] : memref<10240x128xf32, #tpu.memory_space<vmem_shared>> -> memref<128x128xf32, #tpu.memory_space<vmem_shared>>
        tpu.enqueue_dma source(%arg12 : memref<128x128xf32, #tpu.memory_space<vmem>>) target(%dma_start3A_303 : memref<128x128xf32, #tpu.memory_space<vmem_shared>>) target_semaphore(%run_scoped3A_299 : memref<!tpu.dma_semaphore, #tpu.memory_space<semaphore_mem>>)
        %dma_wait3A_304 = arith.constant 0 : i32
        %dma_wait3A_305 = tpu.memref_slice %arg17[%add3A_19, %dma_wait3A_304] : memref<10240x128xf32, #tpu.memory_space<vmem_shared>> -> memref<128x128xf32, #tpu.memory_space<vmem_shared>>
        %dma_wait3A_306 = arith.constant 0 : i32
        %dma_wait3A_307 = tpu.memref_slice %arg17[%add3A_19, %dma_wait3A_306] : memref<10240x128xf32, #tpu.memory_space<vmem_shared>> -> memref<128x128xf32, #tpu.memory_space<vmem_shared>>
        tpu.wait_dma2 semaphore(%run_scoped3A_299 : memref<!tpu.dma_semaphore, #tpu.memory_space<semaphore_mem>>) src(%arg12 : memref<128x128xf32, #tpu.memory_space<vmem>>) dst(%dma_wait3A_307 : memref<128x128xf32, #tpu.memory_space<vmem_shared>>)
        tpu.yield
      }) : () -> ()
      %mul3A_20 = arith.constant 640 : i32
      %mul3A_21 = arith.muli %arg1, %mul3A_20 : i32
      %add3A_22 = arith.constant 256 : i32
      %add3A_23 = arith.addi %mul3A_21, %add3A_22 : i32
      "tpu.region"() ({
        %run_scoped3A_299 = tpu.sem_alloc : memref<!tpu.dma_semaphore, #tpu.memory_space<semaphore_mem>>
        %dma_start3A_300 = arith.constant 0 : i32
        %dma_start3A_301 = tpu.memref_slice %arg17[%add3A_23, %dma_start3A_300] : memref<10240x128xf32, #tpu.memory_space<vmem_shared>> -> memref<128x128xf32, #tpu.memory_space<vmem_shared>>
        %dma_start3A_302 = arith.constant 0 : i32
        %dma_start3A_303 = tpu.memref_slice %arg17[%add3A_23, %dma_start3A_302] : memref<10240x128xf32, #tpu.memory_space<vmem_shared>> -> memref<128x128xf32, #tpu.memory_space<vmem_shared>>
        tpu.enqueue_dma source(%arg12 : memref<128x128xf32, #tpu.memory_space<vmem>>) target(%dma_start3A_303 : memref<128x128xf32, #tpu.memory_space<vmem_shared>>) target_semaphore(%run_scoped3A_299 : memref<!tpu.dma_semaphore, #tpu.memory_space<semaphore_mem>>)
        %dma_wait3A_304 = arith.constant 0 : i32
        %dma_wait3A_305 = tpu.memref_slice %arg17[%add3A_23, %dma_wait3A_304] : memref<10240x128xf32, #tpu.memory_space<vmem_shared>> -> memref<128x128xf32, #tpu.memory_space<vmem_shared>>
        %dma_wait3A_306 = arith.constant 0 : i32
        %dma_wait3A_307 = tpu.memref_slice %arg17[%add3A_23, %dma_wait3A_306] : memref<10240x128xf32, #tpu.memory_space<vmem_shared>> -> memref<128x128xf32, #tpu.memory_space<vmem_shared>>
        tpu.wait_dma2 semaphore(%run_scoped3A_299 : memref<!tpu.dma_semaphore, #tpu.memory_space<semaphore_mem>>) src(%arg12 : memref<128x128xf32, #tpu.memory_space<vmem>>) dst(%dma_wait3A_307 : memref<128x128xf32, #tpu.memory_space<vmem_shared>>)
        tpu.yield
      }) : () -> ()
      %mul3A_24 = arith.constant 640 : i32
      %mul3A_25 = arith.muli %arg1, %mul3A_24 : i32
      %add3A_26 = arith.constant 384 : i32
      %add3A_27 = arith.addi %mul3A_25, %add3A_26 : i32
      "tpu.region"() ({
        %run_scoped3A_299 = tpu.sem_alloc : memref<!tpu.dma_semaphore, #tpu.memory_space<semaphore_mem>>
        %dma_start3A_300 = arith.constant 0 : i32
        %dma_start3A_301 = tpu.memref_slice %arg17[%add3A_27, %dma_start3A_300] : memref<10240x128xf32, #tpu.memory_space<vmem_shared>> -> memref<128x128xf32, #tpu.memory_space<vmem_shared>>
        %dma_start3A_302 = arith.constant 0 : i32
        %dma_start3A_303 = tpu.memref_slice %arg17[%add3A_27, %dma_start3A_302] : memref<10240x128xf32, #tpu.memory_space<vmem_shared>> -> memref<128x128xf32, #tpu.memory_space<vmem_shared>>
        tpu.enqueue_dma source(%arg12 : memref<128x128xf32, #tpu.memory_space<vmem>>) target(%dma_start3A_303 : memref<128x128xf32, #tpu.memory_space<vmem_shared>>) target_semaphore(%run_scoped3A_299 : memref<!tpu.dma_semaphore, #tpu.memory_space<semaphore_mem>>)
        %dma_wait3A_304 = arith.constant 0 : i32
        %dma_wait3A_305 = tpu.memref_slice %arg17[%add3A_27, %dma_wait3A_304] : memref<10240x128xf32, #tpu.memory_space<vmem_shared>> -> memref<128x128xf32, #tpu.memory_space<vmem_shared>>
        %dma_wait3A_306 = arith.constant 0 : i32
        %dma_wait3A_307 = tpu.memref_slice %arg17[%add3A_27, %dma_wait3A_306] : memref<10240x128xf32, #tpu.memory_space<vmem_shared>> -> memref<128x128xf32, #tpu.memory_space<vmem_shared>>
        tpu.wait_dma2 semaphore(%run_scoped3A_299 : memref<!tpu.dma_semaphore, #tpu.memory_space<semaphore_mem>>) src(%arg12 : memref<128x128xf32, #tpu.memory_space<vmem>>) dst(%dma_wait3A_307 : memref<128x128xf32, #tpu.memory_space<vmem_shared>>)
        tpu.yield
      }) : () -> ()
      %mul3A_28 = arith.constant 640 : i32
      %mul3A_29 = arith.muli %arg1, %mul3A_28 : i32
      %add3A_30 = arith.constant 512 : i32
      %add3A_31 = arith.addi %mul3A_29, %add3A_30 : i32
      "tpu.region"() ({
        %run_scoped3A_299 = tpu.sem_alloc : memref<!tpu.dma_semaphore, #tpu.memory_space<semaphore_mem>>
        %dma_start3A_300 = arith.constant 0 : i32
        %dma_start3A_301 = tpu.memref_slice %arg17[%add3A_31, %dma_start3A_300] : memref<10240x128xf32, #tpu.memory_space<vmem_shared>> -> memref<128x128xf32, #tpu.memory_space<vmem_shared>>
        %dma_start3A_302 = arith.constant 0 : i32
        %dma_start3A_303 = tpu.memref_slice %arg17[%add3A_31, %dma_start3A_302] : memref<10240x128xf32, #tpu.memory_space<vmem_shared>> -> memref<128x128xf32, #tpu.memory_space<vmem_shared>>
        tpu.enqueue_dma source(%arg12 : memref<128x128xf32, #tpu.memory_space<vmem>>) target(%dma_start3A_303 : memref<128x128xf32, #tpu.memory_space<vmem_shared>>) target_semaphore(%run_scoped3A_299 : memref<!tpu.dma_semaphore, #tpu.memory_space<semaphore_mem>>)
        %dma_wait3A_304 = arith.constant 0 : i32
        %dma_wait3A_305 = tpu.memref_slice %arg17[%add3A_31, %dma_wait3A_304] : memref<10240x128xf32, #tpu.memory_space<vmem_shared>> -> memref<128x128xf32, #tpu.memory_space<vmem_shared>>
        %dma_wait3A_306 = arith.constant 0 : i32
        %dma_wait3A_307 = tpu.memref_slice %arg17[%add3A_31, %dma_wait3A_306] : memref<10240x128xf32, #tpu.memory_space<vmem_shared>> -> memref<128x128xf32, #tpu.memory_space<vmem_shared>>
        tpu.wait_dma2 semaphore(%run_scoped3A_299 : memref<!tpu.dma_semaphore, #tpu.memory_space<semaphore_mem>>) src(%arg12 : memref<128x128xf32, #tpu.memory_space<vmem>>) dst(%dma_wait3A_307 : memref<128x128xf32, #tpu.memory_space<vmem_shared>>)
        tpu.yield
      }) : () -> ()
      %barrier3A = arith.constant 0 : index
      tpu.barrier barrier_id(%barrier3A)
      %mul3A_32 = arith.constant 80 : i32
      %mul3A_33 = arith.muli %arg1, %mul3A_32 : i32
      "tpu.region"() ({
        %run_scoped3A_299 = tpu.sem_alloc : memref<!tpu.dma_semaphore, #tpu.memory_space<semaphore_mem>>
        %dma_start3A_300 = arith.constant 0 : i32
        %dma_start3A_301 = tpu.memref_slice %arg2[%mul3A_33, %dma_start3A_300] : memref<1280x128xi32, #tpu.memory_space<hbm>> -> memref<16x128xi32, #tpu.memory_space<hbm>>
        %dma_start3A_302 = arith.constant 0 : i32
        %dma_start3A_303 = tpu.memref_slice %arg2[%mul3A_33, %dma_start3A_302] : memref<1280x128xi32, #tpu.memory_space<hbm>> -> memref<16x128xi32, #tpu.memory_space<hbm>>
        tpu.enqueue_dma source(%dma_start3A_303 : memref<16x128xi32, #tpu.memory_space<hbm>>) target(%arg8 : memref<16x128xi32, #tpu.memory_space<vmem>>) target_semaphore(%run_scoped3A_299 : memref<!tpu.dma_semaphore, #tpu.memory_space<semaphore_mem>>)
        %dma_wait3A_304 = arith.constant 0 : i32
        %dma_wait3A_305 = tpu.memref_slice %arg2[%mul3A_33, %dma_wait3A_304] : memref<1280x128xi32, #tpu.memory_space<hbm>> -> memref<16x128xi32, #tpu.memory_space<hbm>>
        %dma_wait3A_306 = arith.constant 0 : i32
        %dma_wait3A_307 = tpu.memref_slice %arg2[%mul3A_33, %dma_wait3A_306] : memref<1280x128xi32, #tpu.memory_space<hbm>> -> memref<16x128xi32, #tpu.memory_space<hbm>>
        tpu.wait_dma2 semaphore(%run_scoped3A_299 : memref<!tpu.dma_semaphore, #tpu.memory_space<semaphore_mem>>) src(%dma_wait3A_307 : memref<16x128xi32, #tpu.memory_space<hbm>>) dst(%arg8 : memref<16x128xi32, #tpu.memory_space<vmem>>)
        tpu.yield
      }) : () -> ()
      "tpu.region"() ({
        %run_scoped3A_299 = tpu.sem_alloc : memref<!tpu.dma_semaphore, #tpu.memory_space<semaphore_mem>>
        %dma_start3A_300 = arith.constant 0 : i32
        %dma_start3A_301 = tpu.memref_slice %arg3[%mul3A_33, %dma_start3A_300] : memref<1280x128xi32, #tpu.memory_space<hbm>> -> memref<16x128xi32, #tpu.memory_space<hbm>>
        %dma_start3A_302 = arith.constant 0 : i32
        %dma_start3A_303 = tpu.memref_slice %arg3[%mul3A_33, %dma_start3A_302] : memref<1280x128xi32, #tpu.memory_space<hbm>> -> memref<16x128xi32, #tpu.memory_space<hbm>>
        tpu.enqueue_dma source(%dma_start3A_303 : memref<16x128xi32, #tpu.memory_space<hbm>>) target(%arg9 : memref<16x128xi32, #tpu.memory_space<vmem>>) target_semaphore(%run_scoped3A_299 : memref<!tpu.dma_semaphore, #tpu.memory_space<semaphore_mem>>)
        %dma_wait3A_304 = arith.constant 0 : i32
        %dma_wait3A_305 = tpu.memref_slice %arg3[%mul3A_33, %dma_wait3A_304] : memref<1280x128xi32, #tpu.memory_space<hbm>> -> memref<16x128xi32, #tpu.memory_space<hbm>>
        %dma_wait3A_306 = arith.constant 0 : i32
        %dma_wait3A_307 = tpu.memref_slice %arg3[%mul3A_33, %dma_wait3A_306] : memref<1280x128xi32, #tpu.memory_space<hbm>> -> memref<16x128xi32, #tpu.memory_space<hbm>>
        tpu.wait_dma2 semaphore(%run_scoped3A_299 : memref<!tpu.dma_semaphore, #tpu.memory_space<semaphore_mem>>) src(%dma_wait3A_307 : memref<16x128xi32, #tpu.memory_space<hbm>>) dst(%arg9 : memref<16x128xi32, #tpu.memory_space<vmem>>)
        tpu.yield
      }) : () -> ()
      %dma_start3A = arith.constant 0 : i32
      %dma_start3A_34 = arith.constant 0 : i32
      %dma_start3A_35 = tpu.memref_slice %arg8[%dma_start3A, %dma_start3A_34] : memref<16x128xi32, #tpu.memory_space<vmem>> -> memref<1x128xi32, #tpu.memory_space<vmem>>
      %dma_start3A_36 = tpu.memref_squeeze %dma_start3A_35 : memref<1x128xi32, #tpu.memory_space<vmem>> -> memref<128xi32, #tpu.memory_space<vmem>>
      %dma_start3A_37 = arith.constant 0 : i32
      %dma_start3A_38 = arith.constant 0 : i32
      %dma_start3A_39 = tpu.memref_slice %arg5[%dma_start3A_37, %dma_start3A_38] : memref<10240x128xf32, #tpu.memory_space<hbm>> -> memref<10240x128xf32, #tpu.memory_space<hbm>>
      tpu.enqueue_indirect_dma source(%dma_start3A_39 : memref<10240x128xf32, #tpu.memory_space<hbm>>) target(%arg12 : memref<128x128xf32, #tpu.memory_space<vmem>>) offsets(%dma_start3A_36 : memref<128xi32, #tpu.memory_space<vmem>>) semaphore(%arg14 : memref<!tpu.dma_semaphore, #tpu.memory_space<semaphore_mem>>)
      %add3A_40 = arith.constant 16 : i32
      %add3A_41 = arith.addi %mul3A_33, %add3A_40 : i32
      %dma_start3A_42 = arith.constant 0 : i32
      %dma_start3A_43 = tpu.memref_slice %arg2[%add3A_41, %dma_start3A_42] : memref<1280x128xi32, #tpu.memory_space<hbm>> -> memref<16x128xi32, #tpu.memory_space<hbm>>
      %dma_start3A_44 = arith.constant 0 : i32
      %dma_start3A_45 = tpu.memref_slice %arg2[%add3A_41, %dma_start3A_44] : memref<1280x128xi32, #tpu.memory_space<hbm>> -> memref<16x128xi32, #tpu.memory_space<hbm>>
      tpu.enqueue_dma source(%dma_start3A_45 : memref<16x128xi32, #tpu.memory_space<hbm>>) target(%arg10 : memref<16x128xi32, #tpu.memory_space<vmem>>) target_semaphore(%arg16 : memref<!tpu.dma_semaphore, #tpu.memory_space<semaphore_mem>>)
      %dma_start3A_46 = arith.constant 0 : i32
      %dma_start3A_47 = tpu.memref_slice %arg3[%add3A_41, %dma_start3A_46] : memref<1280x128xi32, #tpu.memory_space<hbm>> -> memref<16x128xi32, #tpu.memory_space<hbm>>
      %dma_start3A_48 = arith.constant 0 : i32
      %dma_start3A_49 = tpu.memref_slice %arg3[%add3A_41, %dma_start3A_48] : memref<1280x128xi32, #tpu.memory_space<hbm>> -> memref<16x128xi32, #tpu.memory_space<hbm>>
      tpu.enqueue_dma source(%dma_start3A_49 : memref<16x128xi32, #tpu.memory_space<hbm>>) target(%arg11 : memref<16x128xi32, #tpu.memory_space<vmem>>) target_semaphore(%arg16 : memref<!tpu.dma_semaphore, #tpu.memory_space<semaphore_mem>>)
      %scan3A_50 = arith.constant 0 : i32
      %scan3A_51 = arith.constant 0 : i32
      %scan3A_52 = arith.constant 7 : i32
      %scan3A_53 = arith.addi %scan3A_51, %scan3A_52 : i32
      %scan3A_54 = arith.constant 1 : i32
      %scan3A_55 = scf.for %scan3A_299 = %scan3A_51 to %scan3A_53 step %scan3A_54 iter_args(%scan3A_300 = %scan3A_50) -> (i32)  : i32 {
        %mul3A_301 = arith.constant 2 : i32
        %mul3A_302 = arith.muli %scan3A_299, %mul3A_301 : i32
        %add3A_303 = arith.constant 0 : i32
        %add3A_304 = arith.addi %mul3A_302, %add3A_303 : i32
        %dma_wait3A_305 = arith.constant 0 : i32
        %dma_wait3A_306 = arith.constant 0 : i32
        %dma_wait3A_307 = tpu.memref_slice %arg5[%dma_wait3A_305, %dma_wait3A_306] : memref<10240x128xf32, #tpu.memory_space<hbm>> -> memref<128x128xf32, #tpu.memory_space<hbm>>
        %dma_wait3A_308 = arith.constant 0 : i32
        %dma_wait3A_309 = arith.constant 0 : i32
        %dma_wait3A_310 = tpu.memref_slice %arg5[%dma_wait3A_308, %dma_wait3A_309] : memref<10240x128xf32, #tpu.memory_space<hbm>> -> memref<128x128xf32, #tpu.memory_space<hbm>>
        tpu.wait_dma2 semaphore(%arg14 : memref<!tpu.dma_semaphore, #tpu.memory_space<semaphore_mem>>) src(%dma_wait3A_310 : memref<128x128xf32, #tpu.memory_space<hbm>>) dst(%arg12 : memref<128x128xf32, #tpu.memory_space<vmem>>)
        %add3A_311 = arith.constant 1 : i32
        %add3A_312 = arith.addi %add3A_304, %add3A_311 : i32
        %dma_start3A_313 = arith.constant 0 : i32
        %dma_start3A_314 = tpu.memref_slice %arg8[%add3A_312, %dma_start3A_313] : memref<16x128xi32, #tpu.memory_space<vmem>> -> memref<1x128xi32, #tpu.memory_space<vmem>>
        %dma_start3A_315 = tpu.memref_squeeze %dma_start3A_314 : memref<1x128xi32, #tpu.memory_space<vmem>> -> memref<128xi32, #tpu.memory_space<vmem>>
        %dma_start3A_316 = arith.constant 0 : i32
        %dma_start3A_317 = arith.constant 0 : i32
        %dma_start3A_318 = tpu.memref_slice %arg5[%dma_start3A_316, %dma_start3A_317] : memref<10240x128xf32, #tpu.memory_space<hbm>> -> memref<10240x128xf32, #tpu.memory_space<hbm>>
        tpu.enqueue_indirect_dma source(%dma_start3A_318 : memref<10240x128xf32, #tpu.memory_space<hbm>>) target(%arg13 : memref<128x128xf32, #tpu.memory_space<vmem>>) offsets(%dma_start3A_315 : memref<128xi32, #tpu.memory_space<vmem>>) semaphore(%arg15 : memref<!tpu.dma_semaphore, #tpu.memory_space<semaphore_mem>>)
        "tpu.region"() ({
          %run_scoped3A_338 = tpu.sem_alloc : memref<!tpu.dma_semaphore, #tpu.memory_space<semaphore_mem>>
          %dma_start3A_339 = arith.constant 0 : i32
          %dma_start3A_340 = tpu.memref_slice %arg9[%add3A_304, %dma_start3A_339] : memref<16x128xi32, #tpu.memory_space<vmem>> -> memref<1x128xi32, #tpu.memory_space<vmem>>
          %dma_start3A_341 = tpu.memref_squeeze %dma_start3A_340 : memref<1x128xi32, #tpu.memory_space<vmem>> -> memref<128xi32, #tpu.memory_space<vmem>>
          %dma_start3A_342 = arith.constant 0 : i32
          %dma_start3A_343 = arith.constant 0 : i32
          %dma_start3A_344 = tpu.memref_slice %arg17[%dma_start3A_342, %dma_start3A_343] : memref<10240x128xf32, #tpu.memory_space<vmem_shared>> -> memref<10240x128xf32, #tpu.memory_space<vmem_shared>>
          tpu.enqueue_indirect_dma source(%arg12 : memref<128x128xf32, #tpu.memory_space<vmem>>) target(%dma_start3A_344 : memref<10240x128xf32, #tpu.memory_space<vmem_shared>>) offsets(%dma_start3A_341 : memref<128xi32, #tpu.memory_space<vmem>>) semaphore(%run_scoped3A_338 : memref<!tpu.dma_semaphore, #tpu.memory_space<semaphore_mem>>) {add = true}
          %dma_wait3A_345 = arith.constant 0 : i32
          %dma_wait3A_346 = tpu.memref_slice %arg9[%add3A_304, %dma_wait3A_345] : memref<16x128xi32, #tpu.memory_space<vmem>> -> memref<1x128xi32, #tpu.memory_space<vmem>>
          %dma_wait3A_347 = tpu.memref_squeeze %dma_wait3A_346 : memref<1x128xi32, #tpu.memory_space<vmem>> -> memref<128xi32, #tpu.memory_space<vmem>>
          %dma_wait3A_348 = arith.constant 0 : i32
          %dma_wait3A_349 = arith.constant 0 : i32
          %dma_wait3A_350 = tpu.memref_slice %arg17[%dma_wait3A_348, %dma_wait3A_349] : memref<10240x128xf32, #tpu.memory_space<vmem_shared>> -> memref<10240x128xf32, #tpu.memory_space<vmem_shared>>
          tpu.wait_indirect_dma semaphore(%run_scoped3A_338 : memref<!tpu.dma_semaphore, #tpu.memory_space<semaphore_mem>>) src(%arg12 : memref<128x128xf32, #tpu.memory_space<vmem>>) dst(%dma_wait3A_350 : memref<10240x128xf32, #tpu.memory_space<vmem_shared>>)
          tpu.yield
        }) : () -> ()
        %mul3A_319 = arith.constant 2 : i32
        %mul3A_320 = arith.muli %scan3A_299, %mul3A_319 : i32
        %add3A_321 = arith.constant 1 : i32
        %add3A_322 = arith.addi %mul3A_320, %add3A_321 : i32
        %dma_wait3A_323 = arith.constant 0 : i32
        %dma_wait3A_324 = arith.constant 0 : i32
        %dma_wait3A_325 = tpu.memref_slice %arg5[%dma_wait3A_323, %dma_wait3A_324] : memref<10240x128xf32, #tpu.memory_space<hbm>> -> memref<128x128xf32, #tpu.memory_space<hbm>>
        %dma_wait3A_326 = arith.constant 0 : i32
        %dma_wait3A_327 = arith.constant 0 : i32
        %dma_wait3A_328 = tpu.memref_slice %arg5[%dma_wait3A_326, %dma_wait3A_327] : memref<10240x128xf32, #tpu.memory_space<hbm>> -> memref<128x128xf32, #tpu.memory_space<hbm>>
        tpu.wait_dma2 semaphore(%arg15 : memref<!tpu.dma_semaphore, #tpu.memory_space<semaphore_mem>>) src(%dma_wait3A_328 : memref<128x128xf32, #tpu.memory_space<hbm>>) dst(%arg13 : memref<128x128xf32, #tpu.memory_space<vmem>>)
        %add3A_329 = arith.constant 1 : i32
        %add3A_330 = arith.addi %add3A_322, %add3A_329 : i32
        %dma_start3A_331 = arith.constant 0 : i32
        %dma_start3A_332 = tpu.memref_slice %arg8[%add3A_330, %dma_start3A_331] : memref<16x128xi32, #tpu.memory_space<vmem>> -> memref<1x128xi32, #tpu.memory_space<vmem>>
        %dma_start3A_333 = tpu.memref_squeeze %dma_start3A_332 : memref<1x128xi32, #tpu.memory_space<vmem>> -> memref<128xi32, #tpu.memory_space<vmem>>
        %dma_start3A_334 = arith.constant 0 : i32
        %dma_start3A_335 = arith.constant 0 : i32
        %dma_start3A_336 = tpu.memref_slice %arg5[%dma_start3A_334, %dma_start3A_335] : memref<10240x128xf32, #tpu.memory_space<hbm>> -> memref<10240x128xf32, #tpu.memory_space<hbm>>
        tpu.enqueue_indirect_dma source(%dma_start3A_336 : memref<10240x128xf32, #tpu.memory_space<hbm>>) target(%arg12 : memref<128x128xf32, #tpu.memory_space<vmem>>) offsets(%dma_start3A_333 : memref<128xi32, #tpu.memory_space<vmem>>) semaphore(%arg14 : memref<!tpu.dma_semaphore, #tpu.memory_space<semaphore_mem>>)
        "tpu.region"() ({
          %run_scoped3A_338 = tpu.sem_alloc : memref<!tpu.dma_semaphore, #tpu.memory_space<semaphore_mem>>
          %dma_start3A_339 = arith.constant 0 : i32
          %dma_start3A_340 = tpu.memref_slice %arg9[%add3A_322, %dma_start3A_339] : memref<16x128xi32, #tpu.memory_space<vmem>> -> memref<1x128xi32, #tpu.memory_space<vmem>>
          %dma_start3A_341 = tpu.memref_squeeze %dma_start3A_340 : memref<1x128xi32, #tpu.memory_space<vmem>> -> memref<128xi32, #tpu.memory_space<vmem>>
          %dma_start3A_342 = arith.constant 0 : i32
          %dma_start3A_343 = arith.constant 0 : i32
          %dma_start3A_344 = tpu.memref_slice %arg17[%dma_start3A_342, %dma_start3A_343] : memref<10240x128xf32, #tpu.memory_space<vmem_shared>> -> memref<10240x128xf32, #tpu.memory_space<vmem_shared>>
          tpu.enqueue_indirect_dma source(%arg13 : memref<128x128xf32, #tpu.memory_space<vmem>>) target(%dma_start3A_344 : memref<10240x128xf32, #tpu.memory_space<vmem_shared>>) offsets(%dma_start3A_341 : memref<128xi32, #tpu.memory_space<vmem>>) semaphore(%run_scoped3A_338 : memref<!tpu.dma_semaphore, #tpu.memory_space<semaphore_mem>>) {add = true}
          %dma_wait3A_345 = arith.constant 0 : i32
          %dma_wait3A_346 = tpu.memref_slice %arg9[%add3A_322, %dma_wait3A_345] : memref<16x128xi32, #tpu.memory_space<vmem>> -> memref<1x128xi32, #tpu.memory_space<vmem>>
          %dma_wait3A_347 = tpu.memref_squeeze %dma_wait3A_346 : memref<1x128xi32, #tpu.memory_space<vmem>> -> memref<128xi32, #tpu.memory_space<vmem>>
          %dma_wait3A_348 = arith.constant 0 : i32
          %dma_wait3A_349 = arith.constant 0 : i32
          %dma_wait3A_350 = tpu.memref_slice %arg17[%dma_wait3A_348, %dma_wait3A_349] : memref<10240x128xf32, #tpu.memory_space<vmem_shared>> -> memref<10240x128xf32, #tpu.memory_space<vmem_shared>>
          tpu.wait_indirect_dma semaphore(%run_scoped3A_338 : memref<!tpu.dma_semaphore, #tpu.memory_space<semaphore_mem>>) src(%arg13 : memref<128x128xf32, #tpu.memory_space<vmem>>) dst(%dma_wait3A_350 : memref<10240x128xf32, #tpu.memory_space<vmem_shared>>)
          tpu.yield
        }) : () -> ()
        %scan3A_337 = arith.constant 0 : i32
        scf.yield %scan3A_337 : i32
      }
      %scan3A_56 = arith.constant 7 : i32
      %dma_wait3A = arith.constant 0 : i32
      %dma_wait3A_57 = arith.constant 0 : i32
      %dma_wait3A_58 = tpu.memref_slice %arg5[%dma_wait3A, %dma_wait3A_57] : memref<10240x128xf32, #tpu.memory_space<hbm>> -> memref<128x128xf32, #tpu.memory_space<hbm>>
      %dma_wait3A_59 = arith.constant 0 : i32
      %dma_wait3A_60 = arith.constant 0 : i32
      %dma_wait3A_61 = tpu.memref_slice %arg5[%dma_wait3A_59, %dma_wait3A_60] : memref<10240x128xf32, #tpu.memory_space<hbm>> -> memref<128x128xf32, #tpu.memory_space<hbm>>
      tpu.wait_dma2 semaphore(%arg14 : memref<!tpu.dma_semaphore, #tpu.memory_space<semaphore_mem>>) src(%dma_wait3A_61 : memref<128x128xf32, #tpu.memory_space<hbm>>) dst(%arg12 : memref<128x128xf32, #tpu.memory_space<vmem>>)
      %dma_start3A_62 = arith.constant 15 : i32
      %dma_start3A_63 = arith.constant 0 : i32
      %dma_start3A_64 = tpu.memref_slice %arg8[%dma_start3A_62, %dma_start3A_63] : memref<16x128xi32, #tpu.memory_space<vmem>> -> memref<1x128xi32, #tpu.memory_space<vmem>>
      %dma_start3A_65 = tpu.memref_squeeze %dma_start3A_64 : memref<1x128xi32, #tpu.memory_space<vmem>> -> memref<128xi32, #tpu.memory_space<vmem>>
      %dma_start3A_66 = arith.constant 0 : i32
      %dma_start3A_67 = arith.constant 0 : i32
      %dma_start3A_68 = tpu.memref_slice %arg5[%dma_start3A_66, %dma_start3A_67] : memref<10240x128xf32, #tpu.memory_space<hbm>> -> memref<10240x128xf32, #tpu.memory_space<hbm>>
      tpu.enqueue_indirect_dma source(%dma_start3A_68 : memref<10240x128xf32, #tpu.memory_space<hbm>>) target(%arg13 : memref<128x128xf32, #tpu.memory_space<vmem>>) offsets(%dma_start3A_65 : memref<128xi32, #tpu.memory_space<vmem>>) semaphore(%arg15 : memref<!tpu.dma_semaphore, #tpu.memory_space<semaphore_mem>>)
      %run_scoped3A = arith.constant 14 : i32
      "tpu.region"() ({
        %run_scoped3A_299 = tpu.sem_alloc : memref<!tpu.dma_semaphore, #tpu.memory_space<semaphore_mem>>
        %dma_start3A_300 = arith.constant 0 : i32
        %dma_start3A_301 = tpu.memref_slice %arg9[%run_scoped3A, %dma_start3A_300] : memref<16x128xi32, #tpu.memory_space<vmem>> -> memref<1x128xi32, #tpu.memory_space<vmem>>
        %dma_start3A_302 = tpu.memref_squeeze %dma_start3A_301 : memref<1x128xi32, #tpu.memory_space<vmem>> -> memref<128xi32, #tpu.memory_space<vmem>>
        %dma_start3A_303 = arith.constant 0 : i32
        %dma_start3A_304 = arith.constant 0 : i32
        %dma_start3A_305 = tpu.memref_slice %arg17[%dma_start3A_303, %dma_start3A_304] : memref<10240x128xf32, #tpu.memory_space<vmem_shared>> -> memref<10240x128xf32, #tpu.memory_space<vmem_shared>>
        tpu.enqueue_indirect_dma source(%arg12 : memref<128x128xf32, #tpu.memory_space<vmem>>) target(%dma_start3A_305 : memref<10240x128xf32, #tpu.memory_space<vmem_shared>>) offsets(%dma_start3A_302 : memref<128xi32, #tpu.memory_space<vmem>>) semaphore(%run_scoped3A_299 : memref<!tpu.dma_semaphore, #tpu.memory_space<semaphore_mem>>) {add = true}
        %dma_wait3A_306 = arith.constant 0 : i32
        %dma_wait3A_307 = tpu.memref_slice %arg9[%run_scoped3A, %dma_wait3A_306] : memref<16x128xi32, #tpu.memory_space<vmem>> -> memref<1x128xi32, #tpu.memory_space<vmem>>
        %dma_wait3A_308 = tpu.memref_squeeze %dma_wait3A_307 : memref<1x128xi32, #tpu.memory_space<vmem>> -> memref<128xi32, #tpu.memory_space<vmem>>
        %dma_wait3A_309 = arith.constant 0 : i32
        %dma_wait3A_310 = arith.constant 0 : i32
        %dma_wait3A_311 = tpu.memref_slice %arg17[%dma_wait3A_309, %dma_wait3A_310] : memref<10240x128xf32, #tpu.memory_space<vmem_shared>> -> memref<10240x128xf32, #tpu.memory_space<vmem_shared>>
        tpu.wait_indirect_dma semaphore(%run_scoped3A_299 : memref<!tpu.dma_semaphore, #tpu.memory_space<semaphore_mem>>) src(%arg12 : memref<128x128xf32, #tpu.memory_space<vmem>>) dst(%dma_wait3A_311 : memref<10240x128xf32, #tpu.memory_space<vmem_shared>>)
        tpu.yield
      }) : () -> ()
      %dma_wait3A_69 = arith.constant 0 : i32
      %dma_wait3A_70 = arith.constant 0 : i32
      %dma_wait3A_71 = tpu.memref_slice %arg5[%dma_wait3A_69, %dma_wait3A_70] : memref<10240x128xf32, #tpu.memory_space<hbm>> -> memref<128x128xf32, #tpu.memory_space<hbm>>
      %dma_wait3A_72 = arith.constant 0 : i32
      %dma_wait3A_73 = arith.constant 0 : i32
      %dma_wait3A_74 = tpu.memref_slice %arg5[%dma_wait3A_72, %dma_wait3A_73] : memref<10240x128xf32, #tpu.memory_space<hbm>> -> memref<128x128xf32, #tpu.memory_space<hbm>>
      tpu.wait_dma2 semaphore(%arg15 : memref<!tpu.dma_semaphore, #tpu.memory_space<semaphore_mem>>) src(%dma_wait3A_74 : memref<128x128xf32, #tpu.memory_space<hbm>>) dst(%arg13 : memref<128x128xf32, #tpu.memory_space<vmem>>)
      %dma_wait3A_75 = arith.constant 0 : i32
      %dma_wait3A_76 = arith.constant 0 : i32
      %dma_wait3A_77 = tpu.memref_slice %arg2[%dma_wait3A_75, %dma_wait3A_76] : memref<1280x128xi32, #tpu.memory_space<hbm>> -> memref<16x128xi32, #tpu.memory_space<hbm>>
      %dma_wait3A_78 = arith.constant 0 : i32
      %dma_wait3A_79 = arith.constant 0 : i32
      %dma_wait3A_80 = tpu.memref_slice %arg2[%dma_wait3A_78, %dma_wait3A_79] : memref<1280x128xi32, #tpu.memory_space<hbm>> -> memref<16x128xi32, #tpu.memory_space<hbm>>
      tpu.wait_dma2 semaphore(%arg16 : memref<!tpu.dma_semaphore, #tpu.memory_space<semaphore_mem>>) src(%dma_wait3A_80 : memref<16x128xi32, #tpu.memory_space<hbm>>) dst(%arg10 : memref<16x128xi32, #tpu.memory_space<vmem>>)
      %dma_wait3A_81 = arith.constant 0 : i32
      %dma_wait3A_82 = arith.constant 0 : i32
      %dma_wait3A_83 = tpu.memref_slice %arg2[%dma_wait3A_81, %dma_wait3A_82] : memref<1280x128xi32, #tpu.memory_space<hbm>> -> memref<16x128xi32, #tpu.memory_space<hbm>>
      %dma_wait3A_84 = arith.constant 0 : i32
      %dma_wait3A_85 = arith.constant 0 : i32
      %dma_wait3A_86 = tpu.memref_slice %arg2[%dma_wait3A_84, %dma_wait3A_85] : memref<1280x128xi32, #tpu.memory_space<hbm>> -> memref<16x128xi32, #tpu.memory_space<hbm>>
      tpu.wait_dma2 semaphore(%arg16 : memref<!tpu.dma_semaphore, #tpu.memory_space<semaphore_mem>>) src(%dma_wait3A_86 : memref<16x128xi32, #tpu.memory_space<hbm>>) dst(%arg11 : memref<16x128xi32, #tpu.memory_space<vmem>>)
      %dma_start3A_87 = arith.constant 0 : i32
      %dma_start3A_88 = arith.constant 0 : i32
      %dma_start3A_89 = tpu.memref_slice %arg10[%dma_start3A_87, %dma_start3A_88] : memref<16x128xi32, #tpu.memory_space<vmem>> -> memref<1x128xi32, #tpu.memory_space<vmem>>
      %dma_start3A_90 = tpu.memref_squeeze %dma_start3A_89 : memref<1x128xi32, #tpu.memory_space<vmem>> -> memref<128xi32, #tpu.memory_space<vmem>>
      %dma_start3A_91 = arith.constant 0 : i32
      %dma_start3A_92 = arith.constant 0 : i32
      %dma_start3A_93 = tpu.memref_slice %arg5[%dma_start3A_91, %dma_start3A_92] : memref<10240x128xf32, #tpu.memory_space<hbm>> -> memref<10240x128xf32, #tpu.memory_space<hbm>>
      tpu.enqueue_indirect_dma source(%dma_start3A_93 : memref<10240x128xf32, #tpu.memory_space<hbm>>) target(%arg12 : memref<128x128xf32, #tpu.memory_space<vmem>>) offsets(%dma_start3A_90 : memref<128xi32, #tpu.memory_space<vmem>>) semaphore(%arg14 : memref<!tpu.dma_semaphore, #tpu.memory_space<semaphore_mem>>)
      %run_scoped3A_94 = arith.constant 15 : i32
      "tpu.region"() ({
        %run_scoped3A_299 = tpu.sem_alloc : memref<!tpu.dma_semaphore, #tpu.memory_space<semaphore_mem>>
        %dma_start3A_300 = arith.constant 0 : i32
        %dma_start3A_301 = tpu.memref_slice %arg9[%run_scoped3A_94, %dma_start3A_300] : memref<16x128xi32, #tpu.memory_space<vmem>> -> memref<1x128xi32, #tpu.memory_space<vmem>>
        %dma_start3A_302 = tpu.memref_squeeze %dma_start3A_301 : memref<1x128xi32, #tpu.memory_space<vmem>> -> memref<128xi32, #tpu.memory_space<vmem>>
        %dma_start3A_303 = arith.constant 0 : i32
        %dma_start3A_304 = arith.constant 0 : i32
        %dma_start3A_305 = tpu.memref_slice %arg17[%dma_start3A_303, %dma_start3A_304] : memref<10240x128xf32, #tpu.memory_space<vmem_shared>> -> memref<10240x128xf32, #tpu.memory_space<vmem_shared>>
        tpu.enqueue_indirect_dma source(%arg13 : memref<128x128xf32, #tpu.memory_space<vmem>>) target(%dma_start3A_305 : memref<10240x128xf32, #tpu.memory_space<vmem_shared>>) offsets(%dma_start3A_302 : memref<128xi32, #tpu.memory_space<vmem>>) semaphore(%run_scoped3A_299 : memref<!tpu.dma_semaphore, #tpu.memory_space<semaphore_mem>>) {add = true}
        %dma_wait3A_306 = arith.constant 0 : i32
        %dma_wait3A_307 = tpu.memref_slice %arg9[%run_scoped3A_94, %dma_wait3A_306] : memref<16x128xi32, #tpu.memory_space<vmem>> -> memref<1x128xi32, #tpu.memory_space<vmem>>
        %dma_wait3A_308 = tpu.memref_squeeze %dma_wait3A_307 : memref<1x128xi32, #tpu.memory_space<vmem>> -> memref<128xi32, #tpu.memory_space<vmem>>
        %dma_wait3A_309 = arith.constant 0 : i32
        %dma_wait3A_310 = arith.constant 0 : i32
        %dma_wait3A_311 = tpu.memref_slice %arg17[%dma_wait3A_309, %dma_wait3A_310] : memref<10240x128xf32, #tpu.memory_space<vmem_shared>> -> memref<10240x128xf32, #tpu.memory_space<vmem_shared>>
        tpu.wait_indirect_dma semaphore(%run_scoped3A_299 : memref<!tpu.dma_semaphore, #tpu.memory_space<semaphore_mem>>) src(%arg13 : memref<128x128xf32, #tpu.memory_space<vmem>>) dst(%dma_wait3A_311 : memref<10240x128xf32, #tpu.memory_space<vmem_shared>>)
        tpu.yield
      }) : () -> ()
      %add3A_95 = arith.constant 32 : i32
      %add3A_96 = arith.addi %mul3A_33, %add3A_95 : i32
      %dma_start3A_97 = arith.constant 0 : i32
      %dma_start3A_98 = tpu.memref_slice %arg2[%add3A_96, %dma_start3A_97] : memref<1280x128xi32, #tpu.memory_space<hbm>> -> memref<16x128xi32, #tpu.memory_space<hbm>>
      %dma_start3A_99 = arith.constant 0 : i32
      %dma_start3A_100 = tpu.memref_slice %arg2[%add3A_96, %dma_start3A_99] : memref<1280x128xi32, #tpu.memory_space<hbm>> -> memref<16x128xi32, #tpu.memory_space<hbm>>
      tpu.enqueue_dma source(%dma_start3A_100 : memref<16x128xi32, #tpu.memory_space<hbm>>) target(%arg8 : memref<16x128xi32, #tpu.memory_space<vmem>>) target_semaphore(%arg16 : memref<!tpu.dma_semaphore, #tpu.memory_space<semaphore_mem>>)
      %dma_start3A_101 = arith.constant 0 : i32
      %dma_start3A_102 = tpu.memref_slice %arg3[%add3A_96, %dma_start3A_101] : memref<1280x128xi32, #tpu.memory_space<hbm>> -> memref<16x128xi32, #tpu.memory_space<hbm>>
      %dma_start3A_103 = arith.constant 0 : i32
      %dma_start3A_104 = tpu.memref_slice %arg3[%add3A_96, %dma_start3A_103] : memref<1280x128xi32, #tpu.memory_space<hbm>> -> memref<16x128xi32, #tpu.memory_space<hbm>>
      tpu.enqueue_dma source(%dma_start3A_104 : memref<16x128xi32, #tpu.memory_space<hbm>>) target(%arg9 : memref<16x128xi32, #tpu.memory_space<vmem>>) target_semaphore(%arg16 : memref<!tpu.dma_semaphore, #tpu.memory_space<semaphore_mem>>)
      %scan3A_105 = arith.constant 0 : i32
      %scan3A_106 = arith.constant 0 : i32
      %scan3A_107 = arith.constant 7 : i32
      %scan3A_108 = arith.addi %scan3A_106, %scan3A_107 : i32
      %scan3A_109 = arith.constant 1 : i32
      %scan3A_110 = scf.for %scan3A_299 = %scan3A_106 to %scan3A_108 step %scan3A_109 iter_args(%scan3A_300 = %scan3A_105) -> (i32)  : i32 {
        %mul3A_301 = arith.constant 2 : i32
        %mul3A_302 = arith.muli %scan3A_299, %mul3A_301 : i32
        %add3A_303 = arith.constant 0 : i32
        %add3A_304 = arith.addi %mul3A_302, %add3A_303 : i32
        %dma_wait3A_305 = arith.constant 0 : i32
        %dma_wait3A_306 = arith.constant 0 : i32
        %dma_wait3A_307 = tpu.memref_slice %arg5[%dma_wait3A_305, %dma_wait3A_306] : memref<10240x128xf32, #tpu.memory_space<hbm>> -> memref<128x128xf32, #tpu.memory_space<hbm>>
        %dma_wait3A_308 = arith.constant 0 : i32
        %dma_wait3A_309 = arith.constant 0 : i32
        %dma_wait3A_310 = tpu.memref_slice %arg5[%dma_wait3A_308, %dma_wait3A_309] : memref<10240x128xf32, #tpu.memory_space<hbm>> -> memref<128x128xf32, #tpu.memory_space<hbm>>
        tpu.wait_dma2 semaphore(%arg14 : memref<!tpu.dma_semaphore, #tpu.memory_space<semaphore_mem>>) src(%dma_wait3A_310 : memref<128x128xf32, #tpu.memory_space<hbm>>) dst(%arg12 : memref<128x128xf32, #tpu.memory_space<vmem>>)
        %add3A_311 = arith.constant 1 : i32
        %add3A_312 = arith.addi %add3A_304, %add3A_311 : i32
        %dma_start3A_313 = arith.constant 0 : i32
        %dma_start3A_314 = tpu.memref_slice %arg10[%add3A_312, %dma_start3A_313] : memref<16x128xi32, #tpu.memory_space<vmem>> -> memref<1x128xi32, #tpu.memory_space<vmem>>
        %dma_start3A_315 = tpu.memref_squeeze %dma_start3A_314 : memref<1x128xi32, #tpu.memory_space<vmem>> -> memref<128xi32, #tpu.memory_space<vmem>>
        %dma_start3A_316 = arith.constant 0 : i32
        %dma_start3A_317 = arith.constant 0 : i32
        %dma_start3A_318 = tpu.memref_slice %arg5[%dma_start3A_316, %dma_start3A_317] : memref<10240x128xf32, #tpu.memory_space<hbm>> -> memref<10240x128xf32, #tpu.memory_space<hbm>>
        tpu.enqueue_indirect_dma source(%dma_start3A_318 : memref<10240x128xf32, #tpu.memory_space<hbm>>) target(%arg13 : memref<128x128xf32, #tpu.memory_space<vmem>>) offsets(%dma_start3A_315 : memref<128xi32, #tpu.memory_space<vmem>>) semaphore(%arg15 : memref<!tpu.dma_semaphore, #tpu.memory_space<semaphore_mem>>)
        "tpu.region"() ({
          %run_scoped3A_338 = tpu.sem_alloc : memref<!tpu.dma_semaphore, #tpu.memory_space<semaphore_mem>>
          %dma_start3A_339 = arith.constant 0 : i32
          %dma_start3A_340 = tpu.memref_slice %arg11[%add3A_304, %dma_start3A_339] : memref<16x128xi32, #tpu.memory_space<vmem>> -> memref<1x128xi32, #tpu.memory_space<vmem>>
          %dma_start3A_341 = tpu.memref_squeeze %dma_start3A_340 : memref<1x128xi32, #tpu.memory_space<vmem>> -> memref<128xi32, #tpu.memory_space<vmem>>
          %dma_start3A_342 = arith.constant 0 : i32
          %dma_start3A_343 = arith.constant 0 : i32
          %dma_start3A_344 = tpu.memref_slice %arg17[%dma_start3A_342, %dma_start3A_343] : memref<10240x128xf32, #tpu.memory_space<vmem_shared>> -> memref<10240x128xf32, #tpu.memory_space<vmem_shared>>
          tpu.enqueue_indirect_dma source(%arg12 : memref<128x128xf32, #tpu.memory_space<vmem>>) target(%dma_start3A_344 : memref<10240x128xf32, #tpu.memory_space<vmem_shared>>) offsets(%dma_start3A_341 : memref<128xi32, #tpu.memory_space<vmem>>) semaphore(%run_scoped3A_338 : memref<!tpu.dma_semaphore, #tpu.memory_space<semaphore_mem>>) {add = true}
          %dma_wait3A_345 = arith.constant 0 : i32
          %dma_wait3A_346 = tpu.memref_slice %arg11[%add3A_304, %dma_wait3A_345] : memref<16x128xi32, #tpu.memory_space<vmem>> -> memref<1x128xi32, #tpu.memory_space<vmem>>
          %dma_wait3A_347 = tpu.memref_squeeze %dma_wait3A_346 : memref<1x128xi32, #tpu.memory_space<vmem>> -> memref<128xi32, #tpu.memory_space<vmem>>
          %dma_wait3A_348 = arith.constant 0 : i32
          %dma_wait3A_349 = arith.constant 0 : i32
          %dma_wait3A_350 = tpu.memref_slice %arg17[%dma_wait3A_348, %dma_wait3A_349] : memref<10240x128xf32, #tpu.memory_space<vmem_shared>> -> memref<10240x128xf32, #tpu.memory_space<vmem_shared>>
          tpu.wait_indirect_dma semaphore(%run_scoped3A_338 : memref<!tpu.dma_semaphore, #tpu.memory_space<semaphore_mem>>) src(%arg12 : memref<128x128xf32, #tpu.memory_space<vmem>>) dst(%dma_wait3A_350 : memref<10240x128xf32, #tpu.memory_space<vmem_shared>>)
          tpu.yield
        }) : () -> ()
        %mul3A_319 = arith.constant 2 : i32
        %mul3A_320 = arith.muli %scan3A_299, %mul3A_319 : i32
        %add3A_321 = arith.constant 1 : i32
        %add3A_322 = arith.addi %mul3A_320, %add3A_321 : i32
        %dma_wait3A_323 = arith.constant 0 : i32
        %dma_wait3A_324 = arith.constant 0 : i32
        %dma_wait3A_325 = tpu.memref_slice %arg5[%dma_wait3A_323, %dma_wait3A_324] : memref<10240x128xf32, #tpu.memory_space<hbm>> -> memref<128x128xf32, #tpu.memory_space<hbm>>
        %dma_wait3A_326 = arith.constant 0 : i32
        %dma_wait3A_327 = arith.constant 0 : i32
        %dma_wait3A_328 = tpu.memref_slice %arg5[%dma_wait3A_326, %dma_wait3A_327] : memref<10240x128xf32, #tpu.memory_space<hbm>> -> memref<128x128xf32, #tpu.memory_space<hbm>>
        tpu.wait_dma2 semaphore(%arg15 : memref<!tpu.dma_semaphore, #tpu.memory_space<semaphore_mem>>) src(%dma_wait3A_328 : memref<128x128xf32, #tpu.memory_space<hbm>>) dst(%arg13 : memref<128x128xf32, #tpu.memory_space<vmem>>)
        %add3A_329 = arith.constant 1 : i32
        %add3A_330 = arith.addi %add3A_322, %add3A_329 : i32
        %dma_start3A_331 = arith.constant 0 : i32
        %dma_start3A_332 = tpu.memref_slice %arg10[%add3A_330, %dma_start3A_331] : memref<16x128xi32, #tpu.memory_space<vmem>> -> memref<1x128xi32, #tpu.memory_space<vmem>>
        %dma_start3A_333 = tpu.memref_squeeze %dma_start3A_332 : memref<1x128xi32, #tpu.memory_space<vmem>> -> memref<128xi32, #tpu.memory_space<vmem>>
        %dma_start3A_334 = arith.constant 0 : i32
        %dma_start3A_335 = arith.constant 0 : i32
        %dma_start3A_336 = tpu.memref_slice %arg5[%dma_start3A_334, %dma_start3A_335] : memref<10240x128xf32, #tpu.memory_space<hbm>> -> memref<10240x128xf32, #tpu.memory_space<hbm>>
        tpu.enqueue_indirect_dma source(%dma_start3A_336 : memref<10240x128xf32, #tpu.memory_space<hbm>>) target(%arg12 : memref<128x128xf32, #tpu.memory_space<vmem>>) offsets(%dma_start3A_333 : memref<128xi32, #tpu.memory_space<vmem>>) semaphore(%arg14 : memref<!tpu.dma_semaphore, #tpu.memory_space<semaphore_mem>>)
        "tpu.region"() ({
          %run_scoped3A_338 = tpu.sem_alloc : memref<!tpu.dma_semaphore, #tpu.memory_space<semaphore_mem>>
          %dma_start3A_339 = arith.constant 0 : i32
          %dma_start3A_340 = tpu.memref_slice %arg11[%add3A_322, %dma_start3A_339] : memref<16x128xi32, #tpu.memory_space<vmem>> -> memref<1x128xi32, #tpu.memory_space<vmem>>
          %dma_start3A_341 = tpu.memref_squeeze %dma_start3A_340 : memref<1x128xi32, #tpu.memory_space<vmem>> -> memref<128xi32, #tpu.memory_space<vmem>>
          %dma_start3A_342 = arith.constant 0 : i32
          %dma_start3A_343 = arith.constant 0 : i32
          %dma_start3A_344 = tpu.memref_slice %arg17[%dma_start3A_342, %dma_start3A_343] : memref<10240x128xf32, #tpu.memory_space<vmem_shared>> -> memref<10240x128xf32, #tpu.memory_space<vmem_shared>>
          tpu.enqueue_indirect_dma source(%arg13 : memref<128x128xf32, #tpu.memory_space<vmem>>) target(%dma_start3A_344 : memref<10240x128xf32, #tpu.memory_space<vmem_shared>>) offsets(%dma_start3A_341 : memref<128xi32, #tpu.memory_space<vmem>>) semaphore(%run_scoped3A_338 : memref<!tpu.dma_semaphore, #tpu.memory_space<semaphore_mem>>) {add = true}
          %dma_wait3A_345 = arith.constant 0 : i32
          %dma_wait3A_346 = tpu.memref_slice %arg11[%add3A_322, %dma_wait3A_345] : memref<16x128xi32, #tpu.memory_space<vmem>> -> memref<1x128xi32, #tpu.memory_space<vmem>>
          %dma_wait3A_347 = tpu.memref_squeeze %dma_wait3A_346 : memref<1x128xi32, #tpu.memory_space<vmem>> -> memref<128xi32, #tpu.memory_space<vmem>>
          %dma_wait3A_348 = arith.constant 0 : i32
          %dma_wait3A_349 = arith.constant 0 : i32
          %dma_wait3A_350 = tpu.memref_slice %arg17[%dma_wait3A_348, %dma_wait3A_349] : memref<10240x128xf32, #tpu.memory_space<vmem_shared>> -> memref<10240x128xf32, #tpu.memory_space<vmem_shared>>
          tpu.wait_indirect_dma semaphore(%run_scoped3A_338 : memref<!tpu.dma_semaphore, #tpu.memory_space<semaphore_mem>>) src(%arg13 : memref<128x128xf32, #tpu.memory_space<vmem>>) dst(%dma_wait3A_350 : memref<10240x128xf32, #tpu.memory_space<vmem_shared>>)
          tpu.yield
        }) : () -> ()
        %scan3A_337 = arith.constant 0 : i32
        scf.yield %scan3A_337 : i32
      }
      %scan3A_111 = arith.constant 7 : i32
      %dma_wait3A_112 = arith.constant 0 : i32
      %dma_wait3A_113 = arith.constant 0 : i32
      %dma_wait3A_114 = tpu.memref_slice %arg5[%dma_wait3A_112, %dma_wait3A_113] : memref<10240x128xf32, #tpu.memory_space<hbm>> -> memref<128x128xf32, #tpu.memory_space<hbm>>
      %dma_wait3A_115 = arith.constant 0 : i32
      %dma_wait3A_116 = arith.constant 0 : i32
      %dma_wait3A_117 = tpu.memref_slice %arg5[%dma_wait3A_115, %dma_wait3A_116] : memref<10240x128xf32, #tpu.memory_space<hbm>> -> memref<128x128xf32, #tpu.memory_space<hbm>>
      tpu.wait_dma2 semaphore(%arg14 : memref<!tpu.dma_semaphore, #tpu.memory_space<semaphore_mem>>) src(%dma_wait3A_117 : memref<128x128xf32, #tpu.memory_space<hbm>>) dst(%arg12 : memref<128x128xf32, #tpu.memory_space<vmem>>)
      %dma_start3A_118 = arith.constant 15 : i32
      %dma_start3A_119 = arith.constant 0 : i32
      %dma_start3A_120 = tpu.memref_slice %arg10[%dma_start3A_118, %dma_start3A_119] : memref<16x128xi32, #tpu.memory_space<vmem>> -> memref<1x128xi32, #tpu.memory_space<vmem>>
      %dma_start3A_121 = tpu.memref_squeeze %dma_start3A_120 : memref<1x128xi32, #tpu.memory_space<vmem>> -> memref<128xi32, #tpu.memory_space<vmem>>
      %dma_start3A_122 = arith.constant 0 : i32
      %dma_start3A_123 = arith.constant 0 : i32
      %dma_start3A_124 = tpu.memref_slice %arg5[%dma_start3A_122, %dma_start3A_123] : memref<10240x128xf32, #tpu.memory_space<hbm>> -> memref<10240x128xf32, #tpu.memory_space<hbm>>
      tpu.enqueue_indirect_dma source(%dma_start3A_124 : memref<10240x128xf32, #tpu.memory_space<hbm>>) target(%arg13 : memref<128x128xf32, #tpu.memory_space<vmem>>) offsets(%dma_start3A_121 : memref<128xi32, #tpu.memory_space<vmem>>) semaphore(%arg15 : memref<!tpu.dma_semaphore, #tpu.memory_space<semaphore_mem>>)
      %run_scoped3A_125 = arith.constant 14 : i32
      "tpu.region"() ({
        %run_scoped3A_299 = tpu.sem_alloc : memref<!tpu.dma_semaphore, #tpu.memory_space<semaphore_mem>>
        %dma_start3A_300 = arith.constant 0 : i32
        %dma_start3A_301 = tpu.memref_slice %arg11[%run_scoped3A_125, %dma_start3A_300] : memref<16x128xi32, #tpu.memory_space<vmem>> -> memref<1x128xi32, #tpu.memory_space<vmem>>
        %dma_start3A_302 = tpu.memref_squeeze %dma_start3A_301 : memref<1x128xi32, #tpu.memory_space<vmem>> -> memref<128xi32, #tpu.memory_space<vmem>>
        %dma_start3A_303 = arith.constant 0 : i32
        %dma_start3A_304 = arith.constant 0 : i32
        %dma_start3A_305 = tpu.memref_slice %arg17[%dma_start3A_303, %dma_start3A_304] : memref<10240x128xf32, #tpu.memory_space<vmem_shared>> -> memref<10240x128xf32, #tpu.memory_space<vmem_shared>>
        tpu.enqueue_indirect_dma source(%arg12 : memref<128x128xf32, #tpu.memory_space<vmem>>) target(%dma_start3A_305 : memref<10240x128xf32, #tpu.memory_space<vmem_shared>>) offsets(%dma_start3A_302 : memref<128xi32, #tpu.memory_space<vmem>>) semaphore(%run_scoped3A_299 : memref<!tpu.dma_semaphore, #tpu.memory_space<semaphore_mem>>) {add = true}
        %dma_wait3A_306 = arith.constant 0 : i32
        %dma_wait3A_307 = tpu.memref_slice %arg11[%run_scoped3A_125, %dma_wait3A_306] : memref<16x128xi32, #tpu.memory_space<vmem>> -> memref<1x128xi32, #tpu.memory_space<vmem>>
        %dma_wait3A_308 = tpu.memref_squeeze %dma_wait3A_307 : memref<1x128xi32, #tpu.memory_space<vmem>> -> memref<128xi32, #tpu.memory_space<vmem>>
        %dma_wait3A_309 = arith.constant 0 : i32
        %dma_wait3A_310 = arith.constant 0 : i32
        %dma_wait3A_311 = tpu.memref_slice %arg17[%dma_wait3A_309, %dma_wait3A_310] : memref<10240x128xf32, #tpu.memory_space<vmem_shared>> -> memref<10240x128xf32, #tpu.memory_space<vmem_shared>>
        tpu.wait_indirect_dma semaphore(%run_scoped3A_299 : memref<!tpu.dma_semaphore, #tpu.memory_space<semaphore_mem>>) src(%arg12 : memref<128x128xf32, #tpu.memory_space<vmem>>) dst(%dma_wait3A_311 : memref<10240x128xf32, #tpu.memory_space<vmem_shared>>)
        tpu.yield
      }) : () -> ()
      %dma_wait3A_126 = arith.constant 0 : i32
      %dma_wait3A_127 = arith.constant 0 : i32
      %dma_wait3A_128 = tpu.memref_slice %arg5[%dma_wait3A_126, %dma_wait3A_127] : memref<10240x128xf32, #tpu.memory_space<hbm>> -> memref<128x128xf32, #tpu.memory_space<hbm>>
      %dma_wait3A_129 = arith.constant 0 : i32
      %dma_wait3A_130 = arith.constant 0 : i32
      %dma_wait3A_131 = tpu.memref_slice %arg5[%dma_wait3A_129, %dma_wait3A_130] : memref<10240x128xf32, #tpu.memory_space<hbm>> -> memref<128x128xf32, #tpu.memory_space<hbm>>
      tpu.wait_dma2 semaphore(%arg15 : memref<!tpu.dma_semaphore, #tpu.memory_space<semaphore_mem>>) src(%dma_wait3A_131 : memref<128x128xf32, #tpu.memory_space<hbm>>) dst(%arg13 : memref<128x128xf32, #tpu.memory_space<vmem>>)
      %dma_wait3A_132 = arith.constant 0 : i32
      %dma_wait3A_133 = arith.constant 0 : i32
      %dma_wait3A_134 = tpu.memref_slice %arg2[%dma_wait3A_132, %dma_wait3A_133] : memref<1280x128xi32, #tpu.memory_space<hbm>> -> memref<16x128xi32, #tpu.memory_space<hbm>>
      %dma_wait3A_135 = arith.constant 0 : i32
      %dma_wait3A_136 = arith.constant 0 : i32
      %dma_wait3A_137 = tpu.memref_slice %arg2[%dma_wait3A_135, %dma_wait3A_136] : memref<1280x128xi32, #tpu.memory_space<hbm>> -> memref<16x128xi32, #tpu.memory_space<hbm>>
      tpu.wait_dma2 semaphore(%arg16 : memref<!tpu.dma_semaphore, #tpu.memory_space<semaphore_mem>>) src(%dma_wait3A_137 : memref<16x128xi32, #tpu.memory_space<hbm>>) dst(%arg8 : memref<16x128xi32, #tpu.memory_space<vmem>>)
      %dma_wait3A_138 = arith.constant 0 : i32
      %dma_wait3A_139 = arith.constant 0 : i32
      %dma_wait3A_140 = tpu.memref_slice %arg2[%dma_wait3A_138, %dma_wait3A_139] : memref<1280x128xi32, #tpu.memory_space<hbm>> -> memref<16x128xi32, #tpu.memory_space<hbm>>
      %dma_wait3A_141 = arith.constant 0 : i32
      %dma_wait3A_142 = arith.constant 0 : i32
      %dma_wait3A_143 = tpu.memref_slice %arg2[%dma_wait3A_141, %dma_wait3A_142] : memref<1280x128xi32, #tpu.memory_space<hbm>> -> memref<16x128xi32, #tpu.memory_space<hbm>>
      tpu.wait_dma2 semaphore(%arg16 : memref<!tpu.dma_semaphore, #tpu.memory_space<semaphore_mem>>) src(%dma_wait3A_143 : memref<16x128xi32, #tpu.memory_space<hbm>>) dst(%arg9 : memref<16x128xi32, #tpu.memory_space<vmem>>)
      %dma_start3A_144 = arith.constant 0 : i32
      %dma_start3A_145 = arith.constant 0 : i32
      %dma_start3A_146 = tpu.memref_slice %arg8[%dma_start3A_144, %dma_start3A_145] : memref<16x128xi32, #tpu.memory_space<vmem>> -> memref<1x128xi32, #tpu.memory_space<vmem>>
      %dma_start3A_147 = tpu.memref_squeeze %dma_start3A_146 : memref<1x128xi32, #tpu.memory_space<vmem>> -> memref<128xi32, #tpu.memory_space<vmem>>
      %dma_start3A_148 = arith.constant 0 : i32
      %dma_start3A_149 = arith.constant 0 : i32
      %dma_start3A_150 = tpu.memref_slice %arg5[%dma_start3A_148, %dma_start3A_149] : memref<10240x128xf32, #tpu.memory_space<hbm>> -> memref<10240x128xf32, #tpu.memory_space<hbm>>
      tpu.enqueue_indirect_dma source(%dma_start3A_150 : memref<10240x128xf32, #tpu.memory_space<hbm>>) target(%arg12 : memref<128x128xf32, #tpu.memory_space<vmem>>) offsets(%dma_start3A_147 : memref<128xi32, #tpu.memory_space<vmem>>) semaphore(%arg14 : memref<!tpu.dma_semaphore, #tpu.memory_space<semaphore_mem>>)
      %run_scoped3A_151 = arith.constant 15 : i32
      "tpu.region"() ({
        %run_scoped3A_299 = tpu.sem_alloc : memref<!tpu.dma_semaphore, #tpu.memory_space<semaphore_mem>>
        %dma_start3A_300 = arith.constant 0 : i32
        %dma_start3A_301 = tpu.memref_slice %arg11[%run_scoped3A_151, %dma_start3A_300] : memref<16x128xi32, #tpu.memory_space<vmem>> -> memref<1x128xi32, #tpu.memory_space<vmem>>
        %dma_start3A_302 = tpu.memref_squeeze %dma_start3A_301 : memref<1x128xi32, #tpu.memory_space<vmem>> -> memref<128xi32, #tpu.memory_space<vmem>>
        %dma_start3A_303 = arith.constant 0 : i32
        %dma_start3A_304 = arith.constant 0 : i32
        %dma_start3A_305 = tpu.memref_slice %arg17[%dma_start3A_303, %dma_start3A_304] : memref<10240x128xf32, #tpu.memory_space<vmem_shared>> -> memref<10240x128xf32, #tpu.memory_space<vmem_shared>>
        tpu.enqueue_indirect_dma source(%arg13 : memref<128x128xf32, #tpu.memory_space<vmem>>) target(%dma_start3A_305 : memref<10240x128xf32, #tpu.memory_space<vmem_shared>>) offsets(%dma_start3A_302 : memref<128xi32, #tpu.memory_space<vmem>>) semaphore(%run_scoped3A_299 : memref<!tpu.dma_semaphore, #tpu.memory_space<semaphore_mem>>) {add = true}
        %dma_wait3A_306 = arith.constant 0 : i32
        %dma_wait3A_307 = tpu.memref_slice %arg11[%run_scoped3A_151, %dma_wait3A_306] : memref<16x128xi32, #tpu.memory_space<vmem>> -> memref<1x128xi32, #tpu.memory_space<vmem>>
        %dma_wait3A_308 = tpu.memref_squeeze %dma_wait3A_307 : memref<1x128xi32, #tpu.memory_space<vmem>> -> memref<128xi32, #tpu.memory_space<vmem>>
        %dma_wait3A_309 = arith.constant 0 : i32
        %dma_wait3A_310 = arith.constant 0 : i32
        %dma_wait3A_311 = tpu.memref_slice %arg17[%dma_wait3A_309, %dma_wait3A_310] : memref<10240x128xf32, #tpu.memory_space<vmem_shared>> -> memref<10240x128xf32, #tpu.memory_space<vmem_shared>>
        tpu.wait_indirect_dma semaphore(%run_scoped3A_299 : memref<!tpu.dma_semaphore, #tpu.memory_space<semaphore_mem>>) src(%arg13 : memref<128x128xf32, #tpu.memory_space<vmem>>) dst(%dma_wait3A_311 : memref<10240x128xf32, #tpu.memory_space<vmem_shared>>)
        tpu.yield
      }) : () -> ()
      %add3A_152 = arith.constant 48 : i32
      %add3A_153 = arith.addi %mul3A_33, %add3A_152 : i32
      %dma_start3A_154 = arith.constant 0 : i32
      %dma_start3A_155 = tpu.memref_slice %arg2[%add3A_153, %dma_start3A_154] : memref<1280x128xi32, #tpu.memory_space<hbm>> -> memref<16x128xi32, #tpu.memory_space<hbm>>
      %dma_start3A_156 = arith.constant 0 : i32
      %dma_start3A_157 = tpu.memref_slice %arg2[%add3A_153, %dma_start3A_156] : memref<1280x128xi32, #tpu.memory_space<hbm>> -> memref<16x128xi32, #tpu.memory_space<hbm>>
      tpu.enqueue_dma source(%dma_start3A_157 : memref<16x128xi32, #tpu.memory_space<hbm>>) target(%arg10 : memref<16x128xi32, #tpu.memory_space<vmem>>) target_semaphore(%arg16 : memref<!tpu.dma_semaphore, #tpu.memory_space<semaphore_mem>>)
      %dma_start3A_158 = arith.constant 0 : i32
      %dma_start3A_159 = tpu.memref_slice %arg3[%add3A_153, %dma_start3A_158] : memref<1280x128xi32, #tpu.memory_space<hbm>> -> memref<16x128xi32, #tpu.memory_space<hbm>>
      %dma_start3A_160 = arith.constant 0 : i32
      %dma_start3A_161 = tpu.memref_slice %arg3[%add3A_153, %dma_start3A_160] : memref<1280x128xi32, #tpu.memory_space<hbm>> -> memref<16x128xi32, #tpu.memory_space<hbm>>
      tpu.enqueue_dma source(%dma_start3A_161 : memref<16x128xi32, #tpu.memory_space<hbm>>) target(%arg11 : memref<16x128xi32, #tpu.memory_space<vmem>>) target_semaphore(%arg16 : memref<!tpu.dma_semaphore, #tpu.memory_space<semaphore_mem>>)
      %scan3A_162 = arith.constant 0 : i32
      %scan3A_163 = arith.constant 0 : i32
      %scan3A_164 = arith.constant 7 : i32
      %scan3A_165 = arith.addi %scan3A_163, %scan3A_164 : i32
      %scan3A_166 = arith.constant 1 : i32
      %scan3A_167 = scf.for %scan3A_299 = %scan3A_163 to %scan3A_165 step %scan3A_166 iter_args(%scan3A_300 = %scan3A_162) -> (i32)  : i32 {
        %mul3A_301 = arith.constant 2 : i32
        %mul3A_302 = arith.muli %scan3A_299, %mul3A_301 : i32
        %add3A_303 = arith.constant 0 : i32
        %add3A_304 = arith.addi %mul3A_302, %add3A_303 : i32
        %dma_wait3A_305 = arith.constant 0 : i32
        %dma_wait3A_306 = arith.constant 0 : i32
        %dma_wait3A_307 = tpu.memref_slice %arg5[%dma_wait3A_305, %dma_wait3A_306] : memref<10240x128xf32, #tpu.memory_space<hbm>> -> memref<128x128xf32, #tpu.memory_space<hbm>>
        %dma_wait3A_308 = arith.constant 0 : i32
        %dma_wait3A_309 = arith.constant 0 : i32
        %dma_wait3A_310 = tpu.memref_slice %arg5[%dma_wait3A_308, %dma_wait3A_309] : memref<10240x128xf32, #tpu.memory_space<hbm>> -> memref<128x128xf32, #tpu.memory_space<hbm>>
        tpu.wait_dma2 semaphore(%arg14 : memref<!tpu.dma_semaphore, #tpu.memory_space<semaphore_mem>>) src(%dma_wait3A_310 : memref<128x128xf32, #tpu.memory_space<hbm>>) dst(%arg12 : memref<128x128xf32, #tpu.memory_space<vmem>>)
        %add3A_311 = arith.constant 1 : i32
        %add3A_312 = arith.addi %add3A_304, %add3A_311 : i32
        %dma_start3A_313 = arith.constant 0 : i32
        %dma_start3A_314 = tpu.memref_slice %arg8[%add3A_312, %dma_start3A_313] : memref<16x128xi32, #tpu.memory_space<vmem>> -> memref<1x128xi32, #tpu.memory_space<vmem>>
        %dma_start3A_315 = tpu.memref_squeeze %dma_start3A_314 : memref<1x128xi32, #tpu.memory_space<vmem>> -> memref<128xi32, #tpu.memory_space<vmem>>
        %dma_start3A_316 = arith.constant 0 : i32
        %dma_start3A_317 = arith.constant 0 : i32
        %dma_start3A_318 = tpu.memref_slice %arg5[%dma_start3A_316, %dma_start3A_317] : memref<10240x128xf32, #tpu.memory_space<hbm>> -> memref<10240x128xf32, #tpu.memory_space<hbm>>
        tpu.enqueue_indirect_dma source(%dma_start3A_318 : memref<10240x128xf32, #tpu.memory_space<hbm>>) target(%arg13 : memref<128x128xf32, #tpu.memory_space<vmem>>) offsets(%dma_start3A_315 : memref<128xi32, #tpu.memory_space<vmem>>) semaphore(%arg15 : memref<!tpu.dma_semaphore, #tpu.memory_space<semaphore_mem>>)
        "tpu.region"() ({
          %run_scoped3A_338 = tpu.sem_alloc : memref<!tpu.dma_semaphore, #tpu.memory_space<semaphore_mem>>
          %dma_start3A_339 = arith.constant 0 : i32
          %dma_start3A_340 = tpu.memref_slice %arg9[%add3A_304, %dma_start3A_339] : memref<16x128xi32, #tpu.memory_space<vmem>> -> memref<1x128xi32, #tpu.memory_space<vmem>>
          %dma_start3A_341 = tpu.memref_squeeze %dma_start3A_340 : memref<1x128xi32, #tpu.memory_space<vmem>> -> memref<128xi32, #tpu.memory_space<vmem>>
          %dma_start3A_342 = arith.constant 0 : i32
          %dma_start3A_343 = arith.constant 0 : i32
          %dma_start3A_344 = tpu.memref_slice %arg17[%dma_start3A_342, %dma_start3A_343] : memref<10240x128xf32, #tpu.memory_space<vmem_shared>> -> memref<10240x128xf32, #tpu.memory_space<vmem_shared>>
          tpu.enqueue_indirect_dma source(%arg12 : memref<128x128xf32, #tpu.memory_space<vmem>>) target(%dma_start3A_344 : memref<10240x128xf32, #tpu.memory_space<vmem_shared>>) offsets(%dma_start3A_341 : memref<128xi32, #tpu.memory_space<vmem>>) semaphore(%run_scoped3A_338 : memref<!tpu.dma_semaphore, #tpu.memory_space<semaphore_mem>>) {add = true}
          %dma_wait3A_345 = arith.constant 0 : i32
          %dma_wait3A_346 = tpu.memref_slice %arg9[%add3A_304, %dma_wait3A_345] : memref<16x128xi32, #tpu.memory_space<vmem>> -> memref<1x128xi32, #tpu.memory_space<vmem>>
          %dma_wait3A_347 = tpu.memref_squeeze %dma_wait3A_346 : memref<1x128xi32, #tpu.memory_space<vmem>> -> memref<128xi32, #tpu.memory_space<vmem>>
          %dma_wait3A_348 = arith.constant 0 : i32
          %dma_wait3A_349 = arith.constant 0 : i32
          %dma_wait3A_350 = tpu.memref_slice %arg17[%dma_wait3A_348, %dma_wait3A_349] : memref<10240x128xf32, #tpu.memory_space<vmem_shared>> -> memref<10240x128xf32, #tpu.memory_space<vmem_shared>>
          tpu.wait_indirect_dma semaphore(%run_scoped3A_338 : memref<!tpu.dma_semaphore, #tpu.memory_space<semaphore_mem>>) src(%arg12 : memref<128x128xf32, #tpu.memory_space<vmem>>) dst(%dma_wait3A_350 : memref<10240x128xf32, #tpu.memory_space<vmem_shared>>)
          tpu.yield
        }) : () -> ()
        %mul3A_319 = arith.constant 2 : i32
        %mul3A_320 = arith.muli %scan3A_299, %mul3A_319 : i32
        %add3A_321 = arith.constant 1 : i32
        %add3A_322 = arith.addi %mul3A_320, %add3A_321 : i32
        %dma_wait3A_323 = arith.constant 0 : i32
        %dma_wait3A_324 = arith.constant 0 : i32
        %dma_wait3A_325 = tpu.memref_slice %arg5[%dma_wait3A_323, %dma_wait3A_324] : memref<10240x128xf32, #tpu.memory_space<hbm>> -> memref<128x128xf32, #tpu.memory_space<hbm>>
        %dma_wait3A_326 = arith.constant 0 : i32
        %dma_wait3A_327 = arith.constant 0 : i32
        %dma_wait3A_328 = tpu.memref_slice %arg5[%dma_wait3A_326, %dma_wait3A_327] : memref<10240x128xf32, #tpu.memory_space<hbm>> -> memref<128x128xf32, #tpu.memory_space<hbm>>
        tpu.wait_dma2 semaphore(%arg15 : memref<!tpu.dma_semaphore, #tpu.memory_space<semaphore_mem>>) src(%dma_wait3A_328 : memref<128x128xf32, #tpu.memory_space<hbm>>) dst(%arg13 : memref<128x128xf32, #tpu.memory_space<vmem>>)
        %add3A_329 = arith.constant 1 : i32
        %add3A_330 = arith.addi %add3A_322, %add3A_329 : i32
        %dma_start3A_331 = arith.constant 0 : i32
        %dma_start3A_332 = tpu.memref_slice %arg8[%add3A_330, %dma_start3A_331] : memref<16x128xi32, #tpu.memory_space<vmem>> -> memref<1x128xi32, #tpu.memory_space<vmem>>
        %dma_start3A_333 = tpu.memref_squeeze %dma_start3A_332 : memref<1x128xi32, #tpu.memory_space<vmem>> -> memref<128xi32, #tpu.memory_space<vmem>>
        %dma_start3A_334 = arith.constant 0 : i32
        %dma_start3A_335 = arith.constant 0 : i32
        %dma_start3A_336 = tpu.memref_slice %arg5[%dma_start3A_334, %dma_start3A_335] : memref<10240x128xf32, #tpu.memory_space<hbm>> -> memref<10240x128xf32, #tpu.memory_space<hbm>>
        tpu.enqueue_indirect_dma source(%dma_start3A_336 : memref<10240x128xf32, #tpu.memory_space<hbm>>) target(%arg12 : memref<128x128xf32, #tpu.memory_space<vmem>>) offsets(%dma_start3A_333 : memref<128xi32, #tpu.memory_space<vmem>>) semaphore(%arg14 : memref<!tpu.dma_semaphore, #tpu.memory_space<semaphore_mem>>)
        "tpu.region"() ({
          %run_scoped3A_338 = tpu.sem_alloc : memref<!tpu.dma_semaphore, #tpu.memory_space<semaphore_mem>>
          %dma_start3A_339 = arith.constant 0 : i32
          %dma_start3A_340 = tpu.memref_slice %arg9[%add3A_322, %dma_start3A_339] : memref<16x128xi32, #tpu.memory_space<vmem>> -> memref<1x128xi32, #tpu.memory_space<vmem>>
          %dma_start3A_341 = tpu.memref_squeeze %dma_start3A_340 : memref<1x128xi32, #tpu.memory_space<vmem>> -> memref<128xi32, #tpu.memory_space<vmem>>
          %dma_start3A_342 = arith.constant 0 : i32
          %dma_start3A_343 = arith.constant 0 : i32
          %dma_start3A_344 = tpu.memref_slice %arg17[%dma_start3A_342, %dma_start3A_343] : memref<10240x128xf32, #tpu.memory_space<vmem_shared>> -> memref<10240x128xf32, #tpu.memory_space<vmem_shared>>
          tpu.enqueue_indirect_dma source(%arg13 : memref<128x128xf32, #tpu.memory_space<vmem>>) target(%dma_start3A_344 : memref<10240x128xf32, #tpu.memory_space<vmem_shared>>) offsets(%dma_start3A_341 : memref<128xi32, #tpu.memory_space<vmem>>) semaphore(%run_scoped3A_338 : memref<!tpu.dma_semaphore, #tpu.memory_space<semaphore_mem>>) {add = true}
          %dma_wait3A_345 = arith.constant 0 : i32
          %dma_wait3A_346 = tpu.memref_slice %arg9[%add3A_322, %dma_wait3A_345] : memref<16x128xi32, #tpu.memory_space<vmem>> -> memref<1x128xi32, #tpu.memory_space<vmem>>
          %dma_wait3A_347 = tpu.memref_squeeze %dma_wait3A_346 : memref<1x128xi32, #tpu.memory_space<vmem>> -> memref<128xi32, #tpu.memory_space<vmem>>
          %dma_wait3A_348 = arith.constant 0 : i32
          %dma_wait3A_349 = arith.constant 0 : i32
          %dma_wait3A_350 = tpu.memref_slice %arg17[%dma_wait3A_348, %dma_wait3A_349] : memref<10240x128xf32, #tpu.memory_space<vmem_shared>> -> memref<10240x128xf32, #tpu.memory_space<vmem_shared>>
          tpu.wait_indirect_dma semaphore(%run_scoped3A_338 : memref<!tpu.dma_semaphore, #tpu.memory_space<semaphore_mem>>) src(%arg13 : memref<128x128xf32, #tpu.memory_space<vmem>>) dst(%dma_wait3A_350 : memref<10240x128xf32, #tpu.memory_space<vmem_shared>>)
          tpu.yield
        }) : () -> ()
        %scan3A_337 = arith.constant 0 : i32
        scf.yield %scan3A_337 : i32
      }
      %scan3A_168 = arith.constant 7 : i32
      %dma_wait3A_169 = arith.constant 0 : i32
      %dma_wait3A_170 = arith.constant 0 : i32
      %dma_wait3A_171 = tpu.memref_slice %arg5[%dma_wait3A_169, %dma_wait3A_170] : memref<10240x128xf32, #tpu.memory_space<hbm>> -> memref<128x128xf32, #tpu.memory_space<hbm>>
      %dma_wait3A_172 = arith.constant 0 : i32
      %dma_wait3A_173 = arith.constant 0 : i32
      %dma_wait3A_174 = tpu.memref_slice %arg5[%dma_wait3A_172, %dma_wait3A_173] : memref<10240x128xf32, #tpu.memory_space<hbm>> -> memref<128x128xf32, #tpu.memory_space<hbm>>
      tpu.wait_dma2 semaphore(%arg14 : memref<!tpu.dma_semaphore, #tpu.memory_space<semaphore_mem>>) src(%dma_wait3A_174 : memref<128x128xf32, #tpu.memory_space<hbm>>) dst(%arg12 : memref<128x128xf32, #tpu.memory_space<vmem>>)
      %dma_start3A_175 = arith.constant 15 : i32
      %dma_start3A_176 = arith.constant 0 : i32
      %dma_start3A_177 = tpu.memref_slice %arg8[%dma_start3A_175, %dma_start3A_176] : memref<16x128xi32, #tpu.memory_space<vmem>> -> memref<1x128xi32, #tpu.memory_space<vmem>>
      %dma_start3A_178 = tpu.memref_squeeze %dma_start3A_177 : memref<1x128xi32, #tpu.memory_space<vmem>> -> memref<128xi32, #tpu.memory_space<vmem>>
      %dma_start3A_179 = arith.constant 0 : i32
      %dma_start3A_180 = arith.constant 0 : i32
      %dma_start3A_181 = tpu.memref_slice %arg5[%dma_start3A_179, %dma_start3A_180] : memref<10240x128xf32, #tpu.memory_space<hbm>> -> memref<10240x128xf32, #tpu.memory_space<hbm>>
      tpu.enqueue_indirect_dma source(%dma_start3A_181 : memref<10240x128xf32, #tpu.memory_space<hbm>>) target(%arg13 : memref<128x128xf32, #tpu.memory_space<vmem>>) offsets(%dma_start3A_178 : memref<128xi32, #tpu.memory_space<vmem>>) semaphore(%arg15 : memref<!tpu.dma_semaphore, #tpu.memory_space<semaphore_mem>>)
      %run_scoped3A_182 = arith.constant 14 : i32
      "tpu.region"() ({
        %run_scoped3A_299 = tpu.sem_alloc : memref<!tpu.dma_semaphore, #tpu.memory_space<semaphore_mem>>
        %dma_start3A_300 = arith.constant 0 : i32
        %dma_start3A_301 = tpu.memref_slice %arg9[%run_scoped3A_182, %dma_start3A_300] : memref<16x128xi32, #tpu.memory_space<vmem>> -> memref<1x128xi32, #tpu.memory_space<vmem>>
        %dma_start3A_302 = tpu.memref_squeeze %dma_start3A_301 : memref<1x128xi32, #tpu.memory_space<vmem>> -> memref<128xi32, #tpu.memory_space<vmem>>
        %dma_start3A_303 = arith.constant 0 : i32
        %dma_start3A_304 = arith.constant 0 : i32
        %dma_start3A_305 = tpu.memref_slice %arg17[%dma_start3A_303, %dma_start3A_304] : memref<10240x128xf32, #tpu.memory_space<vmem_shared>> -> memref<10240x128xf32, #tpu.memory_space<vmem_shared>>
        tpu.enqueue_indirect_dma source(%arg12 : memref<128x128xf32, #tpu.memory_space<vmem>>) target(%dma_start3A_305 : memref<10240x128xf32, #tpu.memory_space<vmem_shared>>) offsets(%dma_start3A_302 : memref<128xi32, #tpu.memory_space<vmem>>) semaphore(%run_scoped3A_299 : memref<!tpu.dma_semaphore, #tpu.memory_space<semaphore_mem>>) {add = true}
        %dma_wait3A_306 = arith.constant 0 : i32
        %dma_wait3A_307 = tpu.memref_slice %arg9[%run_scoped3A_182, %dma_wait3A_306] : memref<16x128xi32, #tpu.memory_space<vmem>> -> memref<1x128xi32, #tpu.memory_space<vmem>>
        %dma_wait3A_308 = tpu.memref_squeeze %dma_wait3A_307 : memref<1x128xi32, #tpu.memory_space<vmem>> -> memref<128xi32, #tpu.memory_space<vmem>>
        %dma_wait3A_309 = arith.constant 0 : i32
        %dma_wait3A_310 = arith.constant 0 : i32
        %dma_wait3A_311 = tpu.memref_slice %arg17[%dma_wait3A_309, %dma_wait3A_310] : memref<10240x128xf32, #tpu.memory_space<vmem_shared>> -> memref<10240x128xf32, #tpu.memory_space<vmem_shared>>
        tpu.wait_indirect_dma semaphore(%run_scoped3A_299 : memref<!tpu.dma_semaphore, #tpu.memory_space<semaphore_mem>>) src(%arg12 : memref<128x128xf32, #tpu.memory_space<vmem>>) dst(%dma_wait3A_311 : memref<10240x128xf32, #tpu.memory_space<vmem_shared>>)
        tpu.yield
      }) : () -> ()
      %dma_wait3A_183 = arith.constant 0 : i32
      %dma_wait3A_184 = arith.constant 0 : i32
      %dma_wait3A_185 = tpu.memref_slice %arg5[%dma_wait3A_183, %dma_wait3A_184] : memref<10240x128xf32, #tpu.memory_space<hbm>> -> memref<128x128xf32, #tpu.memory_space<hbm>>
      %dma_wait3A_186 = arith.constant 0 : i32
      %dma_wait3A_187 = arith.constant 0 : i32
      %dma_wait3A_188 = tpu.memref_slice %arg5[%dma_wait3A_186, %dma_wait3A_187] : memref<10240x128xf32, #tpu.memory_space<hbm>> -> memref<128x128xf32, #tpu.memory_space<hbm>>
      tpu.wait_dma2 semaphore(%arg15 : memref<!tpu.dma_semaphore, #tpu.memory_space<semaphore_mem>>) src(%dma_wait3A_188 : memref<128x128xf32, #tpu.memory_space<hbm>>) dst(%arg13 : memref<128x128xf32, #tpu.memory_space<vmem>>)
      %dma_wait3A_189 = arith.constant 0 : i32
      %dma_wait3A_190 = arith.constant 0 : i32
      %dma_wait3A_191 = tpu.memref_slice %arg2[%dma_wait3A_189, %dma_wait3A_190] : memref<1280x128xi32, #tpu.memory_space<hbm>> -> memref<16x128xi32, #tpu.memory_space<hbm>>
      %dma_wait3A_192 = arith.constant 0 : i32
      %dma_wait3A_193 = arith.constant 0 : i32
      %dma_wait3A_194 = tpu.memref_slice %arg2[%dma_wait3A_192, %dma_wait3A_193] : memref<1280x128xi32, #tpu.memory_space<hbm>> -> memref<16x128xi32, #tpu.memory_space<hbm>>
      tpu.wait_dma2 semaphore(%arg16 : memref<!tpu.dma_semaphore, #tpu.memory_space<semaphore_mem>>) src(%dma_wait3A_194 : memref<16x128xi32, #tpu.memory_space<hbm>>) dst(%arg10 : memref<16x128xi32, #tpu.memory_space<vmem>>)
      %dma_wait3A_195 = arith.constant 0 : i32
      %dma_wait3A_196 = arith.constant 0 : i32
      %dma_wait3A_197 = tpu.memref_slice %arg2[%dma_wait3A_195, %dma_wait3A_196] : memref<1280x128xi32, #tpu.memory_space<hbm>> -> memref<16x128xi32, #tpu.memory_space<hbm>>
      %dma_wait3A_198 = arith.constant 0 : i32
      %dma_wait3A_199 = arith.constant 0 : i32
      %dma_wait3A_200 = tpu.memref_slice %arg2[%dma_wait3A_198, %dma_wait3A_199] : memref<1280x128xi32, #tpu.memory_space<hbm>> -> memref<16x128xi32, #tpu.memory_space<hbm>>
      tpu.wait_dma2 semaphore(%arg16 : memref<!tpu.dma_semaphore, #tpu.memory_space<semaphore_mem>>) src(%dma_wait3A_200 : memref<16x128xi32, #tpu.memory_space<hbm>>) dst(%arg11 : memref<16x128xi32, #tpu.memory_space<vmem>>)
      %dma_start3A_201 = arith.constant 0 : i32
      %dma_start3A_202 = arith.constant 0 : i32
      %dma_start3A_203 = tpu.memref_slice %arg10[%dma_start3A_201, %dma_start3A_202] : memref<16x128xi32, #tpu.memory_space<vmem>> -> memref<1x128xi32, #tpu.memory_space<vmem>>
      %dma_start3A_204 = tpu.memref_squeeze %dma_start3A_203 : memref<1x128xi32, #tpu.memory_space<vmem>> -> memref<128xi32, #tpu.memory_space<vmem>>
      %dma_start3A_205 = arith.constant 0 : i32
      %dma_start3A_206 = arith.constant 0 : i32
      %dma_start3A_207 = tpu.memref_slice %arg5[%dma_start3A_205, %dma_start3A_206] : memref<10240x128xf32, #tpu.memory_space<hbm>> -> memref<10240x128xf32, #tpu.memory_space<hbm>>
      tpu.enqueue_indirect_dma source(%dma_start3A_207 : memref<10240x128xf32, #tpu.memory_space<hbm>>) target(%arg12 : memref<128x128xf32, #tpu.memory_space<vmem>>) offsets(%dma_start3A_204 : memref<128xi32, #tpu.memory_space<vmem>>) semaphore(%arg14 : memref<!tpu.dma_semaphore, #tpu.memory_space<semaphore_mem>>)
      %run_scoped3A_208 = arith.constant 15 : i32
      "tpu.region"() ({
        %run_scoped3A_299 = tpu.sem_alloc : memref<!tpu.dma_semaphore, #tpu.memory_space<semaphore_mem>>
        %dma_start3A_300 = arith.constant 0 : i32
        %dma_start3A_301 = tpu.memref_slice %arg9[%run_scoped3A_208, %dma_start3A_300] : memref<16x128xi32, #tpu.memory_space<vmem>> -> memref<1x128xi32, #tpu.memory_space<vmem>>
        %dma_start3A_302 = tpu.memref_squeeze %dma_start3A_301 : memref<1x128xi32, #tpu.memory_space<vmem>> -> memref<128xi32, #tpu.memory_space<vmem>>
        %dma_start3A_303 = arith.constant 0 : i32
        %dma_start3A_304 = arith.constant 0 : i32
        %dma_start3A_305 = tpu.memref_slice %arg17[%dma_start3A_303, %dma_start3A_304] : memref<10240x128xf32, #tpu.memory_space<vmem_shared>> -> memref<10240x128xf32, #tpu.memory_space<vmem_shared>>
        tpu.enqueue_indirect_dma source(%arg13 : memref<128x128xf32, #tpu.memory_space<vmem>>) target(%dma_start3A_305 : memref<10240x128xf32, #tpu.memory_space<vmem_shared>>) offsets(%dma_start3A_302 : memref<128xi32, #tpu.memory_space<vmem>>) semaphore(%run_scoped3A_299 : memref<!tpu.dma_semaphore, #tpu.memory_space<semaphore_mem>>) {add = true}
        %dma_wait3A_306 = arith.constant 0 : i32
        %dma_wait3A_307 = tpu.memref_slice %arg9[%run_scoped3A_208, %dma_wait3A_306] : memref<16x128xi32, #tpu.memory_space<vmem>> -> memref<1x128xi32, #tpu.memory_space<vmem>>
        %dma_wait3A_308 = tpu.memref_squeeze %dma_wait3A_307 : memref<1x128xi32, #tpu.memory_space<vmem>> -> memref<128xi32, #tpu.memory_space<vmem>>
        %dma_wait3A_309 = arith.constant 0 : i32
        %dma_wait3A_310 = arith.constant 0 : i32
        %dma_wait3A_311 = tpu.memref_slice %arg17[%dma_wait3A_309, %dma_wait3A_310] : memref<10240x128xf32, #tpu.memory_space<vmem_shared>> -> memref<10240x128xf32, #tpu.memory_space<vmem_shared>>
        tpu.wait_indirect_dma semaphore(%run_scoped3A_299 : memref<!tpu.dma_semaphore, #tpu.memory_space<semaphore_mem>>) src(%arg13 : memref<128x128xf32, #tpu.memory_space<vmem>>) dst(%dma_wait3A_311 : memref<10240x128xf32, #tpu.memory_space<vmem_shared>>)
        tpu.yield
      }) : () -> ()
      %add3A_209 = arith.constant 64 : i32
      %add3A_210 = arith.addi %mul3A_33, %add3A_209 : i32
      %dma_start3A_211 = arith.constant 0 : i32
      %dma_start3A_212 = tpu.memref_slice %arg2[%add3A_210, %dma_start3A_211] : memref<1280x128xi32, #tpu.memory_space<hbm>> -> memref<16x128xi32, #tpu.memory_space<hbm>>
      %dma_start3A_213 = arith.constant 0 : i32
      %dma_start3A_214 = tpu.memref_slice %arg2[%add3A_210, %dma_start3A_213] : memref<1280x128xi32, #tpu.memory_space<hbm>> -> memref<16x128xi32, #tpu.memory_space<hbm>>
      tpu.enqueue_dma source(%dma_start3A_214 : memref<16x128xi32, #tpu.memory_space<hbm>>) target(%arg8 : memref<16x128xi32, #tpu.memory_space<vmem>>) target_semaphore(%arg16 : memref<!tpu.dma_semaphore, #tpu.memory_space<semaphore_mem>>)
      %dma_start3A_215 = arith.constant 0 : i32
      %dma_start3A_216 = tpu.memref_slice %arg3[%add3A_210, %dma_start3A_215] : memref<1280x128xi32, #tpu.memory_space<hbm>> -> memref<16x128xi32, #tpu.memory_space<hbm>>
      %dma_start3A_217 = arith.constant 0 : i32
      %dma_start3A_218 = tpu.memref_slice %arg3[%add3A_210, %dma_start3A_217] : memref<1280x128xi32, #tpu.memory_space<hbm>> -> memref<16x128xi32, #tpu.memory_space<hbm>>
      tpu.enqueue_dma source(%dma_start3A_218 : memref<16x128xi32, #tpu.memory_space<hbm>>) target(%arg9 : memref<16x128xi32, #tpu.memory_space<vmem>>) target_semaphore(%arg16 : memref<!tpu.dma_semaphore, #tpu.memory_space<semaphore_mem>>)
      %scan3A_219 = arith.constant 0 : i32
      %scan3A_220 = arith.constant 0 : i32
      %scan3A_221 = arith.constant 7 : i32
      %scan3A_222 = arith.addi %scan3A_220, %scan3A_221 : i32
      %scan3A_223 = arith.constant 1 : i32
      %scan3A_224 = scf.for %scan3A_299 = %scan3A_220 to %scan3A_222 step %scan3A_223 iter_args(%scan3A_300 = %scan3A_219) -> (i32)  : i32 {
        %mul3A_301 = arith.constant 2 : i32
        %mul3A_302 = arith.muli %scan3A_299, %mul3A_301 : i32
        %add3A_303 = arith.constant 0 : i32
        %add3A_304 = arith.addi %mul3A_302, %add3A_303 : i32
        %dma_wait3A_305 = arith.constant 0 : i32
        %dma_wait3A_306 = arith.constant 0 : i32
        %dma_wait3A_307 = tpu.memref_slice %arg5[%dma_wait3A_305, %dma_wait3A_306] : memref<10240x128xf32, #tpu.memory_space<hbm>> -> memref<128x128xf32, #tpu.memory_space<hbm>>
        %dma_wait3A_308 = arith.constant 0 : i32
        %dma_wait3A_309 = arith.constant 0 : i32
        %dma_wait3A_310 = tpu.memref_slice %arg5[%dma_wait3A_308, %dma_wait3A_309] : memref<10240x128xf32, #tpu.memory_space<hbm>> -> memref<128x128xf32, #tpu.memory_space<hbm>>
        tpu.wait_dma2 semaphore(%arg14 : memref<!tpu.dma_semaphore, #tpu.memory_space<semaphore_mem>>) src(%dma_wait3A_310 : memref<128x128xf32, #tpu.memory_space<hbm>>) dst(%arg12 : memref<128x128xf32, #tpu.memory_space<vmem>>)
        %add3A_311 = arith.constant 1 : i32
        %add3A_312 = arith.addi %add3A_304, %add3A_311 : i32
        %dma_start3A_313 = arith.constant 0 : i32
        %dma_start3A_314 = tpu.memref_slice %arg10[%add3A_312, %dma_start3A_313] : memref<16x128xi32, #tpu.memory_space<vmem>> -> memref<1x128xi32, #tpu.memory_space<vmem>>
        %dma_start3A_315 = tpu.memref_squeeze %dma_start3A_314 : memref<1x128xi32, #tpu.memory_space<vmem>> -> memref<128xi32, #tpu.memory_space<vmem>>
        %dma_start3A_316 = arith.constant 0 : i32
        %dma_start3A_317 = arith.constant 0 : i32
        %dma_start3A_318 = tpu.memref_slice %arg5[%dma_start3A_316, %dma_start3A_317] : memref<10240x128xf32, #tpu.memory_space<hbm>> -> memref<10240x128xf32, #tpu.memory_space<hbm>>
        tpu.enqueue_indirect_dma source(%dma_start3A_318 : memref<10240x128xf32, #tpu.memory_space<hbm>>) target(%arg13 : memref<128x128xf32, #tpu.memory_space<vmem>>) offsets(%dma_start3A_315 : memref<128xi32, #tpu.memory_space<vmem>>) semaphore(%arg15 : memref<!tpu.dma_semaphore, #tpu.memory_space<semaphore_mem>>)
        "tpu.region"() ({
          %run_scoped3A_338 = tpu.sem_alloc : memref<!tpu.dma_semaphore, #tpu.memory_space<semaphore_mem>>
          %dma_start3A_339 = arith.constant 0 : i32
          %dma_start3A_340 = tpu.memref_slice %arg11[%add3A_304, %dma_start3A_339] : memref<16x128xi32, #tpu.memory_space<vmem>> -> memref<1x128xi32, #tpu.memory_space<vmem>>
          %dma_start3A_341 = tpu.memref_squeeze %dma_start3A_340 : memref<1x128xi32, #tpu.memory_space<vmem>> -> memref<128xi32, #tpu.memory_space<vmem>>
          %dma_start3A_342 = arith.constant 0 : i32
          %dma_start3A_343 = arith.constant 0 : i32
          %dma_start3A_344 = tpu.memref_slice %arg17[%dma_start3A_342, %dma_start3A_343] : memref<10240x128xf32, #tpu.memory_space<vmem_shared>> -> memref<10240x128xf32, #tpu.memory_space<vmem_shared>>
          tpu.enqueue_indirect_dma source(%arg12 : memref<128x128xf32, #tpu.memory_space<vmem>>) target(%dma_start3A_344 : memref<10240x128xf32, #tpu.memory_space<vmem_shared>>) offsets(%dma_start3A_341 : memref<128xi32, #tpu.memory_space<vmem>>) semaphore(%run_scoped3A_338 : memref<!tpu.dma_semaphore, #tpu.memory_space<semaphore_mem>>) {add = true}
          %dma_wait3A_345 = arith.constant 0 : i32
          %dma_wait3A_346 = tpu.memref_slice %arg11[%add3A_304, %dma_wait3A_345] : memref<16x128xi32, #tpu.memory_space<vmem>> -> memref<1x128xi32, #tpu.memory_space<vmem>>
          %dma_wait3A_347 = tpu.memref_squeeze %dma_wait3A_346 : memref<1x128xi32, #tpu.memory_space<vmem>> -> memref<128xi32, #tpu.memory_space<vmem>>
          %dma_wait3A_348 = arith.constant 0 : i32
          %dma_wait3A_349 = arith.constant 0 : i32
          %dma_wait3A_350 = tpu.memref_slice %arg17[%dma_wait3A_348, %dma_wait3A_349] : memref<10240x128xf32, #tpu.memory_space<vmem_shared>> -> memref<10240x128xf32, #tpu.memory_space<vmem_shared>>
          tpu.wait_indirect_dma semaphore(%run_scoped3A_338 : memref<!tpu.dma_semaphore, #tpu.memory_space<semaphore_mem>>) src(%arg12 : memref<128x128xf32, #tpu.memory_space<vmem>>) dst(%dma_wait3A_350 : memref<10240x128xf32, #tpu.memory_space<vmem_shared>>)
          tpu.yield
        }) : () -> ()
        %mul3A_319 = arith.constant 2 : i32
        %mul3A_320 = arith.muli %scan3A_299, %mul3A_319 : i32
        %add3A_321 = arith.constant 1 : i32
        %add3A_322 = arith.addi %mul3A_320, %add3A_321 : i32
        %dma_wait3A_323 = arith.constant 0 : i32
        %dma_wait3A_324 = arith.constant 0 : i32
        %dma_wait3A_325 = tpu.memref_slice %arg5[%dma_wait3A_323, %dma_wait3A_324] : memref<10240x128xf32, #tpu.memory_space<hbm>> -> memref<128x128xf32, #tpu.memory_space<hbm>>
        %dma_wait3A_326 = arith.constant 0 : i32
        %dma_wait3A_327 = arith.constant 0 : i32
        %dma_wait3A_328 = tpu.memref_slice %arg5[%dma_wait3A_326, %dma_wait3A_327] : memref<10240x128xf32, #tpu.memory_space<hbm>> -> memref<128x128xf32, #tpu.memory_space<hbm>>
        tpu.wait_dma2 semaphore(%arg15 : memref<!tpu.dma_semaphore, #tpu.memory_space<semaphore_mem>>) src(%dma_wait3A_328 : memref<128x128xf32, #tpu.memory_space<hbm>>) dst(%arg13 : memref<128x128xf32, #tpu.memory_space<vmem>>)
        %add3A_329 = arith.constant 1 : i32
        %add3A_330 = arith.addi %add3A_322, %add3A_329 : i32
        %dma_start3A_331 = arith.constant 0 : i32
        %dma_start3A_332 = tpu.memref_slice %arg10[%add3A_330, %dma_start3A_331] : memref<16x128xi32, #tpu.memory_space<vmem>> -> memref<1x128xi32, #tpu.memory_space<vmem>>
        %dma_start3A_333 = tpu.memref_squeeze %dma_start3A_332 : memref<1x128xi32, #tpu.memory_space<vmem>> -> memref<128xi32, #tpu.memory_space<vmem>>
        %dma_start3A_334 = arith.constant 0 : i32
        %dma_start3A_335 = arith.constant 0 : i32
        %dma_start3A_336 = tpu.memref_slice %arg5[%dma_start3A_334, %dma_start3A_335] : memref<10240x128xf32, #tpu.memory_space<hbm>> -> memref<10240x128xf32, #tpu.memory_space<hbm>>
        tpu.enqueue_indirect_dma source(%dma_start3A_336 : memref<10240x128xf32, #tpu.memory_space<hbm>>) target(%arg12 : memref<128x128xf32, #tpu.memory_space<vmem>>) offsets(%dma_start3A_333 : memref<128xi32, #tpu.memory_space<vmem>>) semaphore(%arg14 : memref<!tpu.dma_semaphore, #tpu.memory_space<semaphore_mem>>)
        "tpu.region"() ({
          %run_scoped3A_338 = tpu.sem_alloc : memref<!tpu.dma_semaphore, #tpu.memory_space<semaphore_mem>>
          %dma_start3A_339 = arith.constant 0 : i32
          %dma_start3A_340 = tpu.memref_slice %arg11[%add3A_322, %dma_start3A_339] : memref<16x128xi32, #tpu.memory_space<vmem>> -> memref<1x128xi32, #tpu.memory_space<vmem>>
          %dma_start3A_341 = tpu.memref_squeeze %dma_start3A_340 : memref<1x128xi32, #tpu.memory_space<vmem>> -> memref<128xi32, #tpu.memory_space<vmem>>
          %dma_start3A_342 = arith.constant 0 : i32
          %dma_start3A_343 = arith.constant 0 : i32
          %dma_start3A_344 = tpu.memref_slice %arg17[%dma_start3A_342, %dma_start3A_343] : memref<10240x128xf32, #tpu.memory_space<vmem_shared>> -> memref<10240x128xf32, #tpu.memory_space<vmem_shared>>
          tpu.enqueue_indirect_dma source(%arg13 : memref<128x128xf32, #tpu.memory_space<vmem>>) target(%dma_start3A_344 : memref<10240x128xf32, #tpu.memory_space<vmem_shared>>) offsets(%dma_start3A_341 : memref<128xi32, #tpu.memory_space<vmem>>) semaphore(%run_scoped3A_338 : memref<!tpu.dma_semaphore, #tpu.memory_space<semaphore_mem>>) {add = true}
          %dma_wait3A_345 = arith.constant 0 : i32
          %dma_wait3A_346 = tpu.memref_slice %arg11[%add3A_322, %dma_wait3A_345] : memref<16x128xi32, #tpu.memory_space<vmem>> -> memref<1x128xi32, #tpu.memory_space<vmem>>
          %dma_wait3A_347 = tpu.memref_squeeze %dma_wait3A_346 : memref<1x128xi32, #tpu.memory_space<vmem>> -> memref<128xi32, #tpu.memory_space<vmem>>
          %dma_wait3A_348 = arith.constant 0 : i32
          %dma_wait3A_349 = arith.constant 0 : i32
          %dma_wait3A_350 = tpu.memref_slice %arg17[%dma_wait3A_348, %dma_wait3A_349] : memref<10240x128xf32, #tpu.memory_space<vmem_shared>> -> memref<10240x128xf32, #tpu.memory_space<vmem_shared>>
          tpu.wait_indirect_dma semaphore(%run_scoped3A_338 : memref<!tpu.dma_semaphore, #tpu.memory_space<semaphore_mem>>) src(%arg13 : memref<128x128xf32, #tpu.memory_space<vmem>>) dst(%dma_wait3A_350 : memref<10240x128xf32, #tpu.memory_space<vmem_shared>>)
          tpu.yield
        }) : () -> ()
        %scan3A_337 = arith.constant 0 : i32
        scf.yield %scan3A_337 : i32
      }
      %scan3A_225 = arith.constant 7 : i32
      %dma_wait3A_226 = arith.constant 0 : i32
      %dma_wait3A_227 = arith.constant 0 : i32
      %dma_wait3A_228 = tpu.memref_slice %arg5[%dma_wait3A_226, %dma_wait3A_227] : memref<10240x128xf32, #tpu.memory_space<hbm>> -> memref<128x128xf32, #tpu.memory_space<hbm>>
      %dma_wait3A_229 = arith.constant 0 : i32
      %dma_wait3A_230 = arith.constant 0 : i32
      %dma_wait3A_231 = tpu.memref_slice %arg5[%dma_wait3A_229, %dma_wait3A_230] : memref<10240x128xf32, #tpu.memory_space<hbm>> -> memref<128x128xf32, #tpu.memory_space<hbm>>
      tpu.wait_dma2 semaphore(%arg14 : memref<!tpu.dma_semaphore, #tpu.memory_space<semaphore_mem>>) src(%dma_wait3A_231 : memref<128x128xf32, #tpu.memory_space<hbm>>) dst(%arg12 : memref<128x128xf32, #tpu.memory_space<vmem>>)
      %dma_start3A_232 = arith.constant 15 : i32
      %dma_start3A_233 = arith.constant 0 : i32
      %dma_start3A_234 = tpu.memref_slice %arg10[%dma_start3A_232, %dma_start3A_233] : memref<16x128xi32, #tpu.memory_space<vmem>> -> memref<1x128xi32, #tpu.memory_space<vmem>>
      %dma_start3A_235 = tpu.memref_squeeze %dma_start3A_234 : memref<1x128xi32, #tpu.memory_space<vmem>> -> memref<128xi32, #tpu.memory_space<vmem>>
      %dma_start3A_236 = arith.constant 0 : i32
      %dma_start3A_237 = arith.constant 0 : i32
      %dma_start3A_238 = tpu.memref_slice %arg5[%dma_start3A_236, %dma_start3A_237] : memref<10240x128xf32, #tpu.memory_space<hbm>> -> memref<10240x128xf32, #tpu.memory_space<hbm>>
      tpu.enqueue_indirect_dma source(%dma_start3A_238 : memref<10240x128xf32, #tpu.memory_space<hbm>>) target(%arg13 : memref<128x128xf32, #tpu.memory_space<vmem>>) offsets(%dma_start3A_235 : memref<128xi32, #tpu.memory_space<vmem>>) semaphore(%arg15 : memref<!tpu.dma_semaphore, #tpu.memory_space<semaphore_mem>>)
      %run_scoped3A_239 = arith.constant 14 : i32
      "tpu.region"() ({
        %run_scoped3A_299 = tpu.sem_alloc : memref<!tpu.dma_semaphore, #tpu.memory_space<semaphore_mem>>
        %dma_start3A_300 = arith.constant 0 : i32
        %dma_start3A_301 = tpu.memref_slice %arg11[%run_scoped3A_239, %dma_start3A_300] : memref<16x128xi32, #tpu.memory_space<vmem>> -> memref<1x128xi32, #tpu.memory_space<vmem>>
        %dma_start3A_302 = tpu.memref_squeeze %dma_start3A_301 : memref<1x128xi32, #tpu.memory_space<vmem>> -> memref<128xi32, #tpu.memory_space<vmem>>
        %dma_start3A_303 = arith.constant 0 : i32
        %dma_start3A_304 = arith.constant 0 : i32
        %dma_start3A_305 = tpu.memref_slice %arg17[%dma_start3A_303, %dma_start3A_304] : memref<10240x128xf32, #tpu.memory_space<vmem_shared>> -> memref<10240x128xf32, #tpu.memory_space<vmem_shared>>
        tpu.enqueue_indirect_dma source(%arg12 : memref<128x128xf32, #tpu.memory_space<vmem>>) target(%dma_start3A_305 : memref<10240x128xf32, #tpu.memory_space<vmem_shared>>) offsets(%dma_start3A_302 : memref<128xi32, #tpu.memory_space<vmem>>) semaphore(%run_scoped3A_299 : memref<!tpu.dma_semaphore, #tpu.memory_space<semaphore_mem>>) {add = true}
        %dma_wait3A_306 = arith.constant 0 : i32
        %dma_wait3A_307 = tpu.memref_slice %arg11[%run_scoped3A_239, %dma_wait3A_306] : memref<16x128xi32, #tpu.memory_space<vmem>> -> memref<1x128xi32, #tpu.memory_space<vmem>>
        %dma_wait3A_308 = tpu.memref_squeeze %dma_wait3A_307 : memref<1x128xi32, #tpu.memory_space<vmem>> -> memref<128xi32, #tpu.memory_space<vmem>>
        %dma_wait3A_309 = arith.constant 0 : i32
        %dma_wait3A_310 = arith.constant 0 : i32
        %dma_wait3A_311 = tpu.memref_slice %arg17[%dma_wait3A_309, %dma_wait3A_310] : memref<10240x128xf32, #tpu.memory_space<vmem_shared>> -> memref<10240x128xf32, #tpu.memory_space<vmem_shared>>
        tpu.wait_indirect_dma semaphore(%run_scoped3A_299 : memref<!tpu.dma_semaphore, #tpu.memory_space<semaphore_mem>>) src(%arg12 : memref<128x128xf32, #tpu.memory_space<vmem>>) dst(%dma_wait3A_311 : memref<10240x128xf32, #tpu.memory_space<vmem_shared>>)
        tpu.yield
      }) : () -> ()
      %dma_wait3A_240 = arith.constant 0 : i32
      %dma_wait3A_241 = arith.constant 0 : i32
      %dma_wait3A_242 = tpu.memref_slice %arg5[%dma_wait3A_240, %dma_wait3A_241] : memref<10240x128xf32, #tpu.memory_space<hbm>> -> memref<128x128xf32, #tpu.memory_space<hbm>>
      %dma_wait3A_243 = arith.constant 0 : i32
      %dma_wait3A_244 = arith.constant 0 : i32
      %dma_wait3A_245 = tpu.memref_slice %arg5[%dma_wait3A_243, %dma_wait3A_244] : memref<10240x128xf32, #tpu.memory_space<hbm>> -> memref<128x128xf32, #tpu.memory_space<hbm>>
      tpu.wait_dma2 semaphore(%arg15 : memref<!tpu.dma_semaphore, #tpu.memory_space<semaphore_mem>>) src(%dma_wait3A_245 : memref<128x128xf32, #tpu.memory_space<hbm>>) dst(%arg13 : memref<128x128xf32, #tpu.memory_space<vmem>>)
      %dma_wait3A_246 = arith.constant 0 : i32
      %dma_wait3A_247 = arith.constant 0 : i32
      %dma_wait3A_248 = tpu.memref_slice %arg2[%dma_wait3A_246, %dma_wait3A_247] : memref<1280x128xi32, #tpu.memory_space<hbm>> -> memref<16x128xi32, #tpu.memory_space<hbm>>
      %dma_wait3A_249 = arith.constant 0 : i32
      %dma_wait3A_250 = arith.constant 0 : i32
      %dma_wait3A_251 = tpu.memref_slice %arg2[%dma_wait3A_249, %dma_wait3A_250] : memref<1280x128xi32, #tpu.memory_space<hbm>> -> memref<16x128xi32, #tpu.memory_space<hbm>>
      tpu.wait_dma2 semaphore(%arg16 : memref<!tpu.dma_semaphore, #tpu.memory_space<semaphore_mem>>) src(%dma_wait3A_251 : memref<16x128xi32, #tpu.memory_space<hbm>>) dst(%arg8 : memref<16x128xi32, #tpu.memory_space<vmem>>)
      %dma_wait3A_252 = arith.constant 0 : i32
      %dma_wait3A_253 = arith.constant 0 : i32
      %dma_wait3A_254 = tpu.memref_slice %arg2[%dma_wait3A_252, %dma_wait3A_253] : memref<1280x128xi32, #tpu.memory_space<hbm>> -> memref<16x128xi32, #tpu.memory_space<hbm>>
      %dma_wait3A_255 = arith.constant 0 : i32
      %dma_wait3A_256 = arith.constant 0 : i32
      %dma_wait3A_257 = tpu.memref_slice %arg2[%dma_wait3A_255, %dma_wait3A_256] : memref<1280x128xi32, #tpu.memory_space<hbm>> -> memref<16x128xi32, #tpu.memory_space<hbm>>
      tpu.wait_dma2 semaphore(%arg16 : memref<!tpu.dma_semaphore, #tpu.memory_space<semaphore_mem>>) src(%dma_wait3A_257 : memref<16x128xi32, #tpu.memory_space<hbm>>) dst(%arg9 : memref<16x128xi32, #tpu.memory_space<vmem>>)
      %dma_start3A_258 = arith.constant 0 : i32
      %dma_start3A_259 = arith.constant 0 : i32
      %dma_start3A_260 = tpu.memref_slice %arg8[%dma_start3A_258, %dma_start3A_259] : memref<16x128xi32, #tpu.memory_space<vmem>> -> memref<1x128xi32, #tpu.memory_space<vmem>>
      %dma_start3A_261 = tpu.memref_squeeze %dma_start3A_260 : memref<1x128xi32, #tpu.memory_space<vmem>> -> memref<128xi32, #tpu.memory_space<vmem>>
      %dma_start3A_262 = arith.constant 0 : i32
      %dma_start3A_263 = arith.constant 0 : i32
      %dma_start3A_264 = tpu.memref_slice %arg5[%dma_start3A_262, %dma_start3A_263] : memref<10240x128xf32, #tpu.memory_space<hbm>> -> memref<10240x128xf32, #tpu.memory_space<hbm>>
      tpu.enqueue_indirect_dma source(%dma_start3A_264 : memref<10240x128xf32, #tpu.memory_space<hbm>>) target(%arg12 : memref<128x128xf32, #tpu.memory_space<vmem>>) offsets(%dma_start3A_261 : memref<128xi32, #tpu.memory_space<vmem>>) semaphore(%arg14 : memref<!tpu.dma_semaphore, #tpu.memory_space<semaphore_mem>>)
      %run_scoped3A_265 = arith.constant 15 : i32
      "tpu.region"() ({
        %run_scoped3A_299 = tpu.sem_alloc : memref<!tpu.dma_semaphore, #tpu.memory_space<semaphore_mem>>
        %dma_start3A_300 = arith.constant 0 : i32
        %dma_start3A_301 = tpu.memref_slice %arg11[%run_scoped3A_265, %dma_start3A_300] : memref<16x128xi32, #tpu.memory_space<vmem>> -> memref<1x128xi32, #tpu.memory_space<vmem>>
        %dma_start3A_302 = tpu.memref_squeeze %dma_start3A_301 : memref<1x128xi32, #tpu.memory_space<vmem>> -> memref<128xi32, #tpu.memory_space<vmem>>
        %dma_start3A_303 = arith.constant 0 : i32
        %dma_start3A_304 = arith.constant 0 : i32
        %dma_start3A_305 = tpu.memref_slice %arg17[%dma_start3A_303, %dma_start3A_304] : memref<10240x128xf32, #tpu.memory_space<vmem_shared>> -> memref<10240x128xf32, #tpu.memory_space<vmem_shared>>
        tpu.enqueue_indirect_dma source(%arg13 : memref<128x128xf32, #tpu.memory_space<vmem>>) target(%dma_start3A_305 : memref<10240x128xf32, #tpu.memory_space<vmem_shared>>) offsets(%dma_start3A_302 : memref<128xi32, #tpu.memory_space<vmem>>) semaphore(%run_scoped3A_299 : memref<!tpu.dma_semaphore, #tpu.memory_space<semaphore_mem>>) {add = true}
        %dma_wait3A_306 = arith.constant 0 : i32
        %dma_wait3A_307 = tpu.memref_slice %arg11[%run_scoped3A_265, %dma_wait3A_306] : memref<16x128xi32, #tpu.memory_space<vmem>> -> memref<1x128xi32, #tpu.memory_space<vmem>>
        %dma_wait3A_308 = tpu.memref_squeeze %dma_wait3A_307 : memref<1x128xi32, #tpu.memory_space<vmem>> -> memref<128xi32, #tpu.memory_space<vmem>>
        %dma_wait3A_309 = arith.constant 0 : i32
        %dma_wait3A_310 = arith.constant 0 : i32
        %dma_wait3A_311 = tpu.memref_slice %arg17[%dma_wait3A_309, %dma_wait3A_310] : memref<10240x128xf32, #tpu.memory_space<vmem_shared>> -> memref<10240x128xf32, #tpu.memory_space<vmem_shared>>
        tpu.wait_indirect_dma semaphore(%run_scoped3A_299 : memref<!tpu.dma_semaphore, #tpu.memory_space<semaphore_mem>>) src(%arg13 : memref<128x128xf32, #tpu.memory_space<vmem>>) dst(%dma_wait3A_311 : memref<10240x128xf32, #tpu.memory_space<vmem_shared>>)
        tpu.yield
      }) : () -> ()
      %scan3A_266 = arith.constant 0 : i32
      %scan3A_267 = arith.constant 0 : i32
      %scan3A_268 = arith.constant 7 : i32
      %scan3A_269 = arith.addi %scan3A_267, %scan3A_268 : i32
      %scan3A_270 = arith.constant 1 : i32
      %scan3A_271 = scf.for %scan3A_299 = %scan3A_267 to %scan3A_269 step %scan3A_270 iter_args(%scan3A_300 = %scan3A_266) -> (i32)  : i32 {
        %mul3A_301 = arith.constant 2 : i32
        %mul3A_302 = arith.muli %scan3A_299, %mul3A_301 : i32
        %add3A_303 = arith.constant 0 : i32
        %add3A_304 = arith.addi %mul3A_302, %add3A_303 : i32
        %dma_wait3A_305 = arith.constant 0 : i32
        %dma_wait3A_306 = arith.constant 0 : i32
        %dma_wait3A_307 = tpu.memref_slice %arg5[%dma_wait3A_305, %dma_wait3A_306] : memref<10240x128xf32, #tpu.memory_space<hbm>> -> memref<128x128xf32, #tpu.memory_space<hbm>>
        %dma_wait3A_308 = arith.constant 0 : i32
        %dma_wait3A_309 = arith.constant 0 : i32
        %dma_wait3A_310 = tpu.memref_slice %arg5[%dma_wait3A_308, %dma_wait3A_309] : memref<10240x128xf32, #tpu.memory_space<hbm>> -> memref<128x128xf32, #tpu.memory_space<hbm>>
        tpu.wait_dma2 semaphore(%arg14 : memref<!tpu.dma_semaphore, #tpu.memory_space<semaphore_mem>>) src(%dma_wait3A_310 : memref<128x128xf32, #tpu.memory_space<hbm>>) dst(%arg12 : memref<128x128xf32, #tpu.memory_space<vmem>>)
        %add3A_311 = arith.constant 1 : i32
        %add3A_312 = arith.addi %add3A_304, %add3A_311 : i32
        %dma_start3A_313 = arith.constant 0 : i32
        %dma_start3A_314 = tpu.memref_slice %arg8[%add3A_312, %dma_start3A_313] : memref<16x128xi32, #tpu.memory_space<vmem>> -> memref<1x128xi32, #tpu.memory_space<vmem>>
        %dma_start3A_315 = tpu.memref_squeeze %dma_start3A_314 : memref<1x128xi32, #tpu.memory_space<vmem>> -> memref<128xi32, #tpu.memory_space<vmem>>
        %dma_start3A_316 = arith.constant 0 : i32
        %dma_start3A_317 = arith.constant 0 : i32
        %dma_start3A_318 = tpu.memref_slice %arg5[%dma_start3A_316, %dma_start3A_317] : memref<10240x128xf32, #tpu.memory_space<hbm>> -> memref<10240x128xf32, #tpu.memory_space<hbm>>
        tpu.enqueue_indirect_dma source(%dma_start3A_318 : memref<10240x128xf32, #tpu.memory_space<hbm>>) target(%arg13 : memref<128x128xf32, #tpu.memory_space<vmem>>) offsets(%dma_start3A_315 : memref<128xi32, #tpu.memory_space<vmem>>) semaphore(%arg15 : memref<!tpu.dma_semaphore, #tpu.memory_space<semaphore_mem>>)
        "tpu.region"() ({
          %run_scoped3A_338 = tpu.sem_alloc : memref<!tpu.dma_semaphore, #tpu.memory_space<semaphore_mem>>
          %dma_start3A_339 = arith.constant 0 : i32
          %dma_start3A_340 = tpu.memref_slice %arg9[%add3A_304, %dma_start3A_339] : memref<16x128xi32, #tpu.memory_space<vmem>> -> memref<1x128xi32, #tpu.memory_space<vmem>>
          %dma_start3A_341 = tpu.memref_squeeze %dma_start3A_340 : memref<1x128xi32, #tpu.memory_space<vmem>> -> memref<128xi32, #tpu.memory_space<vmem>>
          %dma_start3A_342 = arith.constant 0 : i32
          %dma_start3A_343 = arith.constant 0 : i32
          %dma_start3A_344 = tpu.memref_slice %arg17[%dma_start3A_342, %dma_start3A_343] : memref<10240x128xf32, #tpu.memory_space<vmem_shared>> -> memref<10240x128xf32, #tpu.memory_space<vmem_shared>>
          tpu.enqueue_indirect_dma source(%arg12 : memref<128x128xf32, #tpu.memory_space<vmem>>) target(%dma_start3A_344 : memref<10240x128xf32, #tpu.memory_space<vmem_shared>>) offsets(%dma_start3A_341 : memref<128xi32, #tpu.memory_space<vmem>>) semaphore(%run_scoped3A_338 : memref<!tpu.dma_semaphore, #tpu.memory_space<semaphore_mem>>) {add = true}
          %dma_wait3A_345 = arith.constant 0 : i32
          %dma_wait3A_346 = tpu.memref_slice %arg9[%add3A_304, %dma_wait3A_345] : memref<16x128xi32, #tpu.memory_space<vmem>> -> memref<1x128xi32, #tpu.memory_space<vmem>>
          %dma_wait3A_347 = tpu.memref_squeeze %dma_wait3A_346 : memref<1x128xi32, #tpu.memory_space<vmem>> -> memref<128xi32, #tpu.memory_space<vmem>>
          %dma_wait3A_348 = arith.constant 0 : i32
          %dma_wait3A_349 = arith.constant 0 : i32
          %dma_wait3A_350 = tpu.memref_slice %arg17[%dma_wait3A_348, %dma_wait3A_349] : memref<10240x128xf32, #tpu.memory_space<vmem_shared>> -> memref<10240x128xf32, #tpu.memory_space<vmem_shared>>
          tpu.wait_indirect_dma semaphore(%run_scoped3A_338 : memref<!tpu.dma_semaphore, #tpu.memory_space<semaphore_mem>>) src(%arg12 : memref<128x128xf32, #tpu.memory_space<vmem>>) dst(%dma_wait3A_350 : memref<10240x128xf32, #tpu.memory_space<vmem_shared>>)
          tpu.yield
        }) : () -> ()
        %mul3A_319 = arith.constant 2 : i32
        %mul3A_320 = arith.muli %scan3A_299, %mul3A_319 : i32
        %add3A_321 = arith.constant 1 : i32
        %add3A_322 = arith.addi %mul3A_320, %add3A_321 : i32
        %dma_wait3A_323 = arith.constant 0 : i32
        %dma_wait3A_324 = arith.constant 0 : i32
        %dma_wait3A_325 = tpu.memref_slice %arg5[%dma_wait3A_323, %dma_wait3A_324] : memref<10240x128xf32, #tpu.memory_space<hbm>> -> memref<128x128xf32, #tpu.memory_space<hbm>>
        %dma_wait3A_326 = arith.constant 0 : i32
        %dma_wait3A_327 = arith.constant 0 : i32
        %dma_wait3A_328 = tpu.memref_slice %arg5[%dma_wait3A_326, %dma_wait3A_327] : memref<10240x128xf32, #tpu.memory_space<hbm>> -> memref<128x128xf32, #tpu.memory_space<hbm>>
        tpu.wait_dma2 semaphore(%arg15 : memref<!tpu.dma_semaphore, #tpu.memory_space<semaphore_mem>>) src(%dma_wait3A_328 : memref<128x128xf32, #tpu.memory_space<hbm>>) dst(%arg13 : memref<128x128xf32, #tpu.memory_space<vmem>>)
        %add3A_329 = arith.constant 1 : i32
        %add3A_330 = arith.addi %add3A_322, %add3A_329 : i32
        %dma_start3A_331 = arith.constant 0 : i32
        %dma_start3A_332 = tpu.memref_slice %arg8[%add3A_330, %dma_start3A_331] : memref<16x128xi32, #tpu.memory_space<vmem>> -> memref<1x128xi32, #tpu.memory_space<vmem>>
        %dma_start3A_333 = tpu.memref_squeeze %dma_start3A_332 : memref<1x128xi32, #tpu.memory_space<vmem>> -> memref<128xi32, #tpu.memory_space<vmem>>
        %dma_start3A_334 = arith.constant 0 : i32
        %dma_start3A_335 = arith.constant 0 : i32
        %dma_start3A_336 = tpu.memref_slice %arg5[%dma_start3A_334, %dma_start3A_335] : memref<10240x128xf32, #tpu.memory_space<hbm>> -> memref<10240x128xf32, #tpu.memory_space<hbm>>
        tpu.enqueue_indirect_dma source(%dma_start3A_336 : memref<10240x128xf32, #tpu.memory_space<hbm>>) target(%arg12 : memref<128x128xf32, #tpu.memory_space<vmem>>) offsets(%dma_start3A_333 : memref<128xi32, #tpu.memory_space<vmem>>) semaphore(%arg14 : memref<!tpu.dma_semaphore, #tpu.memory_space<semaphore_mem>>)
        "tpu.region"() ({
          %run_scoped3A_338 = tpu.sem_alloc : memref<!tpu.dma_semaphore, #tpu.memory_space<semaphore_mem>>
          %dma_start3A_339 = arith.constant 0 : i32
          %dma_start3A_340 = tpu.memref_slice %arg9[%add3A_322, %dma_start3A_339] : memref<16x128xi32, #tpu.memory_space<vmem>> -> memref<1x128xi32, #tpu.memory_space<vmem>>
          %dma_start3A_341 = tpu.memref_squeeze %dma_start3A_340 : memref<1x128xi32, #tpu.memory_space<vmem>> -> memref<128xi32, #tpu.memory_space<vmem>>
          %dma_start3A_342 = arith.constant 0 : i32
          %dma_start3A_343 = arith.constant 0 : i32
          %dma_start3A_344 = tpu.memref_slice %arg17[%dma_start3A_342, %dma_start3A_343] : memref<10240x128xf32, #tpu.memory_space<vmem_shared>> -> memref<10240x128xf32, #tpu.memory_space<vmem_shared>>
          tpu.enqueue_indirect_dma source(%arg13 : memref<128x128xf32, #tpu.memory_space<vmem>>) target(%dma_start3A_344 : memref<10240x128xf32, #tpu.memory_space<vmem_shared>>) offsets(%dma_start3A_341 : memref<128xi32, #tpu.memory_space<vmem>>) semaphore(%run_scoped3A_338 : memref<!tpu.dma_semaphore, #tpu.memory_space<semaphore_mem>>) {add = true}
          %dma_wait3A_345 = arith.constant 0 : i32
          %dma_wait3A_346 = tpu.memref_slice %arg9[%add3A_322, %dma_wait3A_345] : memref<16x128xi32, #tpu.memory_space<vmem>> -> memref<1x128xi32, #tpu.memory_space<vmem>>
          %dma_wait3A_347 = tpu.memref_squeeze %dma_wait3A_346 : memref<1x128xi32, #tpu.memory_space<vmem>> -> memref<128xi32, #tpu.memory_space<vmem>>
          %dma_wait3A_348 = arith.constant 0 : i32
          %dma_wait3A_349 = arith.constant 0 : i32
          %dma_wait3A_350 = tpu.memref_slice %arg17[%dma_wait3A_348, %dma_wait3A_349] : memref<10240x128xf32, #tpu.memory_space<vmem_shared>> -> memref<10240x128xf32, #tpu.memory_space<vmem_shared>>
          tpu.wait_indirect_dma semaphore(%run_scoped3A_338 : memref<!tpu.dma_semaphore, #tpu.memory_space<semaphore_mem>>) src(%arg13 : memref<128x128xf32, #tpu.memory_space<vmem>>) dst(%dma_wait3A_350 : memref<10240x128xf32, #tpu.memory_space<vmem_shared>>)
          tpu.yield
        }) : () -> ()
        %scan3A_337 = arith.constant 0 : i32
        scf.yield %scan3A_337 : i32
      }
      %scan3A_272 = arith.constant 7 : i32
      %dma_wait3A_273 = arith.constant 0 : i32
      %dma_wait3A_274 = arith.constant 0 : i32
      %dma_wait3A_275 = tpu.memref_slice %arg5[%dma_wait3A_273, %dma_wait3A_274] : memref<10240x128xf32, #tpu.memory_space<hbm>> -> memref<128x128xf32, #tpu.memory_space<hbm>>
      %dma_wait3A_276 = arith.constant 0 : i32
      %dma_wait3A_277 = arith.constant 0 : i32
      %dma_wait3A_278 = tpu.memref_slice %arg5[%dma_wait3A_276, %dma_wait3A_277] : memref<10240x128xf32, #tpu.memory_space<hbm>> -> memref<128x128xf32, #tpu.memory_space<hbm>>
      tpu.wait_dma2 semaphore(%arg14 : memref<!tpu.dma_semaphore, #tpu.memory_space<semaphore_mem>>) src(%dma_wait3A_278 : memref<128x128xf32, #tpu.memory_space<hbm>>) dst(%arg12 : memref<128x128xf32, #tpu.memory_space<vmem>>)
      %dma_start3A_279 = arith.constant 15 : i32
      %dma_start3A_280 = arith.constant 0 : i32
      %dma_start3A_281 = tpu.memref_slice %arg8[%dma_start3A_279, %dma_start3A_280] : memref<16x128xi32, #tpu.memory_space<vmem>> -> memref<1x128xi32, #tpu.memory_space<vmem>>
      %dma_start3A_282 = tpu.memref_squeeze %dma_start3A_281 : memref<1x128xi32, #tpu.memory_space<vmem>> -> memref<128xi32, #tpu.memory_space<vmem>>
      %dma_start3A_283 = arith.constant 0 : i32
      %dma_start3A_284 = arith.constant 0 : i32
      %dma_start3A_285 = tpu.memref_slice %arg5[%dma_start3A_283, %dma_start3A_284] : memref<10240x128xf32, #tpu.memory_space<hbm>> -> memref<10240x128xf32, #tpu.memory_space<hbm>>
      tpu.enqueue_indirect_dma source(%dma_start3A_285 : memref<10240x128xf32, #tpu.memory_space<hbm>>) target(%arg13 : memref<128x128xf32, #tpu.memory_space<vmem>>) offsets(%dma_start3A_282 : memref<128xi32, #tpu.memory_space<vmem>>) semaphore(%arg15 : memref<!tpu.dma_semaphore, #tpu.memory_space<semaphore_mem>>)
      %run_scoped3A_286 = arith.constant 14 : i32
      "tpu.region"() ({
        %run_scoped3A_299 = tpu.sem_alloc : memref<!tpu.dma_semaphore, #tpu.memory_space<semaphore_mem>>
        %dma_start3A_300 = arith.constant 0 : i32
        %dma_start3A_301 = tpu.memref_slice %arg9[%run_scoped3A_286, %dma_start3A_300] : memref<16x128xi32, #tpu.memory_space<vmem>> -> memref<1x128xi32, #tpu.memory_space<vmem>>
        %dma_start3A_302 = tpu.memref_squeeze %dma_start3A_301 : memref<1x128xi32, #tpu.memory_space<vmem>> -> memref<128xi32, #tpu.memory_space<vmem>>
        %dma_start3A_303 = arith.constant 0 : i32
        %dma_start3A_304 = arith.constant 0 : i32
        %dma_start3A_305 = tpu.memref_slice %arg17[%dma_start3A_303, %dma_start3A_304] : memref<10240x128xf32, #tpu.memory_space<vmem_shared>> -> memref<10240x128xf32, #tpu.memory_space<vmem_shared>>
        tpu.enqueue_indirect_dma source(%arg12 : memref<128x128xf32, #tpu.memory_space<vmem>>) target(%dma_start3A_305 : memref<10240x128xf32, #tpu.memory_space<vmem_shared>>) offsets(%dma_start3A_302 : memref<128xi32, #tpu.memory_space<vmem>>) semaphore(%run_scoped3A_299 : memref<!tpu.dma_semaphore, #tpu.memory_space<semaphore_mem>>) {add = true}
        %dma_wait3A_306 = arith.constant 0 : i32
        %dma_wait3A_307 = tpu.memref_slice %arg9[%run_scoped3A_286, %dma_wait3A_306] : memref<16x128xi32, #tpu.memory_space<vmem>> -> memref<1x128xi32, #tpu.memory_space<vmem>>
        %dma_wait3A_308 = tpu.memref_squeeze %dma_wait3A_307 : memref<1x128xi32, #tpu.memory_space<vmem>> -> memref<128xi32, #tpu.memory_space<vmem>>
        %dma_wait3A_309 = arith.constant 0 : i32
        %dma_wait3A_310 = arith.constant 0 : i32
        %dma_wait3A_311 = tpu.memref_slice %arg17[%dma_wait3A_309, %dma_wait3A_310] : memref<10240x128xf32, #tpu.memory_space<vmem_shared>> -> memref<10240x128xf32, #tpu.memory_space<vmem_shared>>
        tpu.wait_indirect_dma semaphore(%run_scoped3A_299 : memref<!tpu.dma_semaphore, #tpu.memory_space<semaphore_mem>>) src(%arg12 : memref<128x128xf32, #tpu.memory_space<vmem>>) dst(%dma_wait3A_311 : memref<10240x128xf32, #tpu.memory_space<vmem_shared>>)
        tpu.yield
      }) : () -> ()
      %dma_wait3A_287 = arith.constant 0 : i32
      %dma_wait3A_288 = arith.constant 0 : i32
      %dma_wait3A_289 = tpu.memref_slice %arg5[%dma_wait3A_287, %dma_wait3A_288] : memref<10240x128xf32, #tpu.memory_space<hbm>> -> memref<128x128xf32, #tpu.memory_space<hbm>>
      %dma_wait3A_290 = arith.constant 0 : i32
      %dma_wait3A_291 = arith.constant 0 : i32
      %dma_wait3A_292 = tpu.memref_slice %arg5[%dma_wait3A_290, %dma_wait3A_291] : memref<10240x128xf32, #tpu.memory_space<hbm>> -> memref<128x128xf32, #tpu.memory_space<hbm>>
      tpu.wait_dma2 semaphore(%arg15 : memref<!tpu.dma_semaphore, #tpu.memory_space<semaphore_mem>>) src(%dma_wait3A_292 : memref<128x128xf32, #tpu.memory_space<hbm>>) dst(%arg13 : memref<128x128xf32, #tpu.memory_space<vmem>>)
      %run_scoped3A_293 = arith.constant 15 : i32
      "tpu.region"() ({
        %run_scoped3A_299 = tpu.sem_alloc : memref<!tpu.dma_semaphore, #tpu.memory_space<semaphore_mem>>
        %dma_start3A_300 = arith.constant 0 : i32
        %dma_start3A_301 = tpu.memref_slice %arg9[%run_scoped3A_293, %dma_start3A_300] : memref<16x128xi32, #tpu.memory_space<vmem>> -> memref<1x128xi32, #tpu.memory_space<vmem>>
        %dma_start3A_302 = tpu.memref_squeeze %dma_start3A_301 : memref<1x128xi32, #tpu.memory_space<vmem>> -> memref<128xi32, #tpu.memory_space<vmem>>
        %dma_start3A_303 = arith.constant 0 : i32
        %dma_start3A_304 = arith.constant 0 : i32
        %dma_start3A_305 = tpu.memref_slice %arg17[%dma_start3A_303, %dma_start3A_304] : memref<10240x128xf32, #tpu.memory_space<vmem_shared>> -> memref<10240x128xf32, #tpu.memory_space<vmem_shared>>
        tpu.enqueue_indirect_dma source(%arg13 : memref<128x128xf32, #tpu.memory_space<vmem>>) target(%dma_start3A_305 : memref<10240x128xf32, #tpu.memory_space<vmem_shared>>) offsets(%dma_start3A_302 : memref<128xi32, #tpu.memory_space<vmem>>) semaphore(%run_scoped3A_299 : memref<!tpu.dma_semaphore, #tpu.memory_space<semaphore_mem>>) {add = true}
        %dma_wait3A_306 = arith.constant 0 : i32
        %dma_wait3A_307 = tpu.memref_slice %arg9[%run_scoped3A_293, %dma_wait3A_306] : memref<16x128xi32, #tpu.memory_space<vmem>> -> memref<1x128xi32, #tpu.memory_space<vmem>>
        %dma_wait3A_308 = tpu.memref_squeeze %dma_wait3A_307 : memref<1x128xi32, #tpu.memory_space<vmem>> -> memref<128xi32, #tpu.memory_space<vmem>>
        %dma_wait3A_309 = arith.constant 0 : i32
        %dma_wait3A_310 = arith.constant 0 : i32
        %dma_wait3A_311 = tpu.memref_slice %arg17[%dma_wait3A_309, %dma_wait3A_310] : memref<10240x128xf32, #tpu.memory_space<vmem_shared>> -> memref<10240x128xf32, #tpu.memory_space<vmem_shared>>
        tpu.wait_indirect_dma semaphore(%run_scoped3A_299 : memref<!tpu.dma_semaphore, #tpu.memory_space<semaphore_mem>>) src(%arg13 : memref<128x128xf32, #tpu.memory_space<vmem>>) dst(%dma_wait3A_311 : memref<10240x128xf32, #tpu.memory_space<vmem_shared>>)
        tpu.yield
      }) : () -> ()
      %barrier3A_294 = arith.constant 0 : index
      tpu.barrier barrier_id(%barrier3A_294)
      %mul3A_295 = arith.constant 640 : i32
      %mul3A_296 = arith.muli %arg1, %mul3A_295 : i32
      %mul3A_297 = arith.constant 640 : i32
      %mul3A_298 = arith.muli %arg1, %mul3A_297 : i32
      "tpu.region"() ({
        %run_scoped3A_299 = tpu.sem_alloc : memref<!tpu.dma_semaphore, #tpu.memory_space<semaphore_mem>>
        %dma_start3A_300 = arith.constant 0 : i32
        %dma_start3A_301 = tpu.memref_slice %arg7[%mul3A_298, %dma_start3A_300] : memref<10240x128xf32, #tpu.memory_space<hbm>> -> memref<640x128xf32, #tpu.memory_space<hbm>>
        %dma_start3A_302 = arith.constant 0 : i32
        %dma_start3A_303 = tpu.memref_slice %arg17[%mul3A_296, %dma_start3A_302] : memref<10240x128xf32, #tpu.memory_space<vmem_shared>> -> memref<640x128xf32, #tpu.memory_space<vmem_shared>>
        tpu.enqueue_dma source(%dma_start3A_303 : memref<640x128xf32, #tpu.memory_space<vmem_shared>>) target(%dma_start3A_301 : memref<640x128xf32, #tpu.memory_space<hbm>>) target_semaphore(%run_scoped3A_299 : memref<!tpu.dma_semaphore, #tpu.memory_space<semaphore_mem>>)
        %dma_wait3A_304 = arith.constant 0 : i32
        %dma_wait3A_305 = tpu.memref_slice %arg7[%mul3A_298, %dma_wait3A_304] : memref<10240x128xf32, #tpu.memory_space<hbm>> -> memref<640x128xf32, #tpu.memory_space<hbm>>
        %dma_wait3A_306 = arith.constant 0 : i32
        %dma_wait3A_307 = tpu.memref_slice %arg17[%mul3A_296, %dma_wait3A_306] : memref<10240x128xf32, #tpu.memory_space<vmem_shared>> -> memref<640x128xf32, #tpu.memory_space<vmem_shared>>
        tpu.wait_dma2 semaphore(%run_scoped3A_299 : memref<!tpu.dma_semaphore, #tpu.memory_space<semaphore_mem>>) src(%dma_wait3A_307 : memref<640x128xf32, #tpu.memory_space<vmem_shared>>) dst(%dma_wait3A_305 : memref<640x128xf32, #tpu.memory_space<hbm>>)
        tpu.yield
      }) : () -> ()
    } else {
    }
    return
  }
}

#map = affine_map<(d0, d1) -> (0, 0)>
#map1 = affine_map<(d0, d1) -> (0, 0, 0)>
module attributes {stable_mosaic.version = 14 : i64} {
  func.func @_deg_body(%arg0: i32, %arg1: i32, %arg2: memref<1280x128xi32, #tpu.memory_space<hbm>>, %arg3: memref<2x10240x128xf32, #tpu.memory_space<hbm>>, %arg4: memref<40x128xi32, #tpu.memory_space<vmem>>, %arg5: memref<128x128xf32, #tpu.memory_space<vmem>>, %arg6: memref<10240x128xf32, #tpu.memory_space<vmem_shared>>) attributes {dimension_semantics = [#tpu.dimension_semantics<core_parallel>, #tpu.dimension_semantics<subcore_parallel>], iteration_bounds = array<i64: 2, 16>, scalar_prefetch = 0 : i64, scratch_operands = 3 : i64, tpu.core_type = #tpu.core_type<sc_vector_subcore>, window_params = [{transform_indices = #map}, {transform_indices = #map1}]} {
    %broadcast_in_dim3A = arith.constant 0.000000e+00 : f32
    %broadcast_in_dim3A_0 = vector.broadcast %broadcast_in_dim3A : f32 to vector<16xf32>
    %scan3A = arith.constant 0 : i32
    %scan3A_1 = arith.constant 0 : i32
    %scan3A_2 = arith.constant 128 : i32
    %scan3A_3 = arith.addi %scan3A_1, %scan3A_2 : i32
    %scan3A_4 = arith.constant 1 : i32
    %scan3A_5 = scf.for %scan3A_51 = %scan3A_1 to %scan3A_3 step %scan3A_4 iter_args(%scan3A_52 = %scan3A) -> (i32)  : i32 {
      %scan3A_53 = arith.constant 0 : i32
      %scan3A_54 = arith.constant 0 : i32
      %scan3A_55 = arith.constant 8 : i32
      %scan3A_56 = arith.addi %scan3A_54, %scan3A_55 : i32
      %scan3A_57 = arith.constant 1 : i32
      %scan3A_58 = scf.for %scan3A_60 = %scan3A_54 to %scan3A_56 step %scan3A_57 iter_args(%scan3A_61 = %scan3A_53) -> (i32)  : i32 {
        %mul3A_62 = arith.constant 16 : i32
        %mul3A_63 = arith.muli %scan3A_60, %mul3A_62 : i32
        %swap3A = arith.index_cast %scan3A_51 : i32 to index
        %swap3A_64 = arith.index_cast %mul3A_63 : i32 to index
        %swap3A_65 = tpu.vector_load %arg5[%swap3A, %swap3A_64] {strides = array<i32>} : memref<128x128xf32, #tpu.memory_space<vmem>>, vector<1x16xf32>,
        %swap3A_66 = vector.shape_cast %swap3A_65 : vector<1x16xf32> to vector<16xf32>
        %swap3A_67 = vector.shape_cast %broadcast_in_dim3A_0 : vector<16xf32> to vector<1x16xf32>
        tpu.vector_store %arg5[%swap3A, %swap3A_64], %swap3A_67 {strides = array<i32>} : memref<128x128xf32, #tpu.memory_space<vmem>>, vector<1x16xf32>,
        %scan3A_68 = arith.constant 0 : i32
        scf.yield %scan3A_68 : i32
      }
      %scan3A_59 = arith.constant 8 : i32
      scf.yield %scan3A_58 : i32
    }
    %scan3A_6 = arith.constant 128 : i32
    %mul3A = arith.constant 640 : i32
    %mul3A_7 = arith.muli %arg1, %mul3A : i32
    %add3A = arith.constant 0 : i32
    %add3A_8 = arith.addi %mul3A_7, %add3A : i32
    "tpu.region"() ({
      %run_scoped3A = tpu.sem_alloc : memref<!tpu.dma_semaphore, #tpu.memory_space<semaphore_mem>>
      %dma_start3A = arith.constant 0 : i32
      %dma_start3A_51 = tpu.memref_slice %arg6[%add3A_8, %dma_start3A] : memref<10240x128xf32, #tpu.memory_space<vmem_shared>> -> memref<128x128xf32, #tpu.memory_space<vmem_shared>>
      %dma_start3A_52 = arith.constant 0 : i32
      %dma_start3A_53 = tpu.memref_slice %arg6[%add3A_8, %dma_start3A_52] : memref<10240x128xf32, #tpu.memory_space<vmem_shared>> -> memref<128x128xf32, #tpu.memory_space<vmem_shared>>
      tpu.enqueue_dma source(%arg5 : memref<128x128xf32, #tpu.memory_space<vmem>>) target(%dma_start3A_53 : memref<128x128xf32, #tpu.memory_space<vmem_shared>>) target_semaphore(%run_scoped3A : memref<!tpu.dma_semaphore, #tpu.memory_space<semaphore_mem>>)
      %dma_wait3A = arith.constant 0 : i32
      %dma_wait3A_54 = tpu.memref_slice %arg6[%add3A_8, %dma_wait3A] : memref<10240x128xf32, #tpu.memory_space<vmem_shared>> -> memref<128x128xf32, #tpu.memory_space<vmem_shared>>
      %dma_wait3A_55 = arith.constant 0 : i32
      %dma_wait3A_56 = tpu.memref_slice %arg6[%add3A_8, %dma_wait3A_55] : memref<10240x128xf32, #tpu.memory_space<vmem_shared>> -> memref<128x128xf32, #tpu.memory_space<vmem_shared>>
      tpu.wait_dma2 semaphore(%run_scoped3A : memref<!tpu.dma_semaphore, #tpu.memory_space<semaphore_mem>>) src(%arg5 : memref<128x128xf32, #tpu.memory_space<vmem>>) dst(%dma_wait3A_56 : memref<128x128xf32, #tpu.memory_space<vmem_shared>>)
      tpu.yield
    }) : () -> ()
    %mul3A_9 = arith.constant 640 : i32
    %mul3A_10 = arith.muli %arg1, %mul3A_9 : i32
    %add3A_11 = arith.constant 128 : i32
    %add3A_12 = arith.addi %mul3A_10, %add3A_11 : i32
    "tpu.region"() ({
      %run_scoped3A = tpu.sem_alloc : memref<!tpu.dma_semaphore, #tpu.memory_space<semaphore_mem>>
      %dma_start3A = arith.constant 0 : i32
      %dma_start3A_51 = tpu.memref_slice %arg6[%add3A_12, %dma_start3A] : memref<10240x128xf32, #tpu.memory_space<vmem_shared>> -> memref<128x128xf32, #tpu.memory_space<vmem_shared>>
      %dma_start3A_52 = arith.constant 0 : i32
      %dma_start3A_53 = tpu.memref_slice %arg6[%add3A_12, %dma_start3A_52] : memref<10240x128xf32, #tpu.memory_space<vmem_shared>> -> memref<128x128xf32, #tpu.memory_space<vmem_shared>>
      tpu.enqueue_dma source(%arg5 : memref<128x128xf32, #tpu.memory_space<vmem>>) target(%dma_start3A_53 : memref<128x128xf32, #tpu.memory_space<vmem_shared>>) target_semaphore(%run_scoped3A : memref<!tpu.dma_semaphore, #tpu.memory_space<semaphore_mem>>)
      %dma_wait3A = arith.constant 0 : i32
      %dma_wait3A_54 = tpu.memref_slice %arg6[%add3A_12, %dma_wait3A] : memref<10240x128xf32, #tpu.memory_space<vmem_shared>> -> memref<128x128xf32, #tpu.memory_space<vmem_shared>>
      %dma_wait3A_55 = arith.constant 0 : i32
      %dma_wait3A_56 = tpu.memref_slice %arg6[%add3A_12, %dma_wait3A_55] : memref<10240x128xf32, #tpu.memory_space<vmem_shared>> -> memref<128x128xf32, #tpu.memory_space<vmem_shared>>
      tpu.wait_dma2 semaphore(%run_scoped3A : memref<!tpu.dma_semaphore, #tpu.memory_space<semaphore_mem>>) src(%arg5 : memref<128x128xf32, #tpu.memory_space<vmem>>) dst(%dma_wait3A_56 : memref<128x128xf32, #tpu.memory_space<vmem_shared>>)
      tpu.yield
    }) : () -> ()
    %mul3A_13 = arith.constant 640 : i32
    %mul3A_14 = arith.muli %arg1, %mul3A_13 : i32
    %add3A_15 = arith.constant 256 : i32
    %add3A_16 = arith.addi %mul3A_14, %add3A_15 : i32
    "tpu.region"() ({
      %run_scoped3A = tpu.sem_alloc : memref<!tpu.dma_semaphore, #tpu.memory_space<semaphore_mem>>
      %dma_start3A = arith.constant 0 : i32
      %dma_start3A_51 = tpu.memref_slice %arg6[%add3A_16, %dma_start3A] : memref<10240x128xf32, #tpu.memory_space<vmem_shared>> -> memref<128x128xf32, #tpu.memory_space<vmem_shared>>
      %dma_start3A_52 = arith.constant 0 : i32
      %dma_start3A_53 = tpu.memref_slice %arg6[%add3A_16, %dma_start3A_52] : memref<10240x128xf32, #tpu.memory_space<vmem_shared>> -> memref<128x128xf32, #tpu.memory_space<vmem_shared>>
      tpu.enqueue_dma source(%arg5 : memref<128x128xf32, #tpu.memory_space<vmem>>) target(%dma_start3A_53 : memref<128x128xf32, #tpu.memory_space<vmem_shared>>) target_semaphore(%run_scoped3A : memref<!tpu.dma_semaphore, #tpu.memory_space<semaphore_mem>>)
      %dma_wait3A = arith.constant 0 : i32
      %dma_wait3A_54 = tpu.memref_slice %arg6[%add3A_16, %dma_wait3A] : memref<10240x128xf32, #tpu.memory_space<vmem_shared>> -> memref<128x128xf32, #tpu.memory_space<vmem_shared>>
      %dma_wait3A_55 = arith.constant 0 : i32
      %dma_wait3A_56 = tpu.memref_slice %arg6[%add3A_16, %dma_wait3A_55] : memref<10240x128xf32, #tpu.memory_space<vmem_shared>> -> memref<128x128xf32, #tpu.memory_space<vmem_shared>>
      tpu.wait_dma2 semaphore(%run_scoped3A : memref<!tpu.dma_semaphore, #tpu.memory_space<semaphore_mem>>) src(%arg5 : memref<128x128xf32, #tpu.memory_space<vmem>>) dst(%dma_wait3A_56 : memref<128x128xf32, #tpu.memory_space<vmem_shared>>)
      tpu.yield
    }) : () -> ()
    %mul3A_17 = arith.constant 640 : i32
    %mul3A_18 = arith.muli %arg1, %mul3A_17 : i32
    %add3A_19 = arith.constant 384 : i32
    %add3A_20 = arith.addi %mul3A_18, %add3A_19 : i32
    "tpu.region"() ({
      %run_scoped3A = tpu.sem_alloc : memref<!tpu.dma_semaphore, #tpu.memory_space<semaphore_mem>>
      %dma_start3A = arith.constant 0 : i32
      %dma_start3A_51 = tpu.memref_slice %arg6[%add3A_20, %dma_start3A] : memref<10240x128xf32, #tpu.memory_space<vmem_shared>> -> memref<128x128xf32, #tpu.memory_space<vmem_shared>>
      %dma_start3A_52 = arith.constant 0 : i32
      %dma_start3A_53 = tpu.memref_slice %arg6[%add3A_20, %dma_start3A_52] : memref<10240x128xf32, #tpu.memory_space<vmem_shared>> -> memref<128x128xf32, #tpu.memory_space<vmem_shared>>
      tpu.enqueue_dma source(%arg5 : memref<128x128xf32, #tpu.memory_space<vmem>>) target(%dma_start3A_53 : memref<128x128xf32, #tpu.memory_space<vmem_shared>>) target_semaphore(%run_scoped3A : memref<!tpu.dma_semaphore, #tpu.memory_space<semaphore_mem>>)
      %dma_wait3A = arith.constant 0 : i32
      %dma_wait3A_54 = tpu.memref_slice %arg6[%add3A_20, %dma_wait3A] : memref<10240x128xf32, #tpu.memory_space<vmem_shared>> -> memref<128x128xf32, #tpu.memory_space<vmem_shared>>
      %dma_wait3A_55 = arith.constant 0 : i32
      %dma_wait3A_56 = tpu.memref_slice %arg6[%add3A_20, %dma_wait3A_55] : memref<10240x128xf32, #tpu.memory_space<vmem_shared>> -> memref<128x128xf32, #tpu.memory_space<vmem_shared>>
      tpu.wait_dma2 semaphore(%run_scoped3A : memref<!tpu.dma_semaphore, #tpu.memory_space<semaphore_mem>>) src(%arg5 : memref<128x128xf32, #tpu.memory_space<vmem>>) dst(%dma_wait3A_56 : memref<128x128xf32, #tpu.memory_space<vmem_shared>>)
      tpu.yield
    }) : () -> ()
    %mul3A_21 = arith.constant 640 : i32
    %mul3A_22 = arith.muli %arg1, %mul3A_21 : i32
    %add3A_23 = arith.constant 512 : i32
    %add3A_24 = arith.addi %mul3A_22, %add3A_23 : i32
    "tpu.region"() ({
      %run_scoped3A = tpu.sem_alloc : memref<!tpu.dma_semaphore, #tpu.memory_space<semaphore_mem>>
      %dma_start3A = arith.constant 0 : i32
      %dma_start3A_51 = tpu.memref_slice %arg6[%add3A_24, %dma_start3A] : memref<10240x128xf32, #tpu.memory_space<vmem_shared>> -> memref<128x128xf32, #tpu.memory_space<vmem_shared>>
      %dma_start3A_52 = arith.constant 0 : i32
      %dma_start3A_53 = tpu.memref_slice %arg6[%add3A_24, %dma_start3A_52] : memref<10240x128xf32, #tpu.memory_space<vmem_shared>> -> memref<128x128xf32, #tpu.memory_space<vmem_shared>>
      tpu.enqueue_dma source(%arg5 : memref<128x128xf32, #tpu.memory_space<vmem>>) target(%dma_start3A_53 : memref<128x128xf32, #tpu.memory_space<vmem_shared>>) target_semaphore(%run_scoped3A : memref<!tpu.dma_semaphore, #tpu.memory_space<semaphore_mem>>)
      %dma_wait3A = arith.constant 0 : i32
      %dma_wait3A_54 = tpu.memref_slice %arg6[%add3A_24, %dma_wait3A] : memref<10240x128xf32, #tpu.memory_space<vmem_shared>> -> memref<128x128xf32, #tpu.memory_space<vmem_shared>>
      %dma_wait3A_55 = arith.constant 0 : i32
      %dma_wait3A_56 = tpu.memref_slice %arg6[%add3A_24, %dma_wait3A_55] : memref<10240x128xf32, #tpu.memory_space<vmem_shared>> -> memref<128x128xf32, #tpu.memory_space<vmem_shared>>
      tpu.wait_dma2 semaphore(%run_scoped3A : memref<!tpu.dma_semaphore, #tpu.memory_space<semaphore_mem>>) src(%arg5 : memref<128x128xf32, #tpu.memory_space<vmem>>) dst(%dma_wait3A_56 : memref<128x128xf32, #tpu.memory_space<vmem_shared>>)
      tpu.yield
    }) : () -> ()
    %broadcast_in_dim3A_25 = arith.constant 1.000000e+00 : f32
    %broadcast_in_dim3A_26 = vector.broadcast %broadcast_in_dim3A_25 : f32 to vector<16xf32>
    %scan3A_27 = arith.constant 0 : i32
    %scan3A_28 = arith.constant 0 : i32
    %scan3A_29 = arith.constant 128 : i32
    %scan3A_30 = arith.addi %scan3A_28, %scan3A_29 : i32
    %scan3A_31 = arith.constant 1 : i32
    %scan3A_32 = scf.for %scan3A_51 = %scan3A_28 to %scan3A_30 step %scan3A_31 iter_args(%scan3A_52 = %scan3A_27) -> (i32)  : i32 {
      %scan3A_53 = arith.constant 0 : i32
      %scan3A_54 = arith.constant 0 : i32
      %scan3A_55 = arith.constant 8 : i32
      %scan3A_56 = arith.addi %scan3A_54, %scan3A_55 : i32
      %scan3A_57 = arith.constant 1 : i32
      %scan3A_58 = scf.for %scan3A_60 = %scan3A_54 to %scan3A_56 step %scan3A_57 iter_args(%scan3A_61 = %scan3A_53) -> (i32)  : i32 {
        %mul3A_62 = arith.constant 16 : i32
        %mul3A_63 = arith.muli %scan3A_60, %mul3A_62 : i32
        %swap3A = arith.index_cast %scan3A_51 : i32 to index
        %swap3A_64 = arith.index_cast %mul3A_63 : i32 to index
        %swap3A_65 = tpu.vector_load %arg5[%swap3A, %swap3A_64] {strides = array<i32>} : memref<128x128xf32, #tpu.memory_space<vmem>>, vector<1x16xf32>,
        %swap3A_66 = vector.shape_cast %swap3A_65 : vector<1x16xf32> to vector<16xf32>
        %swap3A_67 = vector.shape_cast %broadcast_in_dim3A_26 : vector<16xf32> to vector<1x16xf32>
        tpu.vector_store %arg5[%swap3A, %swap3A_64], %swap3A_67 {strides = array<i32>} : memref<128x128xf32, #tpu.memory_space<vmem>>, vector<1x16xf32>,
        %scan3A_68 = arith.constant 0 : i32
        scf.yield %scan3A_68 : i32
      }
      %scan3A_59 = arith.constant 8 : i32
      scf.yield %scan3A_58 : i32
    }
    %scan3A_33 = arith.constant 128 : i32
    %barrier3A = arith.constant 0 : index
    tpu.barrier barrier_id(%barrier3A)
    %mul3A_34 = arith.constant 16 : i32
    %mul3A_35 = arith.muli %arg0, %mul3A_34 : i32
    %add3A_36 = arith.addi %mul3A_35, %arg1 : i32
    %mul3A_37 = arith.constant 40 : i32
    %mul3A_38 = arith.muli %add3A_36, %mul3A_37 : i32
    "tpu.region"() ({
      %run_scoped3A = tpu.sem_alloc : memref<!tpu.dma_semaphore, #tpu.memory_space<semaphore_mem>>
      %dma_start3A = arith.constant 0 : i32
      %dma_start3A_51 = tpu.memref_slice %arg2[%mul3A_38, %dma_start3A] : memref<1280x128xi32, #tpu.memory_space<hbm>> -> memref<40x128xi32, #tpu.memory_space<hbm>>
      %dma_start3A_52 = arith.constant 0 : i32
      %dma_start3A_53 = tpu.memref_slice %arg2[%mul3A_38, %dma_start3A_52] : memref<1280x128xi32, #tpu.memory_space<hbm>> -> memref<40x128xi32, #tpu.memory_space<hbm>>
      tpu.enqueue_dma source(%dma_start3A_53 : memref<40x128xi32, #tpu.memory_space<hbm>>) target(%arg4 : memref<40x128xi32, #tpu.memory_space<vmem>>) target_semaphore(%run_scoped3A : memref<!tpu.dma_semaphore, #tpu.memory_space<semaphore_mem>>)
      %dma_wait3A = arith.constant 0 : i32
      %dma_wait3A_54 = tpu.memref_slice %arg2[%mul3A_38, %dma_wait3A] : memref<1280x128xi32, #tpu.memory_space<hbm>> -> memref<40x128xi32, #tpu.memory_space<hbm>>
      %dma_wait3A_55 = arith.constant 0 : i32
      %dma_wait3A_56 = tpu.memref_slice %arg2[%mul3A_38, %dma_wait3A_55] : memref<1280x128xi32, #tpu.memory_space<hbm>> -> memref<40x128xi32, #tpu.memory_space<hbm>>
      tpu.wait_dma2 semaphore(%run_scoped3A : memref<!tpu.dma_semaphore, #tpu.memory_space<semaphore_mem>>) src(%dma_wait3A_56 : memref<40x128xi32, #tpu.memory_space<hbm>>) dst(%arg4 : memref<40x128xi32, #tpu.memory_space<vmem>>)
      tpu.yield
    }) : () -> ()
    %scan3A_39 = arith.constant 0 : i32
    %scan3A_40 = arith.constant 0 : i32
    %scan3A_41 = arith.constant 40 : i32
    %scan3A_42 = arith.addi %scan3A_40, %scan3A_41 : i32
    %scan3A_43 = arith.constant 1 : i32
    %scan3A_44 = scf.for %scan3A_51 = %scan3A_40 to %scan3A_42 step %scan3A_43 iter_args(%scan3A_52 = %scan3A_39) -> (i32)  : i32 {
      "tpu.region"() ({
        %run_scoped3A = tpu.sem_alloc : memref<!tpu.dma_semaphore, #tpu.memory_space<semaphore_mem>>
        %dma_start3A = arith.constant 0 : i32
        %dma_start3A_54 = tpu.memref_slice %arg4[%scan3A_51, %dma_start3A] : memref<40x128xi32, #tpu.memory_space<vmem>> -> memref<1x128xi32, #tpu.memory_space<vmem>>
        %dma_start3A_55 = tpu.memref_squeeze %dma_start3A_54 : memref<1x128xi32, #tpu.memory_space<vmem>> -> memref<128xi32, #tpu.memory_space<vmem>>
        %dma_start3A_56 = arith.constant 0 : i32
        %dma_start3A_57 = arith.constant 0 : i32
        %dma_start3A_58 = tpu.memref_slice %arg6[%dma_start3A_56, %dma_start3A_57] : memref<10240x128xf32, #tpu.memory_space<vmem_shared>> -> memref<10240x128xf32, #tpu.memory_space<vmem_shared>>
        tpu.enqueue_indirect_dma source(%arg5 : memref<128x128xf32, #tpu.memory_space<vmem>>) target(%dma_start3A_58 : memref<10240x128xf32, #tpu.memory_space<vmem_shared>>) offsets(%dma_start3A_55 : memref<128xi32, #tpu.memory_space<vmem>>) semaphore(%run_scoped3A : memref<!tpu.dma_semaphore, #tpu.memory_space<semaphore_mem>>) {add = true}
        %dma_wait3A = arith.constant 0 : i32
        %dma_wait3A_59 = tpu.memref_slice %arg4[%scan3A_51, %dma_wait3A] : memref<40x128xi32, #tpu.memory_space<vmem>> -> memref<1x128xi32, #tpu.memory_space<vmem>>
        %dma_wait3A_60 = tpu.memref_squeeze %dma_wait3A_59 : memref<1x128xi32, #tpu.memory_space<vmem>> -> memref<128xi32, #tpu.memory_space<vmem>>
        %dma_wait3A_61 = arith.constant 0 : i32
        %dma_wait3A_62 = arith.constant 0 : i32
        %dma_wait3A_63 = tpu.memref_slice %arg6[%dma_wait3A_61, %dma_wait3A_62] : memref<10240x128xf32, #tpu.memory_space<vmem_shared>> -> memref<10240x128xf32, #tpu.memory_space<vmem_shared>>
        tpu.wait_indirect_dma semaphore(%run_scoped3A : memref<!tpu.dma_semaphore, #tpu.memory_space<semaphore_mem>>) src(%arg5 : memref<128x128xf32, #tpu.memory_space<vmem>>) dst(%dma_wait3A_63 : memref<10240x128xf32, #tpu.memory_space<vmem_shared>>)
        tpu.yield
      }) : () -> ()
      %scan3A_53 = arith.constant 0 : i32
      scf.yield %scan3A_53 : i32
    }
    %scan3A_45 = arith.constant 40 : i32
    %barrier3A_46 = arith.constant 0 : index
    tpu.barrier barrier_id(%barrier3A_46)
    %mul3A_47 = arith.constant 640 : i32
    %mul3A_48 = arith.muli %arg1, %mul3A_47 : i32
    %mul3A_49 = arith.constant 640 : i32
    %mul3A_50 = arith.muli %arg1, %mul3A_49 : i32
    "tpu.region"() ({
      %run_scoped3A = tpu.sem_alloc : memref<!tpu.dma_semaphore, #tpu.memory_space<semaphore_mem>>
      %dma_start3A = arith.constant 0 : i32
      %dma_start3A_51 = tpu.memref_slice %arg3[%arg0, %mul3A_50, %dma_start3A] : memref<2x10240x128xf32, #tpu.memory_space<hbm>> -> memref<1x640x128xf32, #tpu.memory_space<hbm>>
      %dma_start3A_52 = tpu.memref_squeeze %dma_start3A_51 : memref<1x640x128xf32, #tpu.memory_space<hbm>> -> memref<640x128xf32, #tpu.memory_space<hbm>>
      %dma_start3A_53 = arith.constant 0 : i32
      %dma_start3A_54 = tpu.memref_slice %arg6[%mul3A_48, %dma_start3A_53] : memref<10240x128xf32, #tpu.memory_space<vmem_shared>> -> memref<640x128xf32, #tpu.memory_space<vmem_shared>>
      tpu.enqueue_dma source(%dma_start3A_54 : memref<640x128xf32, #tpu.memory_space<vmem_shared>>) target(%dma_start3A_52 : memref<640x128xf32, #tpu.memory_space<hbm>>) target_semaphore(%run_scoped3A : memref<!tpu.dma_semaphore, #tpu.memory_space<semaphore_mem>>)
      %dma_wait3A = arith.constant 0 : i32
      %dma_wait3A_55 = tpu.memref_slice %arg3[%arg0, %mul3A_50, %dma_wait3A] : memref<2x10240x128xf32, #tpu.memory_space<hbm>> -> memref<1x640x128xf32, #tpu.memory_space<hbm>>
      %dma_wait3A_56 = tpu.memref_squeeze %dma_wait3A_55 : memref<1x640x128xf32, #tpu.memory_space<hbm>> -> memref<640x128xf32, #tpu.memory_space<hbm>>
      %dma_wait3A_57 = arith.constant 0 : i32
      %dma_wait3A_58 = tpu.memref_slice %arg6[%mul3A_48, %dma_wait3A_57] : memref<10240x128xf32, #tpu.memory_space<vmem_shared>> -> memref<640x128xf32, #tpu.memory_space<vmem_shared>>
      tpu.wait_dma2 semaphore(%run_scoped3A : memref<!tpu.dma_semaphore, #tpu.memory_space<semaphore_mem>>) src(%dma_wait3A_58 : memref<640x128xf32, #tpu.memory_space<vmem_shared>>) dst(%dma_wait3A_56 : memref<640x128xf32, #tpu.memory_space<hbm>>)
      tpu.yield
    }) : () -> ()
    return
  }
}

module attributes {stable_mosaic.version = 14 : i64} {
  func.func @_hprime_body(%arg0: i32, %arg1: memref<256x256xf32, #tpu.memory_space<vmem>>, %arg2: memref<256x256xf32, #tpu.memory_space<vmem>>, %arg3: memref<2x256x128xf32, #tpu.memory_space<vmem>>, %arg4: memref<256x128xf32, #tpu.memory_space<vmem>>, %arg5: memref<256x128xf32, #tpu.memory_space<vmem>>, %arg6: memref<256x1xf32, #tpu.memory_space<vmem>>) attributes {dimension_semantics = [#tpu.dimension_semantics<arbitrary>], iteration_bounds = array<i64: 40>, scalar_prefetch = 0 : i64, scratch_operands = 0 : i64, tpu.core_type = #tpu.core_type<tc>, window_params = [{transform_indices = @transform_0, window_bounds = array<i64: 256, 256>}, {pipeline_mode = #tpu.pipeline_mode<synchronous>, transform_indices = @transform_1, window_bounds = array<i64: 256, 256>}, {transform_indices = @transform_2, window_bounds = array<i64: 2, 256, 128>}, {transform_indices = @transform_3, window_bounds = array<i64: 256, 128>}, {transform_indices = @transform_4, window_bounds = array<i64: 256, 128>}, {transform_indices = @transform_5, window_bounds = array<i64: 256, 1>}]} {
    %get3A = arith.constant 0 : index
    %get3A_0 = arith.constant 0 : index
    %get3A_1 = arith.constant 0 : index
    %get3A_2 = vector.load %arg3[%get3A, %get3A_0, %get3A_1] : memref<2x256x128xf32, #tpu.memory_space<vmem>>, vector<2x256x128xf32>
    %slice3A = vector.extract_strided_slice %get3A_2 {offsets = [0, 0, 0], sizes = [1, 256, 1], strides = [1, 1, 1]} : vector<2x256x128xf32> to vector<1x256x1xf32>
    %squeeze3A = vector.shape_cast %slice3A : vector<1x256x1xf32> to vector<256x1xf32>
    %slice3A_3 = vector.extract_strided_slice %get3A_2 {offsets = [1, 0, 0], sizes = [1, 256, 1], strides = [1, 1, 1]} : vector<2x256x128xf32> to vector<1x256x1xf32>
    %squeeze3A_4 = vector.shape_cast %slice3A_3 : vector<1x256x1xf32> to vector<256x1xf32>
    %add3A = arith.addf %squeeze3A, %squeeze3A_4 : vector<256x1xf32>
    %add3A_5 = arith.constant 1.000000e+00 : f32
    %add3A_6 = vector.broadcast %add3A_5 : f32 to vector<256x1xf32>
    %add3A_7 = arith.addf %add3A, %add3A_6 : vector<256x1xf32>
    %rsqrt3A = math.rsqrt %add3A_7 : vector<256x1xf32>
    %get3A_8 = arith.constant 0 : index
    %get3A_9 = arith.constant 0 : index
    %get3A_10 = vector.load %arg1[%get3A_8, %get3A_9] : memref<256x256xf32, #tpu.memory_space<vmem>>, vector<256x256xf32>
    %get3A_11 = arith.constant 0 : index
    %get3A_12 = arith.constant 0 : index
    %get3A_13 = vector.load %arg2[%get3A_11, %get3A_12] : memref<256x256xf32, #tpu.memory_space<vmem>>, vector<256x256xf32>
    %dot_general3A = arith.constant dense<0.000000e+00> : vector<256x256xf32>
    %dot_general3A_14 = tpu.matmul %get3A_10, %get3A_13, %dot_general3A {dimension_numbers = #tpu.dot_dimension_numbers<[1], [0], [0], [1], [0, 0, 1, 1], [], []>, transpose_lhs_hint = false} : vector<256x256xf32>, vector<256x256xf32>, vector<256x256xf32> -> vector<256x256xf32>
    %mul3A = vector.broadcast %rsqrt3A : vector<256x1xf32> to vector<256x256xf32>
    %mul3A_15 = arith.mulf %dot_general3A_14, %mul3A : vector<256x256xf32>
    %slice3A_16 = vector.extract_strided_slice %mul3A_15 {offsets = [0, 0], sizes = [256, 128], strides = [1, 1]} : vector<256x256xf32> to vector<256x128xf32>
    %swap3A = arith.constant 0 : index
    %swap3A_17 = arith.constant 0 : index
    %swap3A_18 = vector.load %arg4[%swap3A, %swap3A_17] : memref<256x128xf32, #tpu.memory_space<vmem>>, vector<256x128xf32>
    tpu.vector_store %arg4[%swap3A, %swap3A_17], %slice3A_16 {strides = array<i32>} : memref<256x128xf32, #tpu.memory_space<vmem>>, vector<256x128xf32>,
    %slice3A_19 = vector.extract_strided_slice %mul3A_15 {offsets = [0, 128], sizes = [256, 128], strides = [1, 1]} : vector<256x256xf32> to vector<256x128xf32>
    %swap3A_20 = arith.constant 0 : index
    %swap3A_21 = arith.constant 0 : index
    %swap3A_22 = vector.load %arg5[%swap3A_20, %swap3A_21] : memref<256x128xf32, #tpu.memory_space<vmem>>, vector<256x128xf32>
    tpu.vector_store %arg5[%swap3A_20, %swap3A_21], %slice3A_19 {strides = array<i32>} : memref<256x128xf32, #tpu.memory_space<vmem>>, vector<256x128xf32>,
    %swap3A_23 = arith.constant 0 : index
    %swap3A_24 = arith.constant 0 : index
    %swap3A_25 = vector.load %arg6[%swap3A_23, %swap3A_24] : memref<256x1xf32, #tpu.memory_space<vmem>>, vector<256x1xf32>
    tpu.vector_store %arg6[%swap3A_23, %swap3A_24], %rsqrt3A {strides = array<i32>} : memref<256x1xf32, #tpu.memory_space<vmem>>, vector<256x1xf32>,
    return
  }
  func.func @transform_0(%arg0: i32) -> (i32, i32) {
    %c0_i32 = arith.constant 0 : i32
    %c0_i32_0 = arith.constant 0 : i32
    return %arg0, %c0_i32 : i32, i32
  }
  func.func @transform_1(%arg0: i32) -> (i32, i32) {
    %c0_i32 = arith.constant 0 : i32
    %c0_i32_0 = arith.constant 0 : i32
    %c0_i32_1 = arith.constant 0 : i32
    return %c0_i32, %c0_i32_0 : i32, i32
  }
  func.func @transform_2(%arg0: i32) -> (i32, i32, i32) {
    %c0_i32 = arith.constant 0 : i32
    %c0_i32_0 = arith.constant 0 : i32
    %c0_i32_1 = arith.constant 0 : i32
    return %c0_i32, %arg0, %c0_i32_0 : i32, i32, i32
  }
  func.func @transform_3(%arg0: i32) -> (i32, i32) {
    %c0_i32 = arith.constant 0 : i32
    %c0_i32_0 = arith.constant 0 : i32
    return %arg0, %c0_i32 : i32, i32
  }
  func.func @transform_4(%arg0: i32) -> (i32, i32) {
    %c0_i32 = arith.constant 0 : i32
    %c0_i32_0 = arith.constant 0 : i32
    return %arg0, %c0_i32 : i32, i32
  }
  func.func @transform_5(%arg0: i32) -> (i32, i32) {
    %c0_i32 = arith.constant 0 : i32
    %c0_i32_0 = arith.constant 0 : i32
    return %arg0, %c0_i32 : i32, i32
  }
}

module attributes {stable_mosaic.version = 14 : i64} {
  func.func @_final_body(%arg0: i32, %arg1: memref<256x256xf32, #tpu.memory_space<vmem>>, %arg2: memref<256x128xf32, #tpu.memory_space<vmem>>, %arg3: memref<256x128xf32, #tpu.memory_space<vmem>>, %arg4: memref<256x128xf32, #tpu.memory_space<vmem>>, %arg5: memref<256x128xf32, #tpu.memory_space<vmem>>, %arg6: memref<256x1xf32, #tpu.memory_space<vmem>>, %arg7: memref<1x256xf32, #tpu.memory_space<vmem>>, %arg8: memref<256x256xf32, #tpu.memory_space<vmem>>, %arg9: memref<1x256xf32, #tpu.memory_space<vmem>>, %arg10: memref<256x256xf32, #tpu.memory_space<vmem>>, %arg11: memref<1x256xf32, #tpu.memory_space<vmem>>, %arg12: memref<256x256xf32, #tpu.memory_space<vmem>>, %arg13: memref<1x256xf32, #tpu.memory_space<vmem>>, %arg14: memref<256x2xf32, #tpu.memory_space<vmem>>, %arg15: memref<1x2xf32, #tpu.memory_space<vmem>>, %arg16: memref<256x2xf32, #tpu.memory_space<vmem>>) attributes {dimension_semantics = [#tpu.dimension_semantics<arbitrary>], iteration_bounds = array<i64: 40>, scalar_prefetch = 0 : i64, scratch_operands = 0 : i64, tpu.core_type = #tpu.core_type<tc>, window_params = [{transform_indices = @transform_0, window_bounds = array<i64: 256, 256>}, {transform_indices = @transform_1, window_bounds = array<i64: 256, 128>}, {transform_indices = @transform_2, window_bounds = array<i64: 256, 128>}, {transform_indices = @transform_3, window_bounds = array<i64: 256, 128>}, {transform_indices = @transform_4, window_bounds = array<i64: 256, 128>}, {transform_indices = @transform_5, window_bounds = array<i64: 256, 1>}, {pipeline_mode = #tpu.pipeline_mode<synchronous>, transform_indices = @transform_6, window_bounds = array<i64: 1, 256>}, {pipeline_mode = #tpu.pipeline_mode<synchronous>, transform_indices = @transform_7, window_bounds = array<i64: 256, 256>}, {pipeline_mode = #tpu.pipeline_mode<synchronous>, transform_indices = @transform_8, window_bounds = array<i64: 1, 256>}, {pipeline_mode = #tpu.pipeline_mode<synchronous>, transform_indices = @transform_9, window_bounds = array<i64: 256, 256>}, {pipeline_mode = #tpu.pipeline_mode<synchronous>, transform_indices = @transform_10, window_bounds = array<i64: 1, 256>}, {pipeline_mode = #tpu.pipeline_mode<synchronous>, transform_indices = @transform_11, window_bounds = array<i64: 256, 256>}, {pipeline_mode = #tpu.pipeline_mode<synchronous>, transform_indices = @transform_12, window_bounds = array<i64: 1, 256>}, {pipeline_mode = #tpu.pipeline_mode<synchronous>, transform_indices = @transform_13, window_bounds = array<i64: 256, 2>}, {pipeline_mode = #tpu.pipeline_mode<synchronous>, transform_indices = @transform_14, window_bounds = array<i64: 1, 2>}, {transform_indices = @transform_15, window_bounds = array<i64: 256, 2>}]} {
    %get3A = arith.constant 0 : index
    %get3A_0 = arith.constant 0 : index
    %get3A_1 = vector.load %arg12[%get3A, %get3A_0] : memref<256x256xf32, #tpu.memory_space<vmem>>, vector<256x256xf32>
    %get3A_2 = arith.constant 0 : index
    %get3A_3 = arith.constant 0 : index
    %get3A_4 = vector.load %arg14[%get3A_2, %get3A_3] : memref<256x2xf32, #tpu.memory_space<vmem>>, vector<256x2xf32>
    %dot_general3A = arith.constant dense<0.000000e+00> : vector<256x2xf32>
    %dot_general3A_5 = tpu.matmul %get3A_1, %get3A_4, %dot_general3A {dimension_numbers = #tpu.dot_dimension_numbers<[1], [0], [0], [1], [0, 0, 1, 1], [], []>, transpose_lhs_hint = false} : vector<256x256xf32>, vector<256x2xf32>, vector<256x2xf32> -> vector<256x2xf32>
    %get3A_6 = arith.constant 0 : index
    %get3A_7 = arith.constant 0 : index
    %get3A_8 = vector.load %arg10[%get3A_6, %get3A_7] : memref<256x256xf32, #tpu.memory_space<vmem>>, vector<256x256xf32>
    %dot_general3A_9 = arith.constant dense<0.000000e+00> : vector<256x2xf32>
    %dot_general3A_10 = tpu.matmul %get3A_8, %dot_general3A_5, %dot_general3A_9 {dimension_numbers = #tpu.dot_dimension_numbers<[1], [0], [0], [1], [0, 0, 1, 1], [], []>, transpose_lhs_hint = false} : vector<256x256xf32>, vector<256x2xf32>, vector<256x2xf32> -> vector<256x2xf32>
    %get3A_11 = arith.constant 0 : index
    %get3A_12 = arith.constant 0 : index
    %get3A_13 = vector.load %arg8[%get3A_11, %get3A_12] : memref<256x256xf32, #tpu.memory_space<vmem>>, vector<256x256xf32>
    %dot_general3A_14 = arith.constant dense<0.000000e+00> : vector<256x2xf32>
    %dot_general3A_15 = tpu.matmul %get3A_13, %dot_general3A_10, %dot_general3A_14 {dimension_numbers = #tpu.dot_dimension_numbers<[1], [0], [0], [1], [0, 0, 1, 1], [], []>, transpose_lhs_hint = false} : vector<256x256xf32>, vector<256x2xf32>, vector<256x2xf32> -> vector<256x2xf32>
    %get3A_16 = arith.constant 0 : index
    %get3A_17 = arith.constant 0 : index
    %get3A_18 = vector.load %arg9[%get3A_16, %get3A_17] : memref<1x256xf32, #tpu.memory_space<vmem>>, vector<1x256xf32>
    %dot_general3A_19 = arith.constant dense<0.000000e+00> : vector<1x2xf32>
    %dot_general3A_20 = tpu.matmul %get3A_18, %dot_general3A_10, %dot_general3A_19 {dimension_numbers = #tpu.dot_dimension_numbers<[1], [0], [0], [1], [0, 0, 1, 1], [], []>, transpose_lhs_hint = false} : vector<1x256xf32>, vector<256x2xf32>, vector<1x2xf32> -> vector<1x2xf32>
    %mul3A = arith.constant 5.000000e-01 : f32
    %mul3A_21 = vector.broadcast %mul3A : f32 to vector<1x2xf32>
    %mul3A_22 = arith.mulf %mul3A_21, %dot_general3A_20 : vector<1x2xf32>
    %get3A_23 = arith.constant 0 : index
    %get3A_24 = arith.constant 0 : index
    %get3A_25 = vector.load %arg11[%get3A_23, %get3A_24] : memref<1x256xf32, #tpu.memory_space<vmem>>, vector<1x256xf32>
    %get3A_26 = arith.constant 0 : index
    %get3A_27 = arith.constant 0 : index
    %get3A_28 = vector.load %arg12[%get3A_26, %get3A_27] : memref<256x256xf32, #tpu.memory_space<vmem>>, vector<256x256xf32>
    %dot_general3A_29 = arith.constant dense<0.000000e+00> : vector<1x256xf32>
    %dot_general3A_30 = tpu.matmul %get3A_25, %get3A_28, %dot_general3A_29 {dimension_numbers = #tpu.dot_dimension_numbers<[1], [0], [0], [1], [0, 0, 1, 1], [], []>, transpose_lhs_hint = false} : vector<1x256xf32>, vector<256x256xf32>, vector<1x256xf32> -> vector<1x256xf32>
    %get3A_31 = arith.constant 0 : index
    %get3A_32 = arith.constant 0 : index
    %get3A_33 = vector.load %arg13[%get3A_31, %get3A_32] : memref<1x256xf32, #tpu.memory_space<vmem>>, vector<1x256xf32>
    %add3A = arith.addf %dot_general3A_30, %get3A_33 : vector<1x256xf32>
    %get3A_34 = arith.constant 0 : index
    %get3A_35 = arith.constant 0 : index
    %get3A_36 = vector.load %arg14[%get3A_34, %get3A_35] : memref<256x2xf32, #tpu.memory_space<vmem>>, vector<256x2xf32>
    %dot_general3A_37 = arith.constant dense<0.000000e+00> : vector<1x2xf32>
    %dot_general3A_38 = tpu.matmul %add3A, %get3A_36, %dot_general3A_37 {dimension_numbers = #tpu.dot_dimension_numbers<[1], [0], [0], [1], [0, 0, 1, 1], [], []>, transpose_lhs_hint = false} : vector<1x256xf32>, vector<256x2xf32>, vector<1x2xf32> -> vector<1x2xf32>
    %add3A_39 = arith.addf %mul3A_22, %dot_general3A_38 : vector<1x2xf32>
    %get3A_40 = arith.constant 0 : index
    %get3A_41 = arith.constant 0 : index
    %get3A_42 = vector.load %arg15[%get3A_40, %get3A_41] : memref<1x2xf32, #tpu.memory_space<vmem>>, vector<1x2xf32>
    %add3A_43 = arith.addf %add3A_39, %get3A_42 : vector<1x2xf32>
    %get3A_44 = arith.constant 0 : index
    %get3A_45 = arith.constant 0 : index
    %get3A_46 = vector.load %arg6[%get3A_44, %get3A_45] : memref<256x1xf32, #tpu.memory_space<vmem>>, vector<256x1xf32>
    %get3A_47 = arith.constant 0 : index
    %get3A_48 = arith.constant 0 : index
    %get3A_49 = vector.load %arg7[%get3A_47, %get3A_48] : memref<1x256xf32, #tpu.memory_space<vmem>>, vector<1x256xf32>
    %get3A_50 = arith.constant 0 : index
    %get3A_51 = arith.constant 0 : index
    %get3A_52 = vector.load %arg2[%get3A_50, %get3A_51] : memref<256x128xf32, #tpu.memory_space<vmem>>, vector<256x128xf32>
    %get3A_53 = arith.constant 0 : index
    %get3A_54 = arith.constant 0 : index
    %get3A_55 = vector.load %arg4[%get3A_53, %get3A_54] : memref<256x128xf32, #tpu.memory_space<vmem>>, vector<256x128xf32>
    %add3A_56 = arith.addf %get3A_52, %get3A_55 : vector<256x128xf32>
    %mul3A_57 = vector.broadcast %get3A_46 : vector<256x1xf32> to vector<256x128xf32>
    %mul3A_58 = arith.mulf %mul3A_57, %add3A_56 : vector<256x128xf32>
    %slice3A = vector.extract_strided_slice %get3A_49 {offsets = [0, 0], sizes = [1, 128], strides = [1, 1]} : vector<1x256xf32> to vector<1x128xf32>
    %add3A_59 = vector.broadcast %slice3A : vector<1x128xf32> to vector<256x128xf32>
    %add3A_60 = arith.addf %mul3A_58, %add3A_59 : vector<256x128xf32>
    %max3A = arith.constant 0.000000e+00 : f32
    %max3A_61 = vector.broadcast %max3A : f32 to vector<256x128xf32>
    %max3A_62 = arith.maximumf %add3A_60, %max3A_61 : vector<256x128xf32>
    %get3A_63 = arith.constant 0 : index
    %get3A_64 = arith.constant 0 : index
    %get3A_65 = vector.load %arg3[%get3A_63, %get3A_64] : memref<256x128xf32, #tpu.memory_space<vmem>>, vector<256x128xf32>
    %get3A_66 = arith.constant 0 : index
    %get3A_67 = arith.constant 0 : index
    %get3A_68 = vector.load %arg5[%get3A_66, %get3A_67] : memref<256x128xf32, #tpu.memory_space<vmem>>, vector<256x128xf32>
    %add3A_69 = arith.addf %get3A_65, %get3A_68 : vector<256x128xf32>
    %mul3A_70 = vector.broadcast %get3A_46 : vector<256x1xf32> to vector<256x128xf32>
    %mul3A_71 = arith.mulf %mul3A_70, %add3A_69 : vector<256x128xf32>
    %slice3A_72 = vector.extract_strided_slice %get3A_49 {offsets = [0, 128], sizes = [1, 128], strides = [1, 1]} : vector<1x256xf32> to vector<1x128xf32>
    %add3A_73 = vector.broadcast %slice3A_72 : vector<1x128xf32> to vector<256x128xf32>
    %add3A_74 = arith.addf %mul3A_71, %add3A_73 : vector<256x128xf32>
    %max3A_75 = arith.constant 0.000000e+00 : f32
    %max3A_76 = vector.broadcast %max3A_75 : f32 to vector<256x128xf32>
    %max3A_77 = arith.maximumf %add3A_74, %max3A_76 : vector<256x128xf32>
    %get3A_78 = arith.constant 0 : index
    %get3A_79 = arith.constant 0 : index
    %get3A_80 = vector.load %arg1[%get3A_78, %get3A_79] : memref<256x256xf32, #tpu.memory_space<vmem>>, vector<256x256xf32>
    %dot_general3A_81 = arith.constant dense<0.000000e+00> : vector<256x2xf32>
    %dot_general3A_82 = tpu.matmul %get3A_80, %dot_general3A_15, %dot_general3A_81 {dimension_numbers = #tpu.dot_dimension_numbers<[1], [0], [0], [1], [0, 0, 1, 1], [], []>, transpose_lhs_hint = false} : vector<256x256xf32>, vector<256x2xf32>, vector<256x2xf32> -> vector<256x2xf32>
    %slice3A_83 = vector.extract_strided_slice %dot_general3A_10 {offsets = [0, 0], sizes = [128, 2], strides = [1, 1]} : vector<256x2xf32> to vector<128x2xf32>
    %dot_general3A_84 = arith.constant dense<0.000000e+00> : vector<256x2xf32>
    %dot_general3A_85 = tpu.matmul %max3A_62, %slice3A_83, %dot_general3A_84 {dimension_numbers = #tpu.dot_dimension_numbers<[1], [0], [0], [1], [0, 0, 1, 1], [], []>, transpose_lhs_hint = false} : vector<256x128xf32>, vector<128x2xf32>, vector<256x2xf32> -> vector<256x2xf32>
    %add3A_86 = arith.addf %dot_general3A_82, %dot_general3A_85 : vector<256x2xf32>
    %slice3A_87 = vector.extract_strided_slice %dot_general3A_10 {offsets = [128, 0], sizes = [128, 2], strides = [1, 1]} : vector<256x2xf32> to vector<128x2xf32>
    %dot_general3A_88 = arith.constant dense<0.000000e+00> : vector<256x2xf32>
    %dot_general3A_89 = tpu.matmul %max3A_77, %slice3A_87, %dot_general3A_88 {dimension_numbers = #tpu.dot_dimension_numbers<[1], [0], [0], [1], [0, 0, 1, 1], [], []>, transpose_lhs_hint = false} : vector<256x128xf32>, vector<128x2xf32>, vector<256x2xf32> -> vector<256x2xf32>
    %add3A_90 = arith.addf %add3A_86, %dot_general3A_89 : vector<256x2xf32>
    %mul3A_91 = arith.constant 5.000000e-01 : f32
    %mul3A_92 = vector.broadcast %mul3A_91 : f32 to vector<256x2xf32>
    %mul3A_93 = arith.mulf %mul3A_92, %add3A_90 : vector<256x2xf32>
    %add3A_94 = vector.broadcast %add3A_43 : vector<1x2xf32> to vector<256x2xf32>
    %add3A_95 = arith.addf %mul3A_93, %add3A_94 : vector<256x2xf32>
    %swap3A = arith.constant 0 : index
    %swap3A_96 = arith.constant 0 : index
    %swap3A_97 = vector.load %arg16[%swap3A, %swap3A_96] : memref<256x2xf32, #tpu.memory_space<vmem>>, vector<256x2xf32>
    tpu.vector_store %arg16[%swap3A, %swap3A_96], %add3A_95 {strides = array<i32>} : memref<256x2xf32, #tpu.memory_space<vmem>>, vector<256x2xf32>,
    return
  }
  func.func @transform_0(%arg0: i32) -> (i32, i32) {
    %c0_i32 = arith.constant 0 : i32
    %c0_i32_0 = arith.constant 0 : i32
    return %arg0, %c0_i32 : i32, i32
  }
  func.func @transform_1(%arg0: i32) -> (i32, i32) {
    %c0_i32 = arith.constant 0 : i32
    %c0_i32_0 = arith.constant 0 : i32
    return %arg0, %c0_i32 : i32, i32
  }
  func.func @transform_2(%arg0: i32) -> (i32, i32) {
    %c0_i32 = arith.constant 0 : i32
    %c0_i32_0 = arith.constant 0 : i32
    return %arg0, %c0_i32 : i32, i32
  }
  func.func @transform_3(%arg0: i32) -> (i32, i32) {
    %c0_i32 = arith.constant 0 : i32
    %c0_i32_0 = arith.constant 0 : i32
    return %arg0, %c0_i32 : i32, i32
  }
  func.func @transform_4(%arg0: i32) -> (i32, i32) {
    %c0_i32 = arith.constant 0 : i32
    %c0_i32_0 = arith.constant 0 : i32
    return %arg0, %c0_i32 : i32, i32
  }
  func.func @transform_5(%arg0: i32) -> (i32, i32) {
    %c0_i32 = arith.constant 0 : i32
    %c0_i32_0 = arith.constant 0 : i32
    return %arg0, %c0_i32 : i32, i32
  }
  func.func @transform_6(%arg0: i32) -> (i32, i32) {
    %c0_i32 = arith.constant 0 : i32
    %c0_i32_0 = arith.constant 0 : i32
    %c0_i32_1 = arith.constant 0 : i32
    return %c0_i32, %c0_i32_0 : i32, i32
  }
  func.func @transform_7(%arg0: i32) -> (i32, i32) {
    %c0_i32 = arith.constant 0 : i32
    %c0_i32_0 = arith.constant 0 : i32
    %c0_i32_1 = arith.constant 0 : i32
    return %c0_i32, %c0_i32_0 : i32, i32
  }
  func.func @transform_8(%arg0: i32) -> (i32, i32) {
    %c0_i32 = arith.constant 0 : i32
    %c0_i32_0 = arith.constant 0 : i32
    %c0_i32_1 = arith.constant 0 : i32
    return %c0_i32, %c0_i32_0 : i32, i32
  }
  func.func @transform_9(%arg0: i32) -> (i32, i32) {
    %c0_i32 = arith.constant 0 : i32
    %c0_i32_0 = arith.constant 0 : i32
    %c0_i32_1 = arith.constant 0 : i32
    return %c0_i32, %c0_i32_0 : i32, i32
  }
  func.func @transform_10(%arg0: i32) -> (i32, i32) {
    %c0_i32 = arith.constant 0 : i32
    %c0_i32_0 = arith.constant 0 : i32
    %c0_i32_1 = arith.constant 0 : i32
    return %c0_i32, %c0_i32_0 : i32, i32
  }
  func.func @transform_11(%arg0: i32) -> (i32, i32) {
    %c0_i32 = arith.constant 0 : i32
    %c0_i32_0 = arith.constant 0 : i32
    %c0_i32_1 = arith.constant 0 : i32
    return %c0_i32, %c0_i32_0 : i32, i32
  }
  func.func @transform_12(%arg0: i32) -> (i32, i32) {
    %c0_i32 = arith.constant 0 : i32
    %c0_i32_0 = arith.constant 0 : i32
    %c0_i32_1 = arith.constant 0 : i32
    return %c0_i32, %c0_i32_0 : i32, i32
  }
  func.func @transform_13(%arg0: i32) -> (i32, i32) {
    %c0_i32 = arith.constant 0 : i32
    %c0_i32_0 = arith.constant 0 : i32
    %c0_i32_1 = arith.constant 0 : i32
    return %c0_i32, %c0_i32_0 : i32, i32
  }
  func.func @transform_14(%arg0: i32) -> (i32, i32) {
    %c0_i32 = arith.constant 0 : i32
    %c0_i32_0 = arith.constant 0 : i32
    %c0_i32_1 = arith.constant 0 : i32
    return %c0_i32, %c0_i32_0 : i32, i32
  }
  func.func @transform_15(%arg0: i32) -> (i32, i32) {
    %c0_i32 = arith.constant 0 : i32
    %c0_i32_0 = arith.constant 0 : i32
    return %arg0, %c0_i32 : i32, i32
  }
}

</mosaic_0001>

<sc_bundles>
// kernel: kernel.6.cloned.1.call-start
scs
__scs_entry_jumppad:
0x0: {  	(pc) =	sbr.rel $0x88, $3  }
0x1: {  	(tag) =	ssettag $0x0;
	lr =	simm.s32 $0x1  }
0x2: {  	[smem:$0x3F95] =	sst lr;
	_ =	strace $0xD0000000  }
0x3: {  	_ = 	snop  }
0x4: {  	_ = 	snop  }
0x5: {  	_ = 	snop  }
0x6: {  	_ = 	snop  }
0x7: {  	_ = 	snop  }
__scs_overlays_trampoline_lowered:
0x8: {  	[smem:$0x3FA4] =	sst s0  }
0x9: {  	[smem:$0x3FA5] =	sst s1  }
0xa: {  	[smem:$0x3FA6] =	sst s2  }
0xb: {  	[smem:$0x3FA7] =	sst s3  }
0xc: {  	[smem:$0x3FA8] =	sst s4  }
0xd: {  	[smem:$0x3FA9] =	sst s5  }
0xe: {  	[smem:$0x3FAA] =	sst s6  }
0xf: {  	[smem:$0x3FAB] =	sst s7  }
0x10: {  	[smem:$0x3FAC] =	sst s8  }
0x11: {  	[smem:$0x3FAD] =	sst s9;
	s0 =	simm.s32 @!p0 $0x0  }
0x12: {  	s1 =	sld [smem:$0x3F93];
	s0 =	simm.s32 @p0 $0x1  }
0x13: {  	[smem:$0x3FAE] =	sst s0;
	s0 =	simm.s32 @!p1 $0x0  }
0x14: {  	s2 =	sld [smem:$0x3F92];
	s0 =	simm.s32 @p1 $0x1  }
0x15: {  	[smem:$0x3FAF] =	sst s0;
	s0 =	simm.s32 @!p2 $0x0  }
0x16: {  	s3 =	sld [smem:$0x3FDB];
	s0 =	simm.s32 @p2 $0x1  }
0x17: {  	s4 =	simm.s32 $0x1BF5;
	[smem:$0x3FB1] =	sst s0  }
0x18: {  	s0 =	sld [smem:$0x3F94];
	_ =	swait.ge [sflag:s4], $0x0  }
0x19: {  	s7 =	sld [smem:$0x3F95]  }
0x1a: {  	s8 =	sadd.s32 $0xFFFFE003, lr  }
0x1b: {  	s9 =	sadd.s32 $0xFFFFFEF7, lr;
	s5 =	simm.s32 $0xFFFFFFFF;
	p2 =	slt.u32 s8, $0xFFFFF086  }
0x1c: {  	p1 =	slt.u32 s9, $0xF7A;
	s5 =	simm.s32 @!p2 $0x0  }
0x1d: {  	s5 =	simm.s32 @p1 $0x1;
	p0 =	seq.s32 s7, s2  }
0x1e: {  	s7 =	smul.u32 @!p0 $0xF7A, s2;
	p2 =	seq.s32 @!p0 s5, $0x0  }
0x1f: {  	s9 =	smul.u32 $0xF7A, s1;
	s8 =	simm.s32 @!p0 $0x1BF5;
	p2 =	por !p2, p0  }
0x20: {  	[sflag:s8] =	ssyncset.s32 @!p0 $0xFFFFF086;
	s6 =	sadd.s32 @!p0 s3, s7;
	s7 =	simm.s32 @!p0 $0x108  }
0x21: {  	s3 =	sadd.s32 s3, s9;
	s6 =	sadd.s32 @!p0 $0x88, s6;
	s7 =	simm.s32 @p2 $0x1082  }
0x22: {  	[simem:s7], [sflag:s8] =	dma.local @!p0 [hbm:s6], $0xF7A  }
0x23: {  	s9 =	sor.u32 $0xD0000000, s2;
	s6 =	simm.s32 $0x108;
	_ =	swait.ge @!p0 [sflag:s8], $0x0  }
0x24: {  	s3 =	sadd.s32 $0x88, s3;
	s6 =	simm.s32 @!p1 $0x1082;
	[sflag:s4] =	ssyncset.s32 $0xFFFFF086  }
0x25: {  	[simem:s6], [sflag:s4] =	dma.local [hbm:s3], $0xF7A  }
0x26: {  	[smem:$0x3F95] =	sst s1;
	(tag) =	ssettag s2;
	_ =	strace s9  }
0x27: {  	s1 =	sld [smem:$0x3FA5]  }
0x28: {  	s2 =	sld [smem:$0x3FA6]  }
0x29: {  	s4 =	sld [smem:$0x3FA8]  }
0x2a: {  	p0 =	seq.s32 s5, $0x0;
	s5 =	sld [smem:$0x3FA9]  }
0x2b: {  	s6 =	sld [smem:$0x3FAA]  }
0x2c: {  	s7 =	sld [smem:$0x3FAB]  }
0x2d: {  	s3 =	simm.s32 $0x108;
	s8 =	sld [smem:$0x3FAC]  }
0x2e: {  	s3 =	simm.s32 @!p0 $0x1082;
	s9 =	sld [smem:$0x3FAD]  }
0x2f: {  	lr =	sadd.s32 s0, s3;
	s0 =	sld [smem:$0x3FA4]  }
0x30: {  	s3 =	sld [smem:$0x3FA7]  }
0x31: {  	[smem:$0x3FB0] =	sst s10  }
0x32: {  	s10 =	sld [smem:$0x3FAE];
	_ =	sdelay $0x3  }
0x33: {  	p0 =	seq.s32 s10, $0x1;
	s10 =	sld [smem:$0x3FB0];
	_ =	sdelay $0x3  }
0x34: {  	[smem:$0x3FB0] =	sst s10  }
0x35: {  	s10 =	sld [smem:$0x3FAF];
	_ =	sdelay $0x3  }
0x36: {  	p1 =	seq.s32 s10, $0x1;
	s10 =	sld [smem:$0x3FB0];
	_ =	sdelay $0x3  }
0x37: {  	[smem:$0x3FB0] =	sst s10  }
0x38: {  	s10 =	sld [smem:$0x3FB1]  }
0x39: {  	_ = 	snop;
	(pc) =	sbr.ind lr, $3  }
0x3a: {  	_ = 	snop  }
0x3b: {  	_ = 	snop  }
0x3c: {  	p2 =	seq.s32 s10, $0x1;
	s10 =	sld [smem:$0x3FB0]  }
0x3d: {  	_ =	shalt  }
0x3e: {  	_ =	shalt  }
0x3f: {  	_ =	shalt  }
0x40: {  	_ =	shalt  }
0x41: {  	_ =	shalt  }
0x42: {  	_ =	shalt  }
0x43: {  	_ =	shalt  }
0x44: {  	_ =	shalt  }
0x45: {  	_ =	shalt  }
0x46: {  	_ =	shalt  }
0x47: {  	_ =	shalt  }
0x48: {  	_ =	shalt  }
0x49: {  	_ =	shalt  }
0x4a: {  	_ =	shalt  }
0x4b: {  	_ =	shalt  }
0x4c: {  	_ =	shalt  }
0x4d: {  	_ =	shalt  }
0x4e: {  	_ =	shalt  }
0x4f: {  	_ =	shalt  }
0x50: {  	_ =	shalt  }
0x51: {  	_ =	shalt  }
0x52: {  	_ =	shalt  }
0x53: {  	_ =	shalt  }
0x54: {  	_ =	shalt  }
0x55: {  	_ =	shalt  }
0x56: {  	_ =	shalt  }
0x57: {  	_ =	shalt  }
0x58: {  	_ =	shalt  }
0x59: {  	_ =	shalt  }
0x5a: {  	_ =	shalt  }
0x5b: {  	_ =	shalt  }
0x5c: {  	_ =	shalt  }
0x5d: {  	_ =	shalt  }
0x5e: {  	_ =	shalt  }
0x5f: {  	_ =	shalt  }
0x60: {  	_ =	shalt  }
0x61: {  	_ =	shalt  }
0x62: {  	_ =	shalt  }
0x63: {  	_ =	shalt  }
0x64: {  	_ =	shalt  }
0x65: {  	_ =	shalt  }
0x66: {  	_ =	shalt  }
0x67: {  	_ =	shalt  }
0x68: {  	_ =	shalt  }
0x69: {  	_ =	shalt  }
0x6a: {  	_ =	shalt  }
0x6b: {  	_ =	shalt  }
0x6c: {  	_ =	shalt  }
0x6d: {  	_ =	shalt  }
0x6e: {  	_ =	shalt  }
0x6f: {  	_ =	shalt  }
0x70: {  	_ =	shalt  }
0x71: {  	_ =	shalt  }
0x72: {  	_ =	shalt  }
0x73: {  	_ =	shalt  }
0x74: {  	_ =	shalt  }
0x75: {  	_ =	shalt  }
0x76: {  	_ =	shalt  }
0x77: {  	_ =	shalt  }
0x78: {  	_ =	shalt  }
0x79: {  	_ =	shalt  }
0x7a: {  	_ =	shalt  }
0x7b: {  	_ =	shalt  }
0x7c: {  	_ =	shalt  }
0x7d: {  	_ =	shalt  }
0x7e: {  	_ =	shalt  }
0x7f: {  	_ =	shalt  }
0x80: {  	_ =	shalt  }
0x81: {  	_ =	shalt  }
0x82: {  	_ =	shalt  }
0x83: {  	_ =	shalt  }
0x84: {  	_ =	shalt  }
0x85: {  	_ =	shalt  }
0x86: {  	_ =	shalt  }
0x87: {  	_ =	shalt  }
.Lfunc_end0:
.L_simem_size_0:
called_computation_lowered:
.L_overlay_start_0:
0x88: {  	s2 =	sld [smem:$0x3FD9]  }
0x89: {  	s3 =	sld [smem:$0x3FFE];
	_ =	sdelay $0x1  }
0x8a: {  	s1 =	srdreg.scid  }
0x8b: {  	s0 =	sand.u32 $0x1, s1  }
0x8c: {  	s16 =	sshll.u32 s0, $0xA;
	s2 =	sadd.s32 s3, s2  }
0x8d: {  	s2 =	sadd.s32 s2, s16  }
0x8e: {  	[smem:$0x3FBC] =	sst s2  }
0x8f: {  	_ = 	snop  }
0x90: {  	(tm) =	ssettm $0x1  }
0x91: {  	s17 =	sld [smem:$0x3FFB];
	_ =	sdelay $0x3  }
0x92: {  	_ =	strace s17  }
0x93: {  	s2 =	sld [smem:$0x3FFC];
	_ =	sdelay $0x3  }
0x94: {  	_ =	strace s2  }
0x95: {  	s2 =	sld [smem:$0x3FFD];
	_ =	sdelay $0x3  }
0x96: {  	_ =	strace s2  }
0x97: {  	_ =	strace $0x8FFFFFFF  }
0x98: {  	s18 =	sld [smem:$0x3FDB];
	_ =	sdelay $0x1  }
0x99: {  	s19 =	simm.s32 $_scs_section_size  }
0x9a: {  	s4 =	simm.s32 $_size__tile_overlayer_lowered;
	s5 =	simm.s32 $_tile_overlayer_lowered  }
0x9b: {  	s22 =	simm.s32 $0x1BFF;
	s21 =	sshll.u32 s5, $0x1;
	s2 =	sadd.s32 s19, s18  }
0x9c: {  	s6 =	simm.s32 $0x0;
	s20 =	sshll.u32 s4, $0x1;
	s4 =	sadd.s32 s21, s2  }
0x9d: {  	[timem:s6], [sflag:s22] =	dma.local [hbm:s4], s20  }
0x9e: {  	_ =	swait.ge [sflag:s22], s20  }
0x9f: {  	s3 =	ssub.s32 $0x0, s20;
	[sflag:s22] =	ssyncset.done $0x0  }
0xa0: {  	[sflag:s22] =	ssyncadd.s32 s3;
	_ =	sdelay $0x1  }
0xa1: {  	s23 =	simm.s32 $0x1B8B  }
0xa2: {  	_ =	swait.ge [sflag:s23], $0x1  }
0xa3: {  	[sflag:s23] =	ssyncset.done $0x0  }
0xa4: {  	s25 =	simm.s32 $0x1B8E;
	s24 =	sld [smem:$0x3FFE];
	[sflag:s23] =	ssyncadd.s32 $0xFFFFFFFF  }
0xa5: {  	s26 =	simm.s32 $execute0_lowered;
	[smem:$0x3FD2] =	sst s25  }
0xa6: {  	s4 =	sshll.u32 s26, $0x1;
	_ =	strace $0x80000046;
	[dreg:$0x1] =	wrdreg $0xFFFFFFFF  }
0xa7: {  	s28 =	simm.s32 $_size_execute0_lowered;
	s2 =	sadd.s32 s2, s4;
	[dreg:$0x0] =	wrdreg $0x0  }
0xa8: {  	s4 =	sshll.u32 s28, $0x1;
	[dreg:$0x2] =	wrdreg s2  }
0xa9: {  	[dreg:$0x3] =	wrdreg s4  }
0xaa: {  	[dreg:$0x4] =	wrdreg $0xC0  }
0xab: {  	_ =	task [dreg:s6], $0x5FFFF  }
0xac: {  	[dreg:$0x1] =	wrdreg $0xFFFFFFFF  }
0xad: {  	[dreg:$0x0] =	wrdreg $0x60  }
0xae: {  	[dreg:$0x2] =	wrdreg s24  }
0xaf: {  	[dreg:$0x3] =	wrdreg $0x54000  }
0xb0: {  	[dreg:$0x4] =	wrdreg $0x9  }
0xb1: {  	_ =	task.clear_ibuf [dreg:s6], $0x5FFFF;
	_ =	strace $0x90000046  }
0xb2: {  	s29 =	simm.s32 $0x9;
	_ =	strace $0x80000048  }
0xb3: {  	_ =	swait.ge [sflag:s29], $0x1  }
0xb4: {  	[sflag:s29] =	ssyncadd.s32 $0xFFFFFFFF  }
0xb5: {  	_ =	strace $0x90000048  }
0xb6: {  	_ =	sfence  }
0xb7: {  	s30 =	sld [smem:$0x0];
	_ =	sdelay $0x2  }
0xb8: {  	s31 =	sshll.u32 s1, $0xD;
	s1 =	sshrl.u32 s1, $0x2  }
0xb9: {  	s3 =	sand.u32 $0x4000, s31;
	s1 =	sadd.s32 s1, s30  }
0xba: {  	s0 =	sor.u32 s3, s0;
	s1 =	sshll.u32 s1, $0x11  }
0xbb: {  	s0 =	sor.u32 s1, s0  }
0xbc: {  	s0 =	sadd.s32 $0x8F2B, s0  }
0xbd: {  	[sflag:s0] =	ssyncadd.remote.s32 $0x1  }
0xbe: {  	_ =	sfence.sel $0xFFFF  }
0xbf: {  	[dreg:$0x0] =	wrdreg $0xFFFFFFFF;
	(pc) =	sbr.abs _section_cstart, $3  }
0xc0: {  	[dreg:$0x1] =	wrdreg $0xFFFFFFFF  }
0xc1: {  	_ =	task.clear_ibuf [dreg:s6], $0x2FFFF;
	_ =	strace $0x9FFFFFFF  }
0xc2: {  	(tm) =	ssettm $0x7FFFFFFF  }
0xc3: {  	_ =	shalt  }
tec
execute0_lowered:
.L_overlay_start_1:
0x0: {  	(tag) =	ssettag $0x1  }
0x1: {  	s0 =	srdreg.scid;
	s5 =	rddreg [dreg:$0x0]  }
0x2: {  	s2 =	rddreg [dreg:$0x1];
	s4 =	sand.u32 $0x1, s0  }
0x3: {  	s3 =	simm.s32 $0x0;
	s0 =	stileid.u32;
	s7 =	smul.u32 $0x140000, s4  }
0x4: {  	s13 =	simm.s32 $0x1;
	s14 =	simm.s32 $0x80;
	s8 =	smul.u32 $0x14000, s0  }
0x5: {  	[smem:$0x7FF] =	sst s3;
	s1 =	sshll.u32 s4, $0x4;
	s9 =	smul.u32 $0x50000, s0  }
0x6: {  	s29 =	ssub.s32 $0x2, s4;
	s15 =	sshll.u32 s0, $0x6;
	s1 =	sor.u32 s0, s1  }
0x7: {  	s31 =	sshrl.u32 s29, $0x1;
	s15 =	sor.u32 $0x1C01, s15;
	s6 =	smul.u32 $0x280, s1  }
0x8: {  	s1 =	rddreg [dreg:$0x2];
	_ =	strace $0x80000047;
	s30 =	sshrl.u32 s9, $0x2  }
0x9: {  	s28 =	sadd.s32 s8, s7;
	s12 =	ssub.s32 s29, s31;
	s4 =	sadd.s32 s30, s2  }
0xa: {  	s10 =	sadd.s32 s6, s5;
	s6 =	sshrl.u32 s28, $0x3;
	s7 =	sadd.s32 $0xC000, s4  }
0xb: {  	s8 =	sadd.s32 $0x10000, s4;
	s16 =	sshrl.u32 s4, $0x3;
	s11 =	sadd.s32 s6, s5  }
0xc: {  	s5 =	sadd.s32 $0x4000, s4;
	s6 =	sadd.s32 $0x8000, s4;
	s9 =	sadd.s32 $0x3400, s10  }
0xd: {  	v0 =	vimm.f32 $0.0e+00;
	v1 =	vimm.f32 $1.000000000e+00;
	s10 =	sadd.s32 $0xD400, s11;
	s11 =	smax.u32 s12, $0x1;
	s12 =	simm.s32 $0x1400  }
.LBB2_1:
0xe: {  	s17 =	simm.s32 $0x0;
	s18 =	simm.s32 $0x200  }
.LBB2_2:
0xf: {  	p0 =	sne.s32 s18, $0xFE00;
	[tilespmem:s17+$0x1470] =	vst v0  }
0x10: {  	[tilespmem:s17+$0x1400] =	vst v0  }
0x11: {  	[tilespmem:s17+$0x1410] =	vst v0  }
.Ltmp0:
0x12: {  	[tilespmem:s17+$0x1420] =	vst v0;
	(pc) =	sbr.rel @p0 .LBB2_2-.Ltmp0, $4  }
0x13: {  	[tilespmem:s17+$0x1430] =	vst v0  }
0x14: {  	[tilespmem:s17+$0x1440] =	vst v0  }
0x15: {  	[tilespmem:s17+$0x1450] =	vst v0  }
0x16: {  	[tilespmem:s17+$0x1460] =	vst v0;
	s17 =	sshra.s32 s18, $0x2;
	s18 =	sadd.s32 $0x200, s18  }
0x17: {  	[tilespmem:s17+$0x1470] =	vst v0  }
0x18: {  	[tilespmem:s17+$0x1400] =	vst v0  }
0x19: {  	[tilespmem:s17+$0x1410] =	vst v0  }
0x1a: {  	[tilespmem:s17+$0x1420] =	vst v0  }
0x1b: {  	[tilespmem:s17+$0x1430] =	vst v0  }
0x1c: {  	[tilespmem:s17+$0x1440] =	vst v0  }
0x1d: {  	[tilespmem:s17+$0x1450] =	vst v0  }
0x1e: {  	[tilespmem:s17+$0x1460] =	vst v0  }
0x1f: {  	[spmem:s4] =	stream.linear.scatter [tilespmem:s12], [sflag:$0x1], $0x4000, $0x38;
	[tilespmem:$0x19400] =	vst v63  }
0x20: {  	_ =	swait.ge [sflag:s13], $0x4000  }
0x21: {  	[sflag:s13] =	ssyncset.done $0x0  }
0x22: {  	[sflag:s13] =	ssyncadd.s32 $0xFFFFC000  }
0x23: {  	[spmem:s5] =	stream.linear.scatter [tilespmem:s12], [sflag:$0x1], $0x4000, $0x38;
	[tilespmem:$0x19400] =	vst v63  }
0x24: {  	_ =	swait.ge [sflag:s13], $0x4000  }
0x25: {  	[sflag:s13] =	ssyncset.done $0x0  }
0x26: {  	[sflag:s13] =	ssyncadd.s32 $0xFFFFC000  }
0x27: {  	[spmem:s6] =	stream.linear.scatter [tilespmem:s12], [sflag:$0x1], $0x4000, $0x38;
	[tilespmem:$0x19400] =	vst v63  }
0x28: {  	_ =	swait.ge [sflag:s13], $0x4000  }
0x29: {  	[sflag:s13] =	ssyncset.done $0x0  }
0x2a: {  	[sflag:s13] =	ssyncadd.s32 $0xFFFFC000  }
0x2b: {  	[spmem:s7] =	stream.linear.scatter [tilespmem:s12], [sflag:$0x1], $0x4000, $0x38;
	[tilespmem:$0x19400] =	vst v63  }
0x2c: {  	_ =	swait.ge [sflag:s13], $0x4000  }
0x2d: {  	[sflag:s13] =	ssyncset.done $0x0  }
0x2e: {  	[sflag:s13] =	ssyncadd.s32 $0xFFFFC000  }
0x2f: {  	[spmem:s8] =	stream.linear.scatter [tilespmem:s12], [sflag:$0x1], $0x4000, $0x38;
	[tilespmem:$0x19400] =	vst v63  }
0x30: {  	_ =	swait.ge [sflag:s13], $0x4000  }
0x31: {  	[sflag:s13] =	ssyncset.done $0x0  }
0x32: {  	s17 =	simm.s32 $0x0;
	s18 =	simm.s32 $0x200;
	[sflag:s13] =	ssyncadd.s32 $0xFFFFC000  }
.LBB2_4:
0x33: {  	p0 =	sne.s32 s18, $0xFE00;
	[tilespmem:s17+$0x1470] =	vst v1  }
0x34: {  	[tilespmem:s17+$0x1400] =	vst v1  }
0x35: {  	[tilespmem:s17+$0x1410] =	vst v1  }
.Ltmp1:
0x36: {  	[tilespmem:s17+$0x1420] =	vst v1;
	(pc) =	sbr.rel @p0 .LBB2_4-.Ltmp1, $4  }
0x37: {  	[tilespmem:s17+$0x1430] =	vst v1  }
0x38: {  	[tilespmem:s17+$0x1440] =	vst v1  }
0x39: {  	[tilespmem:s17+$0x1450] =	vst v1  }
0x3a: {  	[tilespmem:s17+$0x1460] =	vst v1;
	s17 =	sshra.s32 s18, $0x2;
	s18 =	sadd.s32 $0x200, s18  }
0x3b: {  	[tilespmem:s17+$0x1470] =	vst v1  }
0x3c: {  	[tilespmem:s17+$0x1400] =	vst v1  }
0x3d: {  	[tilespmem:s17+$0x1410] =	vst v1  }
0x3e: {  	[tilespmem:s17+$0x1420] =	vst v1  }
0x3f: {  	[tilespmem:s17+$0x1430] =	vst v1  }
0x40: {  	[tilespmem:s17+$0x1440] =	vst v1  }
0x41: {  	[tilespmem:s17+$0x1450] =	vst v1  }
0x42: {  	[tilespmem:s17+$0x1460] =	vst v1  }
0x43: {  	s30 =	simm.s32 $0x0;
	[bflag:$0x0] =	sbarrier.arrive $0xFFFF  }
0x44: {  	[tilespmem:s30], [sflag:$0x1] =	stream.linear.gather [hbm4b:s9+s30], $0x1400, $0x38;
	[tilespmem:$0x19400] =	vst v63  }
0x45: {  	_ =	swait.ge [sflag:s13], $0x1400  }
0x46: {  	[sflag:s13] =	ssyncset.done $0x0  }
0x47: {  	s31 =	simm.s32 $0x0;
	[sflag:s13] =	ssyncadd.s32 $0xFFFFEC00  }
0x48: {  	[spmem:s2] =	stream.indirect.scatter.add.f32 [tilespmem:s12], [sflag:$0x1], $0x80, s31, s14, $0xb8;
	[tilespmem:$0x19400] =	vst v63  }
0x49: {  	_ =	swait.ge [sflag:s13], $0x4000  }
0x4a: {  	s17 =	simm.s32 $0x200;
	[sflag:s13] =	ssyncset.done $0x0  }
.LBB2_6:
0x4b: {  	s18 =	sshra.s32 s17, $0x2;
	[sflag:s13] =	ssyncadd.s32 $0xFFFFC000;
	p0 =	sne.s32 s17, $0x4E00  }
0x4c: {  	[spmem:s2] =	stream.indirect.scatter.add.f32 [tilespmem:s12], [sflag:$0x1], $0x80, s18, s14, $0xb8;
	[tilespmem:$0x19400] =	vst v63  }
.Ltmp2:
0x4d: {  	_ = 	snop;
	(pc) =	sbr.rel @p0 .LBB2_6-.Ltmp2, $4  }
0x4e: {  	_ = 	snop  }
0x4f: {  	s17 =	sadd.s32 $0x200, s17  }
0x50: {  	_ =	swait.ge [sflag:s13], $0x4000  }
0x51: {  	[sflag:s13] =	ssyncset.done $0x0  }
0x52: {  	s3 =	sadd.s32 $0x1, s3  }
0x53: {  	[sflag:s13] =	ssyncadd.s32 $0xFFFFC000;
	p0 =	sne.s32 s3, s11  }
.Ltmp3:
0x54: {  	[bflag:$0x0] =	sbarrier.arrive $0xFFFF;
	(pc) =	sbr.rel @p0 .LBB2_1-.Ltmp3, $4  }
0x55: {  	[hbm:s10], [sflag:s15] =	dma.local [spmem:s16], $0x2800  }
0x56: {  	_ =	swait.ge [sflag:s13], $0x2800  }
0x57: {  	[sflag:s13] =	ssyncset.done $0x0  }
0x58: {  	[sflag:s13] =	ssyncadd.s32 $0xFFFFD800  }
0x59: {  	_ =	sfence.sel $0x180000  }
0x5a: {  	[bflag:$0x0] =	sbarrier.arrive $0xFFFF  }
0x5b: {  	p0 =	sne.s32 s0, $0x0;
	_ =	strace $0x90000047  }
0x5c: {  	s0 =	sadd.s32 @!p0 $0x100000, s1;
	[bflag:$0x2] =	sbarrier.arrive $0xFFFF  }
0x5d: {  	[sflag:s0] =	ssyncadd.tile.s32 @!p0 $0x1;
	_ =	shalt  }
.Lfunc_end2:
_tile_overlayer_lowered:
.L_overlay_start_2:
0x5e: {  	(tag) =	ssettag $0x2  }
0x5f: {  	s0 =	rddreg [dreg:$0x0];
	s2 =	stileid.u32  }
0x60: {  	s1 =	rddreg [dreg:$0x1];
	p0 =	sne.s32 s2, $0x0  }
0x61: {  	s3 =	rddreg [dreg:$0x2];
	[bflag:$0x3] =	sbarrier.arrive $0xFFFF;
	s2 =	simm.s32 @!p0 $0x1C01  }
0x62: {  	[timem:s3], [sflag:s2] =	dma.local @!p0 [hbm:s0], s1  }
0x63: {  	s0 =	simm.s32 @!p0 $0x1  }
0x64: {  	_ =	swait.ge @!p0 [sflag:s0], s1  }
0x65: {  	s1 =	ssub.s32 @!p0 $0x0, s1;
	[sflag:s0] =	ssyncset.done @!p0 $0x0  }
0x66: {  	[sflag:s0] =	ssyncadd.s32 @!p0 s1  }
0x67: {  	[bflag:$0x3] =	sbarrier.arrive $0xFFFF  }
0x68: {  	_ =	shalt  }

// kernel: kernel.9.cloned.1.call-start
scs
__scs_entry_jumppad:
0x0: {  	(pc) =	sbr.rel $0x88, $3  }
0x1: {  	(tag) =	ssettag $0x0;
	lr =	simm.s32 $0x1  }
0x2: {  	[smem:$0x3F95] =	sst lr;
	_ =	strace $0xD0000000  }
0x3: {  	_ = 	snop  }
0x4: {  	_ = 	snop  }
0x5: {  	_ = 	snop  }
0x6: {  	_ = 	snop  }
0x7: {  	_ = 	snop  }
__scs_overlays_trampoline_lowered:
0x8: {  	[smem:$0x3FA4] =	sst s0  }
0x9: {  	[smem:$0x3FA5] =	sst s1  }
0xa: {  	[smem:$0x3FA6] =	sst s2  }
0xb: {  	[smem:$0x3FA7] =	sst s3  }
0xc: {  	[smem:$0x3FA8] =	sst s4  }
0xd: {  	[smem:$0x3FA9] =	sst s5  }
0xe: {  	[smem:$0x3FAA] =	sst s6  }
0xf: {  	[smem:$0x3FAB] =	sst s7  }
0x10: {  	[smem:$0x3FAC] =	sst s8  }
0x11: {  	[smem:$0x3FAD] =	sst s9;
	s0 =	simm.s32 @!p0 $0x0  }
0x12: {  	s1 =	sld [smem:$0x3F93];
	s0 =	simm.s32 @p0 $0x1  }
0x13: {  	[smem:$0x3FAE] =	sst s0;
	s0 =	simm.s32 @!p1 $0x0  }
0x14: {  	s2 =	sld [smem:$0x3F92];
	s0 =	simm.s32 @p1 $0x1  }
0x15: {  	[smem:$0x3FAF] =	sst s0;
	s0 =	simm.s32 @!p2 $0x0  }
0x16: {  	s3 =	sld [smem:$0x3FDB];
	s0 =	simm.s32 @p2 $0x1  }
0x17: {  	s4 =	simm.s32 $0x1BF5;
	[smem:$0x3FB1] =	sst s0  }
0x18: {  	s0 =	sld [smem:$0x3F94];
	_ =	swait.ge [sflag:s4], $0x0  }
0x19: {  	s7 =	sld [smem:$0x3F95]  }
0x1a: {  	s8 =	sadd.s32 $0xFFFFE003, lr  }
0x1b: {  	s9 =	sadd.s32 $0xFFFFFEF7, lr;
	s5 =	simm.s32 $0xFFFFFFFF;
	p2 =	slt.u32 s8, $0xFFFFF086  }
0x1c: {  	p1 =	slt.u32 s9, $0xF7A;
	s5 =	simm.s32 @!p2 $0x0  }
0x1d: {  	s5 =	simm.s32 @p1 $0x1;
	p0 =	seq.s32 s7, s2  }
0x1e: {  	s7 =	smul.u32 @!p0 $0xF7A, s2;
	p2 =	seq.s32 @!p0 s5, $0x0  }
0x1f: {  	s9 =	smul.u32 $0xF7A, s1;
	s8 =	simm.s32 @!p0 $0x1BF5;
	p2 =	por !p2, p0  }
0x20: {  	[sflag:s8] =	ssyncset.s32 @!p0 $0xFFFFF086;
	s6 =	sadd.s32 @!p0 s3, s7;
	s7 =	simm.s32 @!p0 $0x108  }
0x21: {  	s3 =	sadd.s32 s3, s9;
	s6 =	sadd.s32 @!p0 $0x88, s6;
	s7 =	simm.s32 @p2 $0x1082  }
0x22: {  	[simem:s7], [sflag:s8] =	dma.local @!p0 [hbm:s6], $0xF7A  }
0x23: {  	s9 =	sor.u32 $0xD0000000, s2;
	s6 =	simm.s32 $0x108;
	_ =	swait.ge @!p0 [sflag:s8], $0x0  }
0x24: {  	s3 =	sadd.s32 $0x88, s3;
	s6 =	simm.s32 @!p1 $0x1082;
	[sflag:s4] =	ssyncset.s32 $0xFFFFF086  }
0x25: {  	[simem:s6], [sflag:s4] =	dma.local [hbm:s3], $0xF7A  }
0x26: {  	[smem:$0x3F95] =	sst s1;
	(tag) =	ssettag s2;
	_ =	strace s9  }
0x27: {  	s1 =	sld [smem:$0x3FA5]  }
0x28: {  	s2 =	sld [smem:$0x3FA6]  }
0x29: {  	s4 =	sld [smem:$0x3FA8]  }
0x2a: {  	p0 =	seq.s32 s5, $0x0;
	s5 =	sld [smem:$0x3FA9]  }
0x2b: {  	s6 =	sld [smem:$0x3FAA]  }
0x2c: {  	s7 =	sld [smem:$0x3FAB]  }
0x2d: {  	s3 =	simm.s32 $0x108;
	s8 =	sld [smem:$0x3FAC]  }
0x2e: {  	s3 =	simm.s32 @!p0 $0x1082;
	s9 =	sld [smem:$0x3FAD]  }
0x2f: {  	lr =	sadd.s32 s0, s3;
	s0 =	sld [smem:$0x3FA4]  }
0x30: {  	s3 =	sld [smem:$0x3FA7]  }
0x31: {  	[smem:$0x3FB0] =	sst s10  }
0x32: {  	s10 =	sld [smem:$0x3FAE];
	_ =	sdelay $0x3  }
0x33: {  	p0 =	seq.s32 s10, $0x1;
	s10 =	sld [smem:$0x3FB0];
	_ =	sdelay $0x3  }
0x34: {  	[smem:$0x3FB0] =	sst s10  }
0x35: {  	s10 =	sld [smem:$0x3FAF];
	_ =	sdelay $0x3  }
0x36: {  	p1 =	seq.s32 s10, $0x1;
	s10 =	sld [smem:$0x3FB0];
	_ =	sdelay $0x3  }
0x37: {  	[smem:$0x3FB0] =	sst s10  }
0x38: {  	s10 =	sld [smem:$0x3FB1]  }
0x39: {  	_ = 	snop;
	(pc) =	sbr.ind lr, $3  }
0x3a: {  	_ = 	snop  }
0x3b: {  	_ = 	snop  }
0x3c: {  	p2 =	seq.s32 s10, $0x1;
	s10 =	sld [smem:$0x3FB0]  }
0x3d: {  	_ =	shalt  }
0x3e: {  	_ =	shalt  }
0x3f: {  	_ =	shalt  }
0x40: {  	_ =	shalt  }
0x41: {  	_ =	shalt  }
0x42: {  	_ =	shalt  }
0x43: {  	_ =	shalt  }
0x44: {  	_ =	shalt  }
0x45: {  	_ =	shalt  }
0x46: {  	_ =	shalt  }
0x47: {  	_ =	shalt  }
0x48: {  	_ =	shalt  }
0x49: {  	_ =	shalt  }
0x4a: {  	_ =	shalt  }
0x4b: {  	_ =	shalt  }
0x4c: {  	_ =	shalt  }
0x4d: {  	_ =	shalt  }
0x4e: {  	_ =	shalt  }
0x4f: {  	_ =	shalt  }
0x50: {  	_ =	shalt  }
0x51: {  	_ =	shalt  }
0x52: {  	_ =	shalt  }
0x53: {  	_ =	shalt  }
0x54: {  	_ =	shalt  }
0x55: {  	_ =	shalt  }
0x56: {  	_ =	shalt  }
0x57: {  	_ =	shalt  }
0x58: {  	_ =	shalt  }
0x59: {  	_ =	shalt  }
0x5a: {  	_ =	shalt  }
0x5b: {  	_ =	shalt  }
0x5c: {  	_ =	shalt  }
0x5d: {  	_ =	shalt  }
0x5e: {  	_ =	shalt  }
0x5f: {  	_ =	shalt  }
0x60: {  	_ =	shalt  }
0x61: {  	_ =	shalt  }
0x62: {  	_ =	shalt  }
0x63: {  	_ =	shalt  }
0x64: {  	_ =	shalt  }
0x65: {  	_ =	shalt  }
0x66: {  	_ =	shalt  }
0x67: {  	_ =	shalt  }
0x68: {  	_ =	shalt  }
0x69: {  	_ =	shalt  }
0x6a: {  	_ =	shalt  }
0x6b: {  	_ =	shalt  }
0x6c: {  	_ =	shalt  }
0x6d: {  	_ =	shalt  }
0x6e: {  	_ =	shalt  }
0x6f: {  	_ =	shalt  }
0x70: {  	_ =	shalt  }
0x71: {  	_ =	shalt  }
0x72: {  	_ =	shalt  }
0x73: {  	_ =	shalt  }
0x74: {  	_ =	shalt  }
0x75: {  	_ =	shalt  }
0x76: {  	_ =	shalt  }
0x77: {  	_ =	shalt  }
0x78: {  	_ =	shalt  }
0x79: {  	_ =	shalt  }
0x7a: {  	_ =	shalt  }
0x7b: {  	_ =	shalt  }
0x7c: {  	_ =	shalt  }
0x7d: {  	_ =	shalt  }
0x7e: {  	_ =	shalt  }
0x7f: {  	_ =	shalt  }
0x80: {  	_ =	shalt  }
0x81: {  	_ =	shalt  }
0x82: {  	_ =	shalt  }
0x83: {  	_ =	shalt  }
0x84: {  	_ =	shalt  }
0x85: {  	_ =	shalt  }
0x86: {  	_ =	shalt  }
0x87: {  	_ =	shalt  }
.Lfunc_end0:
.L_simem_size_0:
called_computation.1_lowered:
.L_overlay_start_0:
0x88: {  	s2 =	sld [smem:$0x3FD9]  }
0x89: {  	s3 =	sld [smem:$0x3FFE];
	_ =	sdelay $0x1  }
0x8a: {  	s1 =	srdreg.scid  }
0x8b: {  	s0 =	sand.u32 $0x1, s1  }
0x8c: {  	s16 =	sshll.u32 s0, $0xA;
	s2 =	sadd.s32 s3, s2  }
0x8d: {  	s2 =	sadd.s32 s2, s16  }
0x8e: {  	[smem:$0x3FBC] =	sst s2  }
0x8f: {  	_ = 	snop  }
0x90: {  	(tm) =	ssettm $0x1  }
0x91: {  	s17 =	sld [smem:$0x3FFB];
	_ =	sdelay $0x3  }
0x92: {  	_ =	strace s17  }
0x93: {  	s2 =	sld [smem:$0x3FFC];
	_ =	sdelay $0x3  }
0x94: {  	_ =	strace s2  }
0x95: {  	s2 =	sld [smem:$0x3FFD];
	_ =	sdelay $0x3  }
0x96: {  	_ =	strace s2  }
0x97: {  	_ =	strace $0x8FFFFFFF  }
0x98: {  	s18 =	sld [smem:$0x3FDB];
	_ =	sdelay $0x1  }
0x99: {  	s19 =	simm.s32 $_scs_section_size  }
0x9a: {  	s4 =	simm.s32 $_size__tile_overlayer_lowered;
	s5 =	simm.s32 $_tile_overlayer_lowered  }
0x9b: {  	s22 =	simm.s32 $0x1BFF;
	s21 =	sshll.u32 s5, $0x1;
	s2 =	sadd.s32 s19, s18  }
0x9c: {  	s6 =	simm.s32 $0x0;
	s20 =	sshll.u32 s4, $0x1;
	s4 =	sadd.s32 s21, s2  }
0x9d: {  	[timem:s6], [sflag:s22] =	dma.local [hbm:s4], s20  }
0x9e: {  	_ =	swait.ge [sflag:s22], s20  }
0x9f: {  	s3 =	ssub.s32 $0x0, s20;
	[sflag:s22] =	ssyncset.done $0x0  }
0xa0: {  	[sflag:s22] =	ssyncadd.s32 s3;
	_ =	sdelay $0x1  }
0xa1: {  	s23 =	simm.s32 $0x1B8B  }
0xa2: {  	_ =	swait.ge [sflag:s23], $0x1  }
0xa3: {  	[sflag:s23] =	ssyncset.done $0x0  }
0xa4: {  	s25 =	simm.s32 $0x1B8E;
	s24 =	sld [smem:$0x3FFE];
	[sflag:s23] =	ssyncadd.s32 $0xFFFFFFFF  }
0xa5: {  	s26 =	simm.s32 $execute0_lowered;
	[smem:$0x3FD2] =	sst s25  }
0xa6: {  	s4 =	sshll.u32 s26, $0x1;
	_ =	strace $0x80000049;
	[dreg:$0x1] =	wrdreg $0xFFFFFFFF  }
0xa7: {  	s28 =	simm.s32 $_size_execute0_lowered;
	s2 =	sadd.s32 s2, s4;
	[dreg:$0x0] =	wrdreg $0x0  }
0xa8: {  	s4 =	sshll.u32 s28, $0x1;
	[dreg:$0x2] =	wrdreg s2  }
0xa9: {  	[dreg:$0x3] =	wrdreg s4  }
0xaa: {  	[dreg:$0x4] =	wrdreg $0xC0  }
0xab: {  	_ =	task [dreg:s6], $0x5FFFF  }
0xac: {  	[dreg:$0x1] =	wrdreg $0xFFFFFFFF  }
0xad: {  	[dreg:$0x0] =	wrdreg $0x60  }
0xae: {  	[dreg:$0x2] =	wrdreg s24  }
0xaf: {  	[dreg:$0x3] =	wrdreg $0xA0000  }
0xb0: {  	[dreg:$0x4] =	wrdreg $0x9  }
0xb1: {  	_ =	task.clear_ibuf [dreg:s6], $0x5FFFF;
	_ =	strace $0x90000049  }
0xb2: {  	s29 =	simm.s32 $0x9;
	_ =	strace $0x8000004B  }
0xb3: {  	_ =	swait.ge [sflag:s29], $0x1  }
0xb4: {  	[sflag:s29] =	ssyncadd.s32 $0xFFFFFFFF  }
0xb5: {  	_ =	strace $0x9000004B  }
0xb6: {  	_ =	sfence  }
0xb7: {  	s30 =	sld [smem:$0x0];
	_ =	sdelay $0x2  }
0xb8: {  	s31 =	sshll.u32 s1, $0xD;
	s1 =	sshrl.u32 s1, $0x2  }
0xb9: {  	s3 =	sand.u32 $0x4000, s31;
	s1 =	sadd.s32 s1, s30  }
0xba: {  	s0 =	sor.u32 s3, s0;
	s1 =	sshll.u32 s1, $0x11  }
0xbb: {  	s0 =	sor.u32 s1, s0  }
0xbc: {  	s0 =	sadd.s32 $0x8F2B, s0  }
0xbd: {  	[sflag:s0] =	ssyncadd.remote.s32 $0x1  }
0xbe: {  	_ =	sfence.sel $0xFFFF  }
0xbf: {  	[dreg:$0x0] =	wrdreg $0xFFFFFFFF;
	(pc) =	sbr.abs _section_cstart, $3  }
0xc0: {  	[dreg:$0x1] =	wrdreg $0xFFFFFFFF  }
0xc1: {  	_ =	task.clear_ibuf [dreg:s6], $0x2FFFF;
	_ =	strace $0x9FFFFFFF  }
0xc2: {  	(tm) =	ssettm $0x7FFFFFFF  }
0xc3: {  	_ =	shalt  }
tec
execute0_lowered:
.L_overlay_start_1:
0x0: {  	(tag) =	ssettag $0x1  }
0x1: {  	s0 =	rddreg [dreg:$0x0]  }
0x2: {  	s1 =	rddreg [dreg:$0x1]  }
0x3: {  	s2 =	simm.s32 $0x0;
	s5 =	srdreg.scid;
	s10 =	stileid.u32  }
0x4: {  	[smem:$0x7FF] =	sst s2;
	s3 =	sadd.s32 $0x8400, s0;
	s6 =	sadd.s32 $0x3400, s0  }
0x5: {  	s4 =	sadd.s32 $0xD400, s0;
	s7 =	sand.u32 $0x1, s5;
	s5 =	sadd.s32 $0x35400, s0  }
0x6: {  	s11 =	sadd.s32 $0xD5400, s0;
	s0 =	sadd.s32 $0xFD400, s0;
	s15 =	smul.u32 $0x500, s10  }
0x7: {  	s16 =	smul.u32 $0x2800, s10;
	_ =	strace $0x8000004A;
	[dreg:$0x3] =	wrdreg s11  }
0x8: {  	s9 =	smul.u32 $0x50000, s10;
	s8 =	ssub.s32 $0x2, s7;
	[dreg:$0x4] =	wrdreg s0  }
0x9: {  	s13 =	sshrl.u32 s8, $0x1;
	s21 =	sadd.s32 s3, s15;
	[dreg:$0x5] =	wrdreg s16  }
0xa: {  	s14 =	sshrl.u32 s9, $0x2;
	s9 =	sadd.s32 s6, s15;
	[dreg:$0xa] =	wrdreg s21  }
0xb: {  	s0 =	ssub.s32 s8, s13;
	s8 =	sadd.s32 s14, s1;
	[dreg:$0xb] =	wrdreg s9  }
0xc: {  	s17 =	sadd.s32 $0x4000, s8;
	[dreg:$0x15] =	wrdreg s8  }
0xd: {  	p0 =	seq.s32 s7, $0x1;
	s18 =	sadd.s32 $0x8000, s8;
	[dreg:$0x6] =	wrdreg s17  }
0xe: {  	s7 =	sshrl.u32 s16, $0x3;
	s19 =	sadd.s32 $0xC000, s8;
	[dreg:$0x7] =	wrdreg s18  }
0xf: {  	s22 =	sadd.s32 $0x100, s7;
	s20 =	sadd.s32 $0x10000, s8;
	[dreg:$0x8] =	wrdreg s19  }
0x10: {  	s24 =	sadd.s32 s3, s22;
	[dreg:$0x9] =	wrdreg s20  }
0x11: {  	s23 =	sadd.s32 $0x200, s7;
	s9 =	sadd.s32 s6, s22;
	[dreg:$0xc] =	wrdreg s24  }
0x12: {  	s25 =	sadd.s32 s3, s23;
	[dreg:$0xd] =	wrdreg s9  }
0x13: {  	s28 =	sadd.s32 $0x300, s7;
	s26 =	sadd.s32 s6, s23;
	[dreg:$0xe] =	wrdreg s25  }
0x14: {  	s7 =	sadd.s32 $0x400, s7;
	s30 =	sadd.s32 s3, s28;
	[dreg:$0xf] =	wrdreg s26  }
0x15: {  	s29 =	simm.s32 $0x80;
	s3 =	sadd.s32 s3, s7;
	[dreg:$0x10] =	wrdreg s30  }
.Ltmp0:
0x16: {  	s31 =	sadd.s32 s6, s7;
	[dreg:$0x12] =	wrdreg s3;
	(pc) =	sbr.rel .LBB2_1-.Ltmp0, $4  }
0x17: {  	s0 =	smax.u32 s0, $0x1;
	s7 =	simm.s32 $0x2;
	[dreg:$0x13] =	wrdreg s31  }
0x18: {  	s22 =	simm.s32 $0x0;
	s9 =	sadd.s32 s6, s28;
	[dreg:$0x14] =	wrdreg s0  }
0x19: {  	s25 =	simm.s32 $0x2000;
	s26 =	simm.s32 $0x4;
	s0 =	simm.s32 $0x1  }
0x1a: {  	v0 =	vimm.f32 $0.0e+00;
	s6 =	simm.s32 $0x6000;
	s20 =	simm.s32 $0x3;
	[dreg:$0x11] =	wrdreg s9  }
.LBB2_5:
0x1b: {  	[tilespmem:s23+$0x2070] =	vst v0  }
0x1c: {  	[tilespmem:s23+$0x2000] =	vst v0  }
0x1d: {  	[tilespmem:s23+$0x2010] =	vst v0  }
0x1e: {  	[tilespmem:s23+$0x2020] =	vst v0  }
0x1f: {  	[tilespmem:s23+$0x2030] =	vst v0  }
0x20: {  	[tilespmem:s23+$0x2040] =	vst v0  }
0x21: {  	[tilespmem:s23+$0x2050] =	vst v0  }
0x22: {  	[tilespmem:s23+$0x2060] =	vst v0  }
0x23: {  	[spmem:s8] =	stream.linear.scatter [tilespmem:s25], [sflag:$0x4], $0x4000, $0x38;
	[tilespmem:$0x1E000] =	vst v63  }
0x24: {  	_ =	swait.ge [sflag:s26], $0x4000  }
0x25: {  	[sflag:s26] =	ssyncset.done $0x0  }
0x26: {  	s9 =	rddreg [dreg:$0x6];
	[sflag:s26] =	ssyncadd.s32 $0xFFFFC000  }
0x27: {  	[spmem:s9] =	stream.linear.scatter [tilespmem:s25], [sflag:$0x4], $0x4000, $0x38;
	[tilespmem:$0x1E000] =	vst v63  }
0x28: {  	_ =	swait.ge [sflag:s26], $0x4000  }
0x29: {  	[sflag:s26] =	ssyncset.done $0x0  }
0x2a: {  	s21 =	rddreg [dreg:$0x7];
	[sflag:s26] =	ssyncadd.s32 $0xFFFFC000  }
0x2b: {  	[spmem:s21] =	stream.linear.scatter [tilespmem:s25], [sflag:$0x4], $0x4000, $0x38;
	[tilespmem:$0x1E000] =	vst v63  }
0x2c: {  	_ =	swait.ge [sflag:s26], $0x4000  }
0x2d: {  	[sflag:s26] =	ssyncset.done $0x0  }
0x2e: {  	s23 =	rddreg [dreg:$0x8];
	[sflag:s26] =	ssyncadd.s32 $0xFFFFC000  }
0x2f: {  	[spmem:s23] =	stream.linear.scatter [tilespmem:s25], [sflag:$0x4], $0x4000, $0x38;
	[tilespmem:$0x1E000] =	vst v63  }
0x30: {  	_ =	swait.ge [sflag:s26], $0x4000  }
0x31: {  	[sflag:s26] =	ssyncset.done $0x0  }
0x32: {  	s24 =	rddreg [dreg:$0x9];
	[sflag:s26] =	ssyncadd.s32 $0xFFFFC000  }
0x33: {  	[spmem:s24] =	stream.linear.scatter [tilespmem:s25], [sflag:$0x4], $0x4000, $0x38;
	[tilespmem:$0x1E000] =	vst v63  }
0x34: {  	_ =	swait.ge [sflag:s26], $0x4000  }
0x35: {  	[sflag:s26] =	ssyncset.done $0x0  }
0x36: {  	[sflag:s26] =	ssyncadd.s32 $0xFFFFC000  }
0x37: {  	[bflag:$0x0] =	sbarrier.arrive $0xFFFF  }
0x38: {  	s28 =	rddreg [dreg:$0xa]  }
0x39: {  	[tilespmem:s2], [sflag:$0x4] =	stream.linear.gather [hbm4b:s28+s2], $0x800, $0x38;
	[tilespmem:$0x1E000] =	vst v63  }
0x3a: {  	_ =	swait.ge [sflag:s26], $0x800  }
0x3b: {  	[sflag:s26] =	ssyncset.done $0x0  }
0x3c: {  	s3 =	simm.s32 $0x800;
	s30 =	rddreg [dreg:$0xb];
	[sflag:s26] =	ssyncadd.s32 $0xFFFFF800  }
0x3d: {  	[tilespmem:s3], [sflag:$0x4] =	stream.linear.gather [hbm4b:s30+s2], $0x800, $0x38;
	[tilespmem:$0x1E000] =	vst v63  }
0x3e: {  	_ =	swait.ge [sflag:s26], $0x800  }
0x3f: {  	[sflag:s26] =	ssyncset.done $0x0  }
0x40: {  	[sflag:s26] =	ssyncadd.s32 $0xFFFFF800  }
0x41: {  	[tilespmem:s25], [sflag:$0x1] =	stream.indirect.gather [hbm4b:s5+s29], $0x80, s2, s29, $0xb8;
	[tilespmem:$0x1E000] =	vst v63  }
0x42: {  	s31 =	simm.s32 $0x1000;
	s8 =	rddreg [dreg:$0xc]  }
0x43: {  	[tilespmem:s31], [sflag:$0x3] =	stream.linear.gather [hbm4b:s8+s2], $0x800, $0x38;
	[tilespmem:$0x1E000] =	vst v63  }
0x44: {  	s10 =	rddreg [dreg:$0xd];
	s8 =	simm.s32 $0x1800  }
0x45: {  	[tilespmem:s8], [sflag:$0x3] =	stream.linear.gather [hbm4b:s10+s2], $0x800, $0x38;
	[tilespmem:$0x1E000] =	vst v63  }
0x46: {  	_ =	swait.ge [sflag:s0], $0x4000  }
0x47: {  	[sflag:s0] =	ssyncset.done $0x0  }
0x48: {  	[sflag:s0] =	ssyncadd.s32 $0xFFFFC000  }
0x49: {  	[tilespmem:s6], [sflag:$0x2] =	stream.indirect.gather [hbm4b:s5+s29], $0x80, s29, s29, $0xb8;
	[tilespmem:$0x1E000] =	vst v63  }
0x4a: {  	_ = 	snop  }
0x4b: {  	[spmem:s1] =	stream.indirect.scatter.add.f32 [tilespmem:s25], [sflag:$0x4], $0x80, s3, s29, $0xb8;
	[tilespmem:$0x1E000] =	vst v63  }
0x4c: {  	_ =	swait.ge [sflag:s26], $0x4000  }
0x4d: {  	[sflag:s26] =	ssyncset.done $0x0  }
0x4e: {  	[sflag:s26] =	ssyncadd.s32 $0xFFFFC000  }
0x4f: {  	_ =	swait.ge [sflag:s7], $0x4000  }
0x50: {  	[sflag:s7] =	ssyncset.done $0x0  }
0x51: {  	s11 =	simm.s32 $0x100;
	[sflag:s7] =	ssyncadd.s32 $0xFFFFC000  }
0x52: {  	[tilespmem:s25], [sflag:$0x1] =	stream.indirect.gather [hbm4b:s5+s29], $0x80, s11, s29, $0xb8;
	[tilespmem:$0x1E000] =	vst v63  }
0x53: {  	s12 =	simm.s32 $0x880  }
0x54: {  	[spmem:s1] =	stream.indirect.scatter.add.f32 [tilespmem:s6], [sflag:$0x4], $0x80, s12, s29, $0xb8;
	[tilespmem:$0x1E000] =	vst v63  }
0x55: {  	_ =	swait.ge [sflag:s26], $0x4000  }
0x56: {  	[sflag:s26] =	ssyncset.done $0x0  }
0x57: {  	[sflag:s26] =	ssyncadd.s32 $0xFFFFC000  }
0x58: {  	_ =	swait.ge [sflag:s0], $0x4000  }
0x59: {  	[sflag:s0] =	ssyncset.done $0x0  }
0x5a: {  	s13 =	simm.s32 $0x180;
	[sflag:s0] =	ssyncadd.s32 $0xFFFFC000  }
0x5b: {  	[tilespmem:s6], [sflag:$0x2] =	stream.indirect.gather [hbm4b:s5+s29], $0x80, s13, s29, $0xb8;
	[tilespmem:$0x1E000] =	vst v63  }
0x5c: {  	s14 =	simm.s32 $0x900  }
0x5d: {  	[spmem:s1] =	stream.indirect.scatter.add.f32 [tilespmem:s25], [sflag:$0x4], $0x80, s14, s29, $0xb8;
	[tilespmem:$0x1E000] =	vst v63  }
0x5e: {  	_ =	swait.ge [sflag:s26], $0x4000  }
0x5f: {  	[sflag:s26] =	ssyncset.done $0x0  }
0x60: {  	[sflag:s26] =	ssyncadd.s32 $0xFFFFC000  }
0x61: {  	_ =	swait.ge [sflag:s7], $0x4000  }
0x62: {  	[sflag:s7] =	ssyncset.done $0x0  }
0x63: {  	s15 =	simm.s32 $0x200;
	[sflag:s7] =	ssyncadd.s32 $0xFFFFC000  }
0x64: {  	[tilespmem:s25], [sflag:$0x1] =	stream.indirect.gather [hbm4b:s5+s29], $0x80, s15, s29, $0xb8;
	[tilespmem:$0x1E000] =	vst v63  }
0x65: {  	s16 =	simm.s32 $0x980  }
0x66: {  	[spmem:s1] =	stream.indirect.scatter.add.f32 [tilespmem:s6], [sflag:$0x4], $0x80, s16, s29, $0xb8;
	[tilespmem:$0x1E000] =	vst v63  }
0x67: {  	_ =	swait.ge [sflag:s26], $0x4000  }
0x68: {  	[sflag:s26] =	ssyncset.done $0x0  }
0x69: {  	[sflag:s26] =	ssyncadd.s32 $0xFFFFC000  }
0x6a: {  	_ =	swait.ge [sflag:s0], $0x4000  }
0x6b: {  	[sflag:s0] =	ssyncset.done $0x0  }
0x6c: {  	s17 =	simm.s32 $0x280;
	[sflag:s0] =	ssyncadd.s32 $0xFFFFC000  }
0x6d: {  	[tilespmem:s6], [sflag:$0x2] =	stream.indirect.gather [hbm4b:s5+s29], $0x80, s17, s29, $0xb8;
	[tilespmem:$0x1E000] =	vst v63  }
0x6e: {  	s18 =	simm.s32 $0xA00  }
0x6f: {  	[spmem:s1] =	stream.indirect.scatter.add.f32 [tilespmem:s25], [sflag:$0x4], $0x80, s18, s29, $0xb8;
	[tilespmem:$0x1E000] =	vst v63  }
0x70: {  	_ =	swait.ge [sflag:s26], $0x4000  }
0x71: {  	[sflag:s26] =	ssyncset.done $0x0  }
0x72: {  	[sflag:s26] =	ssyncadd.s32 $0xFFFFC000  }
0x73: {  	_ =	swait.ge [sflag:s7], $0x4000  }
0x74: {  	[sflag:s7] =	ssyncset.done $0x0  }
0x75: {  	s19 =	simm.s32 $0x300;
	[sflag:s7] =	ssyncadd.s32 $0xFFFFC000  }
0x76: {  	[tilespmem:s25], [sflag:$0x1] =	stream.indirect.gather [hbm4b:s5+s29], $0x80, s19, s29, $0xb8;
	[tilespmem:$0x1E000] =	vst v63  }
0x77: {  	s21 =	simm.s32 $0xA80  }
0x78: {  	[spmem:s1] =	stream.indirect.scatter.add.f32 [tilespmem:s6], [sflag:$0x4], $0x80, s21, s29, $0xb8;
	[tilespmem:$0x1E000] =	vst v63  }
0x79: {  	_ =	swait.ge [sflag:s26], $0x4000  }
0x7a: {  	[sflag:s26] =	ssyncset.done $0x0  }
0x7b: {  	[sflag:s26] =	ssyncadd.s32 $0xFFFFC000  }
0x7c: {  	_ =	swait.ge [sflag:s0], $0x4000  }
0x7d: {  	[sflag:s0] =	ssyncset.done $0x0  }
0x7e: {  	s23 =	simm.s32 $0x380;
	[sflag:s0] =	ssyncadd.s32 $0xFFFFC000  }
0x7f: {  	[tilespmem:s6], [sflag:$0x2] =	stream.indirect.gather [hbm4b:s5+s29], $0x80, s23, s29, $0xb8;
	[tilespmem:$0x1E000] =	vst v63  }
0x80: {  	s24 =	simm.s32 $0xB00  }
0x81: {  	[spmem:s1] =	stream.indirect.scatter.add.f32 [tilespmem:s25], [sflag:$0x4], $0x80, s24, s29, $0xb8;
	[tilespmem:$0x1E000] =	vst v63  }
0x82: {  	_ =	swait.ge [sflag:s26], $0x4000  }
0x83: {  	[sflag:s26] =	ssyncset.done $0x0  }
0x84: {  	[sflag:s26] =	ssyncadd.s32 $0xFFFFC000  }
0x85: {  	_ =	swait.ge [sflag:s7], $0x4000  }
0x86: {  	[sflag:s7] =	ssyncset.done $0x0  }
0x87: {  	s28 =	simm.s32 $0x400;
	[sflag:s7] =	ssyncadd.s32 $0xFFFFC000  }
0x88: {  	[tilespmem:s25], [sflag:$0x1] =	stream.indirect.gather [hbm4b:s5+s29], $0x80, s28, s29, $0xb8;
	[tilespmem:$0x1E000] =	vst v63  }
0x89: {  	s30 =	simm.s32 $0xB80  }
0x8a: {  	[spmem:s1] =	stream.indirect.scatter.add.f32 [tilespmem:s6], [sflag:$0x4], $0x80, s30, s29, $0xb8;
	[tilespmem:$0x1E000] =	vst v63  }
0x8b: {  	_ =	swait.ge [sflag:s26], $0x4000  }
0x8c: {  	[sflag:s26] =	ssyncset.done $0x0  }
0x8d: {  	[sflag:s26] =	ssyncadd.s32 $0xFFFFC000  }
0x8e: {  	_ =	swait.ge [sflag:s0], $0x4000  }
0x8f: {  	[sflag:s0] =	ssyncset.done $0x0  }
0x90: {  	s10 =	simm.s32 $0x480;
	[sflag:s0] =	ssyncadd.s32 $0xFFFFC000  }
0x91: {  	[tilespmem:s6], [sflag:$0x2] =	stream.indirect.gather [hbm4b:s5+s29], $0x80, s10, s29, $0xb8;
	[tilespmem:$0x1E000] =	vst v63  }
0x92: {  	s11 =	simm.s32 $0xC00  }
0x93: {  	[spmem:s1] =	stream.indirect.scatter.add.f32 [tilespmem:s25], [sflag:$0x4], $0x80, s11, s29, $0xb8;
	[tilespmem:$0x1E000] =	vst v63  }
0x94: {  	_ =	swait.ge [sflag:s26], $0x4000  }
0x95: {  	[sflag:s26] =	ssyncset.done $0x0  }
0x96: {  	[sflag:s26] =	ssyncadd.s32 $0xFFFFC000  }
0x97: {  	_ =	swait.ge [sflag:s7], $0x4000  }
0x98: {  	[sflag:s7] =	ssyncset.done $0x0  }
0x99: {  	s12 =	simm.s32 $0x500;
	[sflag:s7] =	ssyncadd.s32 $0xFFFFC000  }
0x9a: {  	[tilespmem:s25], [sflag:$0x1] =	stream.indirect.gather [hbm4b:s5+s29], $0x80, s12, s29, $0xb8;
	[tilespmem:$0x1E000] =	vst v63  }
0x9b: {  	s13 =	simm.s32 $0xC80  }
0x9c: {  	[spmem:s1] =	stream.indirect.scatter.add.f32 [tilespmem:s6], [sflag:$0x4], $0x80, s13, s29, $0xb8;
	[tilespmem:$0x1E000] =	vst v63  }
0x9d: {  	_ =	swait.ge [sflag:s26], $0x4000  }
0x9e: {  	[sflag:s26] =	ssyncset.done $0x0  }
0x9f: {  	[sflag:s26] =	ssyncadd.s32 $0xFFFFC000  }
0xa0: {  	_ =	swait.ge [sflag:s0], $0x4000  }
0xa1: {  	[sflag:s0] =	ssyncset.done $0x0  }
0xa2: {  	s14 =	simm.s32 $0x580;
	[sflag:s0] =	ssyncadd.s32 $0xFFFFC000  }
0xa3: {  	[tilespmem:s6], [sflag:$0x2] =	stream.indirect.gather [hbm4b:s5+s29], $0x80, s14, s29, $0xb8;
	[tilespmem:$0x1E000] =	vst v63  }
0xa4: {  	s15 =	simm.s32 $0xD00  }
0xa5: {  	[spmem:s1] =	stream.indirect.scatter.add.f32 [tilespmem:s25], [sflag:$0x4], $0x80, s15, s29, $0xb8;
	[tilespmem:$0x1E000] =	vst v63  }
0xa6: {  	_ =	swait.ge [sflag:s26], $0x4000  }
0xa7: {  	[sflag:s26] =	ssyncset.done $0x0  }
0xa8: {  	[sflag:s26] =	ssyncadd.s32 $0xFFFFC000  }
0xa9: {  	_ =	swait.ge [sflag:s7], $0x4000  }
0xaa: {  	[sflag:s7] =	ssyncset.done $0x0  }
0xab: {  	s16 =	simm.s32 $0x600;
	[sflag:s7] =	ssyncadd.s32 $0xFFFFC000  }
0xac: {  	[tilespmem:s25], [sflag:$0x1] =	stream.indirect.gather [hbm4b:s5+s29], $0x80, s16, s29, $0xb8;
	[tilespmem:$0x1E000] =	vst v63  }
0xad: {  	s17 =	simm.s32 $0xD80  }
0xae: {  	[spmem:s1] =	stream.indirect.scatter.add.f32 [tilespmem:s6], [sflag:$0x4], $0x80, s17, s29, $0xb8;
	[tilespmem:$0x1E000] =	vst v63  }
0xaf: {  	_ =	swait.ge [sflag:s26], $0x4000  }
0xb0: {  	[sflag:s26] =	ssyncset.done $0x0  }
0xb1: {  	[sflag:s26] =	ssyncadd.s32 $0xFFFFC000  }
0xb2: {  	_ =	swait.ge [sflag:s0], $0x4000  }
0xb3: {  	[sflag:s0] =	ssyncset.done $0x0  }
0xb4: {  	s18 =	simm.s32 $0x680;
	[sflag:s0] =	ssyncadd.s32 $0xFFFFC000  }
0xb5: {  	[tilespmem:s6], [sflag:$0x2] =	stream.indirect.gather [hbm4b:s5+s29], $0x80, s18, s29, $0xb8;
	[tilespmem:$0x1E000] =	vst v63  }
0xb6: {  	s19 =	simm.s32 $0xE00  }
0xb7: {  	[spmem:s1] =	stream.indirect.scatter.add.f32 [tilespmem:s25], [sflag:$0x4], $0x80, s19, s29, $0xb8;
	[tilespmem:$0x1E000] =	vst v63  }
0xb8: {  	_ =	swait.ge [sflag:s26], $0x4000  }
0xb9: {  	[sflag:s26] =	ssyncset.done $0x0  }
0xba: {  	[sflag:s26] =	ssyncadd.s32 $0xFFFFC000  }
0xbb: {  	_ =	swait.ge [sflag:s7], $0x4000  }
0xbc: {  	[sflag:s7] =	ssyncset.done $0x0  }
0xbd: {  	s21 =	simm.s32 $0x700;
	[sflag:s7] =	ssyncadd.s32 $0xFFFFC000  }
0xbe: {  	[tilespmem:s25], [sflag:$0x1] =	stream.indirect.gather [hbm4b:s5+s29], $0x80, s21, s29, $0xb8;
	[tilespmem:$0x1E000] =	vst v63  }
0xbf: {  	s23 =	simm.s32 $0xE80  }
0xc0: {  	[spmem:s1] =	stream.indirect.scatter.add.f32 [tilespmem:s6], [sflag:$0x4], $0x80, s23, s29, $0xb8;
	[tilespmem:$0x1E000] =	vst v63  }
0xc1: {  	_ =	swait.ge [sflag:s26], $0x4000  }
0xc2: {  	[sflag:s26] =	ssyncset.done $0x0  }
0xc3: {  	[sflag:s26] =	ssyncadd.s32 $0xFFFFC000  }
0xc4: {  	_ =	swait.ge [sflag:s0], $0x4000  }
0xc5: {  	[sflag:s0] =	ssyncset.done $0x0  }
0xc6: {  	s10 =	simm.s32 $0x780;
	[sflag:s0] =	ssyncadd.s32 $0xFFFFC000  }
0xc7: {  	[tilespmem:s6], [sflag:$0x2] =	stream.indirect.gather [hbm4b:s5+s29], $0x80, s10, s29, $0xb8;
	[tilespmem:$0x1E000] =	vst v63  }
0xc8: {  	s11 =	simm.s32 $0xF00  }
0xc9: {  	[spmem:s1] =	stream.indirect.scatter.add.f32 [tilespmem:s25], [sflag:$0x4], $0x80, s11, s29, $0xb8;
	[tilespmem:$0x1E000] =	vst v63  }
0xca: {  	_ =	swait.ge [sflag:s26], $0x4000  }
0xcb: {  	[sflag:s26] =	ssyncset.done $0x0  }
0xcc: {  	[sflag:s26] =	ssyncadd.s32 $0xFFFFC000  }
0xcd: {  	_ =	swait.ge [sflag:s7], $0x4000  }
0xce: {  	[sflag:s7] =	ssyncset.done $0x0  }
0xcf: {  	[sflag:s7] =	ssyncadd.s32 $0xFFFFC000  }
0xd0: {  	_ =	swait.ge [sflag:s20], $0x800  }
0xd1: {  	[sflag:s20] =	ssyncset.done $0x0  }
0xd2: {  	[sflag:s20] =	ssyncadd.s32 $0xFFFFF800  }
0xd3: {  	_ =	swait.ge [sflag:s20], $0x800  }
0xd4: {  	[sflag:s20] =	ssyncset.done $0x0  }
0xd5: {  	[sflag:s20] =	ssyncadd.s32 $0xFFFFF800  }
0xd6: {  	[tilespmem:s25], [sflag:$0x1] =	stream.indirect.gather [hbm4b:s5+s29], $0x80, s31, s29, $0xb8;
	[tilespmem:$0x1E000] =	vst v63  }
0xd7: {  	s24 =	simm.s32 $0xF80  }
0xd8: {  	[spmem:s1] =	stream.indirect.scatter.add.f32 [tilespmem:s6], [sflag:$0x4], $0x80, s24, s29, $0xb8;
	[tilespmem:$0x1E000] =	vst v63  }
0xd9: {  	_ =	swait.ge [sflag:s26], $0x4000  }
0xda: {  	[sflag:s26] =	ssyncset.done $0x0  }
0xdb: {  	s28 =	rddreg [dreg:$0xe];
	[sflag:s26] =	ssyncadd.s32 $0xFFFFC000  }
0xdc: {  	[tilespmem:s2], [sflag:$0x3] =	stream.linear.gather [hbm4b:s28+s2], $0x800, $0x38;
	[tilespmem:$0x1E000] =	vst v63  }
0xdd: {  	s30 =	rddreg [dreg:$0xf]  }
0xde: {  	[tilespmem:s3], [sflag:$0x3] =	stream.linear.gather [hbm4b:s30+s2], $0x800, $0x38;
	[tilespmem:$0x1E000] =	vst v63  }
0xdf: {  	_ =	swait.ge [sflag:s0], $0x4000  }
0xe0: {  	[sflag:s0] =	ssyncset.done $0x0  }
0xe1: {  	s12 =	simm.s32 $0x1080;
	[sflag:s0] =	ssyncadd.s32 $0xFFFFC000  }
0xe2: {  	[tilespmem:s6], [sflag:$0x2] =	stream.indirect.gather [hbm4b:s5+s29], $0x80, s12, s29, $0xb8;
	[tilespmem:$0x1E000] =	vst v63  }
0xe3: {  	_ = 	snop  }
0xe4: {  	[spmem:s1] =	stream.indirect.scatter.add.f32 [tilespmem:s25], [sflag:$0x4], $0x80, s8, s29, $0xb8;
	[tilespmem:$0x1E000] =	vst v63  }
0xe5: {  	_ =	swait.ge [sflag:s26], $0x4000  }
0xe6: {  	[sflag:s26] =	ssyncset.done $0x0  }
0xe7: {  	[sflag:s26] =	ssyncadd.s32 $0xFFFFC000  }
0xe8: {  	_ =	swait.ge [sflag:s7], $0x4000  }
0xe9: {  	[sflag:s7] =	ssyncset.done $0x0  }
0xea: {  	s14 =	simm.s32 $0x1100;
	[sflag:s7] =	ssyncadd.s32 $0xFFFFC000  }
0xeb: {  	[tilespmem:s25], [sflag:$0x1] =	stream.indirect.gather [hbm4b:s5+s29], $0x80, s14, s29, $0xb8;
	[tilespmem:$0x1E000] =	vst v63  }
0xec: {  	s16 =	simm.s32 $0x1880  }
0xed: {  	[spmem:s1] =	stream.indirect.scatter.add.f32 [tilespmem:s6], [sflag:$0x4], $0x80, s16, s29, $0xb8;
	[tilespmem:$0x1E000] =	vst v63  }
0xee: {  	_ =	swait.ge [sflag:s26], $0x4000  }
0xef: {  	[sflag:s26] =	ssyncset.done $0x0  }
0xf0: {  	[sflag:s26] =	ssyncadd.s32 $0xFFFFC000  }
0xf1: {  	_ =	swait.ge [sflag:s0], $0x4000  }
0xf2: {  	[sflag:s0] =	ssyncset.done $0x0  }
0xf3: {  	s18 =	simm.s32 $0x1180;
	[sflag:s0] =	ssyncadd.s32 $0xFFFFC000  }
0xf4: {  	[tilespmem:s6], [sflag:$0x2] =	stream.indirect.gather [hbm4b:s5+s29], $0x80, s18, s29, $0xb8;
	[tilespmem:$0x1E000] =	vst v63  }
0xf5: {  	s21 =	simm.s32 $0x1900  }
0xf6: {  	[spmem:s1] =	stream.indirect.scatter.add.f32 [tilespmem:s25], [sflag:$0x4], $0x80, s21, s29, $0xb8;
	[tilespmem:$0x1E000] =	vst v63  }
0xf7: {  	_ =	swait.ge [sflag:s26], $0x4000  }
0xf8: {  	[sflag:s26] =	ssyncset.done $0x0  }
0xf9: {  	[sflag:s26] =	ssyncadd.s32 $0xFFFFC000  }
0xfa: {  	_ =	swait.ge [sflag:s7], $0x4000  }
0xfb: {  	[sflag:s7] =	ssyncset.done $0x0  }
0xfc: {  	s30 =	simm.s32 $0x1200;
	[sflag:s7] =	ssyncadd.s32 $0xFFFFC000  }
0xfd: {  	[tilespmem:s25], [sflag:$0x1] =	stream.indirect.gather [hbm4b:s5+s29], $0x80, s30, s29, $0xb8;
	[tilespmem:$0x1E000] =	vst v63  }
0xfe: {  	s13 =	simm.s32 $0x1980  }
0xff: {  	[spmem:s1] =	stream.indirect.scatter.add.f32 [tilespmem:s6], [sflag:$0x4], $0x80, s13, s29, $0xb8;
	[tilespmem:$0x1E000] =	vst v63  }
0x100: {  	_ =	swait.ge [sflag:s26], $0x4000  }
0x101: {  	[sflag:s26] =	ssyncset.done $0x0  }
0x102: {  	[sflag:s26] =	ssyncadd.s32 $0xFFFFC000  }
0x103: {  	_ =	swait.ge [sflag:s0], $0x4000  }
0x104: {  	[sflag:s0] =	ssyncset.done $0x0  }
0x105: {  	s15 =	simm.s32 $0x1280;
	[sflag:s0] =	ssyncadd.s32 $0xFFFFC000  }
0x106: {  	[tilespmem:s6], [sflag:$0x2] =	stream.indirect.gather [hbm4b:s5+s29], $0x80, s15, s29, $0xb8;
	[tilespmem:$0x1E000] =	vst v63  }
0x107: {  	s17 =	simm.s32 $0x1A00  }
0x108: {  	[spmem:s1] =	stream.indirect.scatter.add.f32 [tilespmem:s25], [sflag:$0x4], $0x80, s17, s29, $0xb8;
	[tilespmem:$0x1E000] =	vst v63  }
0x109: {  	_ =	swait.ge [sflag:s26], $0x4000  }
0x10a: {  	[sflag:s26] =	ssyncset.done $0x0  }
0x10b: {  	[sflag:s26] =	ssyncadd.s32 $0xFFFFC000  }
0x10c: {  	_ =	swait.ge [sflag:s7], $0x4000  }
0x10d: {  	[sflag:s7] =	ssyncset.done $0x0  }
0x10e: {  	s19 =	simm.s32 $0x1300;
	[sflag:s7] =	ssyncadd.s32 $0xFFFFC000  }
0x10f: {  	[tilespmem:s25], [sflag:$0x1] =	stream.indirect.gather [hbm4b:s5+s29], $0x80, s19, s29, $0xb8;
	[tilespmem:$0x1E000] =	vst v63  }
0x110: {  	s23 =	simm.s32 $0x1A80  }
0x111: {  	[spmem:s1] =	stream.indirect.scatter.add.f32 [tilespmem:s6], [sflag:$0x4], $0x80, s23, s29, $0xb8;
	[tilespmem:$0x1E000] =	vst v63  }
0x112: {  	_ =	swait.ge [sflag:s26], $0x4000  }
0x113: {  	[sflag:s26] =	ssyncset.done $0x0  }
0x114: {  	[sflag:s26] =	ssyncadd.s32 $0xFFFFC000  }
0x115: {  	_ =	swait.ge [sflag:s0], $0x4000  }
0x116: {  	[sflag:s0] =	ssyncset.done $0x0  }
0x117: {  	s24 =	simm.s32 $0x1380;
	[sflag:s0] =	ssyncadd.s32 $0xFFFFC000  }
0x118: {  	[tilespmem:s6], [sflag:$0x2] =	stream.indirect.gather [hbm4b:s5+s29], $0x80, s24, s29, $0xb8;
	[tilespmem:$0x1E000] =	vst v63  }
0x119: {  	s28 =	simm.s32 $0x1B00  }
0x11a: {  	[spmem:s1] =	stream.indirect.scatter.add.f32 [tilespmem:s25], [sflag:$0x4], $0x80, s28, s29, $0xb8;
	[tilespmem:$0x1E000] =	vst v63  }
0x11b: {  	_ =	swait.ge [sflag:s26], $0x4000  }
0x11c: {  	[sflag:s26] =	ssyncset.done $0x0  }
0x11d: {  	[sflag:s26] =	ssyncadd.s32 $0xFFFFC000  }
0x11e: {  	_ =	swait.ge [sflag:s7], $0x4000  }
0x11f: {  	[sflag:s7] =	ssyncset.done $0x0  }
0x120: {  	s9 =	simm.s32 $0x1400;
	[sflag:s7] =	ssyncadd.s32 $0xFFFFC000  }
0x121: {  	[tilespmem:s25], [sflag:$0x1] =	stream.indirect.gather [hbm4b:s5+s29], $0x80, s9, s29, $0xb8;
	[tilespmem:$0x1E000] =	vst v63  }
0x122: {  	s9 =	simm.s32 $0x1B80  }
0x123: {  	[spmem:s1] =	stream.indirect.scatter.add.f32 [tilespmem:s6], [sflag:$0x4], $0x80, s9, s29, $0xb8;
	[tilespmem:$0x1E000] =	vst v63  }
0x124: {  	_ =	swait.ge [sflag:s26], $0x4000  }
0x125: {  	[sflag:s26] =	ssyncset.done $0x0  }
0x126: {  	[sflag:s26] =	ssyncadd.s32 $0xFFFFC000  }
0x127: {  	_ =	swait.ge [sflag:s0], $0x4000  }
0x128: {  	[sflag:s0] =	ssyncset.done $0x0  }
0x129: {  	s9 =	simm.s32 $0x1480;
	[sflag:s0] =	ssyncadd.s32 $0xFFFFC000  }
0x12a: {  	[tilespmem:s6], [sflag:$0x2] =	stream.indirect.gather [hbm4b:s5+s29], $0x80, s9, s29, $0xb8;
	[tilespmem:$0x1E000] =	vst v63  }
0x12b: {  	s9 =	simm.s32 $0x1C00  }
0x12c: {  	[spmem:s1] =	stream.indirect.scatter.add.f32 [tilespmem:s25], [sflag:$0x4], $0x80, s9, s29, $0xb8;
	[tilespmem:$0x1E000] =	vst v63  }
0x12d: {  	_ =	swait.ge [sflag:s26], $0x4000  }
0x12e: {  	[sflag:s26] =	ssyncset.done $0x0  }
0x12f: {  	[sflag:s26] =	ssyncadd.s32 $0xFFFFC000  }
0x130: {  	_ =	swait.ge [sflag:s7], $0x4000  }
0x131: {  	[sflag:s7] =	ssyncset.done $0x0  }
0x132: {  	s9 =	simm.s32 $0x1500;
	[sflag:s7] =	ssyncadd.s32 $0xFFFFC000  }
0x133: {  	[tilespmem:s25], [sflag:$0x1] =	stream.indirect.gather [hbm4b:s5+s29], $0x80, s9, s29, $0xb8;
	[tilespmem:$0x1E000] =	vst v63  }
0x134: {  	s9 =	simm.s32 $0x1C80  }
0x135: {  	[spmem:s1] =	stream.indirect.scatter.add.f32 [tilespmem:s6], [sflag:$0x4], $0x80, s9, s29, $0xb8;
	[tilespmem:$0x1E000] =	vst v63  }
0x136: {  	_ =	swait.ge [sflag:s26], $0x4000  }
0x137: {  	[sflag:s26] =	ssyncset.done $0x0  }
0x138: {  	[sflag:s26] =	ssyncadd.s32 $0xFFFFC000  }
0x139: {  	_ =	swait.ge [sflag:s0], $0x4000  }
0x13a: {  	[sflag:s0] =	ssyncset.done $0x0  }
0x13b: {  	s9 =	simm.s32 $0x1580;
	[sflag:s0] =	ssyncadd.s32 $0xFFFFC000  }
0x13c: {  	[tilespmem:s6], [sflag:$0x2] =	stream.indirect.gather [hbm4b:s5+s29], $0x80, s9, s29, $0xb8;
	[tilespmem:$0x1E000] =	vst v63  }
0x13d: {  	s9 =	simm.s32 $0x1D00  }
0x13e: {  	[spmem:s1] =	stream.indirect.scatter.add.f32 [tilespmem:s25], [sflag:$0x4], $0x80, s9, s29, $0xb8;
	[tilespmem:$0x1E000] =	vst v63  }
0x13f: {  	_ =	swait.ge [sflag:s26], $0x4000  }
0x140: {  	[sflag:s26] =	ssyncset.done $0x0  }
0x141: {  	[sflag:s26] =	ssyncadd.s32 $0xFFFFC000  }
0x142: {  	_ =	swait.ge [sflag:s7], $0x4000  }
0x143: {  	[sflag:s7] =	ssyncset.done $0x0  }
0x144: {  	s9 =	simm.s32 $0x1600;
	[sflag:s7] =	ssyncadd.s32 $0xFFFFC000  }
0x145: {  	[tilespmem:s25], [sflag:$0x1] =	stream.indirect.gather [hbm4b:s5+s29], $0x80, s9, s29, $0xb8;
	[tilespmem:$0x1E000] =	vst v63  }
0x146: {  	s9 =	simm.s32 $0x1D80  }
0x147: {  	[spmem:s1] =	stream.indirect.scatter.add.f32 [tilespmem:s6], [sflag:$0x4], $0x80, s9, s29, $0xb8;
	[tilespmem:$0x1E000] =	vst v63  }
0x148: {  	_ =	swait.ge [sflag:s26], $0x4000  }
0x149: {  	[sflag:s26] =	ssyncset.done $0x0  }
0x14a: {  	[sflag:s26] =	ssyncadd.s32 $0xFFFFC000  }
0x14b: {  	_ =	swait.ge [sflag:s0], $0x4000  }
0x14c: {  	[sflag:s0] =	ssyncset.done $0x0  }
0x14d: {  	s9 =	simm.s32 $0x1680;
	[sflag:s0] =	ssyncadd.s32 $0xFFFFC000  }
0x14e: {  	[tilespmem:s6], [sflag:$0x2] =	stream.indirect.gather [hbm4b:s5+s29], $0x80, s9, s29, $0xb8;
	[tilespmem:$0x1E000] =	vst v63  }
0x14f: {  	s9 =	simm.s32 $0x1E00  }
0x150: {  	[spmem:s1] =	stream.indirect.scatter.add.f32 [tilespmem:s25], [sflag:$0x4], $0x80, s9, s29, $0xb8;
	[tilespmem:$0x1E000] =	vst v63  }
0x151: {  	_ =	swait.ge [sflag:s26], $0x4000  }
0x152: {  	[sflag:s26] =	ssyncset.done $0x0  }
0x153: {  	[sflag:s26] =	ssyncadd.s32 $0xFFFFC000  }
0x154: {  	_ =	swait.ge [sflag:s7], $0x4000  }
0x155: {  	[sflag:s7] =	ssyncset.done $0x0  }
0x156: {  	s9 =	simm.s32 $0x1700;
	[sflag:s7] =	ssyncadd.s32 $0xFFFFC000  }
0x157: {  	[tilespmem:s25], [sflag:$0x1] =	stream.indirect.gather [hbm4b:s5+s29], $0x80, s9, s29, $0xb8;
	[tilespmem:$0x1E000] =	vst v63  }
0x158: {  	s9 =	simm.s32 $0x1E80  }
0x159: {  	[spmem:s1] =	stream.indirect.scatter.add.f32 [tilespmem:s6], [sflag:$0x4], $0x80, s9, s29, $0xb8;
	[tilespmem:$0x1E000] =	vst v63  }
0x15a: {  	_ =	swait.ge [sflag:s26], $0x4000  }
0x15b: {  	[sflag:s26] =	ssyncset.done $0x0  }
0x15c: {  	[sflag:s26] =	ssyncadd.s32 $0xFFFFC000  }
0x15d: {  	_ =	swait.ge [sflag:s0], $0x4000  }
0x15e: {  	[sflag:s0] =	ssyncset.done $0x0  }
0x15f: {  	s9 =	simm.s32 $0x1780;
	[sflag:s0] =	ssyncadd.s32 $0xFFFFC000  }
0x160: {  	[tilespmem:s6], [sflag:$0x2] =	stream.indirect.gather [hbm4b:s5+s29], $0x80, s9, s29, $0xb8;
	[tilespmem:$0x1E000] =	vst v63  }
0x161: {  	s9 =	simm.s32 $0x1F00  }
0x162: {  	[spmem:s1] =	stream.indirect.scatter.add.f32 [tilespmem:s25], [sflag:$0x4], $0x80, s9, s29, $0xb8;
	[tilespmem:$0x1E000] =	vst v63  }
0x163: {  	_ =	swait.ge [sflag:s26], $0x4000  }
0x164: {  	[sflag:s26] =	ssyncset.done $0x0  }
0x165: {  	[sflag:s26] =	ssyncadd.s32 $0xFFFFC000  }
0x166: {  	_ =	swait.ge [sflag:s7], $0x4000  }
0x167: {  	[sflag:s7] =	ssyncset.done $0x0  }
0x168: {  	[sflag:s7] =	ssyncadd.s32 $0xFFFFC000  }
0x169: {  	_ =	swait.ge [sflag:s20], $0x800  }
0x16a: {  	[sflag:s20] =	ssyncset.done $0x0  }
0x16b: {  	[sflag:s20] =	ssyncadd.s32 $0xFFFFF800  }
0x16c: {  	_ =	swait.ge [sflag:s20], $0x800  }
0x16d: {  	[sflag:s20] =	ssyncset.done $0x0  }
0x16e: {  	[sflag:s20] =	ssyncadd.s32 $0xFFFFF800  }
0x16f: {  	[tilespmem:s25], [sflag:$0x1] =	stream.indirect.gather [hbm4b:s5+s29], $0x80, s2, s29, $0xb8;
	[tilespmem:$0x1E000] =	vst v63  }
0x170: {  	s9 =	simm.s32 $0x1F80  }
0x171: {  	[spmem:s1] =	stream.indirect.scatter.add.f32 [tilespmem:s6], [sflag:$0x4], $0x80, s9, s29, $0xb8;
	[tilespmem:$0x1E000] =	vst v63  }
0x172: {  	_ =	swait.ge [sflag:s26], $0x4000  }
0x173: {  	[sflag:s26] =	ssyncset.done $0x0  }
0x174: {  	s9 =	rddreg [dreg:$0x10];
	[sflag:s26] =	ssyncadd.s32 $0xFFFFC000  }
0x175: {  	[tilespmem:s31], [sflag:$0x3] =	stream.linear.gather [hbm4b:s9+s2], $0x800, $0x38;
	[tilespmem:$0x1E000] =	vst v63  }
0x176: {  	s9 =	rddreg [dreg:$0x11]  }
0x177: {  	[tilespmem:s8], [sflag:$0x3] =	stream.linear.gather [hbm4b:s9+s2], $0x800, $0x38;
	[tilespmem:$0x1E000] =	vst v63  }
0x178: {  	_ =	swait.ge [sflag:s0], $0x4000  }
0x179: {  	[sflag:s0] =	ssyncset.done $0x0  }
0x17a: {  	[sflag:s0] =	ssyncadd.s32 $0xFFFFC000  }
0x17b: {  	[tilespmem:s6], [sflag:$0x2] =	stream.indirect.gather [hbm4b:s5+s29], $0x80, s29, s29, $0xb8;
	[tilespmem:$0x1E000] =	vst v63  }
0x17c: {  	_ = 	snop  }
0x17d: {  	[spmem:s1] =	stream.indirect.scatter.add.f32 [tilespmem:s25], [sflag:$0x4], $0x80, s3, s29, $0xb8;
	[tilespmem:$0x1E000] =	vst v63  }
0x17e: {  	_ =	swait.ge [sflag:s26], $0x4000  }
0x17f: {  	[sflag:s26] =	ssyncset.done $0x0  }
0x180: {  	[sflag:s26] =	ssyncadd.s32 $0xFFFFC000  }
0x181: {  	_ =	swait.ge [sflag:s7], $0x4000  }
0x182: {  	[sflag:s7] =	ssyncset.done $0x0  }
0x183: {  	s9 =	simm.s32 $0x100;
	[sflag:s7] =	ssyncadd.s32 $0xFFFFC000  }
0x184: {  	[tilespmem:s25], [sflag:$0x1] =	stream.indirect.gather [hbm4b:s5+s29], $0x80, s9, s29, $0xb8;
	[tilespmem:$0x1E000] =	vst v63  }
0x185: {  	s9 =	simm.s32 $0x880  }
0x186: {  	[spmem:s1] =	stream.indirect.scatter.add.f32 [tilespmem:s6], [sflag:$0x4], $0x80, s9, s29, $0xb8;
	[tilespmem:$0x1E000] =	vst v63  }
0x187: {  	_ =	swait.ge [sflag:s26], $0x4000  }
0x188: {  	[sflag:s26] =	ssyncset.done $0x0  }
0x189: {  	[sflag:s26] =	ssyncadd.s32 $0xFFFFC000  }
0x18a: {  	_ =	swait.ge [sflag:s0], $0x4000  }
0x18b: {  	[sflag:s0] =	ssyncset.done $0x0  }
0x18c: {  	s9 =	simm.s32 $0x180;
	[sflag:s0] =	ssyncadd.s32 $0xFFFFC000  }
0x18d: {  	[tilespmem:s6], [sflag:$0x2] =	stream.indirect.gather [hbm4b:s5+s29], $0x80, s9, s29, $0xb8;
	[tilespmem:$0x1E000] =	vst v63  }
0x18e: {  	s9 =	simm.s32 $0x900  }
0x18f: {  	[spmem:s1] =	stream.indirect.scatter.add.f32 [tilespmem:s25], [sflag:$0x4], $0x80, s9, s29, $0xb8;
	[tilespmem:$0x1E000] =	vst v63  }
0x190: {  	_ =	swait.ge [sflag:s26], $0x4000  }
0x191: {  	[sflag:s26] =	ssyncset.done $0x0  }
0x192: {  	[sflag:s26] =	ssyncadd.s32 $0xFFFFC000  }
0x193: {  	_ =	swait.ge [sflag:s7], $0x4000  }
0x194: {  	[sflag:s7] =	ssyncset.done $0x0  }
0x195: {  	s9 =	simm.s32 $0x200;
	[sflag:s7] =	ssyncadd.s32 $0xFFFFC000  }
0x196: {  	[tilespmem:s25], [sflag:$0x1] =	stream.indirect.gather [hbm4b:s5+s29], $0x80, s9, s29, $0xb8;
	[tilespmem:$0x1E000] =	vst v63  }
0x197: {  	s9 =	simm.s32 $0x980  }
0x198: {  	[spmem:s1] =	stream.indirect.scatter.add.f32 [tilespmem:s6], [sflag:$0x4], $0x80, s9, s29, $0xb8;
	[tilespmem:$0x1E000] =	vst v63  }
0x199: {  	_ =	swait.ge [sflag:s26], $0x4000  }
0x19a: {  	[sflag:s26] =	ssyncset.done $0x0  }
0x19b: {  	[sflag:s26] =	ssyncadd.s32 $0xFFFFC000  }
0x19c: {  	_ =	swait.ge [sflag:s0], $0x4000  }
0x19d: {  	[sflag:s0] =	ssyncset.done $0x0  }
0x19e: {  	s9 =	simm.s32 $0x280;
	[sflag:s0] =	ssyncadd.s32 $0xFFFFC000  }
0x19f: {  	[tilespmem:s6], [sflag:$0x2] =	stream.indirect.gather [hbm4b:s5+s29], $0x80, s9, s29, $0xb8;
	[tilespmem:$0x1E000] =	vst v63  }
0x1a0: {  	s9 =	simm.s32 $0xA00  }
0x1a1: {  	[spmem:s1] =	stream.indirect.scatter.add.f32 [tilespmem:s25], [sflag:$0x4], $0x80, s9, s29, $0xb8;
	[tilespmem:$0x1E000] =	vst v63  }
0x1a2: {  	_ =	swait.ge [sflag:s26], $0x4000  }
0x1a3: {  	[sflag:s26] =	ssyncset.done $0x0  }
0x1a4: {  	[sflag:s26] =	ssyncadd.s32 $0xFFFFC000  }
0x1a5: {  	_ =	swait.ge [sflag:s7], $0x4000  }
0x1a6: {  	[sflag:s7] =	ssyncset.done $0x0  }
0x1a7: {  	s9 =	simm.s32 $0x300;
	[sflag:s7] =	ssyncadd.s32 $0xFFFFC000  }
0x1a8: {  	[tilespmem:s25], [sflag:$0x1] =	stream.indirect.gather [hbm4b:s5+s29], $0x80, s9, s29, $0xb8;
	[tilespmem:$0x1E000] =	vst v63  }
0x1a9: {  	s9 =	simm.s32 $0xA80  }
0x1aa: {  	[spmem:s1] =	stream.indirect.scatter.add.f32 [tilespmem:s6], [sflag:$0x4], $0x80, s9, s29, $0xb8;
	[tilespmem:$0x1E000] =	vst v63  }
0x1ab: {  	_ =	swait.ge [sflag:s26], $0x4000  }
0x1ac: {  	[sflag:s26] =	ssyncset.done $0x0  }
0x1ad: {  	[sflag:s26] =	ssyncadd.s32 $0xFFFFC000  }
0x1ae: {  	_ =	swait.ge [sflag:s0], $0x4000  }
0x1af: {  	[sflag:s0] =	ssyncset.done $0x0  }
0x1b0: {  	s9 =	simm.s32 $0x380;
	[sflag:s0] =	ssyncadd.s32 $0xFFFFC000  }
0x1b1: {  	[tilespmem:s6], [sflag:$0x2] =	stream.indirect.gather [hbm4b:s5+s29], $0x80, s9, s29, $0xb8;
	[tilespmem:$0x1E000] =	vst v63  }
0x1b2: {  	s9 =	simm.s32 $0xB00  }
0x1b3: {  	[spmem:s1] =	stream.indirect.scatter.add.f32 [tilespmem:s25], [sflag:$0x4], $0x80, s9, s29, $0xb8;
	[tilespmem:$0x1E000] =	vst v63  }
0x1b4: {  	_ =	swait.ge [sflag:s26], $0x4000  }
0x1b5: {  	[sflag:s26] =	ssyncset.done $0x0  }
0x1b6: {  	[sflag:s26] =	ssyncadd.s32 $0xFFFFC000  }
0x1b7: {  	_ =	swait.ge [sflag:s7], $0x4000  }
0x1b8: {  	[sflag:s7] =	ssyncset.done $0x0  }
0x1b9: {  	s9 =	simm.s32 $0x400;
	[sflag:s7] =	ssyncadd.s32 $0xFFFFC000  }
0x1ba: {  	[tilespmem:s25], [sflag:$0x1] =	stream.indirect.gather [hbm4b:s5+s29], $0x80, s9, s29, $0xb8;
	[tilespmem:$0x1E000] =	vst v63  }
0x1bb: {  	s9 =	simm.s32 $0xB80  }
0x1bc: {  	[spmem:s1] =	stream.indirect.scatter.add.f32 [tilespmem:s6], [sflag:$0x4], $0x80, s9, s29, $0xb8;
	[tilespmem:$0x1E000] =	vst v63  }
0x1bd: {  	_ =	swait.ge [sflag:s26], $0x4000  }
0x1be: {  	[sflag:s26] =	ssyncset.done $0x0  }
0x1bf: {  	[sflag:s26] =	ssyncadd.s32 $0xFFFFC000  }
0x1c0: {  	_ =	swait.ge [sflag:s0], $0x4000  }
0x1c1: {  	[sflag:s0] =	ssyncset.done $0x0  }
0x1c2: {  	s9 =	simm.s32 $0x480;
	[sflag:s0] =	ssyncadd.s32 $0xFFFFC000  }
0x1c3: {  	[tilespmem:s6], [sflag:$0x2] =	stream.indirect.gather [hbm4b:s5+s29], $0x80, s9, s29, $0xb8;
	[tilespmem:$0x1E000] =	vst v63  }
0x1c4: {  	s9 =	simm.s32 $0xC00  }
0x1c5: {  	[spmem:s1] =	stream.indirect.scatter.add.f32 [tilespmem:s25], [sflag:$0x4], $0x80, s9, s29, $0xb8;
	[tilespmem:$0x1E000] =	vst v63  }
0x1c6: {  	_ =	swait.ge [sflag:s26], $0x4000  }
0x1c7: {  	[sflag:s26] =	ssyncset.done $0x0  }
0x1c8: {  	[sflag:s26] =	ssyncadd.s32 $0xFFFFC000  }
0x1c9: {  	_ =	swait.ge [sflag:s7], $0x4000  }
0x1ca: {  	[sflag:s7] =	ssyncset.done $0x0  }
0x1cb: {  	s9 =	simm.s32 $0x500;
	[sflag:s7] =	ssyncadd.s32 $0xFFFFC000  }
0x1cc: {  	[tilespmem:s25], [sflag:$0x1] =	stream.indirect.gather [hbm4b:s5+s29], $0x80, s9, s29, $0xb8;
	[tilespmem:$0x1E000] =	vst v63  }
0x1cd: {  	s9 =	simm.s32 $0xC80  }
0x1ce: {  	[spmem:s1] =	stream.indirect.scatter.add.f32 [tilespmem:s6], [sflag:$0x4], $0x80, s9, s29, $0xb8;
	[tilespmem:$0x1E000] =	vst v63  }
0x1cf: {  	_ =	swait.ge [sflag:s26], $0x4000  }
0x1d0: {  	[sflag:s26] =	ssyncset.done $0x0  }
0x1d1: {  	[sflag:s26] =	ssyncadd.s32 $0xFFFFC000  }
0x1d2: {  	_ =	swait.ge [sflag:s0], $0x4000  }
0x1d3: {  	[sflag:s0] =	ssyncset.done $0x0  }
0x1d4: {  	s9 =	simm.s32 $0x580;
	[sflag:s0] =	ssyncadd.s32 $0xFFFFC000  }
0x1d5: {  	[tilespmem:s6], [sflag:$0x2] =	stream.indirect.gather [hbm4b:s5+s29], $0x80, s9, s29, $0xb8;
	[tilespmem:$0x1E000] =	vst v63  }
0x1d6: {  	s9 =	simm.s32 $0xD00  }
0x1d7: {  	[spmem:s1] =	stream.indirect.scatter.add.f32 [tilespmem:s25], [sflag:$0x4], $0x80, s9, s29, $0xb8;
	[tilespmem:$0x1E000] =	vst v63  }
0x1d8: {  	_ =	swait.ge [sflag:s26], $0x4000  }
0x1d9: {  	[sflag:s26] =	ssyncset.done $0x0  }
0x1da: {  	[sflag:s26] =	ssyncadd.s32 $0xFFFFC000  }
0x1db: {  	_ =	swait.ge [sflag:s7], $0x4000  }
0x1dc: {  	[sflag:s7] =	ssyncset.done $0x0  }
0x1dd: {  	s9 =	simm.s32 $0x600;
	[sflag:s7] =	ssyncadd.s32 $0xFFFFC000  }
0x1de: {  	[tilespmem:s25], [sflag:$0x1] =	stream.indirect.gather [hbm4b:s5+s29], $0x80, s9, s29, $0xb8;
	[tilespmem:$0x1E000] =	vst v63  }
0x1df: {  	s9 =	simm.s32 $0xD80  }
0x1e0: {  	[spmem:s1] =	stream.indirect.scatter.add.f32 [tilespmem:s6], [sflag:$0x4], $0x80, s9, s29, $0xb8;
	[tilespmem:$0x1E000] =	vst v63  }
0x1e1: {  	_ =	swait.ge [sflag:s26], $0x4000  }
0x1e2: {  	[sflag:s26] =	ssyncset.done $0x0  }
0x1e3: {  	[sflag:s26] =	ssyncadd.s32 $0xFFFFC000  }
0x1e4: {  	_ =	swait.ge [sflag:s0], $0x4000  }
0x1e5: {  	[sflag:s0] =	ssyncset.done $0x0  }
0x1e6: {  	s9 =	simm.s32 $0x680;
	[sflag:s0] =	ssyncadd.s32 $0xFFFFC000  }
0x1e7: {  	[tilespmem:s6], [sflag:$0x2] =	stream.indirect.gather [hbm4b:s5+s29], $0x80, s9, s29, $0xb8;
	[tilespmem:$0x1E000] =	vst v63  }
0x1e8: {  	s9 =	simm.s32 $0xE00  }
0x1e9: {  	[spmem:s1] =	stream.indirect.scatter.add.f32 [tilespmem:s25], [sflag:$0x4], $0x80, s9, s29, $0xb8;
	[tilespmem:$0x1E000] =	vst v63  }
0x1ea: {  	_ =	swait.ge [sflag:s26], $0x4000  }
0x1eb: {  	[sflag:s26] =	ssyncset.done $0x0  }
0x1ec: {  	[sflag:s26] =	ssyncadd.s32 $0xFFFFC000  }
0x1ed: {  	_ =	swait.ge [sflag:s7], $0x4000  }
0x1ee: {  	[sflag:s7] =	ssyncset.done $0x0  }
0x1ef: {  	s9 =	simm.s32 $0x700;
	[sflag:s7] =	ssyncadd.s32 $0xFFFFC000  }
0x1f0: {  	[tilespmem:s25], [sflag:$0x1] =	stream.indirect.gather [hbm4b:s5+s29], $0x80, s9, s29, $0xb8;
	[tilespmem:$0x1E000] =	vst v63  }
0x1f1: {  	s9 =	simm.s32 $0xE80  }
0x1f2: {  	[spmem:s1] =	stream.indirect.scatter.add.f32 [tilespmem:s6], [sflag:$0x4], $0x80, s9, s29, $0xb8;
	[tilespmem:$0x1E000] =	vst v63  }
0x1f3: {  	_ =	swait.ge [sflag:s26], $0x4000  }
0x1f4: {  	[sflag:s26] =	ssyncset.done $0x0  }
0x1f5: {  	[sflag:s26] =	ssyncadd.s32 $0xFFFFC000  }
0x1f6: {  	_ =	swait.ge [sflag:s0], $0x4000  }
0x1f7: {  	[sflag:s0] =	ssyncset.done $0x0  }
0x1f8: {  	[sflag:s0] =	ssyncadd.s32 $0xFFFFC000  }
0x1f9: {  	[tilespmem:s6], [sflag:$0x2] =	stream.indirect.gather [hbm4b:s5+s29], $0x80, s10, s29, $0xb8;
	[tilespmem:$0x1E000] =	vst v63  }
0x1fa: {  	_ = 	snop  }
0x1fb: {  	[spmem:s1] =	stream.indirect.scatter.add.f32 [tilespmem:s25], [sflag:$0x4], $0x80, s11, s29, $0xb8;
	[tilespmem:$0x1E000] =	vst v63  }
0x1fc: {  	_ =	swait.ge [sflag:s26], $0x4000  }
0x1fd: {  	[sflag:s26] =	ssyncset.done $0x0  }
0x1fe: {  	[sflag:s26] =	ssyncadd.s32 $0xFFFFC000  }
0x1ff: {  	_ =	swait.ge [sflag:s7], $0x4000  }
0x200: {  	[sflag:s7] =	ssyncset.done $0x0  }
0x201: {  	[sflag:s7] =	ssyncadd.s32 $0xFFFFC000  }
0x202: {  	_ =	swait.ge [sflag:s20], $0x800  }
0x203: {  	[sflag:s20] =	ssyncset.done $0x0  }
0x204: {  	[sflag:s20] =	ssyncadd.s32 $0xFFFFF800  }
0x205: {  	_ =	swait.ge [sflag:s20], $0x800  }
0x206: {  	[sflag:s20] =	ssyncset.done $0x0  }
0x207: {  	[sflag:s20] =	ssyncadd.s32 $0xFFFFF800  }
0x208: {  	[tilespmem:s25], [sflag:$0x1] =	stream.indirect.gather [hbm4b:s5+s29], $0x80, s31, s29, $0xb8;
	[tilespmem:$0x1E000] =	vst v63  }
0x209: {  	s31 =	simm.s32 $0xF80  }
0x20a: {  	[spmem:s1] =	stream.indirect.scatter.add.f32 [tilespmem:s6], [sflag:$0x4], $0x80, s31, s29, $0xb8;
	[tilespmem:$0x1E000] =	vst v63  }
0x20b: {  	_ =	swait.ge [sflag:s26], $0x4000  }
0x20c: {  	[sflag:s26] =	ssyncset.done $0x0  }
0x20d: {  	s9 =	rddreg [dreg:$0x12];
	[sflag:s26] =	ssyncadd.s32 $0xFFFFC000  }
0x20e: {  	[tilespmem:s2], [sflag:$0x3] =	stream.linear.gather [hbm4b:s9+s2], $0x800, $0x38;
	[tilespmem:$0x1E000] =	vst v63  }
0x20f: {  	s9 =	rddreg [dreg:$0x13]  }
0x210: {  	[tilespmem:s3], [sflag:$0x3] =	stream.linear.gather [hbm4b:s9+s2], $0x800, $0x38;
	[tilespmem:$0x1E000] =	vst v63  }
0x211: {  	_ =	swait.ge [sflag:s0], $0x4000  }
0x212: {  	[sflag:s0] =	ssyncset.done $0x0  }
0x213: {  	[sflag:s0] =	ssyncadd.s32 $0xFFFFC000  }
0x214: {  	[tilespmem:s6], [sflag:$0x2] =	stream.indirect.gather [hbm4b:s5+s29], $0x80, s12, s29, $0xb8;
	[tilespmem:$0x1E000] =	vst v63  }
0x215: {  	_ = 	snop  }
0x216: {  	[spmem:s1] =	stream.indirect.scatter.add.f32 [tilespmem:s25], [sflag:$0x4], $0x80, s8, s29, $0xb8;
	[tilespmem:$0x1E000] =	vst v63  }
0x217: {  	_ =	swait.ge [sflag:s26], $0x4000  }
0x218: {  	[sflag:s26] =	ssyncset.done $0x0  }
0x219: {  	[sflag:s26] =	ssyncadd.s32 $0xFFFFC000  }
0x21a: {  	_ =	swait.ge [sflag:s7], $0x4000  }
0x21b: {  	[sflag:s7] =	ssyncset.done $0x0  }
0x21c: {  	[sflag:s7] =	ssyncadd.s32 $0xFFFFC000  }
0x21d: {  	[tilespmem:s25], [sflag:$0x1] =	stream.indirect.gather [hbm4b:s5+s29], $0x80, s14, s29, $0xb8;
	[tilespmem:$0x1E000] =	vst v63  }
0x21e: {  	_ = 	snop  }
0x21f: {  	[spmem:s1] =	stream.indirect.scatter.add.f32 [tilespmem:s6], [sflag:$0x4], $0x80, s16, s29, $0xb8;
	[tilespmem:$0x1E000] =	vst v63  }
0x220: {  	_ =	swait.ge [sflag:s26], $0x4000  }
0x221: {  	[sflag:s26] =	ssyncset.done $0x0  }
0x222: {  	[sflag:s26] =	ssyncadd.s32 $0xFFFFC000  }
0x223: {  	_ =	swait.ge [sflag:s0], $0x4000  }
0x224: {  	[sflag:s0] =	ssyncset.done $0x0  }
0x225: {  	[sflag:s0] =	ssyncadd.s32 $0xFFFFC000  }
0x226: {  	[tilespmem:s6], [sflag:$0x2] =	stream.indirect.gather [hbm4b:s5+s29], $0x80, s18, s29, $0xb8;
	[tilespmem:$0x1E000] =	vst v63  }
0x227: {  	_ = 	snop  }
0x228: {  	[spmem:s1] =	stream.indirect.scatter.add.f32 [tilespmem:s25], [sflag:$0x4], $0x80, s21, s29, $0xb8;
	[tilespmem:$0x1E000] =	vst v63  }
0x229: {  	_ =	swait.ge [sflag:s26], $0x4000  }
0x22a: {  	[sflag:s26] =	ssyncset.done $0x0  }
0x22b: {  	[sflag:s26] =	ssyncadd.s32 $0xFFFFC000  }
0x22c: {  	_ =	swait.ge [sflag:s7], $0x4000  }
0x22d: {  	[sflag:s7] =	ssyncset.done $0x0  }
0x22e: {  	[sflag:s7] =	ssyncadd.s32 $0xFFFFC000  }
0x22f: {  	[tilespmem:s25], [sflag:$0x1] =	stream.indirect.gather [hbm4b:s5+s29], $0x80, s30, s29, $0xb8;
	[tilespmem:$0x1E000] =	vst v63  }
0x230: {  	_ = 	snop  }
0x231: {  	[spmem:s1] =	stream.indirect.scatter.add.f32 [tilespmem:s6], [sflag:$0x4], $0x80, s13, s29, $0xb8;
	[tilespmem:$0x1E000] =	vst v63  }
0x232: {  	_ =	swait.ge [sflag:s26], $0x4000  }
0x233: {  	[sflag:s26] =	ssyncset.done $0x0  }
0x234: {  	[sflag:s26] =	ssyncadd.s32 $0xFFFFC000  }
0x235: {  	_ =	swait.ge [sflag:s0], $0x4000  }
0x236: {  	[sflag:s0] =	ssyncset.done $0x0  }
0x237: {  	[sflag:s0] =	ssyncadd.s32 $0xFFFFC000  }
0x238: {  	[tilespmem:s6], [sflag:$0x2] =	stream.indirect.gather [hbm4b:s5+s29], $0x80, s15, s29, $0xb8;
	[tilespmem:$0x1E000] =	vst v63  }
0x239: {  	_ = 	snop  }
0x23a: {  	[spmem:s1] =	stream.indirect.scatter.add.f32 [tilespmem:s25], [sflag:$0x4], $0x80, s17, s29, $0xb8;
	[tilespmem:$0x1E000] =	vst v63  }
0x23b: {  	_ =	swait.ge [sflag:s26], $0x4000  }
0x23c: {  	[sflag:s26] =	ssyncset.done $0x0  }
0x23d: {  	[sflag:s26] =	ssyncadd.s32 $0xFFFFC000  }
0x23e: {  	_ =	swait.ge [sflag:s7], $0x4000  }
0x23f: {  	[sflag:s7] =	ssyncset.done $0x0  }
0x240: {  	[sflag:s7] =	ssyncadd.s32 $0xFFFFC000  }
0x241: {  	[tilespmem:s25], [sflag:$0x1] =	stream.indirect.gather [hbm4b:s5+s29], $0x80, s19, s29, $0xb8;
	[tilespmem:$0x1E000] =	vst v63  }
0x242: {  	_ = 	snop  }
0x243: {  	[spmem:s1] =	stream.indirect.scatter.add.f32 [tilespmem:s6], [sflag:$0x4], $0x80, s23, s29, $0xb8;
	[tilespmem:$0x1E000] =	vst v63  }
0x244: {  	_ =	swait.ge [sflag:s26], $0x4000  }
0x245: {  	[sflag:s26] =	ssyncset.done $0x0  }
0x246: {  	[sflag:s26] =	ssyncadd.s32 $0xFFFFC000  }
0x247: {  	_ =	swait.ge [sflag:s0], $0x4000  }
0x248: {  	[sflag:s0] =	ssyncset.done $0x0  }
0x249: {  	[sflag:s0] =	ssyncadd.s32 $0xFFFFC000  }
0x24a: {  	[tilespmem:s6], [sflag:$0x2] =	stream.indirect.gather [hbm4b:s5+s29], $0x80, s24, s29, $0xb8;
	[tilespmem:$0x1E000] =	vst v63  }
0x24b: {  	_ = 	snop  }
0x24c: {  	[spmem:s1] =	stream.indirect.scatter.add.f32 [tilespmem:s25], [sflag:$0x4], $0x80, s28, s29, $0xb8;
	[tilespmem:$0x1E000] =	vst v63  }
0x24d: {  	_ =	swait.ge [sflag:s26], $0x4000  }
0x24e: {  	[sflag:s26] =	ssyncset.done $0x0  }
0x24f: {  	[sflag:s26] =	ssyncadd.s32 $0xFFFFC000  }
0x250: {  	_ =	swait.ge [sflag:s7], $0x4000  }
0x251: {  	[sflag:s7] =	ssyncset.done $0x0  }
0x252: {  	s9 =	simm.s32 $0x1400;
	[sflag:s7] =	ssyncadd.s32 $0xFFFFC000  }
0x253: {  	[tilespmem:s25], [sflag:$0x1] =	stream.indirect.gather [hbm4b:s5+s29], $0x80, s9, s29, $0xb8;
	[tilespmem:$0x1E000] =	vst v63  }
0x254: {  	s12 =	simm.s32 $0x1B80  }
0x255: {  	[spmem:s1] =	stream.indirect.scatter.add.f32 [tilespmem:s6], [sflag:$0x4], $0x80, s12, s29, $0xb8;
	[tilespmem:$0x1E000] =	vst v63  }
0x256: {  	_ =	swait.ge [sflag:s26], $0x4000  }
0x257: {  	[sflag:s26] =	ssyncset.done $0x0  }
0x258: {  	[sflag:s26] =	ssyncadd.s32 $0xFFFFC000  }
0x259: {  	_ =	swait.ge [sflag:s0], $0x4000  }
0x25a: {  	[sflag:s0] =	ssyncset.done $0x0  }
0x25b: {  	s13 =	simm.s32 $0x1480;
	[sflag:s0] =	ssyncadd.s32 $0xFFFFC000  }
0x25c: {  	[tilespmem:s6], [sflag:$0x2] =	stream.indirect.gather [hbm4b:s5+s29], $0x80, s13, s29, $0xb8;
	[tilespmem:$0x1E000] =	vst v63  }
0x25d: {  	s14 =	simm.s32 $0x1C00  }
0x25e: {  	[spmem:s1] =	stream.indirect.scatter.add.f32 [tilespmem:s25], [sflag:$0x4], $0x80, s14, s29, $0xb8;
	[tilespmem:$0x1E000] =	vst v63  }
0x25f: {  	_ =	swait.ge [sflag:s26], $0x4000  }
0x260: {  	[sflag:s26] =	ssyncset.done $0x0  }
0x261: {  	[sflag:s26] =	ssyncadd.s32 $0xFFFFC000  }
0x262: {  	_ =	swait.ge [sflag:s7], $0x4000  }
0x263: {  	[sflag:s7] =	ssyncset.done $0x0  }
0x264: {  	s15 =	simm.s32 $0x1500;
	[sflag:s7] =	ssyncadd.s32 $0xFFFFC000  }
0x265: {  	[tilespmem:s25], [sflag:$0x1] =	stream.indirect.gather [hbm4b:s5+s29], $0x80, s15, s29, $0xb8;
	[tilespmem:$0x1E000] =	vst v63  }
0x266: {  	s16 =	simm.s32 $0x1C80  }
0x267: {  	[spmem:s1] =	stream.indirect.scatter.add.f32 [tilespmem:s6], [sflag:$0x4], $0x80, s16, s29, $0xb8;
	[tilespmem:$0x1E000] =	vst v63  }
0x268: {  	_ =	swait.ge [sflag:s26], $0x4000  }
0x269: {  	[sflag:s26] =	ssyncset.done $0x0  }
0x26a: {  	[sflag:s26] =	ssyncadd.s32 $0xFFFFC000  }
0x26b: {  	_ =	swait.ge [sflag:s0], $0x4000  }
0x26c: {  	[sflag:s0] =	ssyncset.done $0x0  }
0x26d: {  	s17 =	simm.s32 $0x1580;
	[sflag:s0] =	ssyncadd.s32 $0xFFFFC000  }
0x26e: {  	[tilespmem:s6], [sflag:$0x2] =	stream.indirect.gather [hbm4b:s5+s29], $0x80, s17, s29, $0xb8;
	[tilespmem:$0x1E000] =	vst v63  }
0x26f: {  	s18 =	simm.s32 $0x1D00  }
0x270: {  	[spmem:s1] =	stream.indirect.scatter.add.f32 [tilespmem:s25], [sflag:$0x4], $0x80, s18, s29, $0xb8;
	[tilespmem:$0x1E000] =	vst v63  }
0x271: {  	_ =	swait.ge [sflag:s26], $0x4000  }
0x272: {  	[sflag:s26] =	ssyncset.done $0x0  }
0x273: {  	[sflag:s26] =	ssyncadd.s32 $0xFFFFC000  }
0x274: {  	_ =	swait.ge [sflag:s7], $0x4000  }
0x275: {  	[sflag:s7] =	ssyncset.done $0x0  }
0x276: {  	s19 =	simm.s32 $0x1600;
	[sflag:s7] =	ssyncadd.s32 $0xFFFFC000  }
0x277: {  	[tilespmem:s25], [sflag:$0x1] =	stream.indirect.gather [hbm4b:s5+s29], $0x80, s19, s29, $0xb8;
	[tilespmem:$0x1E000] =	vst v63  }
0x278: {  	s21 =	simm.s32 $0x1D80  }
0x279: {  	[spmem:s1] =	stream.indirect.scatter.add.f32 [tilespmem:s6], [sflag:$0x4], $0x80, s21, s29, $0xb8;
	[tilespmem:$0x1E000] =	vst v63  }
0x27a: {  	_ =	swait.ge [sflag:s26], $0x4000  }
0x27b: {  	[sflag:s26] =	ssyncset.done $0x0  }
0x27c: {  	[sflag:s26] =	ssyncadd.s32 $0xFFFFC000  }
0x27d: {  	_ =	swait.ge [sflag:s0], $0x4000  }
0x27e: {  	[sflag:s0] =	ssyncset.done $0x0  }
0x27f: {  	s23 =	simm.s32 $0x1680;
	[sflag:s0] =	ssyncadd.s32 $0xFFFFC000  }
0x280: {  	[tilespmem:s6], [sflag:$0x2] =	stream.indirect.gather [hbm4b:s5+s29], $0x80, s23, s29, $0xb8;
	[tilespmem:$0x1E000] =	vst v63  }
0x281: {  	s24 =	simm.s32 $0x1E00  }
0x282: {  	[spmem:s1] =	stream.indirect.scatter.add.f32 [tilespmem:s25], [sflag:$0x4], $0x80, s24, s29, $0xb8;
	[tilespmem:$0x1E000] =	vst v63  }
0x283: {  	_ =	swait.ge [sflag:s26], $0x4000  }
0x284: {  	[sflag:s26] =	ssyncset.done $0x0  }
0x285: {  	[sflag:s26] =	ssyncadd.s32 $0xFFFFC000  }
0x286: {  	_ =	swait.ge [sflag:s7], $0x4000  }
0x287: {  	[sflag:s7] =	ssyncset.done $0x0  }
0x288: {  	s28 =	simm.s32 $0x1700;
	[sflag:s7] =	ssyncadd.s32 $0xFFFFC000  }
0x289: {  	[tilespmem:s25], [sflag:$0x1] =	stream.indirect.gather [hbm4b:s5+s29], $0x80, s28, s29, $0xb8;
	[tilespmem:$0x1E000] =	vst v63  }
0x28a: {  	s30 =	simm.s32 $0x1E80  }
0x28b: {  	[spmem:s1] =	stream.indirect.scatter.add.f32 [tilespmem:s6], [sflag:$0x4], $0x80, s30, s29, $0xb8;
	[tilespmem:$0x1E000] =	vst v63  }
0x28c: {  	_ =	swait.ge [sflag:s26], $0x4000  }
0x28d: {  	[sflag:s26] =	ssyncset.done $0x0  }
0x28e: {  	[sflag:s26] =	ssyncadd.s32 $0xFFFFC000  }
0x28f: {  	_ =	swait.ge [sflag:s0], $0x4000  }
0x290: {  	[sflag:s0] =	ssyncset.done $0x0  }
0x291: {  	s9 =	simm.s32 $0x1780;
	[sflag:s0] =	ssyncadd.s32 $0xFFFFC000  }
0x292: {  	[tilespmem:s6], [sflag:$0x2] =	stream.indirect.gather [hbm4b:s5+s29], $0x80, s9, s29, $0xb8;
	[tilespmem:$0x1E000] =	vst v63  }
0x293: {  	s12 =	simm.s32 $0x1F00  }
0x294: {  	[spmem:s1] =	stream.indirect.scatter.add.f32 [tilespmem:s25], [sflag:$0x4], $0x80, s12, s29, $0xb8;
	[tilespmem:$0x1E000] =	vst v63  }
0x295: {  	_ =	swait.ge [sflag:s26], $0x4000  }
0x296: {  	[sflag:s26] =	ssyncset.done $0x0  }
0x297: {  	[sflag:s26] =	ssyncadd.s32 $0xFFFFC000  }
0x298: {  	_ =	swait.ge [sflag:s7], $0x4000  }
0x299: {  	[sflag:s7] =	ssyncset.done $0x0  }
0x29a: {  	[sflag:s7] =	ssyncadd.s32 $0xFFFFC000  }
0x29b: {  	_ =	swait.ge [sflag:s20], $0x800  }
0x29c: {  	[sflag:s20] =	ssyncset.done $0x0  }
0x29d: {  	[sflag:s20] =	ssyncadd.s32 $0xFFFFF800  }
0x29e: {  	_ =	swait.ge [sflag:s20], $0x800  }
0x29f: {  	[sflag:s20] =	ssyncset.done $0x0  }
0x2a0: {  	[sflag:s20] =	ssyncadd.s32 $0xFFFFF800  }
0x2a1: {  	[tilespmem:s25], [sflag:$0x1] =	stream.indirect.gather [hbm4b:s5+s29], $0x80, s2, s29, $0xb8;
	[tilespmem:$0x1E000] =	vst v63  }
0x2a2: {  	s13 =	simm.s32 $0x1F80  }
0x2a3: {  	[spmem:s1] =	stream.indirect.scatter.add.f32 [tilespmem:s6], [sflag:$0x4], $0x80, s13, s29, $0xb8;
	[tilespmem:$0x1E000] =	vst v63  }
0x2a4: {  	_ =	swait.ge [sflag:s26], $0x4000  }
0x2a5: {  	[sflag:s26] =	ssyncset.done $0x0  }
0x2a6: {  	[sflag:s26] =	ssyncadd.s32 $0xFFFFC000  }
0x2a7: {  	_ =	swait.ge [sflag:s0], $0x4000  }
0x2a8: {  	[sflag:s0] =	ssyncset.done $0x0  }
0x2a9: {  	[sflag:s0] =	ssyncadd.s32 $0xFFFFC000  }
0x2aa: {  	[tilespmem:s6], [sflag:$0x2] =	stream.indirect.gather [hbm4b:s5+s29], $0x80, s29, s29, $0xb8;
	[tilespmem:$0x1E000] =	vst v63  }
0x2ab: {  	_ = 	snop  }
0x2ac: {  	[spmem:s1] =	stream.indirect.scatter.add.f32 [tilespmem:s25], [sflag:$0x4], $0x80, s3, s29, $0xb8;
	[tilespmem:$0x1E000] =	vst v63  }
0x2ad: {  	_ =	swait.ge [sflag:s26], $0x4000  }
0x2ae: {  	[sflag:s26] =	ssyncset.done $0x0  }
0x2af: {  	[sflag:s26] =	ssyncadd.s32 $0xFFFFC000  }
0x2b0: {  	_ =	swait.ge [sflag:s7], $0x4000  }
0x2b1: {  	[sflag:s7] =	ssyncset.done $0x0  }
0x2b2: {  	s14 =	simm.s32 $0x100;
	[sflag:s7] =	ssyncadd.s32 $0xFFFFC000  }
0x2b3: {  	[tilespmem:s25], [sflag:$0x1] =	stream.indirect.gather [hbm4b:s5+s29], $0x80, s14, s29, $0xb8;
	[tilespmem:$0x1E000] =	vst v63  }
0x2b4: {  	s15 =	simm.s32 $0x880  }
0x2b5: {  	[spmem:s1] =	stream.indirect.scatter.add.f32 [tilespmem:s6], [sflag:$0x4], $0x80, s15, s29, $0xb8;
	[tilespmem:$0x1E000] =	vst v63  }
0x2b6: {  	_ =	swait.ge [sflag:s26], $0x4000  }
0x2b7: {  	[sflag:s26] =	ssyncset.done $0x0  }
0x2b8: {  	[sflag:s26] =	ssyncadd.s32 $0xFFFFC000  }
0x2b9: {  	_ =	swait.ge [sflag:s0], $0x4000  }
0x2ba: {  	[sflag:s0] =	ssyncset.done $0x0  }
0x2bb: {  	s16 =	simm.s32 $0x180;
	[sflag:s0] =	ssyncadd.s32 $0xFFFFC000  }
0x2bc: {  	[tilespmem:s6], [sflag:$0x2] =	stream.indirect.gather [hbm4b:s5+s29], $0x80, s16, s29, $0xb8;
	[tilespmem:$0x1E000] =	vst v63  }
0x2bd: {  	s17 =	simm.s32 $0x900  }
0x2be: {  	[spmem:s1] =	stream.indirect.scatter.add.f32 [tilespmem:s25], [sflag:$0x4], $0x80, s17, s29, $0xb8;
	[tilespmem:$0x1E000] =	vst v63  }
0x2bf: {  	_ =	swait.ge [sflag:s26], $0x4000  }
0x2c0: {  	[sflag:s26] =	ssyncset.done $0x0  }
0x2c1: {  	[sflag:s26] =	ssyncadd.s32 $0xFFFFC000  }
0x2c2: {  	_ =	swait.ge [sflag:s7], $0x4000  }
0x2c3: {  	[sflag:s7] =	ssyncset.done $0x0  }
0x2c4: {  	s18 =	simm.s32 $0x200;
	[sflag:s7] =	ssyncadd.s32 $0xFFFFC000  }
0x2c5: {  	[tilespmem:s25], [sflag:$0x1] =	stream.indirect.gather [hbm4b:s5+s29], $0x80, s18, s29, $0xb8;
	[tilespmem:$0x1E000] =	vst v63  }
0x2c6: {  	s19 =	simm.s32 $0x980  }
0x2c7: {  	[spmem:s1] =	stream.indirect.scatter.add.f32 [tilespmem:s6], [sflag:$0x4], $0x80, s19, s29, $0xb8;
	[tilespmem:$0x1E000] =	vst v63  }
0x2c8: {  	_ =	swait.ge [sflag:s26], $0x4000  }
0x2c9: {  	[sflag:s26] =	ssyncset.done $0x0  }
0x2ca: {  	[sflag:s26] =	ssyncadd.s32 $0xFFFFC000  }
0x2cb: {  	_ =	swait.ge [sflag:s0], $0x4000  }
0x2cc: {  	[sflag:s0] =	ssyncset.done $0x0  }
0x2cd: {  	s21 =	simm.s32 $0x280;
	[sflag:s0] =	ssyncadd.s32 $0xFFFFC000  }
0x2ce: {  	[tilespmem:s6], [sflag:$0x2] =	stream.indirect.gather [hbm4b:s5+s29], $0x80, s21, s29, $0xb8;
	[tilespmem:$0x1E000] =	vst v63  }
0x2cf: {  	s23 =	simm.s32 $0xA00  }
0x2d0: {  	[spmem:s1] =	stream.indirect.scatter.add.f32 [tilespmem:s25], [sflag:$0x4], $0x80, s23, s29, $0xb8;
	[tilespmem:$0x1E000] =	vst v63  }
0x2d1: {  	_ =	swait.ge [sflag:s26], $0x4000  }
0x2d2: {  	[sflag:s26] =	ssyncset.done $0x0  }
0x2d3: {  	[sflag:s26] =	ssyncadd.s32 $0xFFFFC000  }
0x2d4: {  	_ =	swait.ge [sflag:s7], $0x4000  }
0x2d5: {  	[sflag:s7] =	ssyncset.done $0x0  }
0x2d6: {  	s24 =	simm.s32 $0x300;
	[sflag:s7] =	ssyncadd.s32 $0xFFFFC000  }
0x2d7: {  	[tilespmem:s25], [sflag:$0x1] =	stream.indirect.gather [hbm4b:s5+s29], $0x80, s24, s29, $0xb8;
	[tilespmem:$0x1E000] =	vst v63  }
0x2d8: {  	s28 =	simm.s32 $0xA80  }
0x2d9: {  	[spmem:s1] =	stream.indirect.scatter.add.f32 [tilespmem:s6], [sflag:$0x4], $0x80, s28, s29, $0xb8;
	[tilespmem:$0x1E000] =	vst v63  }
0x2da: {  	_ =	swait.ge [sflag:s26], $0x4000  }
0x2db: {  	[sflag:s26] =	ssyncset.done $0x0  }
0x2dc: {  	[sflag:s26] =	ssyncadd.s32 $0xFFFFC000  }
0x2dd: {  	_ =	swait.ge [sflag:s0], $0x4000  }
0x2de: {  	[sflag:s0] =	ssyncset.done $0x0  }
0x2df: {  	s30 =	simm.s32 $0x380;
	[sflag:s0] =	ssyncadd.s32 $0xFFFFC000  }
0x2e0: {  	[tilespmem:s6], [sflag:$0x2] =	stream.indirect.gather [hbm4b:s5+s29], $0x80, s30, s29, $0xb8;
	[tilespmem:$0x1E000] =	vst v63  }
0x2e1: {  	s8 =	simm.s32 $0xB00  }
0x2e2: {  	[spmem:s1] =	stream.indirect.scatter.add.f32 [tilespmem:s25], [sflag:$0x4], $0x80, s8, s29, $0xb8;
	[tilespmem:$0x1E000] =	vst v63  }
0x2e3: {  	_ =	swait.ge [sflag:s26], $0x4000  }
0x2e4: {  	[sflag:s26] =	ssyncset.done $0x0  }
0x2e5: {  	[sflag:s26] =	ssyncadd.s32 $0xFFFFC000  }
0x2e6: {  	_ =	swait.ge [sflag:s7], $0x4000  }
0x2e7: {  	[sflag:s7] =	ssyncset.done $0x0  }
0x2e8: {  	s9 =	simm.s32 $0x400;
	[sflag:s7] =	ssyncadd.s32 $0xFFFFC000  }
0x2e9: {  	[tilespmem:s25], [sflag:$0x1] =	stream.indirect.gather [hbm4b:s5+s29], $0x80, s9, s29, $0xb8;
	[tilespmem:$0x1E000] =	vst v63  }
0x2ea: {  	s12 =	simm.s32 $0xB80  }
0x2eb: {  	[spmem:s1] =	stream.indirect.scatter.add.f32 [tilespmem:s6], [sflag:$0x4], $0x80, s12, s29, $0xb8;
	[tilespmem:$0x1E000] =	vst v63  }
0x2ec: {  	_ =	swait.ge [sflag:s26], $0x4000  }
0x2ed: {  	[sflag:s26] =	ssyncset.done $0x0  }
0x2ee: {  	[sflag:s26] =	ssyncadd.s32 $0xFFFFC000  }
0x2ef: {  	_ =	swait.ge [sflag:s0], $0x4000  }
0x2f0: {  	[sflag:s0] =	ssyncset.done $0x0  }
0x2f1: {  	s13 =	simm.s32 $0x480;
	[sflag:s0] =	ssyncadd.s32 $0xFFFFC000  }
0x2f2: {  	[tilespmem:s6], [sflag:$0x2] =	stream.indirect.gather [hbm4b:s5+s29], $0x80, s13, s29, $0xb8;
	[tilespmem:$0x1E000] =	vst v63  }
0x2f3: {  	s14 =	simm.s32 $0xC00  }
0x2f4: {  	[spmem:s1] =	stream.indirect.scatter.add.f32 [tilespmem:s25], [sflag:$0x4], $0x80, s14, s29, $0xb8;
	[tilespmem:$0x1E000] =	vst v63  }
0x2f5: {  	_ =	swait.ge [sflag:s26], $0x4000  }
0x2f6: {  	[sflag:s26] =	ssyncset.done $0x0  }
0x2f7: {  	[sflag:s26] =	ssyncadd.s32 $0xFFFFC000  }
0x2f8: {  	_ =	swait.ge [sflag:s7], $0x4000  }
0x2f9: {  	[sflag:s7] =	ssyncset.done $0x0  }
0x2fa: {  	s15 =	simm.s32 $0x500;
	[sflag:s7] =	ssyncadd.s32 $0xFFFFC000  }
0x2fb: {  	[tilespmem:s25], [sflag:$0x1] =	stream.indirect.gather [hbm4b:s5+s29], $0x80, s15, s29, $0xb8;
	[tilespmem:$0x1E000] =	vst v63  }
0x2fc: {  	s16 =	simm.s32 $0xC80  }
0x2fd: {  	[spmem:s1] =	stream.indirect.scatter.add.f32 [tilespmem:s6], [sflag:$0x4], $0x80, s16, s29, $0xb8;
	[tilespmem:$0x1E000] =	vst v63  }
0x2fe: {  	_ =	swait.ge [sflag:s26], $0x4000  }
0x2ff: {  	[sflag:s26] =	ssyncset.done $0x0  }
0x300: {  	[sflag:s26] =	ssyncadd.s32 $0xFFFFC000  }
0x301: {  	_ =	swait.ge [sflag:s0], $0x4000  }
0x302: {  	[sflag:s0] =	ssyncset.done $0x0  }
0x303: {  	s17 =	simm.s32 $0x580;
	[sflag:s0] =	ssyncadd.s32 $0xFFFFC000  }
0x304: {  	[tilespmem:s6], [sflag:$0x2] =	stream.indirect.gather [hbm4b:s5+s29], $0x80, s17, s29, $0xb8;
	[tilespmem:$0x1E000] =	vst v63  }
0x305: {  	s18 =	simm.s32 $0xD00  }
0x306: {  	[spmem:s1] =	stream.indirect.scatter.add.f32 [tilespmem:s25], [sflag:$0x4], $0x80, s18, s29, $0xb8;
	[tilespmem:$0x1E000] =	vst v63  }
0x307: {  	_ =	swait.ge [sflag:s26], $0x4000  }
0x308: {  	[sflag:s26] =	ssyncset.done $0x0  }
0x309: {  	[sflag:s26] =	ssyncadd.s32 $0xFFFFC000  }
0x30a: {  	_ =	swait.ge [sflag:s7], $0x4000  }
0x30b: {  	[sflag:s7] =	ssyncset.done $0x0  }
0x30c: {  	s19 =	simm.s32 $0x600;
	[sflag:s7] =	ssyncadd.s32 $0xFFFFC000  }
0x30d: {  	[tilespmem:s25], [sflag:$0x1] =	stream.indirect.gather [hbm4b:s5+s29], $0x80, s19, s29, $0xb8;
	[tilespmem:$0x1E000] =	vst v63  }
0x30e: {  	s21 =	simm.s32 $0xD80  }
0x30f: {  	[spmem:s1] =	stream.indirect.scatter.add.f32 [tilespmem:s6], [sflag:$0x4], $0x80, s21, s29, $0xb8;
	[tilespmem:$0x1E000] =	vst v63  }
0x310: {  	_ =	swait.ge [sflag:s26], $0x4000  }
0x311: {  	[sflag:s26] =	ssyncset.done $0x0  }
0x312: {  	[sflag:s26] =	ssyncadd.s32 $0xFFFFC000  }
0x313: {  	_ =	swait.ge [sflag:s0], $0x4000  }
0x314: {  	[sflag:s0] =	ssyncset.done $0x0  }
0x315: {  	s23 =	simm.s32 $0x680;
	[sflag:s0] =	ssyncadd.s32 $0xFFFFC000  }
0x316: {  	[tilespmem:s6], [sflag:$0x2] =	stream.indirect.gather [hbm4b:s5+s29], $0x80, s23, s29, $0xb8;
	[tilespmem:$0x1E000] =	vst v63  }
0x317: {  	s24 =	simm.s32 $0xE00  }
0x318: {  	[spmem:s1] =	stream.indirect.scatter.add.f32 [tilespmem:s25], [sflag:$0x4], $0x80, s24, s29, $0xb8;
	[tilespmem:$0x1E000] =	vst v63  }
0x319: {  	_ =	swait.ge [sflag:s26], $0x4000  }
0x31a: {  	[sflag:s26] =	ssyncset.done $0x0  }
0x31b: {  	[sflag:s26] =	ssyncadd.s32 $0xFFFFC000  }
0x31c: {  	_ =	swait.ge [sflag:s7], $0x4000  }
0x31d: {  	[sflag:s7] =	ssyncset.done $0x0  }
0x31e: {  	s28 =	simm.s32 $0x700;
	[sflag:s7] =	ssyncadd.s32 $0xFFFFC000  }
0x31f: {  	[tilespmem:s25], [sflag:$0x1] =	stream.indirect.gather [hbm4b:s5+s29], $0x80, s28, s29, $0xb8;
	[tilespmem:$0x1E000] =	vst v63  }
0x320: {  	s30 =	simm.s32 $0xE80;
	s24 =	smov.u32 s5;
	s23 =	rddreg [dreg:$0x4]  }
0x321: {  	[spmem:s1] =	stream.indirect.scatter.add.f32 [tilespmem:s6], [sflag:$0x4], $0x80, s30, s29, $0xb8;
	[tilespmem:$0x1E000] =	vst v63  }
.LBB2_6:
0x322: {  	_ =	swait.ge [sflag:s26], $0x4000  }
0x323: {  	[sflag:s26] =	ssyncset.done $0x0  }
0x324: {  	[sflag:s26] =	ssyncadd.s32 $0xFFFFC000  }
0x325: {  	_ =	swait.ge [sflag:s0], $0x4000  }
0x326: {  	[sflag:s0] =	ssyncset.done $0x0  }
0x327: {  	[sflag:s0] =	ssyncadd.s32 $0xFFFFC000  }
0x328: {  	[tilespmem:s6], [sflag:$0x2] =	stream.indirect.gather [hbm4b:s24+s29], $0x80, s10, s29, $0xb8;
	[tilespmem:$0x1E000] =	vst v63  }
0x329: {  	_ = 	snop  }
0x32a: {  	[spmem:s1] =	stream.indirect.scatter.add.f32 [tilespmem:s25], [sflag:$0x4], $0x80, s11, s29, $0xb8;
	[tilespmem:$0x1E000] =	vst v63  }
0x32b: {  	_ =	swait.ge [sflag:s26], $0x4000  }
0x32c: {  	[sflag:s26] =	ssyncset.done $0x0  }
0x32d: {  	[sflag:s26] =	ssyncadd.s32 $0xFFFFC000  }
0x32e: {  	_ =	swait.ge [sflag:s7], $0x4000  }
0x32f: {  	[sflag:s7] =	ssyncset.done $0x0  }
0x330: {  	[sflag:s7] =	ssyncadd.s32 $0xFFFFC000  }
0x331: {  	[spmem:s1] =	stream.indirect.scatter.add.f32 [tilespmem:s6], [sflag:$0x4], $0x80, s31, s29, $0xb8;
	[tilespmem:$0x1E000] =	vst v63  }
0x332: {  	_ =	swait.ge [sflag:s26], $0x4000  }
0x333: {  	[sflag:s26] =	ssyncset.done $0x0  }
0x334: {  	[sflag:s26] =	ssyncadd.s32 $0xFFFFC000  }
0x335: {  	s24 =	stileid.u32;
	s9 =	rddreg [dreg:$0x5];
	[bflag:$0x0] =	sbarrier.arrive $0xFFFF  }
0x336: {  	s28 =	sshll.u32 s24, $0x6;
	s8 =	rddreg [dreg:$0x15]  }
0x337: {  	s24 =	sor.u32 $0x1C04, s28;
	s23 =	sadd.s32 s23, s9;
	s30 =	sshrl.u32 s8, $0x3  }
0x338: {  	[hbm:s23], [sflag:s24] =	dma.local [spmem:s30], $0x2800  }
0x339: {  	_ =	swait.ge [sflag:s26], $0x2800  }
0x33a: {  	s22 =	sadd.s32 $0x1, s22;
	s31 =	rddreg [dreg:$0x14]  }
0x33b: {  	p1 =	sne.s32 s22, s31  }
.Ltmp1:
0x33c: {  	_ = 	snop;
	(pc) =	sbr.rel @!p1 .LBB2_7-.Ltmp1, $3  }
0x33d: {  	_ =	sdelay $0x1  }
0x33e: {  	[sflag:s26] =	ssyncset.done $0x0  }
0x33f: {  	[sflag:s26] =	ssyncadd.s32 $0xFFFFD800  }
.LBB2_1:
.Ltmp2:
0x340: {  	(pc) =	sbr.rel @!p0 .LBB2_2-.Ltmp2, $2  }
0x341: {  	_ =	sdelay $0x2  }
0x342: {  	s23 =	sshra.s32 s2, $0x2;
	s24 =	sadd.s32 $0x200, s2  }
.LBB2_4:
0x343: {  	p1 =	sne.s32 s24, $0xFE00;
	[tilespmem:s23+$0x2070] =	vst v0  }
0x344: {  	[tilespmem:s23+$0x2000] =	vst v0  }
0x345: {  	[tilespmem:s23+$0x2010] =	vst v0  }
.Ltmp3:
0x346: {  	[tilespmem:s23+$0x2020] =	vst v0;
	(pc) =	sbr.rel @p1 .LBB2_4-.Ltmp3, $4  }
0x347: {  	[tilespmem:s23+$0x2030] =	vst v0  }
0x348: {  	[tilespmem:s23+$0x2040] =	vst v0  }
0x349: {  	[tilespmem:s23+$0x2050] =	vst v0  }
0x34a: {  	[tilespmem:s23+$0x2060] =	vst v0;
	s23 =	sshra.s32 s24, $0x2;
	s24 =	sadd.s32 $0x200, s24  }
.Ltmp4:
0x34b: {  	_ = 	snop;
	(pc) =	sbr.rel .LBB2_5-.Ltmp4, $1  }
0x34c: {  	_ =	sdelay $0x3  }
.LBB2_2:
0x34d: {  	p1 =	sne.s32 s24, $0xFE00;
	[tilespmem:s23+$0x2070] =	vst v0  }
0x34e: {  	[tilespmem:s23+$0x2000] =	vst v0  }
0x34f: {  	[tilespmem:s23+$0x2010] =	vst v0  }
.Ltmp5:
0x350: {  	[tilespmem:s23+$0x2020] =	vst v0;
	(pc) =	sbr.rel @p1 .LBB2_2-.Ltmp5, $4  }
0x351: {  	[tilespmem:s23+$0x2030] =	vst v0  }
0x352: {  	[tilespmem:s23+$0x2040] =	vst v0  }
0x353: {  	[tilespmem:s23+$0x2050] =	vst v0  }
0x354: {  	[tilespmem:s23+$0x2060] =	vst v0;
	s23 =	sshra.s32 s24, $0x2;
	s24 =	sadd.s32 $0x200, s24  }
0x355: {  	[tilespmem:s23+$0x2070] =	vst v0  }
0x356: {  	[tilespmem:s23+$0x2000] =	vst v0  }
0x357: {  	[tilespmem:s23+$0x2010] =	vst v0  }
0x358: {  	[tilespmem:s23+$0x2020] =	vst v0  }
0x359: {  	[tilespmem:s23+$0x2030] =	vst v0  }
0x35a: {  	[tilespmem:s23+$0x2040] =	vst v0  }
0x35b: {  	[tilespmem:s23+$0x2050] =	vst v0  }
0x35c: {  	[tilespmem:s23+$0x2060] =	vst v0  }
0x35d: {  	[spmem:s8] =	stream.linear.scatter [tilespmem:s25], [sflag:$0x4], $0x4000, $0x38;
	[tilespmem:$0x1E000] =	vst v63  }
0x35e: {  	_ =	swait.ge [sflag:s26], $0x4000  }
0x35f: {  	[sflag:s26] =	ssyncset.done $0x0  }
0x360: {  	s9 =	rddreg [dreg:$0x6];
	[sflag:s26] =	ssyncadd.s32 $0xFFFFC000  }
0x361: {  	[spmem:s9] =	stream.linear.scatter [tilespmem:s25], [sflag:$0x4], $0x4000, $0x38;
	[tilespmem:$0x1E000] =	vst v63  }
0x362: {  	_ =	swait.ge [sflag:s26], $0x4000  }
0x363: {  	[sflag:s26] =	ssyncset.done $0x0  }
0x364: {  	s21 =	rddreg [dreg:$0x7];
	[sflag:s26] =	ssyncadd.s32 $0xFFFFC000  }
0x365: {  	[spmem:s21] =	stream.linear.scatter [tilespmem:s25], [sflag:$0x4], $0x4000, $0x38;
	[tilespmem:$0x1E000] =	vst v63  }
0x366: {  	_ =	swait.ge [sflag:s26], $0x4000  }
0x367: {  	[sflag:s26] =	ssyncset.done $0x0  }
0x368: {  	s23 =	rddreg [dreg:$0x8];
	[sflag:s26] =	ssyncadd.s32 $0xFFFFC000  }
0x369: {  	[spmem:s23] =	stream.linear.scatter [tilespmem:s25], [sflag:$0x4], $0x4000, $0x38;
	[tilespmem:$0x1E000] =	vst v63  }
0x36a: {  	_ =	swait.ge [sflag:s26], $0x4000  }
0x36b: {  	[sflag:s26] =	ssyncset.done $0x0  }
0x36c: {  	s24 =	rddreg [dreg:$0x9];
	[sflag:s26] =	ssyncadd.s32 $0xFFFFC000  }
0x36d: {  	[spmem:s24] =	stream.linear.scatter [tilespmem:s25], [sflag:$0x4], $0x4000, $0x38;
	[tilespmem:$0x1E000] =	vst v63  }
0x36e: {  	_ =	swait.ge [sflag:s26], $0x4000  }
0x36f: {  	[sflag:s26] =	ssyncset.done $0x0  }
0x370: {  	[sflag:s26] =	ssyncadd.s32 $0xFFFFC000  }
0x371: {  	[bflag:$0x0] =	sbarrier.arrive $0xFFFF  }
0x372: {  	s28 =	rddreg [dreg:$0xa]  }
0x373: {  	[tilespmem:s2], [sflag:$0x4] =	stream.linear.gather [hbm4b:s28+s2], $0x800, $0x38;
	[tilespmem:$0x1E000] =	vst v63  }
0x374: {  	_ =	swait.ge [sflag:s26], $0x800  }
0x375: {  	[sflag:s26] =	ssyncset.done $0x0  }
0x376: {  	s3 =	simm.s32 $0x800;
	s30 =	rddreg [dreg:$0xb];
	[sflag:s26] =	ssyncadd.s32 $0xFFFFF800  }
0x377: {  	[tilespmem:s3], [sflag:$0x4] =	stream.linear.gather [hbm4b:s30+s2], $0x800, $0x38;
	[tilespmem:$0x1E000] =	vst v63  }
0x378: {  	_ =	swait.ge [sflag:s26], $0x800  }
0x379: {  	[sflag:s26] =	ssyncset.done $0x0  }
0x37a: {  	[sflag:s26] =	ssyncadd.s32 $0xFFFFF800  }
0x37b: {  	[tilespmem:s25], [sflag:$0x1] =	stream.indirect.gather [hbm4b:s4+s29], $0x80, s2, s29, $0xb8;
	[tilespmem:$0x1E000] =	vst v63  }
0x37c: {  	s31 =	simm.s32 $0x1000;
	s8 =	rddreg [dreg:$0xc]  }
0x37d: {  	[tilespmem:s31], [sflag:$0x3] =	stream.linear.gather [hbm4b:s8+s2], $0x800, $0x38;
	[tilespmem:$0x1E000] =	vst v63  }
0x37e: {  	s10 =	rddreg [dreg:$0xd];
	s8 =	simm.s32 $0x1800  }
0x37f: {  	[tilespmem:s8], [sflag:$0x3] =	stream.linear.gather [hbm4b:s10+s2], $0x800, $0x38;
	[tilespmem:$0x1E000] =	vst v63  }
0x380: {  	_ =	swait.ge [sflag:s0], $0x4000  }
0x381: {  	[sflag:s0] =	ssyncset.done $0x0  }
0x382: {  	[sflag:s0] =	ssyncadd.s32 $0xFFFFC000  }
0x383: {  	[tilespmem:s6], [sflag:$0x2] =	stream.indirect.gather [hbm4b:s4+s29], $0x80, s29, s29, $0xb8;
	[tilespmem:$0x1E000] =	vst v63  }
0x384: {  	_ = 	snop  }
0x385: {  	[spmem:s1] =	stream.indirect.scatter.add.f32 [tilespmem:s25], [sflag:$0x4], $0x80, s3, s29, $0xb8;
	[tilespmem:$0x1E000] =	vst v63  }
0x386: {  	_ =	swait.ge [sflag:s26], $0x4000  }
0x387: {  	[sflag:s26] =	ssyncset.done $0x0  }
0x388: {  	[sflag:s26] =	ssyncadd.s32 $0xFFFFC000  }
0x389: {  	_ =	swait.ge [sflag:s7], $0x4000  }
0x38a: {  	[sflag:s7] =	ssyncset.done $0x0  }
0x38b: {  	s11 =	simm.s32 $0x100;
	[sflag:s7] =	ssyncadd.s32 $0xFFFFC000  }
0x38c: {  	[tilespmem:s25], [sflag:$0x1] =	stream.indirect.gather [hbm4b:s4+s29], $0x80, s11, s29, $0xb8;
	[tilespmem:$0x1E000] =	vst v63  }
0x38d: {  	s12 =	simm.s32 $0x880  }
0x38e: {  	[spmem:s1] =	stream.indirect.scatter.add.f32 [tilespmem:s6], [sflag:$0x4], $0x80, s12, s29, $0xb8;
	[tilespmem:$0x1E000] =	vst v63  }
0x38f: {  	_ =	swait.ge [sflag:s26], $0x4000  }
0x390: {  	[sflag:s26] =	ssyncset.done $0x0  }
0x391: {  	[sflag:s26] =	ssyncadd.s32 $0xFFFFC000  }
0x392: {  	_ =	swait.ge [sflag:s0], $0x4000  }
0x393: {  	[sflag:s0] =	ssyncset.done $0x0  }
0x394: {  	s13 =	simm.s32 $0x180;
	[sflag:s0] =	ssyncadd.s32 $0xFFFFC000  }
0x395: {  	[tilespmem:s6], [sflag:$0x2] =	stream.indirect.gather [hbm4b:s4+s29], $0x80, s13, s29, $0xb8;
	[tilespmem:$0x1E000] =	vst v63  }
0x396: {  	s14 =	simm.s32 $0x900  }
0x397: {  	[spmem:s1] =	stream.indirect.scatter.add.f32 [tilespmem:s25], [sflag:$0x4], $0x80, s14, s29, $0xb8;
	[tilespmem:$0x1E000] =	vst v63  }
0x398: {  	_ =	swait.ge [sflag:s26], $0x4000  }
0x399: {  	[sflag:s26] =	ssyncset.done $0x0  }
0x39a: {  	[sflag:s26] =	ssyncadd.s32 $0xFFFFC000  }
0x39b: {  	_ =	swait.ge [sflag:s7], $0x4000  }
0x39c: {  	[sflag:s7] =	ssyncset.done $0x0  }
0x39d: {  	s15 =	simm.s32 $0x200;
	[sflag:s7] =	ssyncadd.s32 $0xFFFFC000  }
0x39e: {  	[tilespmem:s25], [sflag:$0x1] =	stream.indirect.gather [hbm4b:s4+s29], $0x80, s15, s29, $0xb8;
	[tilespmem:$0x1E000] =	vst v63  }
0x39f: {  	s16 =	simm.s32 $0x980  }
0x3a0: {  	[spmem:s1] =	stream.indirect.scatter.add.f32 [tilespmem:s6], [sflag:$0x4], $0x80, s16, s29, $0xb8;
	[tilespmem:$0x1E000] =	vst v63  }
0x3a1: {  	_ =	swait.ge [sflag:s26], $0x4000  }
0x3a2: {  	[sflag:s26] =	ssyncset.done $0x0  }
0x3a3: {  	[sflag:s26] =	ssyncadd.s32 $0xFFFFC000  }
0x3a4: {  	_ =	swait.ge [sflag:s0], $0x4000  }
0x3a5: {  	[sflag:s0] =	ssyncset.done $0x0  }
0x3a6: {  	s17 =	simm.s32 $0x280;
	[sflag:s0] =	ssyncadd.s32 $0xFFFFC000  }
0x3a7: {  	[tilespmem:s6], [sflag:$0x2] =	stream.indirect.gather [hbm4b:s4+s29], $0x80, s17, s29, $0xb8;
	[tilespmem:$0x1E000] =	vst v63  }
0x3a8: {  	s18 =	simm.s32 $0xA00  }
0x3a9: {  	[spmem:s1] =	stream.indirect.scatter.add.f32 [tilespmem:s25], [sflag:$0x4], $0x80, s18, s29, $0xb8;
	[tilespmem:$0x1E000] =	vst v63  }
0x3aa: {  	_ =	swait.ge [sflag:s26], $0x4000  }
0x3ab: {  	[sflag:s26] =	ssyncset.done $0x0  }
0x3ac: {  	[sflag:s26] =	ssyncadd.s32 $0xFFFFC000  }
0x3ad: {  	_ =	swait.ge [sflag:s7], $0x4000  }
0x3ae: {  	[sflag:s7] =	ssyncset.done $0x0  }
0x3af: {  	s19 =	simm.s32 $0x300;
	[sflag:s7] =	ssyncadd.s32 $0xFFFFC000  }
0x3b0: {  	[tilespmem:s25], [sflag:$0x1] =	stream.indirect.gather [hbm4b:s4+s29], $0x80, s19, s29, $0xb8;
	[tilespmem:$0x1E000] =	vst v63  }
0x3b1: {  	s21 =	simm.s32 $0xA80  }
0x3b2: {  	[spmem:s1] =	stream.indirect.scatter.add.f32 [tilespmem:s6], [sflag:$0x4], $0x80, s21, s29, $0xb8;
	[tilespmem:$0x1E000] =	vst v63  }
0x3b3: {  	_ =	swait.ge [sflag:s26], $0x4000  }
0x3b4: {  	[sflag:s26] =	ssyncset.done $0x0  }
0x3b5: {  	[sflag:s26] =	ssyncadd.s32 $0xFFFFC000  }
0x3b6: {  	_ =	swait.ge [sflag:s0], $0x4000  }
0x3b7: {  	[sflag:s0] =	ssyncset.done $0x0  }
0x3b8: {  	s23 =	simm.s32 $0x380;
	[sflag:s0] =	ssyncadd.s32 $0xFFFFC000  }
0x3b9: {  	[tilespmem:s6], [sflag:$0x2] =	stream.indirect.gather [hbm4b:s4+s29], $0x80, s23, s29, $0xb8;
	[tilespmem:$0x1E000] =	vst v63  }
0x3ba: {  	s24 =	simm.s32 $0xB00  }
0x3bb: {  	[spmem:s1] =	stream.indirect.scatter.add.f32 [tilespmem:s25], [sflag:$0x4], $0x80, s24, s29, $0xb8;
	[tilespmem:$0x1E000] =	vst v63  }
0x3bc: {  	_ =	swait.ge [sflag:s26], $0x4000  }
0x3bd: {  	[sflag:s26] =	ssyncset.done $0x0  }
0x3be: {  	[sflag:s26] =	ssyncadd.s32 $0xFFFFC000  }
0x3bf: {  	_ =	swait.ge [sflag:s7], $0x4000  }
0x3c0: {  	[sflag:s7] =	ssyncset.done $0x0  }
0x3c1: {  	s28 =	simm.s32 $0x400;
	[sflag:s7] =	ssyncadd.s32 $0xFFFFC000  }
0x3c2: {  	[tilespmem:s25], [sflag:$0x1] =	stream.indirect.gather [hbm4b:s4+s29], $0x80, s28, s29, $0xb8;
	[tilespmem:$0x1E000] =	vst v63  }
0x3c3: {  	s30 =	simm.s32 $0xB80  }
0x3c4: {  	[spmem:s1] =	stream.indirect.scatter.add.f32 [tilespmem:s6], [sflag:$0x4], $0x80, s30, s29, $0xb8;
	[tilespmem:$0x1E000] =	vst v63  }
0x3c5: {  	_ =	swait.ge [sflag:s26], $0x4000  }
0x3c6: {  	[sflag:s26] =	ssyncset.done $0x0  }
0x3c7: {  	[sflag:s26] =	ssyncadd.s32 $0xFFFFC000  }
0x3c8: {  	_ =	swait.ge [sflag:s0], $0x4000  }
0x3c9: {  	[sflag:s0] =	ssyncset.done $0x0  }
0x3ca: {  	s10 =	simm.s32 $0x480;
	[sflag:s0] =	ssyncadd.s32 $0xFFFFC000  }
0x3cb: {  	[tilespmem:s6], [sflag:$0x2] =	stream.indirect.gather [hbm4b:s4+s29], $0x80, s10, s29, $0xb8;
	[tilespmem:$0x1E000] =	vst v63  }
0x3cc: {  	s11 =	simm.s32 $0xC00  }
0x3cd: {  	[spmem:s1] =	stream.indirect.scatter.add.f32 [tilespmem:s25], [sflag:$0x4], $0x80, s11, s29, $0xb8;
	[tilespmem:$0x1E000] =	vst v63  }
0x3ce: {  	_ =	swait.ge [sflag:s26], $0x4000  }
0x3cf: {  	[sflag:s26] =	ssyncset.done $0x0  }
0x3d0: {  	[sflag:s26] =	ssyncadd.s32 $0xFFFFC000  }
0x3d1: {  	_ =	swait.ge [sflag:s7], $0x4000  }
0x3d2: {  	[sflag:s7] =	ssyncset.done $0x0  }
0x3d3: {  	s12 =	simm.s32 $0x500;
	[sflag:s7] =	ssyncadd.s32 $0xFFFFC000  }
0x3d4: {  	[tilespmem:s25], [sflag:$0x1] =	stream.indirect.gather [hbm4b:s4+s29], $0x80, s12, s29, $0xb8;
	[tilespmem:$0x1E000] =	vst v63  }
0x3d5: {  	s13 =	simm.s32 $0xC80  }
0x3d6: {  	[spmem:s1] =	stream.indirect.scatter.add.f32 [tilespmem:s6], [sflag:$0x4], $0x80, s13, s29, $0xb8;
	[tilespmem:$0x1E000] =	vst v63  }
0x3d7: {  	_ =	swait.ge [sflag:s26], $0x4000  }
0x3d8: {  	[sflag:s26] =	ssyncset.done $0x0  }
0x3d9: {  	[sflag:s26] =	ssyncadd.s32 $0xFFFFC000  }
0x3da: {  	_ =	swait.ge [sflag:s0], $0x4000  }
0x3db: {  	[sflag:s0] =	ssyncset.done $0x0  }
0x3dc: {  	s14 =	simm.s32 $0x580;
	[sflag:s0] =	ssyncadd.s32 $0xFFFFC000  }
0x3dd: {  	[tilespmem:s6], [sflag:$0x2] =	stream.indirect.gather [hbm4b:s4+s29], $0x80, s14, s29, $0xb8;
	[tilespmem:$0x1E000] =	vst v63  }
0x3de: {  	s15 =	simm.s32 $0xD00  }
0x3df: {  	[spmem:s1] =	stream.indirect.scatter.add.f32 [tilespmem:s25], [sflag:$0x4], $0x80, s15, s29, $0xb8;
	[tilespmem:$0x1E000] =	vst v63  }
0x3e0: {  	_ =	swait.ge [sflag:s26], $0x4000  }
0x3e1: {  	[sflag:s26] =	ssyncset.done $0x0  }
0x3e2: {  	[sflag:s26] =	ssyncadd.s32 $0xFFFFC000  }
0x3e3: {  	_ =	swait.ge [sflag:s7], $0x4000  }
0x3e4: {  	[sflag:s7] =	ssyncset.done $0x0  }
0x3e5: {  	s16 =	simm.s32 $0x600;
	[sflag:s7] =	ssyncadd.s32 $0xFFFFC000  }
0x3e6: {  	[tilespmem:s25], [sflag:$0x1] =	stream.indirect.gather [hbm4b:s4+s29], $0x80, s16, s29, $0xb8;
	[tilespmem:$0x1E000] =	vst v63  }
0x3e7: {  	s17 =	simm.s32 $0xD80  }
0x3e8: {  	[spmem:s1] =	stream.indirect.scatter.add.f32 [tilespmem:s6], [sflag:$0x4], $0x80, s17, s29, $0xb8;
	[tilespmem:$0x1E000] =	vst v63  }
0x3e9: {  	_ =	swait.ge [sflag:s26], $0x4000  }
0x3ea: {  	[sflag:s26] =	ssyncset.done $0x0  }
0x3eb: {  	[sflag:s26] =	ssyncadd.s32 $0xFFFFC000  }
0x3ec: {  	_ =	swait.ge [sflag:s0], $0x4000  }
0x3ed: {  	[sflag:s0] =	ssyncset.done $0x0  }
0x3ee: {  	s18 =	simm.s32 $0x680;
	[sflag:s0] =	ssyncadd.s32 $0xFFFFC000  }
0x3ef: {  	[tilespmem:s6], [sflag:$0x2] =	stream.indirect.gather [hbm4b:s4+s29], $0x80, s18, s29, $0xb8;
	[tilespmem:$0x1E000] =	vst v63  }
0x3f0: {  	s19 =	simm.s32 $0xE00  }
0x3f1: {  	[spmem:s1] =	stream.indirect.scatter.add.f32 [tilespmem:s25], [sflag:$0x4], $0x80, s19, s29, $0xb8;
	[tilespmem:$0x1E000] =	vst v63  }
0x3f2: {  	_ =	swait.ge [sflag:s26], $0x4000  }
0x3f3: {  	[sflag:s26] =	ssyncset.done $0x0  }
0x3f4: {  	[sflag:s26] =	ssyncadd.s32 $0xFFFFC000  }
0x3f5: {  	_ =	swait.ge [sflag:s7], $0x4000  }
0x3f6: {  	[sflag:s7] =	ssyncset.done $0x0  }
0x3f7: {  	s21 =	simm.s32 $0x700;
	[sflag:s7] =	ssyncadd.s32 $0xFFFFC000  }
0x3f8: {  	[tilespmem:s25], [sflag:$0x1] =	stream.indirect.gather [hbm4b:s4+s29], $0x80, s21, s29, $0xb8;
	[tilespmem:$0x1E000] =	vst v63  }
0x3f9: {  	s23 =	simm.s32 $0xE80  }
0x3fa: {  	[spmem:s1] =	stream.indirect.scatter.add.f32 [tilespmem:s6], [sflag:$0x4], $0x80, s23, s29, $0xb8;
	[tilespmem:$0x1E000] =	vst v63  }
0x3fb: {  	_ =	swait.ge [sflag:s26], $0x4000  }
0x3fc: {  	[sflag:s26] =	ssyncset.done $0x0  }
0x3fd: {  	[sflag:s26] =	ssyncadd.s32 $0xFFFFC000  }
0x3fe: {  	_ =	swait.ge [sflag:s0], $0x4000  }
0x3ff: {  	[sflag:s0] =	ssyncset.done $0x0  }
0x400: {  	s10 =	simm.s32 $0x780;
	[sflag:s0] =	ssyncadd.s32 $0xFFFFC000  }
0x401: {  	[tilespmem:s6], [sflag:$0x2] =	stream.indirect.gather [hbm4b:s4+s29], $0x80, s10, s29, $0xb8;
	[tilespmem:$0x1E000] =	vst v63  }
0x402: {  	s11 =	simm.s32 $0xF00  }
0x403: {  	[spmem:s1] =	stream.indirect.scatter.add.f32 [tilespmem:s25], [sflag:$0x4], $0x80, s11, s29, $0xb8;
	[tilespmem:$0x1E000] =	vst v63  }
0x404: {  	_ =	swait.ge [sflag:s26], $0x4000  }
0x405: {  	[sflag:s26] =	ssyncset.done $0x0  }
0x406: {  	[sflag:s26] =	ssyncadd.s32 $0xFFFFC000  }
0x407: {  	_ =	swait.ge [sflag:s7], $0x4000  }
0x408: {  	[sflag:s7] =	ssyncset.done $0x0  }
0x409: {  	[sflag:s7] =	ssyncadd.s32 $0xFFFFC000  }
0x40a: {  	_ =	swait.ge [sflag:s20], $0x800  }
0x40b: {  	[sflag:s20] =	ssyncset.done $0x0  }
0x40c: {  	[sflag:s20] =	ssyncadd.s32 $0xFFFFF800  }
0x40d: {  	_ =	swait.ge [sflag:s20], $0x800  }
0x40e: {  	[sflag:s20] =	ssyncset.done $0x0  }
0x40f: {  	[sflag:s20] =	ssyncadd.s32 $0xFFFFF800  }
0x410: {  	[tilespmem:s25], [sflag:$0x1] =	stream.indirect.gather [hbm4b:s4+s29], $0x80, s31, s29, $0xb8;
	[tilespmem:$0x1E000] =	vst v63  }
0x411: {  	s24 =	simm.s32 $0xF80  }
0x412: {  	[spmem:s1] =	stream.indirect.scatter.add.f32 [tilespmem:s6], [sflag:$0x4], $0x80, s24, s29, $0xb8;
	[tilespmem:$0x1E000] =	vst v63  }
0x413: {  	_ =	swait.ge [sflag:s26], $0x4000  }
0x414: {  	[sflag:s26] =	ssyncset.done $0x0  }
0x415: {  	s28 =	rddreg [dreg:$0xe];
	[sflag:s26] =	ssyncadd.s32 $0xFFFFC000  }
0x416: {  	[tilespmem:s2], [sflag:$0x3] =	stream.linear.gather [hbm4b:s28+s2], $0x800, $0x38;
	[tilespmem:$0x1E000] =	vst v63  }
0x417: {  	s30 =	rddreg [dreg:$0xf]  }
0x418: {  	[tilespmem:s3], [sflag:$0x3] =	stream.linear.gather [hbm4b:s30+s2], $0x800, $0x38;
	[tilespmem:$0x1E000] =	vst v63  }
0x419: {  	_ =	swait.ge [sflag:s0], $0x4000  }
0x41a: {  	[sflag:s0] =	ssyncset.done $0x0  }
0x41b: {  	s28 =	simm.s32 $0x1080;
	[sflag:s0] =	ssyncadd.s32 $0xFFFFC000  }
0x41c: {  	[tilespmem:s6], [sflag:$0x2] =	stream.indirect.gather [hbm4b:s4+s29], $0x80, s28, s29, $0xb8;
	[tilespmem:$0x1E000] =	vst v63  }
0x41d: {  	_ = 	snop  }
0x41e: {  	[spmem:s1] =	stream.indirect.scatter.add.f32 [tilespmem:s25], [sflag:$0x4], $0x80, s8, s29, $0xb8;
	[tilespmem:$0x1E000] =	vst v63  }
0x41f: {  	_ =	swait.ge [sflag:s26], $0x4000  }
0x420: {  	[sflag:s26] =	ssyncset.done $0x0  }
0x421: {  	[sflag:s26] =	ssyncadd.s32 $0xFFFFC000  }
0x422: {  	_ =	swait.ge [sflag:s7], $0x4000  }
0x423: {  	[sflag:s7] =	ssyncset.done $0x0  }
0x424: {  	s13 =	simm.s32 $0x1100;
	[sflag:s7] =	ssyncadd.s32 $0xFFFFC000  }
0x425: {  	[tilespmem:s25], [sflag:$0x1] =	stream.indirect.gather [hbm4b:s4+s29], $0x80, s13, s29, $0xb8;
	[tilespmem:$0x1E000] =	vst v63  }
0x426: {  	s15 =	simm.s32 $0x1880  }
0x427: {  	[spmem:s1] =	stream.indirect.scatter.add.f32 [tilespmem:s6], [sflag:$0x4], $0x80, s15, s29, $0xb8;
	[tilespmem:$0x1E000] =	vst v63  }
0x428: {  	_ =	swait.ge [sflag:s26], $0x4000  }
0x429: {  	[sflag:s26] =	ssyncset.done $0x0  }
0x42a: {  	[sflag:s26] =	ssyncadd.s32 $0xFFFFC000  }
0x42b: {  	_ =	swait.ge [sflag:s0], $0x4000  }
0x42c: {  	[sflag:s0] =	ssyncset.done $0x0  }
0x42d: {  	s17 =	simm.s32 $0x1180;
	[sflag:s0] =	ssyncadd.s32 $0xFFFFC000  }
0x42e: {  	[tilespmem:s6], [sflag:$0x2] =	stream.indirect.gather [hbm4b:s4+s29], $0x80, s17, s29, $0xb8;
	[tilespmem:$0x1E000] =	vst v63  }
0x42f: {  	s19 =	simm.s32 $0x1900  }
0x430: {  	[spmem:s1] =	stream.indirect.scatter.add.f32 [tilespmem:s25], [sflag:$0x4], $0x80, s19, s29, $0xb8;
	[tilespmem:$0x1E000] =	vst v63  }
0x431: {  	_ =	swait.ge [sflag:s26], $0x4000  }
0x432: {  	[sflag:s26] =	ssyncset.done $0x0  }
0x433: {  	[sflag:s26] =	ssyncadd.s32 $0xFFFFC000  }
0x434: {  	_ =	swait.ge [sflag:s7], $0x4000  }
0x435: {  	[sflag:s7] =	ssyncset.done $0x0  }
0x436: {  	s30 =	simm.s32 $0x1200;
	[sflag:s7] =	ssyncadd.s32 $0xFFFFC000  }
0x437: {  	[tilespmem:s25], [sflag:$0x1] =	stream.indirect.gather [hbm4b:s4+s29], $0x80, s30, s29, $0xb8;
	[tilespmem:$0x1E000] =	vst v63  }
0x438: {  	s12 =	simm.s32 $0x1980  }
0x439: {  	[spmem:s1] =	stream.indirect.scatter.add.f32 [tilespmem:s6], [sflag:$0x4], $0x80, s12, s29, $0xb8;
	[tilespmem:$0x1E000] =	vst v63  }
0x43a: {  	_ =	swait.ge [sflag:s26], $0x4000  }
0x43b: {  	[sflag:s26] =	ssyncset.done $0x0  }
0x43c: {  	[sflag:s26] =	ssyncadd.s32 $0xFFFFC000  }
0x43d: {  	_ =	swait.ge [sflag:s0], $0x4000  }
0x43e: {  	[sflag:s0] =	ssyncset.done $0x0  }
0x43f: {  	s14 =	simm.s32 $0x1280;
	[sflag:s0] =	ssyncadd.s32 $0xFFFFC000  }
0x440: {  	[tilespmem:s6], [sflag:$0x2] =	stream.indirect.gather [hbm4b:s4+s29], $0x80, s14, s29, $0xb8;
	[tilespmem:$0x1E000] =	vst v63  }
0x441: {  	s16 =	simm.s32 $0x1A00  }
0x442: {  	[spmem:s1] =	stream.indirect.scatter.add.f32 [tilespmem:s25], [sflag:$0x4], $0x80, s16, s29, $0xb8;
	[tilespmem:$0x1E000] =	vst v63  }
0x443: {  	_ =	swait.ge [sflag:s26], $0x4000  }
0x444: {  	[sflag:s26] =	ssyncset.done $0x0  }
0x445: {  	[sflag:s26] =	ssyncadd.s32 $0xFFFFC000  }
0x446: {  	_ =	swait.ge [sflag:s7], $0x4000  }
0x447: {  	[sflag:s7] =	ssyncset.done $0x0  }
0x448: {  	s18 =	simm.s32 $0x1300;
	[sflag:s7] =	ssyncadd.s32 $0xFFFFC000  }
0x449: {  	[tilespmem:s25], [sflag:$0x1] =	stream.indirect.gather [hbm4b:s4+s29], $0x80, s18, s29, $0xb8;
	[tilespmem:$0x1E000] =	vst v63  }
0x44a: {  	s21 =	simm.s32 $0x1A80  }
0x44b: {  	[spmem:s1] =	stream.indirect.scatter.add.f32 [tilespmem:s6], [sflag:$0x4], $0x80, s21, s29, $0xb8;
	[tilespmem:$0x1E000] =	vst v63  }
0x44c: {  	_ =	swait.ge [sflag:s26], $0x4000  }
0x44d: {  	[sflag:s26] =	ssyncset.done $0x0  }
0x44e: {  	[sflag:s26] =	ssyncadd.s32 $0xFFFFC000  }
0x44f: {  	_ =	swait.ge [sflag:s0], $0x4000  }
0x450: {  	[sflag:s0] =	ssyncset.done $0x0  }
0x451: {  	s23 =	simm.s32 $0x1380;
	[sflag:s0] =	ssyncadd.s32 $0xFFFFC000  }
0x452: {  	[tilespmem:s6], [sflag:$0x2] =	stream.indirect.gather [hbm4b:s4+s29], $0x80, s23, s29, $0xb8;
	[tilespmem:$0x1E000] =	vst v63  }
0x453: {  	s24 =	simm.s32 $0x1B00  }
0x454: {  	[spmem:s1] =	stream.indirect.scatter.add.f32 [tilespmem:s25], [sflag:$0x4], $0x80, s24, s29, $0xb8;
	[tilespmem:$0x1E000] =	vst v63  }
0x455: {  	_ =	swait.ge [sflag:s26], $0x4000  }
0x456: {  	[sflag:s26] =	ssyncset.done $0x0  }
0x457: {  	[sflag:s26] =	ssyncadd.s32 $0xFFFFC000  }
0x458: {  	_ =	swait.ge [sflag:s7], $0x4000  }
0x459: {  	[sflag:s7] =	ssyncset.done $0x0  }
0x45a: {  	s9 =	simm.s32 $0x1400;
	[sflag:s7] =	ssyncadd.s32 $0xFFFFC000  }
0x45b: {  	[tilespmem:s25], [sflag:$0x1] =	stream.indirect.gather [hbm4b:s4+s29], $0x80, s9, s29, $0xb8;
	[tilespmem:$0x1E000] =	vst v63  }
0x45c: {  	s9 =	simm.s32 $0x1B80  }
0x45d: {  	[spmem:s1] =	stream.indirect.scatter.add.f32 [tilespmem:s6], [sflag:$0x4], $0x80, s9, s29, $0xb8;
	[tilespmem:$0x1E000] =	vst v63  }
0x45e: {  	_ =	swait.ge [sflag:s26], $0x4000  }
0x45f: {  	[sflag:s26] =	ssyncset.done $0x0  }
0x460: {  	[sflag:s26] =	ssyncadd.s32 $0xFFFFC000  }
0x461: {  	_ =	swait.ge [sflag:s0], $0x4000  }
0x462: {  	[sflag:s0] =	ssyncset.done $0x0  }
0x463: {  	s9 =	simm.s32 $0x1480;
	[sflag:s0] =	ssyncadd.s32 $0xFFFFC000  }
0x464: {  	[tilespmem:s6], [sflag:$0x2] =	stream.indirect.gather [hbm4b:s4+s29], $0x80, s9, s29, $0xb8;
	[tilespmem:$0x1E000] =	vst v63  }
0x465: {  	s9 =	simm.s32 $0x1C00  }
0x466: {  	[spmem:s1] =	stream.indirect.scatter.add.f32 [tilespmem:s25], [sflag:$0x4], $0x80, s9, s29, $0xb8;
	[tilespmem:$0x1E000] =	vst v63  }
0x467: {  	_ =	swait.ge [sflag:s26], $0x4000  }
0x468: {  	[sflag:s26] =	ssyncset.done $0x0  }
0x469: {  	[sflag:s26] =	ssyncadd.s32 $0xFFFFC000  }
0x46a: {  	_ =	swait.ge [sflag:s7], $0x4000  }
0x46b: {  	[sflag:s7] =	ssyncset.done $0x0  }
0x46c: {  	s9 =	simm.s32 $0x1500;
	[sflag:s7] =	ssyncadd.s32 $0xFFFFC000  }
0x46d: {  	[tilespmem:s25], [sflag:$0x1] =	stream.indirect.gather [hbm4b:s4+s29], $0x80, s9, s29, $0xb8;
	[tilespmem:$0x1E000] =	vst v63  }
0x46e: {  	s9 =	simm.s32 $0x1C80  }
0x46f: {  	[spmem:s1] =	stream.indirect.scatter.add.f32 [tilespmem:s6], [sflag:$0x4], $0x80, s9, s29, $0xb8;
	[tilespmem:$0x1E000] =	vst v63  }
0x470: {  	_ =	swait.ge [sflag:s26], $0x4000  }
0x471: {  	[sflag:s26] =	ssyncset.done $0x0  }
0x472: {  	[sflag:s26] =	ssyncadd.s32 $0xFFFFC000  }
0x473: {  	_ =	swait.ge [sflag:s0], $0x4000  }
0x474: {  	[sflag:s0] =	ssyncset.done $0x0  }
0x475: {  	s9 =	simm.s32 $0x1580;
	[sflag:s0] =	ssyncadd.s32 $0xFFFFC000  }
0x476: {  	[tilespmem:s6], [sflag:$0x2] =	stream.indirect.gather [hbm4b:s4+s29], $0x80, s9, s29, $0xb8;
	[tilespmem:$0x1E000] =	vst v63  }
0x477: {  	s9 =	simm.s32 $0x1D00  }
0x478: {  	[spmem:s1] =	stream.indirect.scatter.add.f32 [tilespmem:s25], [sflag:$0x4], $0x80, s9, s29, $0xb8;
	[tilespmem:$0x1E000] =	vst v63  }
0x479: {  	_ =	swait.ge [sflag:s26], $0x4000  }
0x47a: {  	[sflag:s26] =	ssyncset.done $0x0  }
0x47b: {  	[sflag:s26] =	ssyncadd.s32 $0xFFFFC000  }
0x47c: {  	_ =	swait.ge [sflag:s7], $0x4000  }
0x47d: {  	[sflag:s7] =	ssyncset.done $0x0  }
0x47e: {  	s9 =	simm.s32 $0x1600;
	[sflag:s7] =	ssyncadd.s32 $0xFFFFC000  }
0x47f: {  	[tilespmem:s25], [sflag:$0x1] =	stream.indirect.gather [hbm4b:s4+s29], $0x80, s9, s29, $0xb8;
	[tilespmem:$0x1E000] =	vst v63  }
0x480: {  	s9 =	simm.s32 $0x1D80  }
0x481: {  	[spmem:s1] =	stream.indirect.scatter.add.f32 [tilespmem:s6], [sflag:$0x4], $0x80, s9, s29, $0xb8;
	[tilespmem:$0x1E000] =	vst v63  }
0x482: {  	_ =	swait.ge [sflag:s26], $0x4000  }
0x483: {  	[sflag:s26] =	ssyncset.done $0x0  }
0x484: {  	[sflag:s26] =	ssyncadd.s32 $0xFFFFC000  }
0x485: {  	_ =	swait.ge [sflag:s0], $0x4000  }
0x486: {  	[sflag:s0] =	ssyncset.done $0x0  }
0x487: {  	s9 =	simm.s32 $0x1680;
	[sflag:s0] =	ssyncadd.s32 $0xFFFFC000  }
0x488: {  	[tilespmem:s6], [sflag:$0x2] =	stream.indirect.gather [hbm4b:s4+s29], $0x80, s9, s29, $0xb8;
	[tilespmem:$0x1E000] =	vst v63  }
0x489: {  	s9 =	simm.s32 $0x1E00  }
0x48a: {  	[spmem:s1] =	stream.indirect.scatter.add.f32 [tilespmem:s25], [sflag:$0x4], $0x80, s9, s29, $0xb8;
	[tilespmem:$0x1E000] =	vst v63  }
0x48b: {  	_ =	swait.ge [sflag:s26], $0x4000  }
0x48c: {  	[sflag:s26] =	ssyncset.done $0x0  }
0x48d: {  	[sflag:s26] =	ssyncadd.s32 $0xFFFFC000  }
0x48e: {  	_ =	swait.ge [sflag:s7], $0x4000  }
0x48f: {  	[sflag:s7] =	ssyncset.done $0x0  }
0x490: {  	s9 =	simm.s32 $0x1700;
	[sflag:s7] =	ssyncadd.s32 $0xFFFFC000  }
0x491: {  	[tilespmem:s25], [sflag:$0x1] =	stream.indirect.gather [hbm4b:s4+s29], $0x80, s9, s29, $0xb8;
	[tilespmem:$0x1E000] =	vst v63  }
0x492: {  	s9 =	simm.s32 $0x1E80  }
0x493: {  	[spmem:s1] =	stream.indirect.scatter.add.f32 [tilespmem:s6], [sflag:$0x4], $0x80, s9, s29, $0xb8;
	[tilespmem:$0x1E000] =	vst v63  }
0x494: {  	_ =	swait.ge [sflag:s26], $0x4000  }
0x495: {  	[sflag:s26] =	ssyncset.done $0x0  }
0x496: {  	[sflag:s26] =	ssyncadd.s32 $0xFFFFC000  }
0x497: {  	_ =	swait.ge [sflag:s0], $0x4000  }
0x498: {  	[sflag:s0] =	ssyncset.done $0x0  }
0x499: {  	s9 =	simm.s32 $0x1780;
	[sflag:s0] =	ssyncadd.s32 $0xFFFFC000  }
0x49a: {  	[tilespmem:s6], [sflag:$0x2] =	stream.indirect.gather [hbm4b:s4+s29], $0x80, s9, s29, $0xb8;
	[tilespmem:$0x1E000] =	vst v63  }
0x49b: {  	s9 =	simm.s32 $0x1F00  }
0x49c: {  	[spmem:s1] =	stream.indirect.scatter.add.f32 [tilespmem:s25], [sflag:$0x4], $0x80, s9, s29, $0xb8;
	[tilespmem:$0x1E000] =	vst v63  }
0x49d: {  	_ =	swait.ge [sflag:s26], $0x4000  }
0x49e: {  	[sflag:s26] =	ssyncset.done $0x0  }
0x49f: {  	[sflag:s26] =	ssyncadd.s32 $0xFFFFC000  }
0x4a0: {  	_ =	swait.ge [sflag:s7], $0x4000  }
0x4a1: {  	[sflag:s7] =	ssyncset.done $0x0  }
0x4a2: {  	[sflag:s7] =	ssyncadd.s32 $0xFFFFC000  }
0x4a3: {  	_ =	swait.ge [sflag:s20], $0x800  }
0x4a4: {  	[sflag:s20] =	ssyncset.done $0x0  }
0x4a5: {  	[sflag:s20] =	ssyncadd.s32 $0xFFFFF800  }
0x4a6: {  	_ =	swait.ge [sflag:s20], $0x800  }
0x4a7: {  	[sflag:s20] =	ssyncset.done $0x0  }
0x4a8: {  	[sflag:s20] =	ssyncadd.s32 $0xFFFFF800  }
0x4a9: {  	[tilespmem:s25], [sflag:$0x1] =	stream.indirect.gather [hbm4b:s4+s29], $0x80, s2, s29, $0xb8;
	[tilespmem:$0x1E000] =	vst v63  }
0x4aa: {  	s9 =	simm.s32 $0x1F80  }
0x4ab: {  	[spmem:s1] =	stream.indirect.scatter.add.f32 [tilespmem:s6], [sflag:$0x4], $0x80, s9, s29, $0xb8;
	[tilespmem:$0x1E000] =	vst v63  }
0x4ac: {  	_ =	swait.ge [sflag:s26], $0x4000  }
0x4ad: {  	[sflag:s26] =	ssyncset.done $0x0  }
0x4ae: {  	s9 =	rddreg [dreg:$0x10];
	[sflag:s26] =	ssyncadd.s32 $0xFFFFC000  }
0x4af: {  	[tilespmem:s31], [sflag:$0x3] =	stream.linear.gather [hbm4b:s9+s2], $0x800, $0x38;
	[tilespmem:$0x1E000] =	vst v63  }
0x4b0: {  	s9 =	rddreg [dreg:$0x11]  }
0x4b1: {  	[tilespmem:s8], [sflag:$0x3] =	stream.linear.gather [hbm4b:s9+s2], $0x800, $0x38;
	[tilespmem:$0x1E000] =	vst v63  }
0x4b2: {  	_ =	swait.ge [sflag:s0], $0x4000  }
0x4b3: {  	[sflag:s0] =	ssyncset.done $0x0  }
0x4b4: {  	[sflag:s0] =	ssyncadd.s32 $0xFFFFC000  }
0x4b5: {  	[tilespmem:s6], [sflag:$0x2] =	stream.indirect.gather [hbm4b:s4+s29], $0x80, s29, s29, $0xb8;
	[tilespmem:$0x1E000] =	vst v63  }
0x4b6: {  	_ = 	snop  }
0x4b7: {  	[spmem:s1] =	stream.indirect.scatter.add.f32 [tilespmem:s25], [sflag:$0x4], $0x80, s3, s29, $0xb8;
	[tilespmem:$0x1E000] =	vst v63  }
0x4b8: {  	_ =	swait.ge [sflag:s26], $0x4000  }
0x4b9: {  	[sflag:s26] =	ssyncset.done $0x0  }
0x4ba: {  	[sflag:s26] =	ssyncadd.s32 $0xFFFFC000  }
0x4bb: {  	_ =	swait.ge [sflag:s7], $0x4000  }
0x4bc: {  	[sflag:s7] =	ssyncset.done $0x0  }
0x4bd: {  	s9 =	simm.s32 $0x100;
	[sflag:s7] =	ssyncadd.s32 $0xFFFFC000  }
0x4be: {  	[tilespmem:s25], [sflag:$0x1] =	stream.indirect.gather [hbm4b:s4+s29], $0x80, s9, s29, $0xb8;
	[tilespmem:$0x1E000] =	vst v63  }
0x4bf: {  	s9 =	simm.s32 $0x880  }
0x4c0: {  	[spmem:s1] =	stream.indirect.scatter.add.f32 [tilespmem:s6], [sflag:$0x4], $0x80, s9, s29, $0xb8;
	[tilespmem:$0x1E000] =	vst v63  }
0x4c1: {  	_ =	swait.ge [sflag:s26], $0x4000  }
0x4c2: {  	[sflag:s26] =	ssyncset.done $0x0  }
0x4c3: {  	[sflag:s26] =	ssyncadd.s32 $0xFFFFC000  }
0x4c4: {  	_ =	swait.ge [sflag:s0], $0x4000  }
0x4c5: {  	[sflag:s0] =	ssyncset.done $0x0  }
0x4c6: {  	s9 =	simm.s32 $0x180;
	[sflag:s0] =	ssyncadd.s32 $0xFFFFC000  }
0x4c7: {  	[tilespmem:s6], [sflag:$0x2] =	stream.indirect.gather [hbm4b:s4+s29], $0x80, s9, s29, $0xb8;
	[tilespmem:$0x1E000] =	vst v63  }
0x4c8: {  	s9 =	simm.s32 $0x900  }
0x4c9: {  	[spmem:s1] =	stream.indirect.scatter.add.f32 [tilespmem:s25], [sflag:$0x4], $0x80, s9, s29, $0xb8;
	[tilespmem:$0x1E000] =	vst v63  }
0x4ca: {  	_ =	swait.ge [sflag:s26], $0x4000  }
0x4cb: {  	[sflag:s26] =	ssyncset.done $0x0  }
0x4cc: {  	[sflag:s26] =	ssyncadd.s32 $0xFFFFC000  }
0x4cd: {  	_ =	swait.ge [sflag:s7], $0x4000  }
0x4ce: {  	[sflag:s7] =	ssyncset.done $0x0  }
0x4cf: {  	s9 =	simm.s32 $0x200;
	[sflag:s7] =	ssyncadd.s32 $0xFFFFC000  }
0x4d0: {  	[tilespmem:s25], [sflag:$0x1] =	stream.indirect.gather [hbm4b:s4+s29], $0x80, s9, s29, $0xb8;
	[tilespmem:$0x1E000] =	vst v63  }
0x4d1: {  	s9 =	simm.s32 $0x980  }
0x4d2: {  	[spmem:s1] =	stream.indirect.scatter.add.f32 [tilespmem:s6], [sflag:$0x4], $0x80, s9, s29, $0xb8;
	[tilespmem:$0x1E000] =	vst v63  }
0x4d3: {  	_ =	swait.ge [sflag:s26], $0x4000  }
0x4d4: {  	[sflag:s26] =	ssyncset.done $0x0  }
0x4d5: {  	[sflag:s26] =	ssyncadd.s32 $0xFFFFC000  }
0x4d6: {  	_ =	swait.ge [sflag:s0], $0x4000  }
0x4d7: {  	[sflag:s0] =	ssyncset.done $0x0  }
0x4d8: {  	s9 =	simm.s32 $0x280;
	[sflag:s0] =	ssyncadd.s32 $0xFFFFC000  }
0x4d9: {  	[tilespmem:s6], [sflag:$0x2] =	stream.indirect.gather [hbm4b:s4+s29], $0x80, s9, s29, $0xb8;
	[tilespmem:$0x1E000] =	vst v63  }
0x4da: {  	s9 =	simm.s32 $0xA00  }
0x4db: {  	[spmem:s1] =	stream.indirect.scatter.add.f32 [tilespmem:s25], [sflag:$0x4], $0x80, s9, s29, $0xb8;
	[tilespmem:$0x1E000] =	vst v63  }
0x4dc: {  	_ =	swait.ge [sflag:s26], $0x4000  }
0x4dd: {  	[sflag:s26] =	ssyncset.done $0x0  }
0x4de: {  	[sflag:s26] =	ssyncadd.s32 $0xFFFFC000  }
0x4df: {  	_ =	swait.ge [sflag:s7], $0x4000  }
0x4e0: {  	[sflag:s7] =	ssyncset.done $0x0  }
0x4e1: {  	s9 =	simm.s32 $0x300;
	[sflag:s7] =	ssyncadd.s32 $0xFFFFC000  }
0x4e2: {  	[tilespmem:s25], [sflag:$0x1] =	stream.indirect.gather [hbm4b:s4+s29], $0x80, s9, s29, $0xb8;
	[tilespmem:$0x1E000] =	vst v63  }
0x4e3: {  	s9 =	simm.s32 $0xA80  }
0x4e4: {  	[spmem:s1] =	stream.indirect.scatter.add.f32 [tilespmem:s6], [sflag:$0x4], $0x80, s9, s29, $0xb8;
	[tilespmem:$0x1E000] =	vst v63  }
0x4e5: {  	_ =	swait.ge [sflag:s26], $0x4000  }
0x4e6: {  	[sflag:s26] =	ssyncset.done $0x0  }
0x4e7: {  	[sflag:s26] =	ssyncadd.s32 $0xFFFFC000  }
0x4e8: {  	_ =	swait.ge [sflag:s0], $0x4000  }
0x4e9: {  	[sflag:s0] =	ssyncset.done $0x0  }
0x4ea: {  	s9 =	simm.s32 $0x380;
	[sflag:s0] =	ssyncadd.s32 $0xFFFFC000  }
0x4eb: {  	[tilespmem:s6], [sflag:$0x2] =	stream.indirect.gather [hbm4b:s4+s29], $0x80, s9, s29, $0xb8;
	[tilespmem:$0x1E000] =	vst v63  }
0x4ec: {  	s9 =	simm.s32 $0xB00  }
0x4ed: {  	[spmem:s1] =	stream.indirect.scatter.add.f32 [tilespmem:s25], [sflag:$0x4], $0x80, s9, s29, $0xb8;
	[tilespmem:$0x1E000] =	vst v63  }
0x4ee: {  	_ =	swait.ge [sflag:s26], $0x4000  }
0x4ef: {  	[sflag:s26] =	ssyncset.done $0x0  }
0x4f0: {  	[sflag:s26] =	ssyncadd.s32 $0xFFFFC000  }
0x4f1: {  	_ =	swait.ge [sflag:s7], $0x4000  }
0x4f2: {  	[sflag:s7] =	ssyncset.done $0x0  }
0x4f3: {  	s9 =	simm.s32 $0x400;
	[sflag:s7] =	ssyncadd.s32 $0xFFFFC000  }
0x4f4: {  	[tilespmem:s25], [sflag:$0x1] =	stream.indirect.gather [hbm4b:s4+s29], $0x80, s9, s29, $0xb8;
	[tilespmem:$0x1E000] =	vst v63  }
0x4f5: {  	s9 =	simm.s32 $0xB80  }
0x4f6: {  	[spmem:s1] =	stream.indirect.scatter.add.f32 [tilespmem:s6], [sflag:$0x4], $0x80, s9, s29, $0xb8;
	[tilespmem:$0x1E000] =	vst v63  }
0x4f7: {  	_ =	swait.ge [sflag:s26], $0x4000  }
0x4f8: {  	[sflag:s26] =	ssyncset.done $0x0  }
0x4f9: {  	[sflag:s26] =	ssyncadd.s32 $0xFFFFC000  }
0x4fa: {  	_ =	swait.ge [sflag:s0], $0x4000  }
0x4fb: {  	[sflag:s0] =	ssyncset.done $0x0  }
0x4fc: {  	s9 =	simm.s32 $0x480;
	[sflag:s0] =	ssyncadd.s32 $0xFFFFC000  }
0x4fd: {  	[tilespmem:s6], [sflag:$0x2] =	stream.indirect.gather [hbm4b:s4+s29], $0x80, s9, s29, $0xb8;
	[tilespmem:$0x1E000] =	vst v63  }
0x4fe: {  	s9 =	simm.s32 $0xC00  }
0x4ff: {  	[spmem:s1] =	stream.indirect.scatter.add.f32 [tilespmem:s25], [sflag:$0x4], $0x80, s9, s29, $0xb8;
	[tilespmem:$0x1E000] =	vst v63  }
0x500: {  	_ =	swait.ge [sflag:s26], $0x4000  }
0x501: {  	[sflag:s26] =	ssyncset.done $0x0  }
0x502: {  	[sflag:s26] =	ssyncadd.s32 $0xFFFFC000  }
0x503: {  	_ =	swait.ge [sflag:s7], $0x4000  }
0x504: {  	[sflag:s7] =	ssyncset.done $0x0  }
0x505: {  	s9 =	simm.s32 $0x500;
	[sflag:s7] =	ssyncadd.s32 $0xFFFFC000  }
0x506: {  	[tilespmem:s25], [sflag:$0x1] =	stream.indirect.gather [hbm4b:s4+s29], $0x80, s9, s29, $0xb8;
	[tilespmem:$0x1E000] =	vst v63  }
0x507: {  	s9 =	simm.s32 $0xC80  }
0x508: {  	[spmem:s1] =	stream.indirect.scatter.add.f32 [tilespmem:s6], [sflag:$0x4], $0x80, s9, s29, $0xb8;
	[tilespmem:$0x1E000] =	vst v63  }
0x509: {  	_ =	swait.ge [sflag:s26], $0x4000  }
0x50a: {  	[sflag:s26] =	ssyncset.done $0x0  }
0x50b: {  	[sflag:s26] =	ssyncadd.s32 $0xFFFFC000  }
0x50c: {  	_ =	swait.ge [sflag:s0], $0x4000  }
0x50d: {  	[sflag:s0] =	ssyncset.done $0x0  }
0x50e: {  	s9 =	simm.s32 $0x580;
	[sflag:s0] =	ssyncadd.s32 $0xFFFFC000  }
0x50f: {  	[tilespmem:s6], [sflag:$0x2] =	stream.indirect.gather [hbm4b:s4+s29], $0x80, s9, s29, $0xb8;
	[tilespmem:$0x1E000] =	vst v63  }
0x510: {  	s9 =	simm.s32 $0xD00  }
0x511: {  	[spmem:s1] =	stream.indirect.scatter.add.f32 [tilespmem:s25], [sflag:$0x4], $0x80, s9, s29, $0xb8;
	[tilespmem:$0x1E000] =	vst v63  }
0x512: {  	_ =	swait.ge [sflag:s26], $0x4000  }
0x513: {  	[sflag:s26] =	ssyncset.done $0x0  }
0x514: {  	[sflag:s26] =	ssyncadd.s32 $0xFFFFC000  }
0x515: {  	_ =	swait.ge [sflag:s7], $0x4000  }
0x516: {  	[sflag:s7] =	ssyncset.done $0x0  }
0x517: {  	s9 =	simm.s32 $0x600;
	[sflag:s7] =	ssyncadd.s32 $0xFFFFC000  }
0x518: {  	[tilespmem:s25], [sflag:$0x1] =	stream.indirect.gather [hbm4b:s4+s29], $0x80, s9, s29, $0xb8;
	[tilespmem:$0x1E000] =	vst v63  }
0x519: {  	s9 =	simm.s32 $0xD80  }
0x51a: {  	[spmem:s1] =	stream.indirect.scatter.add.f32 [tilespmem:s6], [sflag:$0x4], $0x80, s9, s29, $0xb8;
	[tilespmem:$0x1E000] =	vst v63  }
0x51b: {  	_ =	swait.ge [sflag:s26], $0x4000  }
0x51c: {  	[sflag:s26] =	ssyncset.done $0x0  }
0x51d: {  	[sflag:s26] =	ssyncadd.s32 $0xFFFFC000  }
0x51e: {  	_ =	swait.ge [sflag:s0], $0x4000  }
0x51f: {  	[sflag:s0] =	ssyncset.done $0x0  }
0x520: {  	s9 =	simm.s32 $0x680;
	[sflag:s0] =	ssyncadd.s32 $0xFFFFC000  }
0x521: {  	[tilespmem:s6], [sflag:$0x2] =	stream.indirect.gather [hbm4b:s4+s29], $0x80, s9, s29, $0xb8;
	[tilespmem:$0x1E000] =	vst v63  }
0x522: {  	s9 =	simm.s32 $0xE00  }
0x523: {  	[spmem:s1] =	stream.indirect.scatter.add.f32 [tilespmem:s25], [sflag:$0x4], $0x80, s9, s29, $0xb8;
	[tilespmem:$0x1E000] =	vst v63  }
0x524: {  	_ =	swait.ge [sflag:s26], $0x4000  }
0x525: {  	[sflag:s26] =	ssyncset.done $0x0  }
0x526: {  	[sflag:s26] =	ssyncadd.s32 $0xFFFFC000  }
0x527: {  	_ =	swait.ge [sflag:s7], $0x4000  }
0x528: {  	[sflag:s7] =	ssyncset.done $0x0  }
0x529: {  	s9 =	simm.s32 $0x700;
	[sflag:s7] =	ssyncadd.s32 $0xFFFFC000  }
0x52a: {  	[tilespmem:s25], [sflag:$0x1] =	stream.indirect.gather [hbm4b:s4+s29], $0x80, s9, s29, $0xb8;
	[tilespmem:$0x1E000] =	vst v63  }
0x52b: {  	s9 =	simm.s32 $0xE80  }
0x52c: {  	[spmem:s1] =	stream.indirect.scatter.add.f32 [tilespmem:s6], [sflag:$0x4], $0x80, s9, s29, $0xb8;
	[tilespmem:$0x1E000] =	vst v63  }
0x52d: {  	_ =	swait.ge [sflag:s26], $0x4000  }
0x52e: {  	[sflag:s26] =	ssyncset.done $0x0  }
0x52f: {  	[sflag:s26] =	ssyncadd.s32 $0xFFFFC000  }
0x530: {  	_ =	swait.ge [sflag:s0], $0x4000  }
0x531: {  	[sflag:s0] =	ssyncset.done $0x0  }
0x532: {  	[sflag:s0] =	ssyncadd.s32 $0xFFFFC000  }
0x533: {  	[tilespmem:s6], [sflag:$0x2] =	stream.indirect.gather [hbm4b:s4+s29], $0x80, s10, s29, $0xb8;
	[tilespmem:$0x1E000] =	vst v63  }
0x534: {  	_ = 	snop  }
0x535: {  	[spmem:s1] =	stream.indirect.scatter.add.f32 [tilespmem:s25], [sflag:$0x4], $0x80, s11, s29, $0xb8;
	[tilespmem:$0x1E000] =	vst v63  }
0x536: {  	_ =	swait.ge [sflag:s26], $0x4000  }
0x537: {  	[sflag:s26] =	ssyncset.done $0x0  }
0x538: {  	[sflag:s26] =	ssyncadd.s32 $0xFFFFC000  }
0x539: {  	_ =	swait.ge [sflag:s7], $0x4000  }
0x53a: {  	[sflag:s7] =	ssyncset.done $0x0  }
0x53b: {  	[sflag:s7] =	ssyncadd.s32 $0xFFFFC000  }
0x53c: {  	_ =	swait.ge [sflag:s20], $0x800  }
0x53d: {  	[sflag:s20] =	ssyncset.done $0x0  }
0x53e: {  	[sflag:s20] =	ssyncadd.s32 $0xFFFFF800  }
0x53f: {  	_ =	swait.ge [sflag:s20], $0x800  }
0x540: {  	[sflag:s20] =	ssyncset.done $0x0  }
0x541: {  	[sflag:s20] =	ssyncadd.s32 $0xFFFFF800  }
0x542: {  	[tilespmem:s25], [sflag:$0x1] =	stream.indirect.gather [hbm4b:s4+s29], $0x80, s31, s29, $0xb8;
	[tilespmem:$0x1E000] =	vst v63  }
0x543: {  	s31 =	simm.s32 $0xF80  }
0x544: {  	[spmem:s1] =	stream.indirect.scatter.add.f32 [tilespmem:s6], [sflag:$0x4], $0x80, s31, s29, $0xb8;
	[tilespmem:$0x1E000] =	vst v63  }
0x545: {  	_ =	swait.ge [sflag:s26], $0x4000  }
0x546: {  	[sflag:s26] =	ssyncset.done $0x0  }
0x547: {  	s9 =	rddreg [dreg:$0x12];
	[sflag:s26] =	ssyncadd.s32 $0xFFFFC000  }
0x548: {  	[tilespmem:s2], [sflag:$0x3] =	stream.linear.gather [hbm4b:s9+s2], $0x800, $0x38;
	[tilespmem:$0x1E000] =	vst v63  }
0x549: {  	s9 =	rddreg [dreg:$0x13]  }
0x54a: {  	[tilespmem:s3], [sflag:$0x3] =	stream.linear.gather [hbm4b:s9+s2], $0x800, $0x38;
	[tilespmem:$0x1E000] =	vst v63  }
0x54b: {  	_ =	swait.ge [sflag:s0], $0x4000  }
0x54c: {  	[sflag:s0] =	ssyncset.done $0x0  }
0x54d: {  	[sflag:s0] =	ssyncadd.s32 $0xFFFFC000  }
0x54e: {  	[tilespmem:s6], [sflag:$0x2] =	stream.indirect.gather [hbm4b:s4+s29], $0x80, s28, s29, $0xb8;
	[tilespmem:$0x1E000] =	vst v63  }
0x54f: {  	_ = 	snop  }
0x550: {  	[spmem:s1] =	stream.indirect.scatter.add.f32 [tilespmem:s25], [sflag:$0x4], $0x80, s8, s29, $0xb8;
	[tilespmem:$0x1E000] =	vst v63  }
0x551: {  	_ =	swait.ge [sflag:s26], $0x4000  }
0x552: {  	[sflag:s26] =	ssyncset.done $0x0  }
0x553: {  	[sflag:s26] =	ssyncadd.s32 $0xFFFFC000  }
0x554: {  	_ =	swait.ge [sflag:s7], $0x4000  }
0x555: {  	[sflag:s7] =	ssyncset.done $0x0  }
0x556: {  	[sflag:s7] =	ssyncadd.s32 $0xFFFFC000  }
0x557: {  	[tilespmem:s25], [sflag:$0x1] =	stream.indirect.gather [hbm4b:s4+s29], $0x80, s13, s29, $0xb8;
	[tilespmem:$0x1E000] =	vst v63  }
0x558: {  	_ = 	snop  }
0x559: {  	[spmem:s1] =	stream.indirect.scatter.add.f32 [tilespmem:s6], [sflag:$0x4], $0x80, s15, s29, $0xb8;
	[tilespmem:$0x1E000] =	vst v63  }
0x55a: {  	_ =	swait.ge [sflag:s26], $0x4000  }
0x55b: {  	[sflag:s26] =	ssyncset.done $0x0  }
0x55c: {  	[sflag:s26] =	ssyncadd.s32 $0xFFFFC000  }
0x55d: {  	_ =	swait.ge [sflag:s0], $0x4000  }
0x55e: {  	[sflag:s0] =	ssyncset.done $0x0  }
0x55f: {  	[sflag:s0] =	ssyncadd.s32 $0xFFFFC000  }
0x560: {  	[tilespmem:s6], [sflag:$0x2] =	stream.indirect.gather [hbm4b:s4+s29], $0x80, s17, s29, $0xb8;
	[tilespmem:$0x1E000] =	vst v63  }
0x561: {  	_ = 	snop  }
0x562: {  	[spmem:s1] =	stream.indirect.scatter.add.f32 [tilespmem:s25], [sflag:$0x4], $0x80, s19, s29, $0xb8;
	[tilespmem:$0x1E000] =	vst v63  }
0x563: {  	_ =	swait.ge [sflag:s26], $0x4000  }
0x564: {  	[sflag:s26] =	ssyncset.done $0x0  }
0x565: {  	[sflag:s26] =	ssyncadd.s32 $0xFFFFC000  }
0x566: {  	_ =	swait.ge [sflag:s7], $0x4000  }
0x567: {  	[sflag:s7] =	ssyncset.done $0x0  }
0x568: {  	[sflag:s7] =	ssyncadd.s32 $0xFFFFC000  }
0x569: {  	[tilespmem:s25], [sflag:$0x1] =	stream.indirect.gather [hbm4b:s4+s29], $0x80, s30, s29, $0xb8;
	[tilespmem:$0x1E000] =	vst v63  }
0x56a: {  	_ = 	snop  }
0x56b: {  	[spmem:s1] =	stream.indirect.scatter.add.f32 [tilespmem:s6], [sflag:$0x4], $0x80, s12, s29, $0xb8;
	[tilespmem:$0x1E000] =	vst v63  }
0x56c: {  	_ =	swait.ge [sflag:s26], $0x4000  }
0x56d: {  	[sflag:s26] =	ssyncset.done $0x0  }
0x56e: {  	[sflag:s26] =	ssyncadd.s32 $0xFFFFC000  }
0x56f: {  	_ =	swait.ge [sflag:s0], $0x4000  }
0x570: {  	[sflag:s0] =	ssyncset.done $0x0  }
0x571: {  	[sflag:s0] =	ssyncadd.s32 $0xFFFFC000  }
0x572: {  	[tilespmem:s6], [sflag:$0x2] =	stream.indirect.gather [hbm4b:s4+s29], $0x80, s14, s29, $0xb8;
	[tilespmem:$0x1E000] =	vst v63  }
0x573: {  	_ = 	snop  }
0x574: {  	[spmem:s1] =	stream.indirect.scatter.add.f32 [tilespmem:s25], [sflag:$0x4], $0x80, s16, s29, $0xb8;
	[tilespmem:$0x1E000] =	vst v63  }
0x575: {  	_ =	swait.ge [sflag:s26], $0x4000  }
0x576: {  	[sflag:s26] =	ssyncset.done $0x0  }
0x577: {  	[sflag:s26] =	ssyncadd.s32 $0xFFFFC000  }
0x578: {  	_ =	swait.ge [sflag:s7], $0x4000  }
0x579: {  	[sflag:s7] =	ssyncset.done $0x0  }
0x57a: {  	[sflag:s7] =	ssyncadd.s32 $0xFFFFC000  }
0x57b: {  	[tilespmem:s25], [sflag:$0x1] =	stream.indirect.gather [hbm4b:s4+s29], $0x80, s18, s29, $0xb8;
	[tilespmem:$0x1E000] =	vst v63  }
0x57c: {  	_ = 	snop  }
0x57d: {  	[spmem:s1] =	stream.indirect.scatter.add.f32 [tilespmem:s6], [sflag:$0x4], $0x80, s21, s29, $0xb8;
	[tilespmem:$0x1E000] =	vst v63  }
0x57e: {  	_ =	swait.ge [sflag:s26], $0x4000  }
0x57f: {  	[sflag:s26] =	ssyncset.done $0x0  }
0x580: {  	[sflag:s26] =	ssyncadd.s32 $0xFFFFC000  }
0x581: {  	_ =	swait.ge [sflag:s0], $0x4000  }
0x582: {  	[sflag:s0] =	ssyncset.done $0x0  }
0x583: {  	[sflag:s0] =	ssyncadd.s32 $0xFFFFC000  }
0x584: {  	[tilespmem:s6], [sflag:$0x2] =	stream.indirect.gather [hbm4b:s4+s29], $0x80, s23, s29, $0xb8;
	[tilespmem:$0x1E000] =	vst v63  }
0x585: {  	_ = 	snop  }
0x586: {  	[spmem:s1] =	stream.indirect.scatter.add.f32 [tilespmem:s25], [sflag:$0x4], $0x80, s24, s29, $0xb8;
	[tilespmem:$0x1E000] =	vst v63  }
0x587: {  	_ =	swait.ge [sflag:s26], $0x4000  }
0x588: {  	[sflag:s26] =	ssyncset.done $0x0  }
0x589: {  	[sflag:s26] =	ssyncadd.s32 $0xFFFFC000  }
0x58a: {  	_ =	swait.ge [sflag:s7], $0x4000  }
0x58b: {  	[sflag:s7] =	ssyncset.done $0x0  }
0x58c: {  	s9 =	simm.s32 $0x1400;
	[sflag:s7] =	ssyncadd.s32 $0xFFFFC000  }
0x58d: {  	[tilespmem:s25], [sflag:$0x1] =	stream.indirect.gather [hbm4b:s4+s29], $0x80, s9, s29, $0xb8;
	[tilespmem:$0x1E000] =	vst v63  }
0x58e: {  	s12 =	simm.s32 $0x1B80  }
0x58f: {  	[spmem:s1] =	stream.indirect.scatter.add.f32 [tilespmem:s6], [sflag:$0x4], $0x80, s12, s29, $0xb8;
	[tilespmem:$0x1E000] =	vst v63  }
0x590: {  	_ =	swait.ge [sflag:s26], $0x4000  }
0x591: {  	[sflag:s26] =	ssyncset.done $0x0  }
0x592: {  	[sflag:s26] =	ssyncadd.s32 $0xFFFFC000  }
0x593: {  	_ =	swait.ge [sflag:s0], $0x4000  }
0x594: {  	[sflag:s0] =	ssyncset.done $0x0  }
0x595: {  	s13 =	simm.s32 $0x1480;
	[sflag:s0] =	ssyncadd.s32 $0xFFFFC000  }
0x596: {  	[tilespmem:s6], [sflag:$0x2] =	stream.indirect.gather [hbm4b:s4+s29], $0x80, s13, s29, $0xb8;
	[tilespmem:$0x1E000] =	vst v63  }
0x597: {  	s14 =	simm.s32 $0x1C00  }
0x598: {  	[spmem:s1] =	stream.indirect.scatter.add.f32 [tilespmem:s25], [sflag:$0x4], $0x80, s14, s29, $0xb8;
	[tilespmem:$0x1E000] =	vst v63  }
0x599: {  	_ =	swait.ge [sflag:s26], $0x4000  }
0x59a: {  	[sflag:s26] =	ssyncset.done $0x0  }
0x59b: {  	[sflag:s26] =	ssyncadd.s32 $0xFFFFC000  }
0x59c: {  	_ =	swait.ge [sflag:s7], $0x4000  }
0x59d: {  	[sflag:s7] =	ssyncset.done $0x0  }
0x59e: {  	s15 =	simm.s32 $0x1500;
	[sflag:s7] =	ssyncadd.s32 $0xFFFFC000  }
0x59f: {  	[tilespmem:s25], [sflag:$0x1] =	stream.indirect.gather [hbm4b:s4+s29], $0x80, s15, s29, $0xb8;
	[tilespmem:$0x1E000] =	vst v63  }
0x5a0: {  	s16 =	simm.s32 $0x1C80  }
0x5a1: {  	[spmem:s1] =	stream.indirect.scatter.add.f32 [tilespmem:s6], [sflag:$0x4], $0x80, s16, s29, $0xb8;
	[tilespmem:$0x1E000] =	vst v63  }
0x5a2: {  	_ =	swait.ge [sflag:s26], $0x4000  }
0x5a3: {  	[sflag:s26] =	ssyncset.done $0x0  }
0x5a4: {  	[sflag:s26] =	ssyncadd.s32 $0xFFFFC000  }
0x5a5: {  	_ =	swait.ge [sflag:s0], $0x4000  }
0x5a6: {  	[sflag:s0] =	ssyncset.done $0x0  }
0x5a7: {  	s17 =	simm.s32 $0x1580;
	[sflag:s0] =	ssyncadd.s32 $0xFFFFC000  }
0x5a8: {  	[tilespmem:s6], [sflag:$0x2] =	stream.indirect.gather [hbm4b:s4+s29], $0x80, s17, s29, $0xb8;
	[tilespmem:$0x1E000] =	vst v63  }
0x5a9: {  	s18 =	simm.s32 $0x1D00  }
0x5aa: {  	[spmem:s1] =	stream.indirect.scatter.add.f32 [tilespmem:s25], [sflag:$0x4], $0x80, s18, s29, $0xb8;
	[tilespmem:$0x1E000] =	vst v63  }
0x5ab: {  	_ =	swait.ge [sflag:s26], $0x4000  }
0x5ac: {  	[sflag:s26] =	ssyncset.done $0x0  }
0x5ad: {  	[sflag:s26] =	ssyncadd.s32 $0xFFFFC000  }
0x5ae: {  	_ =	swait.ge [sflag:s7], $0x4000  }
0x5af: {  	[sflag:s7] =	ssyncset.done $0x0  }
0x5b0: {  	s19 =	simm.s32 $0x1600;
	[sflag:s7] =	ssyncadd.s32 $0xFFFFC000  }
0x5b1: {  	[tilespmem:s25], [sflag:$0x1] =	stream.indirect.gather [hbm4b:s4+s29], $0x80, s19, s29, $0xb8;
	[tilespmem:$0x1E000] =	vst v63  }
0x5b2: {  	s21 =	simm.s32 $0x1D80  }
0x5b3: {  	[spmem:s1] =	stream.indirect.scatter.add.f32 [tilespmem:s6], [sflag:$0x4], $0x80, s21, s29, $0xb8;
	[tilespmem:$0x1E000] =	vst v63  }
0x5b4: {  	_ =	swait.ge [sflag:s26], $0x4000  }
0x5b5: {  	[sflag:s26] =	ssyncset.done $0x0  }
0x5b6: {  	[sflag:s26] =	ssyncadd.s32 $0xFFFFC000  }
0x5b7: {  	_ =	swait.ge [sflag:s0], $0x4000  }
0x5b8: {  	[sflag:s0] =	ssyncset.done $0x0  }
0x5b9: {  	s23 =	simm.s32 $0x1680;
	[sflag:s0] =	ssyncadd.s32 $0xFFFFC000  }
0x5ba: {  	[tilespmem:s6], [sflag:$0x2] =	stream.indirect.gather [hbm4b:s4+s29], $0x80, s23, s29, $0xb8;
	[tilespmem:$0x1E000] =	vst v63  }
0x5bb: {  	s24 =	simm.s32 $0x1E00  }
0x5bc: {  	[spmem:s1] =	stream.indirect.scatter.add.f32 [tilespmem:s25], [sflag:$0x4], $0x80, s24, s29, $0xb8;
	[tilespmem:$0x1E000] =	vst v63  }
0x5bd: {  	_ =	swait.ge [sflag:s26], $0x4000  }
0x5be: {  	[sflag:s26] =	ssyncset.done $0x0  }
0x5bf: {  	[sflag:s26] =	ssyncadd.s32 $0xFFFFC000  }
0x5c0: {  	_ =	swait.ge [sflag:s7], $0x4000  }
0x5c1: {  	[sflag:s7] =	ssyncset.done $0x0  }
0x5c2: {  	s28 =	simm.s32 $0x1700;
	[sflag:s7] =	ssyncadd.s32 $0xFFFFC000  }
0x5c3: {  	[tilespmem:s25], [sflag:$0x1] =	stream.indirect.gather [hbm4b:s4+s29], $0x80, s28, s29, $0xb8;
	[tilespmem:$0x1E000] =	vst v63  }
0x5c4: {  	s30 =	simm.s32 $0x1E80  }
0x5c5: {  	[spmem:s1] =	stream.indirect.scatter.add.f32 [tilespmem:s6], [sflag:$0x4], $0x80, s30, s29, $0xb8;
	[tilespmem:$0x1E000] =	vst v63  }
0x5c6: {  	_ =	swait.ge [sflag:s26], $0x4000  }
0x5c7: {  	[sflag:s26] =	ssyncset.done $0x0  }
0x5c8: {  	[sflag:s26] =	ssyncadd.s32 $0xFFFFC000  }
0x5c9: {  	_ =	swait.ge [sflag:s0], $0x4000  }
0x5ca: {  	[sflag:s0] =	ssyncset.done $0x0  }
0x5cb: {  	s9 =	simm.s32 $0x1780;
	[sflag:s0] =	ssyncadd.s32 $0xFFFFC000  }
0x5cc: {  	[tilespmem:s6], [sflag:$0x2] =	stream.indirect.gather [hbm4b:s4+s29], $0x80, s9, s29, $0xb8;
	[tilespmem:$0x1E000] =	vst v63  }
0x5cd: {  	s12 =	simm.s32 $0x1F00  }
0x5ce: {  	[spmem:s1] =	stream.indirect.scatter.add.f32 [tilespmem:s25], [sflag:$0x4], $0x80, s12, s29, $0xb8;
	[tilespmem:$0x1E000] =	vst v63  }
0x5cf: {  	_ =	swait.ge [sflag:s26], $0x4000  }
0x5d0: {  	[sflag:s26] =	ssyncset.done $0x0  }
0x5d1: {  	[sflag:s26] =	ssyncadd.s32 $0xFFFFC000  }
0x5d2: {  	_ =	swait.ge [sflag:s7], $0x4000  }
0x5d3: {  	[sflag:s7] =	ssyncset.done $0x0  }
0x5d4: {  	[sflag:s7] =	ssyncadd.s32 $0xFFFFC000  }
0x5d5: {  	_ =	swait.ge [sflag:s20], $0x800  }
0x5d6: {  	[sflag:s20] =	ssyncset.done $0x0  }
0x5d7: {  	[sflag:s20] =	ssyncadd.s32 $0xFFFFF800  }
0x5d8: {  	_ =	swait.ge [sflag:s20], $0x800  }
0x5d9: {  	[sflag:s20] =	ssyncset.done $0x0  }
0x5da: {  	[sflag:s20] =	ssyncadd.s32 $0xFFFFF800  }
0x5db: {  	[tilespmem:s25], [sflag:$0x1] =	stream.indirect.gather [hbm4b:s4+s29], $0x80, s2, s29, $0xb8;
	[tilespmem:$0x1E000] =	vst v63  }
0x5dc: {  	s13 =	simm.s32 $0x1F80  }
0x5dd: {  	[spmem:s1] =	stream.indirect.scatter.add.f32 [tilespmem:s6], [sflag:$0x4], $0x80, s13, s29, $0xb8;
	[tilespmem:$0x1E000] =	vst v63  }
0x5de: {  	_ =	swait.ge [sflag:s26], $0x4000  }
0x5df: {  	[sflag:s26] =	ssyncset.done $0x0  }
0x5e0: {  	[sflag:s26] =	ssyncadd.s32 $0xFFFFC000  }
0x5e1: {  	_ =	swait.ge [sflag:s0], $0x4000  }
0x5e2: {  	[sflag:s0] =	ssyncset.done $0x0  }
0x5e3: {  	[sflag:s0] =	ssyncadd.s32 $0xFFFFC000  }
0x5e4: {  	[tilespmem:s6], [sflag:$0x2] =	stream.indirect.gather [hbm4b:s4+s29], $0x80, s29, s29, $0xb8;
	[tilespmem:$0x1E000] =	vst v63  }
0x5e5: {  	_ = 	snop  }
0x5e6: {  	[spmem:s1] =	stream.indirect.scatter.add.f32 [tilespmem:s25], [sflag:$0x4], $0x80, s3, s29, $0xb8;
	[tilespmem:$0x1E000] =	vst v63  }
0x5e7: {  	_ =	swait.ge [sflag:s26], $0x4000  }
0x5e8: {  	[sflag:s26] =	ssyncset.done $0x0  }
0x5e9: {  	[sflag:s26] =	ssyncadd.s32 $0xFFFFC000  }
0x5ea: {  	_ =	swait.ge [sflag:s7], $0x4000  }
0x5eb: {  	[sflag:s7] =	ssyncset.done $0x0  }
0x5ec: {  	s14 =	simm.s32 $0x100;
	[sflag:s7] =	ssyncadd.s32 $0xFFFFC000  }
0x5ed: {  	[tilespmem:s25], [sflag:$0x1] =	stream.indirect.gather [hbm4b:s4+s29], $0x80, s14, s29, $0xb8;
	[tilespmem:$0x1E000] =	vst v63  }
0x5ee: {  	s15 =	simm.s32 $0x880  }
0x5ef: {  	[spmem:s1] =	stream.indirect.scatter.add.f32 [tilespmem:s6], [sflag:$0x4], $0x80, s15, s29, $0xb8;
	[tilespmem:$0x1E000] =	vst v63  }
0x5f0: {  	_ =	swait.ge [sflag:s26], $0x4000  }
0x5f1: {  	[sflag:s26] =	ssyncset.done $0x0  }
0x5f2: {  	[sflag:s26] =	ssyncadd.s32 $0xFFFFC000  }
0x5f3: {  	_ =	swait.ge [sflag:s0], $0x4000  }
0x5f4: {  	[sflag:s0] =	ssyncset.done $0x0  }
0x5f5: {  	s16 =	simm.s32 $0x180;
	[sflag:s0] =	ssyncadd.s32 $0xFFFFC000  }
0x5f6: {  	[tilespmem:s6], [sflag:$0x2] =	stream.indirect.gather [hbm4b:s4+s29], $0x80, s16, s29, $0xb8;
	[tilespmem:$0x1E000] =	vst v63  }
0x5f7: {  	s17 =	simm.s32 $0x900  }
0x5f8: {  	[spmem:s1] =	stream.indirect.scatter.add.f32 [tilespmem:s25], [sflag:$0x4], $0x80, s17, s29, $0xb8;
	[tilespmem:$0x1E000] =	vst v63  }
0x5f9: {  	_ =	swait.ge [sflag:s26], $0x4000  }
0x5fa: {  	[sflag:s26] =	ssyncset.done $0x0  }
0x5fb: {  	[sflag:s26] =	ssyncadd.s32 $0xFFFFC000  }
0x5fc: {  	_ =	swait.ge [sflag:s7], $0x4000  }
0x5fd: {  	[sflag:s7] =	ssyncset.done $0x0  }
0x5fe: {  	s18 =	simm.s32 $0x200;
	[sflag:s7] =	ssyncadd.s32 $0xFFFFC000  }
0x5ff: {  	[tilespmem:s25], [sflag:$0x1] =	stream.indirect.gather [hbm4b:s4+s29], $0x80, s18, s29, $0xb8;
	[tilespmem:$0x1E000] =	vst v63  }
0x600: {  	s19 =	simm.s32 $0x980  }
0x601: {  	[spmem:s1] =	stream.indirect.scatter.add.f32 [tilespmem:s6], [sflag:$0x4], $0x80, s19, s29, $0xb8;
	[tilespmem:$0x1E000] =	vst v63  }
0x602: {  	_ =	swait.ge [sflag:s26], $0x4000  }
0x603: {  	[sflag:s26] =	ssyncset.done $0x0  }
0x604: {  	[sflag:s26] =	ssyncadd.s32 $0xFFFFC000  }
0x605: {  	_ =	swait.ge [sflag:s0], $0x4000  }
0x606: {  	[sflag:s0] =	ssyncset.done $0x0  }
0x607: {  	s21 =	simm.s32 $0x280;
	[sflag:s0] =	ssyncadd.s32 $0xFFFFC000  }
0x608: {  	[tilespmem:s6], [sflag:$0x2] =	stream.indirect.gather [hbm4b:s4+s29], $0x80, s21, s29, $0xb8;
	[tilespmem:$0x1E000] =	vst v63  }
0x609: {  	s23 =	simm.s32 $0xA00  }
0x60a: {  	[spmem:s1] =	stream.indirect.scatter.add.f32 [tilespmem:s25], [sflag:$0x4], $0x80, s23, s29, $0xb8;
	[tilespmem:$0x1E000] =	vst v63  }
0x60b: {  	_ =	swait.ge [sflag:s26], $0x4000  }
0x60c: {  	[sflag:s26] =	ssyncset.done $0x0  }
0x60d: {  	[sflag:s26] =	ssyncadd.s32 $0xFFFFC000  }
0x60e: {  	_ =	swait.ge [sflag:s7], $0x4000  }
0x60f: {  	[sflag:s7] =	ssyncset.done $0x0  }
0x610: {  	s24 =	simm.s32 $0x300;
	[sflag:s7] =	ssyncadd.s32 $0xFFFFC000  }
0x611: {  	[tilespmem:s25], [sflag:$0x1] =	stream.indirect.gather [hbm4b:s4+s29], $0x80, s24, s29, $0xb8;
	[tilespmem:$0x1E000] =	vst v63  }
0x612: {  	s28 =	simm.s32 $0xA80  }
0x613: {  	[spmem:s1] =	stream.indirect.scatter.add.f32 [tilespmem:s6], [sflag:$0x4], $0x80, s28, s29, $0xb8;
	[tilespmem:$0x1E000] =	vst v63  }
0x614: {  	_ =	swait.ge [sflag:s26], $0x4000  }
0x615: {  	[sflag:s26] =	ssyncset.done $0x0  }
0x616: {  	[sflag:s26] =	ssyncadd.s32 $0xFFFFC000  }
0x617: {  	_ =	swait.ge [sflag:s0], $0x4000  }
0x618: {  	[sflag:s0] =	ssyncset.done $0x0  }
0x619: {  	s30 =	simm.s32 $0x380;
	[sflag:s0] =	ssyncadd.s32 $0xFFFFC000  }
0x61a: {  	[tilespmem:s6], [sflag:$0x2] =	stream.indirect.gather [hbm4b:s4+s29], $0x80, s30, s29, $0xb8;
	[tilespmem:$0x1E000] =	vst v63  }
0x61b: {  	s8 =	simm.s32 $0xB00  }
0x61c: {  	[spmem:s1] =	stream.indirect.scatter.add.f32 [tilespmem:s25], [sflag:$0x4], $0x80, s8, s29, $0xb8;
	[tilespmem:$0x1E000] =	vst v63  }
0x61d: {  	_ =	swait.ge [sflag:s26], $0x4000  }
0x61e: {  	[sflag:s26] =	ssyncset.done $0x0  }
0x61f: {  	[sflag:s26] =	ssyncadd.s32 $0xFFFFC000  }
0x620: {  	_ =	swait.ge [sflag:s7], $0x4000  }
0x621: {  	[sflag:s7] =	ssyncset.done $0x0  }
0x622: {  	s9 =	simm.s32 $0x400;
	[sflag:s7] =	ssyncadd.s32 $0xFFFFC000  }
0x623: {  	[tilespmem:s25], [sflag:$0x1] =	stream.indirect.gather [hbm4b:s4+s29], $0x80, s9, s29, $0xb8;
	[tilespmem:$0x1E000] =	vst v63  }
0x624: {  	s12 =	simm.s32 $0xB80  }
0x625: {  	[spmem:s1] =	stream.indirect.scatter.add.f32 [tilespmem:s6], [sflag:$0x4], $0x80, s12, s29, $0xb8;
	[tilespmem:$0x1E000] =	vst v63  }
0x626: {  	_ =	swait.ge [sflag:s26], $0x4000  }
0x627: {  	[sflag:s26] =	ssyncset.done $0x0  }
0x628: {  	[sflag:s26] =	ssyncadd.s32 $0xFFFFC000  }
0x629: {  	_ =	swait.ge [sflag:s0], $0x4000  }
0x62a: {  	[sflag:s0] =	ssyncset.done $0x0  }
0x62b: {  	s13 =	simm.s32 $0x480;
	[sflag:s0] =	ssyncadd.s32 $0xFFFFC000  }
0x62c: {  	[tilespmem:s6], [sflag:$0x2] =	stream.indirect.gather [hbm4b:s4+s29], $0x80, s13, s29, $0xb8;
	[tilespmem:$0x1E000] =	vst v63  }
0x62d: {  	s14 =	simm.s32 $0xC00  }
0x62e: {  	[spmem:s1] =	stream.indirect.scatter.add.f32 [tilespmem:s25], [sflag:$0x4], $0x80, s14, s29, $0xb8;
	[tilespmem:$0x1E000] =	vst v63  }
0x62f: {  	_ =	swait.ge [sflag:s26], $0x4000  }
0x630: {  	[sflag:s26] =	ssyncset.done $0x0  }
0x631: {  	[sflag:s26] =	ssyncadd.s32 $0xFFFFC000  }
0x632: {  	_ =	swait.ge [sflag:s7], $0x4000  }
0x633: {  	[sflag:s7] =	ssyncset.done $0x0  }
0x634: {  	s15 =	simm.s32 $0x500;
	[sflag:s7] =	ssyncadd.s32 $0xFFFFC000  }
0x635: {  	[tilespmem:s25], [sflag:$0x1] =	stream.indirect.gather [hbm4b:s4+s29], $0x80, s15, s29, $0xb8;
	[tilespmem:$0x1E000] =	vst v63  }
0x636: {  	s16 =	simm.s32 $0xC80  }
0x637: {  	[spmem:s1] =	stream.indirect.scatter.add.f32 [tilespmem:s6], [sflag:$0x4], $0x80, s16, s29, $0xb8;
	[tilespmem:$0x1E000] =	vst v63  }
0x638: {  	_ =	swait.ge [sflag:s26], $0x4000  }
0x639: {  	[sflag:s26] =	ssyncset.done $0x0  }
0x63a: {  	[sflag:s26] =	ssyncadd.s32 $0xFFFFC000  }
0x63b: {  	_ =	swait.ge [sflag:s0], $0x4000  }
0x63c: {  	[sflag:s0] =	ssyncset.done $0x0  }
0x63d: {  	s17 =	simm.s32 $0x580;
	[sflag:s0] =	ssyncadd.s32 $0xFFFFC000  }
0x63e: {  	[tilespmem:s6], [sflag:$0x2] =	stream.indirect.gather [hbm4b:s4+s29], $0x80, s17, s29, $0xb8;
	[tilespmem:$0x1E000] =	vst v63  }
0x63f: {  	s18 =	simm.s32 $0xD00  }
0x640: {  	[spmem:s1] =	stream.indirect.scatter.add.f32 [tilespmem:s25], [sflag:$0x4], $0x80, s18, s29, $0xb8;
	[tilespmem:$0x1E000] =	vst v63  }
0x641: {  	_ =	swait.ge [sflag:s26], $0x4000  }
0x642: {  	[sflag:s26] =	ssyncset.done $0x0  }
0x643: {  	[sflag:s26] =	ssyncadd.s32 $0xFFFFC000  }
0x644: {  	_ =	swait.ge [sflag:s7], $0x4000  }
0x645: {  	[sflag:s7] =	ssyncset.done $0x0  }
0x646: {  	s19 =	simm.s32 $0x600;
	[sflag:s7] =	ssyncadd.s32 $0xFFFFC000  }
0x647: {  	[tilespmem:s25], [sflag:$0x1] =	stream.indirect.gather [hbm4b:s4+s29], $0x80, s19, s29, $0xb8;
	[tilespmem:$0x1E000] =	vst v63  }
0x648: {  	s21 =	simm.s32 $0xD80  }
0x649: {  	[spmem:s1] =	stream.indirect.scatter.add.f32 [tilespmem:s6], [sflag:$0x4], $0x80, s21, s29, $0xb8;
	[tilespmem:$0x1E000] =	vst v63  }
0x64a: {  	_ =	swait.ge [sflag:s26], $0x4000  }
0x64b: {  	[sflag:s26] =	ssyncset.done $0x0  }
0x64c: {  	[sflag:s26] =	ssyncadd.s32 $0xFFFFC000  }
0x64d: {  	_ =	swait.ge [sflag:s0], $0x4000  }
0x64e: {  	[sflag:s0] =	ssyncset.done $0x0  }
0x64f: {  	s23 =	simm.s32 $0x680;
	[sflag:s0] =	ssyncadd.s32 $0xFFFFC000  }
0x650: {  	[tilespmem:s6], [sflag:$0x2] =	stream.indirect.gather [hbm4b:s4+s29], $0x80, s23, s29, $0xb8;
	[tilespmem:$0x1E000] =	vst v63  }
0x651: {  	s24 =	simm.s32 $0xE00  }
0x652: {  	[spmem:s1] =	stream.indirect.scatter.add.f32 [tilespmem:s25], [sflag:$0x4], $0x80, s24, s29, $0xb8;
	[tilespmem:$0x1E000] =	vst v63  }
0x653: {  	_ =	swait.ge [sflag:s26], $0x4000  }
0x654: {  	[sflag:s26] =	ssyncset.done $0x0  }
0x655: {  	[sflag:s26] =	ssyncadd.s32 $0xFFFFC000  }
0x656: {  	_ =	swait.ge [sflag:s7], $0x4000  }
.Ltmp6:
0x657: {  	[sflag:s7] =	ssyncset.done $0x0;
	(pc) =	sbr.rel .LBB2_6-.Ltmp6, $4  }
0x658: {  	s28 =	simm.s32 $0x700;
	[sflag:s7] =	ssyncadd.s32 $0xFFFFC000  }
0x659: {  	[tilespmem:s25], [sflag:$0x1] =	stream.indirect.gather [hbm4b:s4+s29], $0x80, s28, s29, $0xb8;
	[tilespmem:$0x1E000] =	vst v63  }
0x65a: {  	s30 =	simm.s32 $0xE80;
	s24 =	smov.u32 s4;
	s23 =	rddreg [dreg:$0x3]  }
0x65b: {  	[spmem:s1] =	stream.indirect.scatter.add.f32 [tilespmem:s6], [sflag:$0x4], $0x80, s30, s29, $0xb8;
	[tilespmem:$0x1E000] =	vst v63  }
.LBB2_7:
0x65c: {  	_ =	sfence.sel $0x180000  }
0x65d: {  	[bflag:$0x0] =	sbarrier.arrive $0xFFFF  }
0x65e: {  	_ =	strace $0x9000004A  }
0x65f: {  	s0 =	stileid.u32;
	[bflag:$0x2] =	sbarrier.arrive $0xFFFF  }
0x660: {  	p0 =	sne.s32 s0, $0x0;
	s0 =	rddreg [dreg:$0x2]  }
0x661: {  	s0 =	sadd.s32 @!p0 $0x100000, s0  }
0x662: {  	[sflag:s0] =	ssyncadd.tile.s32 @!p0 $0x1;
	_ =	shalt  }
.Lfunc_end2:
_tile_overlayer_lowered:
.L_overlay_start_2:
0x663: {  	(tag) =	ssettag $0x2  }
0x664: {  	s0 =	rddreg [dreg:$0x0];
	s2 =	stileid.u32  }
0x665: {  	s1 =	rddreg [dreg:$0x1];
	p0 =	sne.s32 s2, $0x0  }
0x666: {  	s3 =	rddreg [dreg:$0x2];
	[bflag:$0x3] =	sbarrier.arrive $0xFFFF;
	s2 =	simm.s32 @!p0 $0x1C04  }
0x667: {  	[timem:s3], [sflag:s2] =	dma.local @!p0 [hbm:s0], s1  }
0x668: {  	s0 =	simm.s32 @!p0 $0x4  }
0x669: {  	_ =	swait.ge @!p0 [sflag:s0], s1  }
0x66a: {  	s1 =	ssub.s32 @!p0 $0x0, s1;
	[sflag:s0] =	ssyncset.done @!p0 $0x0  }
0x66b: {  	[sflag:s0] =	ssyncadd.s32 @!p0 s1  }
0x66c: {  	[bflag:$0x3] =	sbarrier.arrive $0xFFFF  }
0x66d: {  	_ =	shalt  }

</sc_bundles>
